<compile_context>
chip_gen: v7x
topology: tpu7x:2x2x1
jax: 0.10.2.dev20260603
libtpu: 0.0.44.dev20260713+nightly
codegen_flags: <defaults>
</compile_context>

<pallas_src>
import numpy as np
import jax
import jax.numpy as jnp
from jax import lax
from jax.experimental import pallas as pl
from jax.experimental.pallas import tpu as pltpu
from jax.experimental.pallas import tpu_sc as plsc

_VOCAB = 1000000
_EMBED = 64
_BATCH = 4096
_SEQLEN = 200

_NC = 2
_NS = 16
_NW = _NC * _NS

_CROWS = 40
_CPS = _SEQLEN // _CROWS
_SPW = _BATCH // _NW
_CPW = _CPS * _SPW
_NBUF = 10


def _positional_np(seq_len, d_model):
    position = np.arange(seq_len)[:, None].astype(np.float32)
    div_term = np.exp(
        np.arange(0, d_model, 2).astype(np.float32) * -(np.log(10000.0) / d_model)
    )
    pe = np.zeros((seq_len, d_model), dtype=np.float32)
    pe[:, 0::2] = np.sin(position * div_term)
    pe[:, 1::2] = np.cos(position * div_term)
    return pe


def _sc_body(seq_hbm, pe_hbm, table_hbm, out_hbm, idx_v, pe_v, bufs, gsems, osems):
    wid = lax.axis_index("s") * _NC + lax.axis_index("c")
    sbase = wid * _SPW

    pltpu.sync_copy(seq_hbm.at[pl.ds(sbase, _SPW)], idx_v)
    pltpu.sync_copy(pe_hbm, pe_v)

    def add_pe(h, buf):
        @pl.loop(0, _CROWS, unroll=4)
        def _row(r):
            for k in range(_EMBED // 16):
                sl = pl.ds(k * 16, 16)
                plsc.addupdate(buf.at[r, sl], pe_v[h * _CROWS + r, sl])

    def gather_start(c, h, b):
        idx = idx_v.at[lax.div(c, _CPS), pl.ds(h * _CROWS, _CROWS)]
        pltpu.async_copy(table_hbm.at[idx], bufs[b], gsems[b])

    def gather_wait(c, h, b):
        idx = idx_v.at[lax.div(c, _CPS), pl.ds(h * _CROWS, _CROWS)]
        pltpu.make_async_copy(table_hbm.at[idx], bufs[b], gsems[b]).wait()

    def out_ref(c, h):
        return out_hbm.at[sbase + lax.div(c, _CPS), pl.ds(h * _CROWS, _CROWS), :]

    def out_start(c, h, b):
        pltpu.async_copy(bufs[b], out_ref(c, h), osems[b])

    def out_wait(c, h, b):
        pltpu.make_async_copy(bufs[b], out_ref(c, h), osems[b]).wait()

    for c in range(_NBUF - 1):
        gather_start(c, c % _CPS, c)

    @pl.loop(0, _CPW, step=_NBUF)
    def _steady(g):
        for j in range(_NBUF):
            c = g + j
            h = j % _CPS
            nb = (j + _NBUF - 1) % _NBUF
            nh = (j + _NBUF - 1) % _CPS
            gather_wait(c, h, j)

            @pl.when(c + _NBUF - 1 < _CPW)
            def _prefetch(c=c, nb=nb, nh=nh):
                @pl.when(c >= 1)
                def _drain_prev():
                    out_wait(c - 1, nh, nb)

                gather_start(c + _NBUF - 1, nh, nb)

            add_pe(h, bufs[j])
            out_start(c, h, j)

    for c in range(_CPW - _NBUF, _CPW):
        out_wait(c, c % _CPS, c % _NBUF)


def _kernel_impl(sequence, token_table):
    pe = jnp.asarray(_positional_np(_SEQLEN, _EMBED))

    mesh = plsc.VectorSubcoreMesh(
        core_axis_name="c", subcore_axis_name="s", num_cores=_NC, num_subcores=_NS
    )
    run = pl.kernel(
        _sc_body,
        out_type=jax.ShapeDtypeStruct((_BATCH, _SEQLEN, _EMBED), jnp.float32),
        mesh=mesh,
        scratch_types=[
            pltpu.VMEM((_SPW, _SEQLEN), jnp.int32),
            pltpu.VMEM((_SEQLEN, _EMBED), jnp.float32),
            tuple(pltpu.VMEM((_CROWS, _EMBED), jnp.float32) for _ in range(_NBUF)),
            tuple(pltpu.SemaphoreType.DMA for _ in range(_NBUF)),
            tuple(pltpu.SemaphoreType.DMA for _ in range(_NBUF)),
        ],
        compiler_params=pltpu.CompilerParams(use_tc_tiling_on_sc=False),
    )
    return run(sequence, pe, token_table)


def kernel(sequence, token_table):
    return _kernel_impl(sequence, token_table)

# --- scband reference (transcript-rebuilt; emitter-appended) ---
"""Pipeline reference for scband-transformer-embedding-11244224381412 (READ-ONLY COPY).

The authoritative reference and input builder live on the scoring server;
editing this copy changes nothing except your own understanding.
"""

import jax, jax.numpy as jnp
import numpy as np

VOCAB = 1000000
EMBED = 64
BATCH = 4096
SEQLEN = 200


def _positional(seq_len, d_model):
    position = np.arange(seq_len)[:, None].astype(np.float32)
    div_term = np.exp(np.arange(0, d_model, 2).astype(np.float32) * -(np.log(10000.0) / d_model))
    pe = np.zeros((seq_len, d_model), dtype=np.float32)
    pe[:, 0::2] = np.sin(position * div_term)
    pe[:, 1::2] = np.cos(position * div_term)
    return jnp.asarray(pe)


def setup_inputs(seed: int = 0) -> dict:
    key = jax.random.key(seed)
    k1, k2 = jax.random.split(key)
    sequence = jax.random.randint(k1, (BATCH, SEQLEN), 0, VOCAB, dtype=jnp.int32)
    token_table = jax.random.normal(k2, (VOCAB, EMBED), dtype=jnp.float32) * 0.02
    return {"sequence": sequence, "token_table": token_table}


def reference(sequence, token_table):
    # TokenEmbedding: gather rows from the embedding table
    tok = jnp.take(token_table, sequence, axis=0)  # [B, L, E]
    # PositionalEmbedding: fixed sinusoidal, broadcast over batch
    pe = _positional(sequence.shape[1], token_table.shape[1])  # [L, E]
    x = tok + pe[None, :, :]
    # Dropout is identity in eval/reference mode
    return x

if __name__ == "__main__":
    import jax
    _d = setup_inputs()
    print(jax.jit(kernel)(*tuple(_d.values())))

</pallas_src>

<mosaic_0001>
#map = affine_map<(d0, d1) -> (0, 0)>
#map1 = affine_map<(d0, d1) -> (0, 0, 0)>
module attributes {stable_mosaic.version = 14 : i64} {
  func.func @_sc_body(%arg0: i32, %arg1: i32, %arg2: memref<4096x200xi32, #tpu.memory_space<hbm>>, %arg3: memref<200x64xf32, #tpu.memory_space<hbm>>, %arg4: memref<1000000x64xf32, #tpu.memory_space<hbm>>, %arg5: memref<4096x200x64xf32, #tpu.memory_space<hbm>>, %arg6: memref<128x200xi32, #tpu.memory_space<vmem>>, %arg7: memref<200x64xf32, #tpu.memory_space<vmem>>, %arg8: memref<40x64xf32, #tpu.memory_space<vmem>>, %arg9: memref<40x64xf32, #tpu.memory_space<vmem>>, %arg10: memref<40x64xf32, #tpu.memory_space<vmem>>, %arg11: memref<40x64xf32, #tpu.memory_space<vmem>>, %arg12: memref<40x64xf32, #tpu.memory_space<vmem>>, %arg13: memref<40x64xf32, #tpu.memory_space<vmem>>, %arg14: memref<40x64xf32, #tpu.memory_space<vmem>>, %arg15: memref<40x64xf32, #tpu.memory_space<vmem>>, %arg16: memref<40x64xf32, #tpu.memory_space<vmem>>, %arg17: memref<40x64xf32, #tpu.memory_space<vmem>>, %arg18: memref<!tpu.dma_semaphore, #tpu.memory_space<semaphore_mem>>, %arg19: memref<!tpu.dma_semaphore, #tpu.memory_space<semaphore_mem>>, %arg20: memref<!tpu.dma_semaphore, #tpu.memory_space<semaphore_mem>>, %arg21: memref<!tpu.dma_semaphore, #tpu.memory_space<semaphore_mem>>, %arg22: memref<!tpu.dma_semaphore, #tpu.memory_space<semaphore_mem>>, %arg23: memref<!tpu.dma_semaphore, #tpu.memory_space<semaphore_mem>>, %arg24: memref<!tpu.dma_semaphore, #tpu.memory_space<semaphore_mem>>, %arg25: memref<!tpu.dma_semaphore, #tpu.memory_space<semaphore_mem>>, %arg26: memref<!tpu.dma_semaphore, #tpu.memory_space<semaphore_mem>>, %arg27: memref<!tpu.dma_semaphore, #tpu.memory_space<semaphore_mem>>, %arg28: memref<!tpu.dma_semaphore, #tpu.memory_space<semaphore_mem>>, %arg29: memref<!tpu.dma_semaphore, #tpu.memory_space<semaphore_mem>>, %arg30: memref<!tpu.dma_semaphore, #tpu.memory_space<semaphore_mem>>, %arg31: memref<!tpu.dma_semaphore, #tpu.memory_space<semaphore_mem>>, %arg32: memref<!tpu.dma_semaphore, #tpu.memory_space<semaphore_mem>>, %arg33: memref<!tpu.dma_semaphore, #tpu.memory_space<semaphore_mem>>, %arg34: memref<!tpu.dma_semaphore, #tpu.memory_space<semaphore_mem>>, %arg35: memref<!tpu.dma_semaphore, #tpu.memory_space<semaphore_mem>>, %arg36: memref<!tpu.dma_semaphore, #tpu.memory_space<semaphore_mem>>, %arg37: memref<!tpu.dma_semaphore, #tpu.memory_space<semaphore_mem>>) attributes {dimension_semantics = [#tpu.dimension_semantics<core_parallel>, #tpu.dimension_semantics<subcore_parallel>], iteration_bounds = array<i64: 2, 16>, scalar_prefetch = 0 : i64, scratch_operands = 32 : i64, tpu.core_type = #tpu.core_type<sc_vector_subcore>, window_params = [{transform_indices = #map}, {transform_indices = #map}, {transform_indices = #map}, {transform_indices = #map1}]} {
    %mul3A = arith.constant 2 : i32
    %mul3A_0 = arith.muli %arg1, %mul3A : i32
    %add3A = arith.addi %mul3A_0, %arg0 : i32
    %mul3A_1 = arith.constant 128 : i32
    %mul3A_2 = arith.muli %add3A, %mul3A_1 : i32
    "tpu.region"() ({
      %run_scoped3A = tpu.sem_alloc : memref<!tpu.dma_semaphore, #tpu.memory_space<semaphore_mem>>
      %dma_start3A_205 = arith.constant 0 : i32
      %dma_start3A_206 = tpu.memref_slice %arg2[%mul3A_2, %dma_start3A_205] : memref<4096x200xi32, #tpu.memory_space<hbm>> -> memref<128x200xi32, #tpu.memory_space<hbm>>
      %dma_start3A_207 = arith.constant 0 : i32
      %dma_start3A_208 = tpu.memref_slice %arg2[%mul3A_2, %dma_start3A_207] : memref<4096x200xi32, #tpu.memory_space<hbm>> -> memref<128x200xi32, #tpu.memory_space<hbm>>
      tpu.enqueue_dma source(%dma_start3A_208 : memref<128x200xi32, #tpu.memory_space<hbm>>) target(%arg6 : memref<128x200xi32, #tpu.memory_space<vmem>>) target_semaphore(%run_scoped3A : memref<!tpu.dma_semaphore, #tpu.memory_space<semaphore_mem>>)
      %dma_wait3A_209 = arith.constant 0 : i32
      %dma_wait3A_210 = tpu.memref_slice %arg2[%mul3A_2, %dma_wait3A_209] : memref<4096x200xi32, #tpu.memory_space<hbm>> -> memref<128x200xi32, #tpu.memory_space<hbm>>
      %dma_wait3A_211 = arith.constant 0 : i32
      %dma_wait3A_212 = tpu.memref_slice %arg2[%mul3A_2, %dma_wait3A_211] : memref<4096x200xi32, #tpu.memory_space<hbm>> -> memref<128x200xi32, #tpu.memory_space<hbm>>
      tpu.wait_dma2 semaphore(%run_scoped3A : memref<!tpu.dma_semaphore, #tpu.memory_space<semaphore_mem>>) src(%dma_wait3A_212 : memref<128x200xi32, #tpu.memory_space<hbm>>) dst(%arg6 : memref<128x200xi32, #tpu.memory_space<vmem>>)
      tpu.yield
    }) : () -> ()
    "tpu.region"() ({
      %run_scoped3A = tpu.sem_alloc : memref<!tpu.dma_semaphore, #tpu.memory_space<semaphore_mem>>
      tpu.enqueue_dma source(%arg3 : memref<200x64xf32, #tpu.memory_space<hbm>>) target(%arg7 : memref<200x64xf32, #tpu.memory_space<vmem>>) target_semaphore(%run_scoped3A : memref<!tpu.dma_semaphore, #tpu.memory_space<semaphore_mem>>)
      tpu.wait_dma2 semaphore(%run_scoped3A : memref<!tpu.dma_semaphore, #tpu.memory_space<semaphore_mem>>) src(%arg3 : memref<200x64xf32, #tpu.memory_space<hbm>>) dst(%arg7 : memref<200x64xf32, #tpu.memory_space<vmem>>)
      tpu.yield
    }) : () -> ()
    %div3A = arith.constant 0 : i32
    %div3A_3 = arith.constant 5 : i32
    %div3A_4 = arith.divsi %div3A, %div3A_3 : i32
    %dma_start3A = arith.constant 0 : i32
    %dma_start3A_5 = tpu.memref_slice %arg6[%div3A_4, %dma_start3A] : memref<128x200xi32, #tpu.memory_space<vmem>> -> memref<1x40xi32, #tpu.memory_space<vmem>>
    %dma_start3A_6 = tpu.memref_squeeze %dma_start3A_5 : memref<1x40xi32, #tpu.memory_space<vmem>> -> memref<40xi32, #tpu.memory_space<vmem>>
    %dma_start3A_7 = arith.constant 0 : i32
    %dma_start3A_8 = arith.constant 0 : i32
    %dma_start3A_9 = tpu.memref_slice %arg4[%dma_start3A_7, %dma_start3A_8] : memref<1000000x64xf32, #tpu.memory_space<hbm>> -> memref<1000000x64xf32, #tpu.memory_space<hbm>>
    tpu.enqueue_indirect_dma source(%dma_start3A_9 : memref<1000000x64xf32, #tpu.memory_space<hbm>>) target(%arg8 : memref<40x64xf32, #tpu.memory_space<vmem>>) offsets(%dma_start3A_6 : memref<40xi32, #tpu.memory_space<vmem>>) semaphore(%arg18 : memref<!tpu.dma_semaphore, #tpu.memory_space<semaphore_mem>>)
    %div3A_10 = arith.constant 1 : i32
    %div3A_11 = arith.constant 5 : i32
    %div3A_12 = arith.divsi %div3A_10, %div3A_11 : i32
    %dma_start3A_13 = arith.constant 40 : i32
    %dma_start3A_14 = tpu.memref_slice %arg6[%div3A_12, %dma_start3A_13] : memref<128x200xi32, #tpu.memory_space<vmem>> -> memref<1x40xi32, #tpu.memory_space<vmem>>
    %dma_start3A_15 = tpu.memref_squeeze %dma_start3A_14 : memref<1x40xi32, #tpu.memory_space<vmem>> -> memref<40xi32, #tpu.memory_space<vmem>>
    %dma_start3A_16 = arith.constant 0 : i32
    %dma_start3A_17 = arith.constant 0 : i32
    %dma_start3A_18 = tpu.memref_slice %arg4[%dma_start3A_16, %dma_start3A_17] : memref<1000000x64xf32, #tpu.memory_space<hbm>> -> memref<1000000x64xf32, #tpu.memory_space<hbm>>
    tpu.enqueue_indirect_dma source(%dma_start3A_18 : memref<1000000x64xf32, #tpu.memory_space<hbm>>) target(%arg9 : memref<40x64xf32, #tpu.memory_space<vmem>>) offsets(%dma_start3A_15 : memref<40xi32, #tpu.memory_space<vmem>>) semaphore(%arg19 : memref<!tpu.dma_semaphore, #tpu.memory_space<semaphore_mem>>)
    %div3A_19 = arith.constant 2 : i32
    %div3A_20 = arith.constant 5 : i32
    %div3A_21 = arith.divsi %div3A_19, %div3A_20 : i32
    %dma_start3A_22 = arith.constant 80 : i32
    %dma_start3A_23 = tpu.memref_slice %arg6[%div3A_21, %dma_start3A_22] : memref<128x200xi32, #tpu.memory_space<vmem>> -> memref<1x40xi32, #tpu.memory_space<vmem>>
    %dma_start3A_24 = tpu.memref_squeeze %dma_start3A_23 : memref<1x40xi32, #tpu.memory_space<vmem>> -> memref<40xi32, #tpu.memory_space<vmem>>
    %dma_start3A_25 = arith.constant 0 : i32
    %dma_start3A_26 = arith.constant 0 : i32
    %dma_start3A_27 = tpu.memref_slice %arg4[%dma_start3A_25, %dma_start3A_26] : memref<1000000x64xf32, #tpu.memory_space<hbm>> -> memref<1000000x64xf32, #tpu.memory_space<hbm>>
    tpu.enqueue_indirect_dma source(%dma_start3A_27 : memref<1000000x64xf32, #tpu.memory_space<hbm>>) target(%arg10 : memref<40x64xf32, #tpu.memory_space<vmem>>) offsets(%dma_start3A_24 : memref<40xi32, #tpu.memory_space<vmem>>) semaphore(%arg20 : memref<!tpu.dma_semaphore, #tpu.memory_space<semaphore_mem>>)
    %div3A_28 = arith.constant 3 : i32
    %div3A_29 = arith.constant 5 : i32
    %div3A_30 = arith.divsi %div3A_28, %div3A_29 : i32
    %dma_start3A_31 = arith.constant 120 : i32
    %dma_start3A_32 = tpu.memref_slice %arg6[%div3A_30, %dma_start3A_31] : memref<128x200xi32, #tpu.memory_space<vmem>> -> memref<1x40xi32, #tpu.memory_space<vmem>>
    %dma_start3A_33 = tpu.memref_squeeze %dma_start3A_32 : memref<1x40xi32, #tpu.memory_space<vmem>> -> memref<40xi32, #tpu.memory_space<vmem>>
    %dma_start3A_34 = arith.constant 0 : i32
    %dma_start3A_35 = arith.constant 0 : i32
    %dma_start3A_36 = tpu.memref_slice %arg4[%dma_start3A_34, %dma_start3A_35] : memref<1000000x64xf32, #tpu.memory_space<hbm>> -> memref<1000000x64xf32, #tpu.memory_space<hbm>>
    tpu.enqueue_indirect_dma source(%dma_start3A_36 : memref<1000000x64xf32, #tpu.memory_space<hbm>>) target(%arg11 : memref<40x64xf32, #tpu.memory_space<vmem>>) offsets(%dma_start3A_33 : memref<40xi32, #tpu.memory_space<vmem>>) semaphore(%arg21 : memref<!tpu.dma_semaphore, #tpu.memory_space<semaphore_mem>>)
    %div3A_37 = arith.constant 4 : i32
    %div3A_38 = arith.constant 5 : i32
    %div3A_39 = arith.divsi %div3A_37, %div3A_38 : i32
    %dma_start3A_40 = arith.constant 160 : i32
    %dma_start3A_41 = tpu.memref_slice %arg6[%div3A_39, %dma_start3A_40] : memref<128x200xi32, #tpu.memory_space<vmem>> -> memref<1x40xi32, #tpu.memory_space<vmem>>
    %dma_start3A_42 = tpu.memref_squeeze %dma_start3A_41 : memref<1x40xi32, #tpu.memory_space<vmem>> -> memref<40xi32, #tpu.memory_space<vmem>>
    %dma_start3A_43 = arith.constant 0 : i32
    %dma_start3A_44 = arith.constant 0 : i32
    %dma_start3A_45 = tpu.memref_slice %arg4[%dma_start3A_43, %dma_start3A_44] : memref<1000000x64xf32, #tpu.memory_space<hbm>> -> memref<1000000x64xf32, #tpu.memory_space<hbm>>
    tpu.enqueue_indirect_dma source(%dma_start3A_45 : memref<1000000x64xf32, #tpu.memory_space<hbm>>) target(%arg12 : memref<40x64xf32, #tpu.memory_space<vmem>>) offsets(%dma_start3A_42 : memref<40xi32, #tpu.memory_space<vmem>>) semaphore(%arg22 : memref<!tpu.dma_semaphore, #tpu.memory_space<semaphore_mem>>)
    %div3A_46 = arith.constant 5 : i32
    %div3A_47 = arith.constant 5 : i32
    %div3A_48 = arith.divsi %div3A_46, %div3A_47 : i32
    %dma_start3A_49 = arith.constant 0 : i32
    %dma_start3A_50 = tpu.memref_slice %arg6[%div3A_48, %dma_start3A_49] : memref<128x200xi32, #tpu.memory_space<vmem>> -> memref<1x40xi32, #tpu.memory_space<vmem>>
    %dma_start3A_51 = tpu.memref_squeeze %dma_start3A_50 : memref<1x40xi32, #tpu.memory_space<vmem>> -> memref<40xi32, #tpu.memory_space<vmem>>
    %dma_start3A_52 = arith.constant 0 : i32
    %dma_start3A_53 = arith.constant 0 : i32
    %dma_start3A_54 = tpu.memref_slice %arg4[%dma_start3A_52, %dma_start3A_53] : memref<1000000x64xf32, #tpu.memory_space<hbm>> -> memref<1000000x64xf32, #tpu.memory_space<hbm>>
    tpu.enqueue_indirect_dma source(%dma_start3A_54 : memref<1000000x64xf32, #tpu.memory_space<hbm>>) target(%arg13 : memref<40x64xf32, #tpu.memory_space<vmem>>) offsets(%dma_start3A_51 : memref<40xi32, #tpu.memory_space<vmem>>) semaphore(%arg23 : memref<!tpu.dma_semaphore, #tpu.memory_space<semaphore_mem>>)
    %div3A_55 = arith.constant 6 : i32
    %div3A_56 = arith.constant 5 : i32
    %div3A_57 = arith.divsi %div3A_55, %div3A_56 : i32
    %dma_start3A_58 = arith.constant 40 : i32
    %dma_start3A_59 = tpu.memref_slice %arg6[%div3A_57, %dma_start3A_58] : memref<128x200xi32, #tpu.memory_space<vmem>> -> memref<1x40xi32, #tpu.memory_space<vmem>>
    %dma_start3A_60 = tpu.memref_squeeze %dma_start3A_59 : memref<1x40xi32, #tpu.memory_space<vmem>> -> memref<40xi32, #tpu.memory_space<vmem>>
    %dma_start3A_61 = arith.constant 0 : i32
    %dma_start3A_62 = arith.constant 0 : i32
    %dma_start3A_63 = tpu.memref_slice %arg4[%dma_start3A_61, %dma_start3A_62] : memref<1000000x64xf32, #tpu.memory_space<hbm>> -> memref<1000000x64xf32, #tpu.memory_space<hbm>>
    tpu.enqueue_indirect_dma source(%dma_start3A_63 : memref<1000000x64xf32, #tpu.memory_space<hbm>>) target(%arg14 : memref<40x64xf32, #tpu.memory_space<vmem>>) offsets(%dma_start3A_60 : memref<40xi32, #tpu.memory_space<vmem>>) semaphore(%arg24 : memref<!tpu.dma_semaphore, #tpu.memory_space<semaphore_mem>>)
    %div3A_64 = arith.constant 7 : i32
    %div3A_65 = arith.constant 5 : i32
    %div3A_66 = arith.divsi %div3A_64, %div3A_65 : i32
    %dma_start3A_67 = arith.constant 80 : i32
    %dma_start3A_68 = tpu.memref_slice %arg6[%div3A_66, %dma_start3A_67] : memref<128x200xi32, #tpu.memory_space<vmem>> -> memref<1x40xi32, #tpu.memory_space<vmem>>
    %dma_start3A_69 = tpu.memref_squeeze %dma_start3A_68 : memref<1x40xi32, #tpu.memory_space<vmem>> -> memref<40xi32, #tpu.memory_space<vmem>>
    %dma_start3A_70 = arith.constant 0 : i32
    %dma_start3A_71 = arith.constant 0 : i32
    %dma_start3A_72 = tpu.memref_slice %arg4[%dma_start3A_70, %dma_start3A_71] : memref<1000000x64xf32, #tpu.memory_space<hbm>> -> memref<1000000x64xf32, #tpu.memory_space<hbm>>
    tpu.enqueue_indirect_dma source(%dma_start3A_72 : memref<1000000x64xf32, #tpu.memory_space<hbm>>) target(%arg15 : memref<40x64xf32, #tpu.memory_space<vmem>>) offsets(%dma_start3A_69 : memref<40xi32, #tpu.memory_space<vmem>>) semaphore(%arg25 : memref<!tpu.dma_semaphore, #tpu.memory_space<semaphore_mem>>)
    %div3A_73 = arith.constant 8 : i32
    %div3A_74 = arith.constant 5 : i32
    %div3A_75 = arith.divsi %div3A_73, %div3A_74 : i32
    %dma_start3A_76 = arith.constant 120 : i32
    %dma_start3A_77 = tpu.memref_slice %arg6[%div3A_75, %dma_start3A_76] : memref<128x200xi32, #tpu.memory_space<vmem>> -> memref<1x40xi32, #tpu.memory_space<vmem>>
    %dma_start3A_78 = tpu.memref_squeeze %dma_start3A_77 : memref<1x40xi32, #tpu.memory_space<vmem>> -> memref<40xi32, #tpu.memory_space<vmem>>
    %dma_start3A_79 = arith.constant 0 : i32
    %dma_start3A_80 = arith.constant 0 : i32
    %dma_start3A_81 = tpu.memref_slice %arg4[%dma_start3A_79, %dma_start3A_80] : memref<1000000x64xf32, #tpu.memory_space<hbm>> -> memref<1000000x64xf32, #tpu.memory_space<hbm>>
    tpu.enqueue_indirect_dma source(%dma_start3A_81 : memref<1000000x64xf32, #tpu.memory_space<hbm>>) target(%arg16 : memref<40x64xf32, #tpu.memory_space<vmem>>) offsets(%dma_start3A_78 : memref<40xi32, #tpu.memory_space<vmem>>) semaphore(%arg26 : memref<!tpu.dma_semaphore, #tpu.memory_space<semaphore_mem>>)
    %scan3A = arith.constant 0 : i32
    %scan3A_82 = arith.constant 64 : i32
    %scan3A_83 = arith.addi %scan3A, %scan3A_82 : i32
    %scan3A_84 = arith.constant 1 : i32
    scf.for %scan3A_205 = %scan3A to %scan3A_83 step %scan3A_84  : i32 {
      %mul3A_206 = arith.constant 10 : i32
      %mul3A_207 = arith.muli %scan3A_205, %mul3A_206 : i32
      %add3A_208 = arith.constant 0 : i32
      %add3A_209 = arith.addi %add3A_208, %mul3A_207 : i32
      %add3A_210 = arith.constant 0 : i32
      %add3A_211 = arith.addi %add3A_209, %add3A_210 : i32
      %div3A_212 = arith.constant 5 : i32
      %div3A_213 = arith.divsi %add3A_211, %div3A_212 : i32
      %dma_wait3A_214 = arith.constant 0 : i32
      %dma_wait3A_215 = tpu.memref_slice %arg6[%div3A_213, %dma_wait3A_214] : memref<128x200xi32, #tpu.memory_space<vmem>> -> memref<1x40xi32, #tpu.memory_space<vmem>>
      %dma_wait3A_216 = tpu.memref_squeeze %dma_wait3A_215 : memref<1x40xi32, #tpu.memory_space<vmem>> -> memref<40xi32, #tpu.memory_space<vmem>>
      %dma_wait3A_217 = arith.constant 0 : i32
      %dma_wait3A_218 = arith.constant 0 : i32
      %dma_wait3A_219 = tpu.memref_slice %arg4[%dma_wait3A_217, %dma_wait3A_218] : memref<1000000x64xf32, #tpu.memory_space<hbm>> -> memref<1000000x64xf32, #tpu.memory_space<hbm>>
      tpu.wait_indirect_dma semaphore(%arg18 : memref<!tpu.dma_semaphore, #tpu.memory_space<semaphore_mem>>) src(%dma_wait3A_219 : memref<1000000x64xf32, #tpu.memory_space<hbm>>) dst(%arg8 : memref<40x64xf32, #tpu.memory_space<vmem>>)
      %add3A_220 = arith.constant 10 : i32
      %add3A_221 = arith.addi %add3A_211, %add3A_220 : i32
      %sub3A = arith.constant 1 : i32
      %sub3A_222 = arith.subi %add3A_221, %sub3A : i32
      %lt3A = arith.constant 640 : i32
      %lt3A_223 = arith.cmpi slt, %sub3A_222, %lt3A : i32
      %convert_element_type3A = arith.extui %lt3A_223 : i1 to i32
      %cond3A = arith.constant 0 : i32
      %cond3A_224 = arith.cmpi ne, %convert_element_type3A, %cond3A : i32
      scf.if %cond3A_224 {
        %ge3A = arith.constant 1 : i32
        %ge3A_556 = arith.cmpi sge, %add3A_211, %ge3A : i32
        %convert_element_type3A_557 = arith.extui %ge3A_556 : i1 to i32
        %cond3A_558 = arith.constant 0 : i32
        %cond3A_559 = arith.cmpi ne, %convert_element_type3A_557, %cond3A_558 : i32
        scf.if %cond3A_559 {
          %sub3A_572 = arith.constant 1 : i32
          %sub3A_573 = arith.subi %add3A_211, %sub3A_572 : i32
          %div3A_574 = arith.constant 5 : i32
          %div3A_575 = arith.divsi %sub3A_573, %div3A_574 : i32
          %add3A_576 = arith.addi %mul3A_2, %div3A_575 : i32
          %dma_wait3A_577 = arith.constant 160 : i32
          %dma_wait3A_578 = arith.constant 0 : i32
          %dma_wait3A_579 = tpu.memref_slice %arg5[%add3A_576, %dma_wait3A_577, %dma_wait3A_578] : memref<4096x200x64xf32, #tpu.memory_space<hbm>> -> memref<1x40x64xf32, #tpu.memory_space<hbm>>
          %dma_wait3A_580 = tpu.memref_squeeze %dma_wait3A_579 : memref<1x40x64xf32, #tpu.memory_space<hbm>> -> memref<40x64xf32, #tpu.memory_space<hbm>>
          %dma_wait3A_581 = arith.constant 160 : i32
          %dma_wait3A_582 = arith.constant 0 : i32
          %dma_wait3A_583 = tpu.memref_slice %arg5[%add3A_576, %dma_wait3A_581, %dma_wait3A_582] : memref<4096x200x64xf32, #tpu.memory_space<hbm>> -> memref<1x40x64xf32, #tpu.memory_space<hbm>>
          %dma_wait3A_584 = tpu.memref_squeeze %dma_wait3A_583 : memref<1x40x64xf32, #tpu.memory_space<hbm>> -> memref<40x64xf32, #tpu.memory_space<hbm>>
          tpu.wait_dma2 semaphore(%arg37 : memref<!tpu.dma_semaphore, #tpu.memory_space<semaphore_mem>>) src(%arg17 : memref<40x64xf32, #tpu.memory_space<vmem>>) dst(%dma_wait3A_584 : memref<40x64xf32, #tpu.memory_space<hbm>>)
        } else {
        }
        %add3A_560 = arith.constant 10 : i32
        %add3A_561 = arith.addi %add3A_211, %add3A_560 : i32
        %sub3A_562 = arith.constant 1 : i32
        %sub3A_563 = arith.subi %add3A_561, %sub3A_562 : i32
        %div3A_564 = arith.constant 5 : i32
        %div3A_565 = arith.divsi %sub3A_563, %div3A_564 : i32
        %dma_start3A_566 = arith.constant 160 : i32
        %dma_start3A_567 = tpu.memref_slice %arg6[%div3A_565, %dma_start3A_566] : memref<128x200xi32, #tpu.memory_space<vmem>> -> memref<1x40xi32, #tpu.memory_space<vmem>>
        %dma_start3A_568 = tpu.memref_squeeze %dma_start3A_567 : memref<1x40xi32, #tpu.memory_space<vmem>> -> memref<40xi32, #tpu.memory_space<vmem>>
        %dma_start3A_569 = arith.constant 0 : i32
        %dma_start3A_570 = arith.constant 0 : i32
        %dma_start3A_571 = tpu.memref_slice %arg4[%dma_start3A_569, %dma_start3A_570] : memref<1000000x64xf32, #tpu.memory_space<hbm>> -> memref<1000000x64xf32, #tpu.memory_space<hbm>>
        tpu.enqueue_indirect_dma source(%dma_start3A_571 : memref<1000000x64xf32, #tpu.memory_space<hbm>>) target(%arg17 : memref<40x64xf32, #tpu.memory_space<vmem>>) offsets(%dma_start3A_568 : memref<40xi32, #tpu.memory_space<vmem>>) semaphore(%arg27 : memref<!tpu.dma_semaphore, #tpu.memory_space<semaphore_mem>>)
      } else {
      }
      %scan3A_225 = arith.constant 0 : i32
      %scan3A_226 = arith.constant 40 : i32
      %scan3A_227 = arith.addi %scan3A_225, %scan3A_226 : i32
      %scan3A_228 = arith.constant 4 : i32
      scf.for %scan3A_556 = %scan3A_225 to %scan3A_227 step %scan3A_228  : i32 {
        %mul3A_557 = arith.constant 1 : i32
        %mul3A_558 = arith.muli %scan3A_556, %mul3A_557 : i32
        %add3A_559 = arith.constant 0 : i32
        %add3A_560 = arith.addi %add3A_559, %mul3A_558 : i32
        %add3A_561 = arith.constant 0 : i32
        %add3A_562 = arith.addi %add3A_561, %add3A_560 : i32
        %get3A = arith.index_cast %add3A_562 : i32 to index
        %get3A_563 = arith.constant 0 : index
        %get3A_564 = tpu.vector_load %arg7[%get3A, %get3A_563] {strides = array<i32>} : memref<200x64xf32, #tpu.memory_space<vmem>>, vector<1x16xf32>,
        %get3A_565 = vector.shape_cast %get3A_564 : vector<1x16xf32> to vector<16xf32>
        %swap3A = arith.index_cast %add3A_560 : i32 to index
        %swap3A_566 = arith.constant 0 : index
        %swap3A_567 = tpu.vector_load %arg8[%swap3A, %swap3A_566] {strides = array<i32>} : memref<40x64xf32, #tpu.memory_space<vmem>>, vector<1x16xf32>,
        %swap3A_568 = vector.shape_cast %swap3A_567 : vector<1x16xf32> to vector<16xf32>
        %swap3A_569 = vector.shape_cast %get3A_565 : vector<16xf32> to vector<1x16xf32>
        tpu.vector_store %arg8[%swap3A, %swap3A_566], %swap3A_569 {add = true, strides = array<i32>} : memref<40x64xf32, #tpu.memory_space<vmem>>, vector<1x16xf32>,
        %add3A_570 = arith.constant 0 : i32
        %add3A_571 = arith.addi %add3A_570, %add3A_560 : i32
        %get3A_572 = arith.index_cast %add3A_571 : i32 to index
        %get3A_573 = arith.constant 16 : index
        %get3A_574 = tpu.vector_load %arg7[%get3A_572, %get3A_573] {strides = array<i32>} : memref<200x64xf32, #tpu.memory_space<vmem>>, vector<1x16xf32>,
        %get3A_575 = vector.shape_cast %get3A_574 : vector<1x16xf32> to vector<16xf32>
        %swap3A_576 = arith.index_cast %add3A_560 : i32 to index
        %swap3A_577 = arith.constant 16 : index
        %swap3A_578 = tpu.vector_load %arg8[%swap3A_576, %swap3A_577] {strides = array<i32>} : memref<40x64xf32, #tpu.memory_space<vmem>>, vector<1x16xf32>,
        %swap3A_579 = vector.shape_cast %swap3A_578 : vector<1x16xf32> to vector<16xf32>
        %swap3A_580 = vector.shape_cast %get3A_575 : vector<16xf32> to vector<1x16xf32>
        tpu.vector_store %arg8[%swap3A_576, %swap3A_577], %swap3A_580 {add = true, strides = array<i32>} : memref<40x64xf32, #tpu.memory_space<vmem>>, vector<1x16xf32>,
        %add3A_581 = arith.constant 0 : i32
        %add3A_582 = arith.addi %add3A_581, %add3A_560 : i32
        %get3A_583 = arith.index_cast %add3A_582 : i32 to index
        %get3A_584 = arith.constant 32 : index
        %get3A_585 = tpu.vector_load %arg7[%get3A_583, %get3A_584] {strides = array<i32>} : memref<200x64xf32, #tpu.memory_space<vmem>>, vector<1x16xf32>,
        %get3A_586 = vector.shape_cast %get3A_585 : vector<1x16xf32> to vector<16xf32>
        %swap3A_587 = arith.index_cast %add3A_560 : i32 to index
        %swap3A_588 = arith.constant 32 : index
        %swap3A_589 = tpu.vector_load %arg8[%swap3A_587, %swap3A_588] {strides = array<i32>} : memref<40x64xf32, #tpu.memory_space<vmem>>, vector<1x16xf32>,
        %swap3A_590 = vector.shape_cast %swap3A_589 : vector<1x16xf32> to vector<16xf32>
        %swap3A_591 = vector.shape_cast %get3A_586 : vector<16xf32> to vector<1x16xf32>
        tpu.vector_store %arg8[%swap3A_587, %swap3A_588], %swap3A_591 {add = true, strides = array<i32>} : memref<40x64xf32, #tpu.memory_space<vmem>>, vector<1x16xf32>,
        %add3A_592 = arith.constant 0 : i32
        %add3A_593 = arith.addi %add3A_592, %add3A_560 : i32
        %get3A_594 = arith.index_cast %add3A_593 : i32 to index
        %get3A_595 = arith.constant 48 : index
        %get3A_596 = tpu.vector_load %arg7[%get3A_594, %get3A_595] {strides = array<i32>} : memref<200x64xf32, #tpu.memory_space<vmem>>, vector<1x16xf32>,
        %get3A_597 = vector.shape_cast %get3A_596 : vector<1x16xf32> to vector<16xf32>
        %swap3A_598 = arith.index_cast %add3A_560 : i32 to index
        %swap3A_599 = arith.constant 48 : index
        %swap3A_600 = tpu.vector_load %arg8[%swap3A_598, %swap3A_599] {strides = array<i32>} : memref<40x64xf32, #tpu.memory_space<vmem>>, vector<1x16xf32>,
        %swap3A_601 = vector.shape_cast %swap3A_600 : vector<1x16xf32> to vector<16xf32>
        %swap3A_602 = vector.shape_cast %get3A_597 : vector<16xf32> to vector<1x16xf32>
        tpu.vector_store %arg8[%swap3A_598, %swap3A_599], %swap3A_602 {add = true, strides = array<i32>} : memref<40x64xf32, #tpu.memory_space<vmem>>, vector<1x16xf32>,
        %scan3A_603 = arith.constant 1 : i32
        %scan3A_604 = arith.addi %scan3A_556, %scan3A_603 : i32
        %mul3A_605 = arith.constant 1 : i32
        %mul3A_606 = arith.muli %scan3A_604, %mul3A_605 : i32
        %add3A_607 = arith.constant 0 : i32
        %add3A_608 = arith.addi %add3A_607, %mul3A_606 : i32
        %add3A_609 = arith.constant 0 : i32
        %add3A_610 = arith.addi %add3A_609, %add3A_608 : i32
        %get3A_611 = arith.index_cast %add3A_610 : i32 to index
        %get3A_612 = arith.constant 0 : index
        %get3A_613 = tpu.vector_load %arg7[%get3A_611, %get3A_612] {strides = array<i32>} : memref<200x64xf32, #tpu.memory_space<vmem>>, vector<1x16xf32>,
        %get3A_614 = vector.shape_cast %get3A_613 : vector<1x16xf32> to vector<16xf32>
        %swap3A_615 = arith.index_cast %add3A_608 : i32 to index
        %swap3A_616 = arith.constant 0 : index
        %swap3A_617 = tpu.vector_load %arg8[%swap3A_615, %swap3A_616] {strides = array<i32>} : memref<40x64xf32, #tpu.memory_space<vmem>>, vector<1x16xf32>,
        %swap3A_618 = vector.shape_cast %swap3A_617 : vector<1x16xf32> to vector<16xf32>
        %swap3A_619 = vector.shape_cast %get3A_614 : vector<16xf32> to vector<1x16xf32>
        tpu.vector_store %arg8[%swap3A_615, %swap3A_616], %swap3A_619 {add = true, strides = array<i32>} : memref<40x64xf32, #tpu.memory_space<vmem>>, vector<1x16xf32>,
        %add3A_620 = arith.constant 0 : i32
        %add3A_621 = arith.addi %add3A_620, %add3A_608 : i32
        %get3A_622 = arith.index_cast %add3A_621 : i32 to index
        %get3A_623 = arith.constant 16 : index
        %get3A_624 = tpu.vector_load %arg7[%get3A_622, %get3A_623] {strides = array<i32>} : memref<200x64xf32, #tpu.memory_space<vmem>>, vector<1x16xf32>,
        %get3A_625 = vector.shape_cast %get3A_624 : vector<1x16xf32> to vector<16xf32>
        %swap3A_626 = arith.index_cast %add3A_608 : i32 to index
        %swap3A_627 = arith.constant 16 : index
        %swap3A_628 = tpu.vector_load %arg8[%swap3A_626, %swap3A_627] {strides = array<i32>} : memref<40x64xf32, #tpu.memory_space<vmem>>, vector<1x16xf32>,
        %swap3A_629 = vector.shape_cast %swap3A_628 : vector<1x16xf32> to vector<16xf32>
        %swap3A_630 = vector.shape_cast %get3A_625 : vector<16xf32> to vector<1x16xf32>
        tpu.vector_store %arg8[%swap3A_626, %swap3A_627], %swap3A_630 {add = true, strides = array<i32>} : memref<40x64xf32, #tpu.memory_space<vmem>>, vector<1x16xf32>,
        %add3A_631 = arith.constant 0 : i32
        %add3A_632 = arith.addi %add3A_631, %add3A_608 : i32
        %get3A_633 = arith.index_cast %add3A_632 : i32 to index
        %get3A_634 = arith.constant 32 : index
        %get3A_635 = tpu.vector_load %arg7[%get3A_633, %get3A_634] {strides = array<i32>} : memref<200x64xf32, #tpu.memory_space<vmem>>, vector<1x16xf32>,
        %get3A_636 = vector.shape_cast %get3A_635 : vector<1x16xf32> to vector<16xf32>
        %swap3A_637 = arith.index_cast %add3A_608 : i32 to index
        %swap3A_638 = arith.constant 32 : index
        %swap3A_639 = tpu.vector_load %arg8[%swap3A_637, %swap3A_638] {strides = array<i32>} : memref<40x64xf32, #tpu.memory_space<vmem>>, vector<1x16xf32>,
        %swap3A_640 = vector.shape_cast %swap3A_639 : vector<1x16xf32> to vector<16xf32>
        %swap3A_641 = vector.shape_cast %get3A_636 : vector<16xf32> to vector<1x16xf32>
        tpu.vector_store %arg8[%swap3A_637, %swap3A_638], %swap3A_641 {add = true, strides = array<i32>} : memref<40x64xf32, #tpu.memory_space<vmem>>, vector<1x16xf32>,
        %add3A_642 = arith.constant 0 : i32
        %add3A_643 = arith.addi %add3A_642, %add3A_608 : i32
        %get3A_644 = arith.index_cast %add3A_643 : i32 to index
        %get3A_645 = arith.constant 48 : index
        %get3A_646 = tpu.vector_load %arg7[%get3A_644, %get3A_645] {strides = array<i32>} : memref<200x64xf32, #tpu.memory_space<vmem>>, vector<1x16xf32>,
        %get3A_647 = vector.shape_cast %get3A_646 : vector<1x16xf32> to vector<16xf32>
        %swap3A_648 = arith.index_cast %add3A_608 : i32 to index
        %swap3A_649 = arith.constant 48 : index
        %swap3A_650 = tpu.vector_load %arg8[%swap3A_648, %swap3A_649] {strides = array<i32>} : memref<40x64xf32, #tpu.memory_space<vmem>>, vector<1x16xf32>,
        %swap3A_651 = vector.shape_cast %swap3A_650 : vector<1x16xf32> to vector<16xf32>
        %swap3A_652 = vector.shape_cast %get3A_647 : vector<16xf32> to vector<1x16xf32>
        tpu.vector_store %arg8[%swap3A_648, %swap3A_649], %swap3A_652 {add = true, strides = array<i32>} : memref<40x64xf32, #tpu.memory_space<vmem>>, vector<1x16xf32>,
        %scan3A_653 = arith.constant 2 : i32
        %scan3A_654 = arith.addi %scan3A_556, %scan3A_653 : i32
        %mul3A_655 = arith.constant 1 : i32
        %mul3A_656 = arith.muli %scan3A_654, %mul3A_655 : i32
        %add3A_657 = arith.constant 0 : i32
        %add3A_658 = arith.addi %add3A_657, %mul3A_656 : i32
        %add3A_659 = arith.constant 0 : i32
        %add3A_660 = arith.addi %add3A_659, %add3A_658 : i32
        %get3A_661 = arith.index_cast %add3A_660 : i32 to index
        %get3A_662 = arith.constant 0 : index
        %get3A_663 = tpu.vector_load %arg7[%get3A_661, %get3A_662] {strides = array<i32>} : memref<200x64xf32, #tpu.memory_space<vmem>>, vector<1x16xf32>,
        %get3A_664 = vector.shape_cast %get3A_663 : vector<1x16xf32> to vector<16xf32>
        %swap3A_665 = arith.index_cast %add3A_658 : i32 to index
        %swap3A_666 = arith.constant 0 : index
        %swap3A_667 = tpu.vector_load %arg8[%swap3A_665, %swap3A_666] {strides = array<i32>} : memref<40x64xf32, #tpu.memory_space<vmem>>, vector<1x16xf32>,
        %swap3A_668 = vector.shape_cast %swap3A_667 : vector<1x16xf32> to vector<16xf32>
        %swap3A_669 = vector.shape_cast %get3A_664 : vector<16xf32> to vector<1x16xf32>
        tpu.vector_store %arg8[%swap3A_665, %swap3A_666], %swap3A_669 {add = true, strides = array<i32>} : memref<40x64xf32, #tpu.memory_space<vmem>>, vector<1x16xf32>,
        %add3A_670 = arith.constant 0 : i32
        %add3A_671 = arith.addi %add3A_670, %add3A_658 : i32
        %get3A_672 = arith.index_cast %add3A_671 : i32 to index
        %get3A_673 = arith.constant 16 : index
        %get3A_674 = tpu.vector_load %arg7[%get3A_672, %get3A_673] {strides = array<i32>} : memref<200x64xf32, #tpu.memory_space<vmem>>, vector<1x16xf32>,
        %get3A_675 = vector.shape_cast %get3A_674 : vector<1x16xf32> to vector<16xf32>
        %swap3A_676 = arith.index_cast %add3A_658 : i32 to index
        %swap3A_677 = arith.constant 16 : index
        %swap3A_678 = tpu.vector_load %arg8[%swap3A_676, %swap3A_677] {strides = array<i32>} : memref<40x64xf32, #tpu.memory_space<vmem>>, vector<1x16xf32>,
        %swap3A_679 = vector.shape_cast %swap3A_678 : vector<1x16xf32> to vector<16xf32>
        %swap3A_680 = vector.shape_cast %get3A_675 : vector<16xf32> to vector<1x16xf32>
        tpu.vector_store %arg8[%swap3A_676, %swap3A_677], %swap3A_680 {add = true, strides = array<i32>} : memref<40x64xf32, #tpu.memory_space<vmem>>, vector<1x16xf32>,
        %add3A_681 = arith.constant 0 : i32
        %add3A_682 = arith.addi %add3A_681, %add3A_658 : i32
        %get3A_683 = arith.index_cast %add3A_682 : i32 to index
        %get3A_684 = arith.constant 32 : index
        %get3A_685 = tpu.vector_load %arg7[%get3A_683, %get3A_684] {strides = array<i32>} : memref<200x64xf32, #tpu.memory_space<vmem>>, vector<1x16xf32>,
        %get3A_686 = vector.shape_cast %get3A_685 : vector<1x16xf32> to vector<16xf32>
        %swap3A_687 = arith.index_cast %add3A_658 : i32 to index
        %swap3A_688 = arith.constant 32 : index
        %swap3A_689 = tpu.vector_load %arg8[%swap3A_687, %swap3A_688] {strides = array<i32>} : memref<40x64xf32, #tpu.memory_space<vmem>>, vector<1x16xf32>,
        %swap3A_690 = vector.shape_cast %swap3A_689 : vector<1x16xf32> to vector<16xf32>
        %swap3A_691 = vector.shape_cast %get3A_686 : vector<16xf32> to vector<1x16xf32>
        tpu.vector_store %arg8[%swap3A_687, %swap3A_688], %swap3A_691 {add = true, strides = array<i32>} : memref<40x64xf32, #tpu.memory_space<vmem>>, vector<1x16xf32>,
        %add3A_692 = arith.constant 0 : i32
        %add3A_693 = arith.addi %add3A_692, %add3A_658 : i32
        %get3A_694 = arith.index_cast %add3A_693 : i32 to index
        %get3A_695 = arith.constant 48 : index
        %get3A_696 = tpu.vector_load %arg7[%get3A_694, %get3A_695] {strides = array<i32>} : memref<200x64xf32, #tpu.memory_space<vmem>>, vector<1x16xf32>,
        %get3A_697 = vector.shape_cast %get3A_696 : vector<1x16xf32> to vector<16xf32>
        %swap3A_698 = arith.index_cast %add3A_658 : i32 to index
        %swap3A_699 = arith.constant 48 : index
        %swap3A_700 = tpu.vector_load %arg8[%swap3A_698, %swap3A_699] {strides = array<i32>} : memref<40x64xf32, #tpu.memory_space<vmem>>, vector<1x16xf32>,
        %swap3A_701 = vector.shape_cast %swap3A_700 : vector<1x16xf32> to vector<16xf32>
        %swap3A_702 = vector.shape_cast %get3A_697 : vector<16xf32> to vector<1x16xf32>
        tpu.vector_store %arg8[%swap3A_698, %swap3A_699], %swap3A_702 {add = true, strides = array<i32>} : memref<40x64xf32, #tpu.memory_space<vmem>>, vector<1x16xf32>,
        %scan3A_703 = arith.constant 3 : i32
        %scan3A_704 = arith.addi %scan3A_556, %scan3A_703 : i32
        %mul3A_705 = arith.constant 1 : i32
        %mul3A_706 = arith.muli %scan3A_704, %mul3A_705 : i32
        %add3A_707 = arith.constant 0 : i32
        %add3A_708 = arith.addi %add3A_707, %mul3A_706 : i32
        %add3A_709 = arith.constant 0 : i32
        %add3A_710 = arith.addi %add3A_709, %add3A_708 : i32
        %get3A_711 = arith.index_cast %add3A_710 : i32 to index
        %get3A_712 = arith.constant 0 : index
        %get3A_713 = tpu.vector_load %arg7[%get3A_711, %get3A_712] {strides = array<i32>} : memref<200x64xf32, #tpu.memory_space<vmem>>, vector<1x16xf32>,
        %get3A_714 = vector.shape_cast %get3A_713 : vector<1x16xf32> to vector<16xf32>
        %swap3A_715 = arith.index_cast %add3A_708 : i32 to index
        %swap3A_716 = arith.constant 0 : index
        %swap3A_717 = tpu.vector_load %arg8[%swap3A_715, %swap3A_716] {strides = array<i32>} : memref<40x64xf32, #tpu.memory_space<vmem>>, vector<1x16xf32>,
        %swap3A_718 = vector.shape_cast %swap3A_717 : vector<1x16xf32> to vector<16xf32>
        %swap3A_719 = vector.shape_cast %get3A_714 : vector<16xf32> to vector<1x16xf32>
        tpu.vector_store %arg8[%swap3A_715, %swap3A_716], %swap3A_719 {add = true, strides = array<i32>} : memref<40x64xf32, #tpu.memory_space<vmem>>, vector<1x16xf32>,
        %add3A_720 = arith.constant 0 : i32
        %add3A_721 = arith.addi %add3A_720, %add3A_708 : i32
        %get3A_722 = arith.index_cast %add3A_721 : i32 to index
        %get3A_723 = arith.constant 16 : index
        %get3A_724 = tpu.vector_load %arg7[%get3A_722, %get3A_723] {strides = array<i32>} : memref<200x64xf32, #tpu.memory_space<vmem>>, vector<1x16xf32>,
        %get3A_725 = vector.shape_cast %get3A_724 : vector<1x16xf32> to vector<16xf32>
        %swap3A_726 = arith.index_cast %add3A_708 : i32 to index
        %swap3A_727 = arith.constant 16 : index
        %swap3A_728 = tpu.vector_load %arg8[%swap3A_726, %swap3A_727] {strides = array<i32>} : memref<40x64xf32, #tpu.memory_space<vmem>>, vector<1x16xf32>,
        %swap3A_729 = vector.shape_cast %swap3A_728 : vector<1x16xf32> to vector<16xf32>
        %swap3A_730 = vector.shape_cast %get3A_725 : vector<16xf32> to vector<1x16xf32>
        tpu.vector_store %arg8[%swap3A_726, %swap3A_727], %swap3A_730 {add = true, strides = array<i32>} : memref<40x64xf32, #tpu.memory_space<vmem>>, vector<1x16xf32>,
        %add3A_731 = arith.constant 0 : i32
        %add3A_732 = arith.addi %add3A_731, %add3A_708 : i32
        %get3A_733 = arith.index_cast %add3A_732 : i32 to index
        %get3A_734 = arith.constant 32 : index
        %get3A_735 = tpu.vector_load %arg7[%get3A_733, %get3A_734] {strides = array<i32>} : memref<200x64xf32, #tpu.memory_space<vmem>>, vector<1x16xf32>,
        %get3A_736 = vector.shape_cast %get3A_735 : vector<1x16xf32> to vector<16xf32>
        %swap3A_737 = arith.index_cast %add3A_708 : i32 to index
        %swap3A_738 = arith.constant 32 : index
        %swap3A_739 = tpu.vector_load %arg8[%swap3A_737, %swap3A_738] {strides = array<i32>} : memref<40x64xf32, #tpu.memory_space<vmem>>, vector<1x16xf32>,
        %swap3A_740 = vector.shape_cast %swap3A_739 : vector<1x16xf32> to vector<16xf32>
        %swap3A_741 = vector.shape_cast %get3A_736 : vector<16xf32> to vector<1x16xf32>
        tpu.vector_store %arg8[%swap3A_737, %swap3A_738], %swap3A_741 {add = true, strides = array<i32>} : memref<40x64xf32, #tpu.memory_space<vmem>>, vector<1x16xf32>,
        %add3A_742 = arith.constant 0 : i32
        %add3A_743 = arith.addi %add3A_742, %add3A_708 : i32
        %get3A_744 = arith.index_cast %add3A_743 : i32 to index
        %get3A_745 = arith.constant 48 : index
        %get3A_746 = tpu.vector_load %arg7[%get3A_744, %get3A_745] {strides = array<i32>} : memref<200x64xf32, #tpu.memory_space<vmem>>, vector<1x16xf32>,
        %get3A_747 = vector.shape_cast %get3A_746 : vector<1x16xf32> to vector<16xf32>
        %swap3A_748 = arith.index_cast %add3A_708 : i32 to index
        %swap3A_749 = arith.constant 48 : index
        %swap3A_750 = tpu.vector_load %arg8[%swap3A_748, %swap3A_749] {strides = array<i32>} : memref<40x64xf32, #tpu.memory_space<vmem>>, vector<1x16xf32>,
        %swap3A_751 = vector.shape_cast %swap3A_750 : vector<1x16xf32> to vector<16xf32>
        %swap3A_752 = vector.shape_cast %get3A_747 : vector<16xf32> to vector<1x16xf32>
        tpu.vector_store %arg8[%swap3A_748, %swap3A_749], %swap3A_752 {add = true, strides = array<i32>} : memref<40x64xf32, #tpu.memory_space<vmem>>, vector<1x16xf32>,
      }
      %scan3A_229 = arith.constant 40 : i32
      %div3A_230 = arith.constant 5 : i32
      %div3A_231 = arith.divsi %add3A_211, %div3A_230 : i32
      %add3A_232 = arith.addi %mul3A_2, %div3A_231 : i32
      %dma_start3A_233 = arith.constant 0 : i32
      %dma_start3A_234 = arith.constant 0 : i32
      %dma_start3A_235 = tpu.memref_slice %arg5[%add3A_232, %dma_start3A_233, %dma_start3A_234] : memref<4096x200x64xf32, #tpu.memory_space<hbm>> -> memref<1x40x64xf32, #tpu.memory_space<hbm>>
      %dma_start3A_236 = tpu.memref_squeeze %dma_start3A_235 : memref<1x40x64xf32, #tpu.memory_space<hbm>> -> memref<40x64xf32, #tpu.memory_space<hbm>>
      %dma_start3A_237 = arith.constant 0 : i32
      %dma_start3A_238 = arith.constant 0 : i32
      %dma_start3A_239 = tpu.memref_slice %arg5[%add3A_232, %dma_start3A_237, %dma_start3A_238] : memref<4096x200x64xf32, #tpu.memory_space<hbm>> -> memref<1x40x64xf32, #tpu.memory_space<hbm>>
      %dma_start3A_240 = tpu.memref_squeeze %dma_start3A_239 : memref<1x40x64xf32, #tpu.memory_space<hbm>> -> memref<40x64xf32, #tpu.memory_space<hbm>>
      tpu.enqueue_dma source(%arg8 : memref<40x64xf32, #tpu.memory_space<vmem>>) target(%dma_start3A_240 : memref<40x64xf32, #tpu.memory_space<hbm>>) target_semaphore(%arg28 : memref<!tpu.dma_semaphore, #tpu.memory_space<semaphore_mem>>)
      %add3A_241 = arith.constant 1 : i32
      %add3A_242 = arith.addi %add3A_209, %add3A_241 : i32
      %div3A_243 = arith.constant 5 : i32
      %div3A_244 = arith.divsi %add3A_242, %div3A_243 : i32
      %dma_wait3A_245 = arith.constant 40 : i32
      %dma_wait3A_246 = tpu.memref_slice %arg6[%div3A_244, %dma_wait3A_245] : memref<128x200xi32, #tpu.memory_space<vmem>> -> memref<1x40xi32, #tpu.memory_space<vmem>>
      %dma_wait3A_247 = tpu.memref_squeeze %dma_wait3A_246 : memref<1x40xi32, #tpu.memory_space<vmem>> -> memref<40xi32, #tpu.memory_space<vmem>>
      %dma_wait3A_248 = arith.constant 0 : i32
      %dma_wait3A_249 = arith.constant 0 : i32
      %dma_wait3A_250 = tpu.memref_slice %arg4[%dma_wait3A_248, %dma_wait3A_249] : memref<1000000x64xf32, #tpu.memory_space<hbm>> -> memref<1000000x64xf32, #tpu.memory_space<hbm>>
      tpu.wait_indirect_dma semaphore(%arg19 : memref<!tpu.dma_semaphore, #tpu.memory_space<semaphore_mem>>) src(%dma_wait3A_250 : memref<1000000x64xf32, #tpu.memory_space<hbm>>) dst(%arg9 : memref<40x64xf32, #tpu.memory_space<vmem>>)
      %add3A_251 = arith.constant 10 : i32
      %add3A_252 = arith.addi %add3A_242, %add3A_251 : i32
      %sub3A_253 = arith.constant 1 : i32
      %sub3A_254 = arith.subi %add3A_252, %sub3A_253 : i32
      %lt3A_255 = arith.constant 640 : i32
      %lt3A_256 = arith.cmpi slt, %sub3A_254, %lt3A_255 : i32
      %convert_element_type3A_257 = arith.extui %lt3A_256 : i1 to i32
      %cond3A_258 = arith.constant 0 : i32
      %cond3A_259 = arith.cmpi ne, %convert_element_type3A_257, %cond3A_258 : i32
      scf.if %cond3A_259 {
        %ge3A = arith.constant 1 : i32
        %ge3A_556 = arith.cmpi sge, %add3A_242, %ge3A : i32
        %convert_element_type3A_557 = arith.extui %ge3A_556 : i1 to i32
        %cond3A_558 = arith.constant 0 : i32
        %cond3A_559 = arith.cmpi ne, %convert_element_type3A_557, %cond3A_558 : i32
        scf.if %cond3A_559 {
          %sub3A_572 = arith.constant 1 : i32
          %sub3A_573 = arith.subi %add3A_242, %sub3A_572 : i32
          %div3A_574 = arith.constant 5 : i32
          %div3A_575 = arith.divsi %sub3A_573, %div3A_574 : i32
          %add3A_576 = arith.addi %mul3A_2, %div3A_575 : i32
          %dma_wait3A_577 = arith.constant 0 : i32
          %dma_wait3A_578 = arith.constant 0 : i32
          %dma_wait3A_579 = tpu.memref_slice %arg5[%add3A_576, %dma_wait3A_577, %dma_wait3A_578] : memref<4096x200x64xf32, #tpu.memory_space<hbm>> -> memref<1x40x64xf32, #tpu.memory_space<hbm>>
          %dma_wait3A_580 = tpu.memref_squeeze %dma_wait3A_579 : memref<1x40x64xf32, #tpu.memory_space<hbm>> -> memref<40x64xf32, #tpu.memory_space<hbm>>
          %dma_wait3A_581 = arith.constant 0 : i32
          %dma_wait3A_582 = arith.constant 0 : i32
          %dma_wait3A_583 = tpu.memref_slice %arg5[%add3A_576, %dma_wait3A_581, %dma_wait3A_582] : memref<4096x200x64xf32, #tpu.memory_space<hbm>> -> memref<1x40x64xf32, #tpu.memory_space<hbm>>
          %dma_wait3A_584 = tpu.memref_squeeze %dma_wait3A_583 : memref<1x40x64xf32, #tpu.memory_space<hbm>> -> memref<40x64xf32, #tpu.memory_space<hbm>>
          tpu.wait_dma2 semaphore(%arg28 : memref<!tpu.dma_semaphore, #tpu.memory_space<semaphore_mem>>) src(%arg8 : memref<40x64xf32, #tpu.memory_space<vmem>>) dst(%dma_wait3A_584 : memref<40x64xf32, #tpu.memory_space<hbm>>)
        } else {
        }
        %add3A_560 = arith.constant 10 : i32
        %add3A_561 = arith.addi %add3A_242, %add3A_560 : i32
        %sub3A_562 = arith.constant 1 : i32
        %sub3A_563 = arith.subi %add3A_561, %sub3A_562 : i32
        %div3A_564 = arith.constant 5 : i32
        %div3A_565 = arith.divsi %sub3A_563, %div3A_564 : i32
        %dma_start3A_566 = arith.constant 0 : i32
        %dma_start3A_567 = tpu.memref_slice %arg6[%div3A_565, %dma_start3A_566] : memref<128x200xi32, #tpu.memory_space<vmem>> -> memref<1x40xi32, #tpu.memory_space<vmem>>
        %dma_start3A_568 = tpu.memref_squeeze %dma_start3A_567 : memref<1x40xi32, #tpu.memory_space<vmem>> -> memref<40xi32, #tpu.memory_space<vmem>>
        %dma_start3A_569 = arith.constant 0 : i32
        %dma_start3A_570 = arith.constant 0 : i32
        %dma_start3A_571 = tpu.memref_slice %arg4[%dma_start3A_569, %dma_start3A_570] : memref<1000000x64xf32, #tpu.memory_space<hbm>> -> memref<1000000x64xf32, #tpu.memory_space<hbm>>
        tpu.enqueue_indirect_dma source(%dma_start3A_571 : memref<1000000x64xf32, #tpu.memory_space<hbm>>) target(%arg8 : memref<40x64xf32, #tpu.memory_space<vmem>>) offsets(%dma_start3A_568 : memref<40xi32, #tpu.memory_space<vmem>>) semaphore(%arg18 : memref<!tpu.dma_semaphore, #tpu.memory_space<semaphore_mem>>)
      } else {
      }
      %scan3A_260 = arith.constant 0 : i32
      %scan3A_261 = arith.constant 40 : i32
      %scan3A_262 = arith.addi %scan3A_260, %scan3A_261 : i32
      %scan3A_263 = arith.constant 4 : i32
      scf.for %scan3A_556 = %scan3A_260 to %scan3A_262 step %scan3A_263  : i32 {
        %mul3A_557 = arith.constant 1 : i32
        %mul3A_558 = arith.muli %scan3A_556, %mul3A_557 : i32
        %add3A_559 = arith.constant 0 : i32
        %add3A_560 = arith.addi %add3A_559, %mul3A_558 : i32
        %add3A_561 = arith.constant 40 : i32
        %add3A_562 = arith.addi %add3A_561, %add3A_560 : i32
        %get3A = arith.index_cast %add3A_562 : i32 to index
        %get3A_563 = arith.constant 0 : index
        %get3A_564 = tpu.vector_load %arg7[%get3A, %get3A_563] {strides = array<i32>} : memref<200x64xf32, #tpu.memory_space<vmem>>, vector<1x16xf32>,
        %get3A_565 = vector.shape_cast %get3A_564 : vector<1x16xf32> to vector<16xf32>
        %swap3A = arith.index_cast %add3A_560 : i32 to index
        %swap3A_566 = arith.constant 0 : index
        %swap3A_567 = tpu.vector_load %arg9[%swap3A, %swap3A_566] {strides = array<i32>} : memref<40x64xf32, #tpu.memory_space<vmem>>, vector<1x16xf32>,
        %swap3A_568 = vector.shape_cast %swap3A_567 : vector<1x16xf32> to vector<16xf32>
        %swap3A_569 = vector.shape_cast %get3A_565 : vector<16xf32> to vector<1x16xf32>
        tpu.vector_store %arg9[%swap3A, %swap3A_566], %swap3A_569 {add = true, strides = array<i32>} : memref<40x64xf32, #tpu.memory_space<vmem>>, vector<1x16xf32>,
        %add3A_570 = arith.constant 40 : i32
        %add3A_571 = arith.addi %add3A_570, %add3A_560 : i32
        %get3A_572 = arith.index_cast %add3A_571 : i32 to index
        %get3A_573 = arith.constant 16 : index
        %get3A_574 = tpu.vector_load %arg7[%get3A_572, %get3A_573] {strides = array<i32>} : memref<200x64xf32, #tpu.memory_space<vmem>>, vector<1x16xf32>,
        %get3A_575 = vector.shape_cast %get3A_574 : vector<1x16xf32> to vector<16xf32>
        %swap3A_576 = arith.index_cast %add3A_560 : i32 to index
        %swap3A_577 = arith.constant 16 : index
        %swap3A_578 = tpu.vector_load %arg9[%swap3A_576, %swap3A_577] {strides = array<i32>} : memref<40x64xf32, #tpu.memory_space<vmem>>, vector<1x16xf32>,
        %swap3A_579 = vector.shape_cast %swap3A_578 : vector<1x16xf32> to vector<16xf32>
        %swap3A_580 = vector.shape_cast %get3A_575 : vector<16xf32> to vector<1x16xf32>
        tpu.vector_store %arg9[%swap3A_576, %swap3A_577], %swap3A_580 {add = true, strides = array<i32>} : memref<40x64xf32, #tpu.memory_space<vmem>>, vector<1x16xf32>,
        %add3A_581 = arith.constant 40 : i32
        %add3A_582 = arith.addi %add3A_581, %add3A_560 : i32
        %get3A_583 = arith.index_cast %add3A_582 : i32 to index
        %get3A_584 = arith.constant 32 : index
        %get3A_585 = tpu.vector_load %arg7[%get3A_583, %get3A_584] {strides = array<i32>} : memref<200x64xf32, #tpu.memory_space<vmem>>, vector<1x16xf32>,
        %get3A_586 = vector.shape_cast %get3A_585 : vector<1x16xf32> to vector<16xf32>
        %swap3A_587 = arith.index_cast %add3A_560 : i32 to index
        %swap3A_588 = arith.constant 32 : index
        %swap3A_589 = tpu.vector_load %arg9[%swap3A_587, %swap3A_588] {strides = array<i32>} : memref<40x64xf32, #tpu.memory_space<vmem>>, vector<1x16xf32>,
        %swap3A_590 = vector.shape_cast %swap3A_589 : vector<1x16xf32> to vector<16xf32>
        %swap3A_591 = vector.shape_cast %get3A_586 : vector<16xf32> to vector<1x16xf32>
        tpu.vector_store %arg9[%swap3A_587, %swap3A_588], %swap3A_591 {add = true, strides = array<i32>} : memref<40x64xf32, #tpu.memory_space<vmem>>, vector<1x16xf32>,
        %add3A_592 = arith.constant 40 : i32
        %add3A_593 = arith.addi %add3A_592, %add3A_560 : i32
        %get3A_594 = arith.index_cast %add3A_593 : i32 to index
        %get3A_595 = arith.constant 48 : index
        %get3A_596 = tpu.vector_load %arg7[%get3A_594, %get3A_595] {strides = array<i32>} : memref<200x64xf32, #tpu.memory_space<vmem>>, vector<1x16xf32>,
        %get3A_597 = vector.shape_cast %get3A_596 : vector<1x16xf32> to vector<16xf32>
        %swap3A_598 = arith.index_cast %add3A_560 : i32 to index
        %swap3A_599 = arith.constant 48 : index
        %swap3A_600 = tpu.vector_load %arg9[%swap3A_598, %swap3A_599] {strides = array<i32>} : memref<40x64xf32, #tpu.memory_space<vmem>>, vector<1x16xf32>,
        %swap3A_601 = vector.shape_cast %swap3A_600 : vector<1x16xf32> to vector<16xf32>
        %swap3A_602 = vector.shape_cast %get3A_597 : vector<16xf32> to vector<1x16xf32>
        tpu.vector_store %arg9[%swap3A_598, %swap3A_599], %swap3A_602 {add = true, strides = array<i32>} : memref<40x64xf32, #tpu.memory_space<vmem>>, vector<1x16xf32>,
        %scan3A_603 = arith.constant 1 : i32
        %scan3A_604 = arith.addi %scan3A_556, %scan3A_603 : i32
        %mul3A_605 = arith.constant 1 : i32
        %mul3A_606 = arith.muli %scan3A_604, %mul3A_605 : i32
        %add3A_607 = arith.constant 0 : i32
        %add3A_608 = arith.addi %add3A_607, %mul3A_606 : i32
        %add3A_609 = arith.constant 40 : i32
        %add3A_610 = arith.addi %add3A_609, %add3A_608 : i32
        %get3A_611 = arith.index_cast %add3A_610 : i32 to index
        %get3A_612 = arith.constant 0 : index
        %get3A_613 = tpu.vector_load %arg7[%get3A_611, %get3A_612] {strides = array<i32>} : memref<200x64xf32, #tpu.memory_space<vmem>>, vector<1x16xf32>,
        %get3A_614 = vector.shape_cast %get3A_613 : vector<1x16xf32> to vector<16xf32>
        %swap3A_615 = arith.index_cast %add3A_608 : i32 to index
        %swap3A_616 = arith.constant 0 : index
        %swap3A_617 = tpu.vector_load %arg9[%swap3A_615, %swap3A_616] {strides = array<i32>} : memref<40x64xf32, #tpu.memory_space<vmem>>, vector<1x16xf32>,
        %swap3A_618 = vector.shape_cast %swap3A_617 : vector<1x16xf32> to vector<16xf32>
        %swap3A_619 = vector.shape_cast %get3A_614 : vector<16xf32> to vector<1x16xf32>
        tpu.vector_store %arg9[%swap3A_615, %swap3A_616], %swap3A_619 {add = true, strides = array<i32>} : memref<40x64xf32, #tpu.memory_space<vmem>>, vector<1x16xf32>,
        %add3A_620 = arith.constant 40 : i32
        %add3A_621 = arith.addi %add3A_620, %add3A_608 : i32
        %get3A_622 = arith.index_cast %add3A_621 : i32 to index
        %get3A_623 = arith.constant 16 : index
        %get3A_624 = tpu.vector_load %arg7[%get3A_622, %get3A_623] {strides = array<i32>} : memref<200x64xf32, #tpu.memory_space<vmem>>, vector<1x16xf32>,
        %get3A_625 = vector.shape_cast %get3A_624 : vector<1x16xf32> to vector<16xf32>
        %swap3A_626 = arith.index_cast %add3A_608 : i32 to index
        %swap3A_627 = arith.constant 16 : index
        %swap3A_628 = tpu.vector_load %arg9[%swap3A_626, %swap3A_627] {strides = array<i32>} : memref<40x64xf32, #tpu.memory_space<vmem>>, vector<1x16xf32>,
        %swap3A_629 = vector.shape_cast %swap3A_628 : vector<1x16xf32> to vector<16xf32>
        %swap3A_630 = vector.shape_cast %get3A_625 : vector<16xf32> to vector<1x16xf32>
        tpu.vector_store %arg9[%swap3A_626, %swap3A_627], %swap3A_630 {add = true, strides = array<i32>} : memref<40x64xf32, #tpu.memory_space<vmem>>, vector<1x16xf32>,
        %add3A_631 = arith.constant 40 : i32
        %add3A_632 = arith.addi %add3A_631, %add3A_608 : i32
        %get3A_633 = arith.index_cast %add3A_632 : i32 to index
        %get3A_634 = arith.constant 32 : index
        %get3A_635 = tpu.vector_load %arg7[%get3A_633, %get3A_634] {strides = array<i32>} : memref<200x64xf32, #tpu.memory_space<vmem>>, vector<1x16xf32>,
        %get3A_636 = vector.shape_cast %get3A_635 : vector<1x16xf32> to vector<16xf32>
        %swap3A_637 = arith.index_cast %add3A_608 : i32 to index
        %swap3A_638 = arith.constant 32 : index
        %swap3A_639 = tpu.vector_load %arg9[%swap3A_637, %swap3A_638] {strides = array<i32>} : memref<40x64xf32, #tpu.memory_space<vmem>>, vector<1x16xf32>,
        %swap3A_640 = vector.shape_cast %swap3A_639 : vector<1x16xf32> to vector<16xf32>
        %swap3A_641 = vector.shape_cast %get3A_636 : vector<16xf32> to vector<1x16xf32>
        tpu.vector_store %arg9[%swap3A_637, %swap3A_638], %swap3A_641 {add = true, strides = array<i32>} : memref<40x64xf32, #tpu.memory_space<vmem>>, vector<1x16xf32>,
        %add3A_642 = arith.constant 40 : i32
        %add3A_643 = arith.addi %add3A_642, %add3A_608 : i32
        %get3A_644 = arith.index_cast %add3A_643 : i32 to index
        %get3A_645 = arith.constant 48 : index
        %get3A_646 = tpu.vector_load %arg7[%get3A_644, %get3A_645] {strides = array<i32>} : memref<200x64xf32, #tpu.memory_space<vmem>>, vector<1x16xf32>,
        %get3A_647 = vector.shape_cast %get3A_646 : vector<1x16xf32> to vector<16xf32>
        %swap3A_648 = arith.index_cast %add3A_608 : i32 to index
        %swap3A_649 = arith.constant 48 : index
        %swap3A_650 = tpu.vector_load %arg9[%swap3A_648, %swap3A_649] {strides = array<i32>} : memref<40x64xf32, #tpu.memory_space<vmem>>, vector<1x16xf32>,
        %swap3A_651 = vector.shape_cast %swap3A_650 : vector<1x16xf32> to vector<16xf32>
        %swap3A_652 = vector.shape_cast %get3A_647 : vector<16xf32> to vector<1x16xf32>
        tpu.vector_store %arg9[%swap3A_648, %swap3A_649], %swap3A_652 {add = true, strides = array<i32>} : memref<40x64xf32, #tpu.memory_space<vmem>>, vector<1x16xf32>,
        %scan3A_653 = arith.constant 2 : i32
        %scan3A_654 = arith.addi %scan3A_556, %scan3A_653 : i32
        %mul3A_655 = arith.constant 1 : i32
        %mul3A_656 = arith.muli %scan3A_654, %mul3A_655 : i32
        %add3A_657 = arith.constant 0 : i32
        %add3A_658 = arith.addi %add3A_657, %mul3A_656 : i32
        %add3A_659 = arith.constant 40 : i32
        %add3A_660 = arith.addi %add3A_659, %add3A_658 : i32
        %get3A_661 = arith.index_cast %add3A_660 : i32 to index
        %get3A_662 = arith.constant 0 : index
        %get3A_663 = tpu.vector_load %arg7[%get3A_661, %get3A_662] {strides = array<i32>} : memref<200x64xf32, #tpu.memory_space<vmem>>, vector<1x16xf32>,
        %get3A_664 = vector.shape_cast %get3A_663 : vector<1x16xf32> to vector<16xf32>
        %swap3A_665 = arith.index_cast %add3A_658 : i32 to index
        %swap3A_666 = arith.constant 0 : index
        %swap3A_667 = tpu.vector_load %arg9[%swap3A_665, %swap3A_666] {strides = array<i32>} : memref<40x64xf32, #tpu.memory_space<vmem>>, vector<1x16xf32>,
        %swap3A_668 = vector.shape_cast %swap3A_667 : vector<1x16xf32> to vector<16xf32>
        %swap3A_669 = vector.shape_cast %get3A_664 : vector<16xf32> to vector<1x16xf32>
        tpu.vector_store %arg9[%swap3A_665, %swap3A_666], %swap3A_669 {add = true, strides = array<i32>} : memref<40x64xf32, #tpu.memory_space<vmem>>, vector<1x16xf32>,
        %add3A_670 = arith.constant 40 : i32
        %add3A_671 = arith.addi %add3A_670, %add3A_658 : i32
        %get3A_672 = arith.index_cast %add3A_671 : i32 to index
        %get3A_673 = arith.constant 16 : index
        %get3A_674 = tpu.vector_load %arg7[%get3A_672, %get3A_673] {strides = array<i32>} : memref<200x64xf32, #tpu.memory_space<vmem>>, vector<1x16xf32>,
        %get3A_675 = vector.shape_cast %get3A_674 : vector<1x16xf32> to vector<16xf32>
        %swap3A_676 = arith.index_cast %add3A_658 : i32 to index
        %swap3A_677 = arith.constant 16 : index
        %swap3A_678 = tpu.vector_load %arg9[%swap3A_676, %swap3A_677] {strides = array<i32>} : memref<40x64xf32, #tpu.memory_space<vmem>>, vector<1x16xf32>,
        %swap3A_679 = vector.shape_cast %swap3A_678 : vector<1x16xf32> to vector<16xf32>
        %swap3A_680 = vector.shape_cast %get3A_675 : vector<16xf32> to vector<1x16xf32>
        tpu.vector_store %arg9[%swap3A_676, %swap3A_677], %swap3A_680 {add = true, strides = array<i32>} : memref<40x64xf32, #tpu.memory_space<vmem>>, vector<1x16xf32>,
        %add3A_681 = arith.constant 40 : i32
        %add3A_682 = arith.addi %add3A_681, %add3A_658 : i32
        %get3A_683 = arith.index_cast %add3A_682 : i32 to index
        %get3A_684 = arith.constant 32 : index
        %get3A_685 = tpu.vector_load %arg7[%get3A_683, %get3A_684] {strides = array<i32>} : memref<200x64xf32, #tpu.memory_space<vmem>>, vector<1x16xf32>,
        %get3A_686 = vector.shape_cast %get3A_685 : vector<1x16xf32> to vector<16xf32>
        %swap3A_687 = arith.index_cast %add3A_658 : i32 to index
        %swap3A_688 = arith.constant 32 : index
        %swap3A_689 = tpu.vector_load %arg9[%swap3A_687, %swap3A_688] {strides = array<i32>} : memref<40x64xf32, #tpu.memory_space<vmem>>, vector<1x16xf32>,
        %swap3A_690 = vector.shape_cast %swap3A_689 : vector<1x16xf32> to vector<16xf32>
        %swap3A_691 = vector.shape_cast %get3A_686 : vector<16xf32> to vector<1x16xf32>
        tpu.vector_store %arg9[%swap3A_687, %swap3A_688], %swap3A_691 {add = true, strides = array<i32>} : memref<40x64xf32, #tpu.memory_space<vmem>>, vector<1x16xf32>,
        %add3A_692 = arith.constant 40 : i32
        %add3A_693 = arith.addi %add3A_692, %add3A_658 : i32
        %get3A_694 = arith.index_cast %add3A_693 : i32 to index
        %get3A_695 = arith.constant 48 : index
        %get3A_696 = tpu.vector_load %arg7[%get3A_694, %get3A_695] {strides = array<i32>} : memref<200x64xf32, #tpu.memory_space<vmem>>, vector<1x16xf32>,
        %get3A_697 = vector.shape_cast %get3A_696 : vector<1x16xf32> to vector<16xf32>
        %swap3A_698 = arith.index_cast %add3A_658 : i32 to index
        %swap3A_699 = arith.constant 48 : index
        %swap3A_700 = tpu.vector_load %arg9[%swap3A_698, %swap3A_699] {strides = array<i32>} : memref<40x64xf32, #tpu.memory_space<vmem>>, vector<1x16xf32>,
        %swap3A_701 = vector.shape_cast %swap3A_700 : vector<1x16xf32> to vector<16xf32>
        %swap3A_702 = vector.shape_cast %get3A_697 : vector<16xf32> to vector<1x16xf32>
        tpu.vector_store %arg9[%swap3A_698, %swap3A_699], %swap3A_702 {add = true, strides = array<i32>} : memref<40x64xf32, #tpu.memory_space<vmem>>, vector<1x16xf32>,
        %scan3A_703 = arith.constant 3 : i32
        %scan3A_704 = arith.addi %scan3A_556, %scan3A_703 : i32
        %mul3A_705 = arith.constant 1 : i32
        %mul3A_706 = arith.muli %scan3A_704, %mul3A_705 : i32
        %add3A_707 = arith.constant 0 : i32
        %add3A_708 = arith.addi %add3A_707, %mul3A_706 : i32
        %add3A_709 = arith.constant 40 : i32
        %add3A_710 = arith.addi %add3A_709, %add3A_708 : i32
        %get3A_711 = arith.index_cast %add3A_710 : i32 to index
        %get3A_712 = arith.constant 0 : index
        %get3A_713 = tpu.vector_load %arg7[%get3A_711, %get3A_712] {strides = array<i32>} : memref<200x64xf32, #tpu.memory_space<vmem>>, vector<1x16xf32>,
        %get3A_714 = vector.shape_cast %get3A_713 : vector<1x16xf32> to vector<16xf32>
        %swap3A_715 = arith.index_cast %add3A_708 : i32 to index
        %swap3A_716 = arith.constant 0 : index
        %swap3A_717 = tpu.vector_load %arg9[%swap3A_715, %swap3A_716] {strides = array<i32>} : memref<40x64xf32, #tpu.memory_space<vmem>>, vector<1x16xf32>,
        %swap3A_718 = vector.shape_cast %swap3A_717 : vector<1x16xf32> to vector<16xf32>
        %swap3A_719 = vector.shape_cast %get3A_714 : vector<16xf32> to vector<1x16xf32>
        tpu.vector_store %arg9[%swap3A_715, %swap3A_716], %swap3A_719 {add = true, strides = array<i32>} : memref<40x64xf32, #tpu.memory_space<vmem>>, vector<1x16xf32>,
        %add3A_720 = arith.constant 40 : i32
        %add3A_721 = arith.addi %add3A_720, %add3A_708 : i32
        %get3A_722 = arith.index_cast %add3A_721 : i32 to index
        %get3A_723 = arith.constant 16 : index
        %get3A_724 = tpu.vector_load %arg7[%get3A_722, %get3A_723] {strides = array<i32>} : memref<200x64xf32, #tpu.memory_space<vmem>>, vector<1x16xf32>,
        %get3A_725 = vector.shape_cast %get3A_724 : vector<1x16xf32> to vector<16xf32>
        %swap3A_726 = arith.index_cast %add3A_708 : i32 to index
        %swap3A_727 = arith.constant 16 : index
        %swap3A_728 = tpu.vector_load %arg9[%swap3A_726, %swap3A_727] {strides = array<i32>} : memref<40x64xf32, #tpu.memory_space<vmem>>, vector<1x16xf32>,
        %swap3A_729 = vector.shape_cast %swap3A_728 : vector<1x16xf32> to vector<16xf32>
        %swap3A_730 = vector.shape_cast %get3A_725 : vector<16xf32> to vector<1x16xf32>
        tpu.vector_store %arg9[%swap3A_726, %swap3A_727], %swap3A_730 {add = true, strides = array<i32>} : memref<40x64xf32, #tpu.memory_space<vmem>>, vector<1x16xf32>,
        %add3A_731 = arith.constant 40 : i32
        %add3A_732 = arith.addi %add3A_731, %add3A_708 : i32
        %get3A_733 = arith.index_cast %add3A_732 : i32 to index
        %get3A_734 = arith.constant 32 : index
        %get3A_735 = tpu.vector_load %arg7[%get3A_733, %get3A_734] {strides = array<i32>} : memref<200x64xf32, #tpu.memory_space<vmem>>, vector<1x16xf32>,
        %get3A_736 = vector.shape_cast %get3A_735 : vector<1x16xf32> to vector<16xf32>
        %swap3A_737 = arith.index_cast %add3A_708 : i32 to index
        %swap3A_738 = arith.constant 32 : index
        %swap3A_739 = tpu.vector_load %arg9[%swap3A_737, %swap3A_738] {strides = array<i32>} : memref<40x64xf32, #tpu.memory_space<vmem>>, vector<1x16xf32>,
        %swap3A_740 = vector.shape_cast %swap3A_739 : vector<1x16xf32> to vector<16xf32>
        %swap3A_741 = vector.shape_cast %get3A_736 : vector<16xf32> to vector<1x16xf32>
        tpu.vector_store %arg9[%swap3A_737, %swap3A_738], %swap3A_741 {add = true, strides = array<i32>} : memref<40x64xf32, #tpu.memory_space<vmem>>, vector<1x16xf32>,
        %add3A_742 = arith.constant 40 : i32
        %add3A_743 = arith.addi %add3A_742, %add3A_708 : i32
        %get3A_744 = arith.index_cast %add3A_743 : i32 to index
        %get3A_745 = arith.constant 48 : index
        %get3A_746 = tpu.vector_load %arg7[%get3A_744, %get3A_745] {strides = array<i32>} : memref<200x64xf32, #tpu.memory_space<vmem>>, vector<1x16xf32>,
        %get3A_747 = vector.shape_cast %get3A_746 : vector<1x16xf32> to vector<16xf32>
        %swap3A_748 = arith.index_cast %add3A_708 : i32 to index
        %swap3A_749 = arith.constant 48 : index
        %swap3A_750 = tpu.vector_load %arg9[%swap3A_748, %swap3A_749] {strides = array<i32>} : memref<40x64xf32, #tpu.memory_space<vmem>>, vector<1x16xf32>,
        %swap3A_751 = vector.shape_cast %swap3A_750 : vector<1x16xf32> to vector<16xf32>
        %swap3A_752 = vector.shape_cast %get3A_747 : vector<16xf32> to vector<1x16xf32>
        tpu.vector_store %arg9[%swap3A_748, %swap3A_749], %swap3A_752 {add = true, strides = array<i32>} : memref<40x64xf32, #tpu.memory_space<vmem>>, vector<1x16xf32>,
      }
      %scan3A_264 = arith.constant 40 : i32
      %div3A_265 = arith.constant 5 : i32
      %div3A_266 = arith.divsi %add3A_242, %div3A_265 : i32
      %add3A_267 = arith.addi %mul3A_2, %div3A_266 : i32
      %dma_start3A_268 = arith.constant 40 : i32
      %dma_start3A_269 = arith.constant 0 : i32
      %dma_start3A_270 = tpu.memref_slice %arg5[%add3A_267, %dma_start3A_268, %dma_start3A_269] : memref<4096x200x64xf32, #tpu.memory_space<hbm>> -> memref<1x40x64xf32, #tpu.memory_space<hbm>>
      %dma_start3A_271 = tpu.memref_squeeze %dma_start3A_270 : memref<1x40x64xf32, #tpu.memory_space<hbm>> -> memref<40x64xf32, #tpu.memory_space<hbm>>
      %dma_start3A_272 = arith.constant 40 : i32
      %dma_start3A_273 = arith.constant 0 : i32
      %dma_start3A_274 = tpu.memref_slice %arg5[%add3A_267, %dma_start3A_272, %dma_start3A_273] : memref<4096x200x64xf32, #tpu.memory_space<hbm>> -> memref<1x40x64xf32, #tpu.memory_space<hbm>>
      %dma_start3A_275 = tpu.memref_squeeze %dma_start3A_274 : memref<1x40x64xf32, #tpu.memory_space<hbm>> -> memref<40x64xf32, #tpu.memory_space<hbm>>
      tpu.enqueue_dma source(%arg9 : memref<40x64xf32, #tpu.memory_space<vmem>>) target(%dma_start3A_275 : memref<40x64xf32, #tpu.memory_space<hbm>>) target_semaphore(%arg29 : memref<!tpu.dma_semaphore, #tpu.memory_space<semaphore_mem>>)
      %add3A_276 = arith.constant 2 : i32
      %add3A_277 = arith.addi %add3A_209, %add3A_276 : i32
      %div3A_278 = arith.constant 5 : i32
      %div3A_279 = arith.divsi %add3A_277, %div3A_278 : i32
      %dma_wait3A_280 = arith.constant 80 : i32
      %dma_wait3A_281 = tpu.memref_slice %arg6[%div3A_279, %dma_wait3A_280] : memref<128x200xi32, #tpu.memory_space<vmem>> -> memref<1x40xi32, #tpu.memory_space<vmem>>
      %dma_wait3A_282 = tpu.memref_squeeze %dma_wait3A_281 : memref<1x40xi32, #tpu.memory_space<vmem>> -> memref<40xi32, #tpu.memory_space<vmem>>
      %dma_wait3A_283 = arith.constant 0 : i32
      %dma_wait3A_284 = arith.constant 0 : i32
      %dma_wait3A_285 = tpu.memref_slice %arg4[%dma_wait3A_283, %dma_wait3A_284] : memref<1000000x64xf32, #tpu.memory_space<hbm>> -> memref<1000000x64xf32, #tpu.memory_space<hbm>>
      tpu.wait_indirect_dma semaphore(%arg20 : memref<!tpu.dma_semaphore, #tpu.memory_space<semaphore_mem>>) src(%dma_wait3A_285 : memref<1000000x64xf32, #tpu.memory_space<hbm>>) dst(%arg10 : memref<40x64xf32, #tpu.memory_space<vmem>>)
      %add3A_286 = arith.constant 10 : i32
      %add3A_287 = arith.addi %add3A_277, %add3A_286 : i32
      %sub3A_288 = arith.constant 1 : i32
      %sub3A_289 = arith.subi %add3A_287, %sub3A_288 : i32
      %lt3A_290 = arith.constant 640 : i32
      %lt3A_291 = arith.cmpi slt, %sub3A_289, %lt3A_290 : i32
      %convert_element_type3A_292 = arith.extui %lt3A_291 : i1 to i32
      %cond3A_293 = arith.constant 0 : i32
      %cond3A_294 = arith.cmpi ne, %convert_element_type3A_292, %cond3A_293 : i32
      scf.if %cond3A_294 {
        %ge3A = arith.constant 1 : i32
        %ge3A_556 = arith.cmpi sge, %add3A_277, %ge3A : i32
        %convert_element_type3A_557 = arith.extui %ge3A_556 : i1 to i32
        %cond3A_558 = arith.constant 0 : i32
        %cond3A_559 = arith.cmpi ne, %convert_element_type3A_557, %cond3A_558 : i32
        scf.if %cond3A_559 {
          %sub3A_572 = arith.constant 1 : i32
          %sub3A_573 = arith.subi %add3A_277, %sub3A_572 : i32
          %div3A_574 = arith.constant 5 : i32
          %div3A_575 = arith.divsi %sub3A_573, %div3A_574 : i32
          %add3A_576 = arith.addi %mul3A_2, %div3A_575 : i32
          %dma_wait3A_577 = arith.constant 40 : i32
          %dma_wait3A_578 = arith.constant 0 : i32
          %dma_wait3A_579 = tpu.memref_slice %arg5[%add3A_576, %dma_wait3A_577, %dma_wait3A_578] : memref<4096x200x64xf32, #tpu.memory_space<hbm>> -> memref<1x40x64xf32, #tpu.memory_space<hbm>>
          %dma_wait3A_580 = tpu.memref_squeeze %dma_wait3A_579 : memref<1x40x64xf32, #tpu.memory_space<hbm>> -> memref<40x64xf32, #tpu.memory_space<hbm>>
          %dma_wait3A_581 = arith.constant 40 : i32
          %dma_wait3A_582 = arith.constant 0 : i32
          %dma_wait3A_583 = tpu.memref_slice %arg5[%add3A_576, %dma_wait3A_581, %dma_wait3A_582] : memref<4096x200x64xf32, #tpu.memory_space<hbm>> -> memref<1x40x64xf32, #tpu.memory_space<hbm>>
          %dma_wait3A_584 = tpu.memref_squeeze %dma_wait3A_583 : memref<1x40x64xf32, #tpu.memory_space<hbm>> -> memref<40x64xf32, #tpu.memory_space<hbm>>
          tpu.wait_dma2 semaphore(%arg29 : memref<!tpu.dma_semaphore, #tpu.memory_space<semaphore_mem>>) src(%arg9 : memref<40x64xf32, #tpu.memory_space<vmem>>) dst(%dma_wait3A_584 : memref<40x64xf32, #tpu.memory_space<hbm>>)
        } else {
        }
        %add3A_560 = arith.constant 10 : i32
        %add3A_561 = arith.addi %add3A_277, %add3A_560 : i32
        %sub3A_562 = arith.constant 1 : i32
        %sub3A_563 = arith.subi %add3A_561, %sub3A_562 : i32
        %div3A_564 = arith.constant 5 : i32
        %div3A_565 = arith.divsi %sub3A_563, %div3A_564 : i32
        %dma_start3A_566 = arith.constant 40 : i32
        %dma_start3A_567 = tpu.memref_slice %arg6[%div3A_565, %dma_start3A_566] : memref<128x200xi32, #tpu.memory_space<vmem>> -> memref<1x40xi32, #tpu.memory_space<vmem>>
        %dma_start3A_568 = tpu.memref_squeeze %dma_start3A_567 : memref<1x40xi32, #tpu.memory_space<vmem>> -> memref<40xi32, #tpu.memory_space<vmem>>
        %dma_start3A_569 = arith.constant 0 : i32
        %dma_start3A_570 = arith.constant 0 : i32
        %dma_start3A_571 = tpu.memref_slice %arg4[%dma_start3A_569, %dma_start3A_570] : memref<1000000x64xf32, #tpu.memory_space<hbm>> -> memref<1000000x64xf32, #tpu.memory_space<hbm>>
        tpu.enqueue_indirect_dma source(%dma_start3A_571 : memref<1000000x64xf32, #tpu.memory_space<hbm>>) target(%arg9 : memref<40x64xf32, #tpu.memory_space<vmem>>) offsets(%dma_start3A_568 : memref<40xi32, #tpu.memory_space<vmem>>) semaphore(%arg19 : memref<!tpu.dma_semaphore, #tpu.memory_space<semaphore_mem>>)
      } else {
      }
      %scan3A_295 = arith.constant 0 : i32
      %scan3A_296 = arith.constant 40 : i32
      %scan3A_297 = arith.addi %scan3A_295, %scan3A_296 : i32
      %scan3A_298 = arith.constant 4 : i32
      scf.for %scan3A_556 = %scan3A_295 to %scan3A_297 step %scan3A_298  : i32 {
        %mul3A_557 = arith.constant 1 : i32
        %mul3A_558 = arith.muli %scan3A_556, %mul3A_557 : i32
        %add3A_559 = arith.constant 0 : i32
        %add3A_560 = arith.addi %add3A_559, %mul3A_558 : i32
        %add3A_561 = arith.constant 80 : i32
        %add3A_562 = arith.addi %add3A_561, %add3A_560 : i32
        %get3A = arith.index_cast %add3A_562 : i32 to index
        %get3A_563 = arith.constant 0 : index
        %get3A_564 = tpu.vector_load %arg7[%get3A, %get3A_563] {strides = array<i32>} : memref<200x64xf32, #tpu.memory_space<vmem>>, vector<1x16xf32>,
        %get3A_565 = vector.shape_cast %get3A_564 : vector<1x16xf32> to vector<16xf32>
        %swap3A = arith.index_cast %add3A_560 : i32 to index
        %swap3A_566 = arith.constant 0 : index
        %swap3A_567 = tpu.vector_load %arg10[%swap3A, %swap3A_566] {strides = array<i32>} : memref<40x64xf32, #tpu.memory_space<vmem>>, vector<1x16xf32>,
        %swap3A_568 = vector.shape_cast %swap3A_567 : vector<1x16xf32> to vector<16xf32>
        %swap3A_569 = vector.shape_cast %get3A_565 : vector<16xf32> to vector<1x16xf32>
        tpu.vector_store %arg10[%swap3A, %swap3A_566], %swap3A_569 {add = true, strides = array<i32>} : memref<40x64xf32, #tpu.memory_space<vmem>>, vector<1x16xf32>,
        %add3A_570 = arith.constant 80 : i32
        %add3A_571 = arith.addi %add3A_570, %add3A_560 : i32
        %get3A_572 = arith.index_cast %add3A_571 : i32 to index
        %get3A_573 = arith.constant 16 : index
        %get3A_574 = tpu.vector_load %arg7[%get3A_572, %get3A_573] {strides = array<i32>} : memref<200x64xf32, #tpu.memory_space<vmem>>, vector<1x16xf32>,
        %get3A_575 = vector.shape_cast %get3A_574 : vector<1x16xf32> to vector<16xf32>
        %swap3A_576 = arith.index_cast %add3A_560 : i32 to index
        %swap3A_577 = arith.constant 16 : index
        %swap3A_578 = tpu.vector_load %arg10[%swap3A_576, %swap3A_577] {strides = array<i32>} : memref<40x64xf32, #tpu.memory_space<vmem>>, vector<1x16xf32>,
        %swap3A_579 = vector.shape_cast %swap3A_578 : vector<1x16xf32> to vector<16xf32>
        %swap3A_580 = vector.shape_cast %get3A_575 : vector<16xf32> to vector<1x16xf32>
        tpu.vector_store %arg10[%swap3A_576, %swap3A_577], %swap3A_580 {add = true, strides = array<i32>} : memref<40x64xf32, #tpu.memory_space<vmem>>, vector<1x16xf32>,
        %add3A_581 = arith.constant 80 : i32
        %add3A_582 = arith.addi %add3A_581, %add3A_560 : i32
        %get3A_583 = arith.index_cast %add3A_582 : i32 to index
        %get3A_584 = arith.constant 32 : index
        %get3A_585 = tpu.vector_load %arg7[%get3A_583, %get3A_584] {strides = array<i32>} : memref<200x64xf32, #tpu.memory_space<vmem>>, vector<1x16xf32>,
        %get3A_586 = vector.shape_cast %get3A_585 : vector<1x16xf32> to vector<16xf32>
        %swap3A_587 = arith.index_cast %add3A_560 : i32 to index
        %swap3A_588 = arith.constant 32 : index
        %swap3A_589 = tpu.vector_load %arg10[%swap3A_587, %swap3A_588] {strides = array<i32>} : memref<40x64xf32, #tpu.memory_space<vmem>>, vector<1x16xf32>,
        %swap3A_590 = vector.shape_cast %swap3A_589 : vector<1x16xf32> to vector<16xf32>
        %swap3A_591 = vector.shape_cast %get3A_586 : vector<16xf32> to vector<1x16xf32>
        tpu.vector_store %arg10[%swap3A_587, %swap3A_588], %swap3A_591 {add = true, strides = array<i32>} : memref<40x64xf32, #tpu.memory_space<vmem>>, vector<1x16xf32>,
        %add3A_592 = arith.constant 80 : i32
        %add3A_593 = arith.addi %add3A_592, %add3A_560 : i32
        %get3A_594 = arith.index_cast %add3A_593 : i32 to index
        %get3A_595 = arith.constant 48 : index
        %get3A_596 = tpu.vector_load %arg7[%get3A_594, %get3A_595] {strides = array<i32>} : memref<200x64xf32, #tpu.memory_space<vmem>>, vector<1x16xf32>,
        %get3A_597 = vector.shape_cast %get3A_596 : vector<1x16xf32> to vector<16xf32>
        %swap3A_598 = arith.index_cast %add3A_560 : i32 to index
        %swap3A_599 = arith.constant 48 : index
        %swap3A_600 = tpu.vector_load %arg10[%swap3A_598, %swap3A_599] {strides = array<i32>} : memref<40x64xf32, #tpu.memory_space<vmem>>, vector<1x16xf32>,
        %swap3A_601 = vector.shape_cast %swap3A_600 : vector<1x16xf32> to vector<16xf32>
        %swap3A_602 = vector.shape_cast %get3A_597 : vector<16xf32> to vector<1x16xf32>
        tpu.vector_store %arg10[%swap3A_598, %swap3A_599], %swap3A_602 {add = true, strides = array<i32>} : memref<40x64xf32, #tpu.memory_space<vmem>>, vector<1x16xf32>,
        %scan3A_603 = arith.constant 1 : i32
        %scan3A_604 = arith.addi %scan3A_556, %scan3A_603 : i32
        %mul3A_605 = arith.constant 1 : i32
        %mul3A_606 = arith.muli %scan3A_604, %mul3A_605 : i32
        %add3A_607 = arith.constant 0 : i32
        %add3A_608 = arith.addi %add3A_607, %mul3A_606 : i32
        %add3A_609 = arith.constant 80 : i32
        %add3A_610 = arith.addi %add3A_609, %add3A_608 : i32
        %get3A_611 = arith.index_cast %add3A_610 : i32 to index
        %get3A_612 = arith.constant 0 : index
        %get3A_613 = tpu.vector_load %arg7[%get3A_611, %get3A_612] {strides = array<i32>} : memref<200x64xf32, #tpu.memory_space<vmem>>, vector<1x16xf32>,
        %get3A_614 = vector.shape_cast %get3A_613 : vector<1x16xf32> to vector<16xf32>
        %swap3A_615 = arith.index_cast %add3A_608 : i32 to index
        %swap3A_616 = arith.constant 0 : index
        %swap3A_617 = tpu.vector_load %arg10[%swap3A_615, %swap3A_616] {strides = array<i32>} : memref<40x64xf32, #tpu.memory_space<vmem>>, vector<1x16xf32>,
        %swap3A_618 = vector.shape_cast %swap3A_617 : vector<1x16xf32> to vector<16xf32>
        %swap3A_619 = vector.shape_cast %get3A_614 : vector<16xf32> to vector<1x16xf32>
        tpu.vector_store %arg10[%swap3A_615, %swap3A_616], %swap3A_619 {add = true, strides = array<i32>} : memref<40x64xf32, #tpu.memory_space<vmem>>, vector<1x16xf32>,
        %add3A_620 = arith.constant 80 : i32
        %add3A_621 = arith.addi %add3A_620, %add3A_608 : i32
        %get3A_622 = arith.index_cast %add3A_621 : i32 to index
        %get3A_623 = arith.constant 16 : index
        %get3A_624 = tpu.vector_load %arg7[%get3A_622, %get3A_623] {strides = array<i32>} : memref<200x64xf32, #tpu.memory_space<vmem>>, vector<1x16xf32>,
        %get3A_625 = vector.shape_cast %get3A_624 : vector<1x16xf32> to vector<16xf32>
        %swap3A_626 = arith.index_cast %add3A_608 : i32 to index
        %swap3A_627 = arith.constant 16 : index
        %swap3A_628 = tpu.vector_load %arg10[%swap3A_626, %swap3A_627] {strides = array<i32>} : memref<40x64xf32, #tpu.memory_space<vmem>>, vector<1x16xf32>,
        %swap3A_629 = vector.shape_cast %swap3A_628 : vector<1x16xf32> to vector<16xf32>
        %swap3A_630 = vector.shape_cast %get3A_625 : vector<16xf32> to vector<1x16xf32>
        tpu.vector_store %arg10[%swap3A_626, %swap3A_627], %swap3A_630 {add = true, strides = array<i32>} : memref<40x64xf32, #tpu.memory_space<vmem>>, vector<1x16xf32>,
        %add3A_631 = arith.constant 80 : i32
        %add3A_632 = arith.addi %add3A_631, %add3A_608 : i32
        %get3A_633 = arith.index_cast %add3A_632 : i32 to index
        %get3A_634 = arith.constant 32 : index
        %get3A_635 = tpu.vector_load %arg7[%get3A_633, %get3A_634] {strides = array<i32>} : memref<200x64xf32, #tpu.memory_space<vmem>>, vector<1x16xf32>,
        %get3A_636 = vector.shape_cast %get3A_635 : vector<1x16xf32> to vector<16xf32>
        %swap3A_637 = arith.index_cast %add3A_608 : i32 to index
        %swap3A_638 = arith.constant 32 : index
        %swap3A_639 = tpu.vector_load %arg10[%swap3A_637, %swap3A_638] {strides = array<i32>} : memref<40x64xf32, #tpu.memory_space<vmem>>, vector<1x16xf32>,
        %swap3A_640 = vector.shape_cast %swap3A_639 : vector<1x16xf32> to vector<16xf32>
        %swap3A_641 = vector.shape_cast %get3A_636 : vector<16xf32> to vector<1x16xf32>
        tpu.vector_store %arg10[%swap3A_637, %swap3A_638], %swap3A_641 {add = true, strides = array<i32>} : memref<40x64xf32, #tpu.memory_space<vmem>>, vector<1x16xf32>,
        %add3A_642 = arith.constant 80 : i32
        %add3A_643 = arith.addi %add3A_642, %add3A_608 : i32
        %get3A_644 = arith.index_cast %add3A_643 : i32 to index
        %get3A_645 = arith.constant 48 : index
        %get3A_646 = tpu.vector_load %arg7[%get3A_644, %get3A_645] {strides = array<i32>} : memref<200x64xf32, #tpu.memory_space<vmem>>, vector<1x16xf32>,
        %get3A_647 = vector.shape_cast %get3A_646 : vector<1x16xf32> to vector<16xf32>
        %swap3A_648 = arith.index_cast %add3A_608 : i32 to index
        %swap3A_649 = arith.constant 48 : index
        %swap3A_650 = tpu.vector_load %arg10[%swap3A_648, %swap3A_649] {strides = array<i32>} : memref<40x64xf32, #tpu.memory_space<vmem>>, vector<1x16xf32>,
        %swap3A_651 = vector.shape_cast %swap3A_650 : vector<1x16xf32> to vector<16xf32>
        %swap3A_652 = vector.shape_cast %get3A_647 : vector<16xf32> to vector<1x16xf32>
        tpu.vector_store %arg10[%swap3A_648, %swap3A_649], %swap3A_652 {add = true, strides = array<i32>} : memref<40x64xf32, #tpu.memory_space<vmem>>, vector<1x16xf32>,
        %scan3A_653 = arith.constant 2 : i32
        %scan3A_654 = arith.addi %scan3A_556, %scan3A_653 : i32
        %mul3A_655 = arith.constant 1 : i32
        %mul3A_656 = arith.muli %scan3A_654, %mul3A_655 : i32
        %add3A_657 = arith.constant 0 : i32
        %add3A_658 = arith.addi %add3A_657, %mul3A_656 : i32
        %add3A_659 = arith.constant 80 : i32
        %add3A_660 = arith.addi %add3A_659, %add3A_658 : i32
        %get3A_661 = arith.index_cast %add3A_660 : i32 to index
        %get3A_662 = arith.constant 0 : index
        %get3A_663 = tpu.vector_load %arg7[%get3A_661, %get3A_662] {strides = array<i32>} : memref<200x64xf32, #tpu.memory_space<vmem>>, vector<1x16xf32>,
        %get3A_664 = vector.shape_cast %get3A_663 : vector<1x16xf32> to vector<16xf32>
        %swap3A_665 = arith.index_cast %add3A_658 : i32 to index
        %swap3A_666 = arith.constant 0 : index
        %swap3A_667 = tpu.vector_load %arg10[%swap3A_665, %swap3A_666] {strides = array<i32>} : memref<40x64xf32, #tpu.memory_space<vmem>>, vector<1x16xf32>,
        %swap3A_668 = vector.shape_cast %swap3A_667 : vector<1x16xf32> to vector<16xf32>
        %swap3A_669 = vector.shape_cast %get3A_664 : vector<16xf32> to vector<1x16xf32>
        tpu.vector_store %arg10[%swap3A_665, %swap3A_666], %swap3A_669 {add = true, strides = array<i32>} : memref<40x64xf32, #tpu.memory_space<vmem>>, vector<1x16xf32>,
        %add3A_670 = arith.constant 80 : i32
        %add3A_671 = arith.addi %add3A_670, %add3A_658 : i32
        %get3A_672 = arith.index_cast %add3A_671 : i32 to index
        %get3A_673 = arith.constant 16 : index
        %get3A_674 = tpu.vector_load %arg7[%get3A_672, %get3A_673] {strides = array<i32>} : memref<200x64xf32, #tpu.memory_space<vmem>>, vector<1x16xf32>,
        %get3A_675 = vector.shape_cast %get3A_674 : vector<1x16xf32> to vector<16xf32>
        %swap3A_676 = arith.index_cast %add3A_658 : i32 to index
        %swap3A_677 = arith.constant 16 : index
        %swap3A_678 = tpu.vector_load %arg10[%swap3A_676, %swap3A_677] {strides = array<i32>} : memref<40x64xf32, #tpu.memory_space<vmem>>, vector<1x16xf32>,
        %swap3A_679 = vector.shape_cast %swap3A_678 : vector<1x16xf32> to vector<16xf32>
        %swap3A_680 = vector.shape_cast %get3A_675 : vector<16xf32> to vector<1x16xf32>
        tpu.vector_store %arg10[%swap3A_676, %swap3A_677], %swap3A_680 {add = true, strides = array<i32>} : memref<40x64xf32, #tpu.memory_space<vmem>>, vector<1x16xf32>,
        %add3A_681 = arith.constant 80 : i32
        %add3A_682 = arith.addi %add3A_681, %add3A_658 : i32
        %get3A_683 = arith.index_cast %add3A_682 : i32 to index
        %get3A_684 = arith.constant 32 : index
        %get3A_685 = tpu.vector_load %arg7[%get3A_683, %get3A_684] {strides = array<i32>} : memref<200x64xf32, #tpu.memory_space<vmem>>, vector<1x16xf32>,
        %get3A_686 = vector.shape_cast %get3A_685 : vector<1x16xf32> to vector<16xf32>
        %swap3A_687 = arith.index_cast %add3A_658 : i32 to index
        %swap3A_688 = arith.constant 32 : index
        %swap3A_689 = tpu.vector_load %arg10[%swap3A_687, %swap3A_688] {strides = array<i32>} : memref<40x64xf32, #tpu.memory_space<vmem>>, vector<1x16xf32>,
        %swap3A_690 = vector.shape_cast %swap3A_689 : vector<1x16xf32> to vector<16xf32>
        %swap3A_691 = vector.shape_cast %get3A_686 : vector<16xf32> to vector<1x16xf32>
        tpu.vector_store %arg10[%swap3A_687, %swap3A_688], %swap3A_691 {add = true, strides = array<i32>} : memref<40x64xf32, #tpu.memory_space<vmem>>, vector<1x16xf32>,
        %add3A_692 = arith.constant 80 : i32
        %add3A_693 = arith.addi %add3A_692, %add3A_658 : i32
        %get3A_694 = arith.index_cast %add3A_693 : i32 to index
        %get3A_695 = arith.constant 48 : index
        %get3A_696 = tpu.vector_load %arg7[%get3A_694, %get3A_695] {strides = array<i32>} : memref<200x64xf32, #tpu.memory_space<vmem>>, vector<1x16xf32>,
        %get3A_697 = vector.shape_cast %get3A_696 : vector<1x16xf32> to vector<16xf32>
        %swap3A_698 = arith.index_cast %add3A_658 : i32 to index
        %swap3A_699 = arith.constant 48 : index
        %swap3A_700 = tpu.vector_load %arg10[%swap3A_698, %swap3A_699] {strides = array<i32>} : memref<40x64xf32, #tpu.memory_space<vmem>>, vector<1x16xf32>,
        %swap3A_701 = vector.shape_cast %swap3A_700 : vector<1x16xf32> to vector<16xf32>
        %swap3A_702 = vector.shape_cast %get3A_697 : vector<16xf32> to vector<1x16xf32>
        tpu.vector_store %arg10[%swap3A_698, %swap3A_699], %swap3A_702 {add = true, strides = array<i32>} : memref<40x64xf32, #tpu.memory_space<vmem>>, vector<1x16xf32>,
        %scan3A_703 = arith.constant 3 : i32
        %scan3A_704 = arith.addi %scan3A_556, %scan3A_703 : i32
        %mul3A_705 = arith.constant 1 : i32
        %mul3A_706 = arith.muli %scan3A_704, %mul3A_705 : i32
        %add3A_707 = arith.constant 0 : i32
        %add3A_708 = arith.addi %add3A_707, %mul3A_706 : i32
        %add3A_709 = arith.constant 80 : i32
        %add3A_710 = arith.addi %add3A_709, %add3A_708 : i32
        %get3A_711 = arith.index_cast %add3A_710 : i32 to index
        %get3A_712 = arith.constant 0 : index
        %get3A_713 = tpu.vector_load %arg7[%get3A_711, %get3A_712] {strides = array<i32>} : memref<200x64xf32, #tpu.memory_space<vmem>>, vector<1x16xf32>,
        %get3A_714 = vector.shape_cast %get3A_713 : vector<1x16xf32> to vector<16xf32>
        %swap3A_715 = arith.index_cast %add3A_708 : i32 to index
        %swap3A_716 = arith.constant 0 : index
        %swap3A_717 = tpu.vector_load %arg10[%swap3A_715, %swap3A_716] {strides = array<i32>} : memref<40x64xf32, #tpu.memory_space<vmem>>, vector<1x16xf32>,
        %swap3A_718 = vector.shape_cast %swap3A_717 : vector<1x16xf32> to vector<16xf32>
        %swap3A_719 = vector.shape_cast %get3A_714 : vector<16xf32> to vector<1x16xf32>
        tpu.vector_store %arg10[%swap3A_715, %swap3A_716], %swap3A_719 {add = true, strides = array<i32>} : memref<40x64xf32, #tpu.memory_space<vmem>>, vector<1x16xf32>,
        %add3A_720 = arith.constant 80 : i32
        %add3A_721 = arith.addi %add3A_720, %add3A_708 : i32
        %get3A_722 = arith.index_cast %add3A_721 : i32 to index
        %get3A_723 = arith.constant 16 : index
        %get3A_724 = tpu.vector_load %arg7[%get3A_722, %get3A_723] {strides = array<i32>} : memref<200x64xf32, #tpu.memory_space<vmem>>, vector<1x16xf32>,
        %get3A_725 = vector.shape_cast %get3A_724 : vector<1x16xf32> to vector<16xf32>
        %swap3A_726 = arith.index_cast %add3A_708 : i32 to index
        %swap3A_727 = arith.constant 16 : index
        %swap3A_728 = tpu.vector_load %arg10[%swap3A_726, %swap3A_727] {strides = array<i32>} : memref<40x64xf32, #tpu.memory_space<vmem>>, vector<1x16xf32>,
        %swap3A_729 = vector.shape_cast %swap3A_728 : vector<1x16xf32> to vector<16xf32>
        %swap3A_730 = vector.shape_cast %get3A_725 : vector<16xf32> to vector<1x16xf32>
        tpu.vector_store %arg10[%swap3A_726, %swap3A_727], %swap3A_730 {add = true, strides = array<i32>} : memref<40x64xf32, #tpu.memory_space<vmem>>, vector<1x16xf32>,
        %add3A_731 = arith.constant 80 : i32
        %add3A_732 = arith.addi %add3A_731, %add3A_708 : i32
        %get3A_733 = arith.index_cast %add3A_732 : i32 to index
        %get3A_734 = arith.constant 32 : index
        %get3A_735 = tpu.vector_load %arg7[%get3A_733, %get3A_734] {strides = array<i32>} : memref<200x64xf32, #tpu.memory_space<vmem>>, vector<1x16xf32>,
        %get3A_736 = vector.shape_cast %get3A_735 : vector<1x16xf32> to vector<16xf32>
        %swap3A_737 = arith.index_cast %add3A_708 : i32 to index
        %swap3A_738 = arith.constant 32 : index
        %swap3A_739 = tpu.vector_load %arg10[%swap3A_737, %swap3A_738] {strides = array<i32>} : memref<40x64xf32, #tpu.memory_space<vmem>>, vector<1x16xf32>,
        %swap3A_740 = vector.shape_cast %swap3A_739 : vector<1x16xf32> to vector<16xf32>
        %swap3A_741 = vector.shape_cast %get3A_736 : vector<16xf32> to vector<1x16xf32>
        tpu.vector_store %arg10[%swap3A_737, %swap3A_738], %swap3A_741 {add = true, strides = array<i32>} : memref<40x64xf32, #tpu.memory_space<vmem>>, vector<1x16xf32>,
        %add3A_742 = arith.constant 80 : i32
        %add3A_743 = arith.addi %add3A_742, %add3A_708 : i32
        %get3A_744 = arith.index_cast %add3A_743 : i32 to index
        %get3A_745 = arith.constant 48 : index
        %get3A_746 = tpu.vector_load %arg7[%get3A_744, %get3A_745] {strides = array<i32>} : memref<200x64xf32, #tpu.memory_space<vmem>>, vector<1x16xf32>,
        %get3A_747 = vector.shape_cast %get3A_746 : vector<1x16xf32> to vector<16xf32>
        %swap3A_748 = arith.index_cast %add3A_708 : i32 to index
        %swap3A_749 = arith.constant 48 : index
        %swap3A_750 = tpu.vector_load %arg10[%swap3A_748, %swap3A_749] {strides = array<i32>} : memref<40x64xf32, #tpu.memory_space<vmem>>, vector<1x16xf32>,
        %swap3A_751 = vector.shape_cast %swap3A_750 : vector<1x16xf32> to vector<16xf32>
        %swap3A_752 = vector.shape_cast %get3A_747 : vector<16xf32> to vector<1x16xf32>
        tpu.vector_store %arg10[%swap3A_748, %swap3A_749], %swap3A_752 {add = true, strides = array<i32>} : memref<40x64xf32, #tpu.memory_space<vmem>>, vector<1x16xf32>,
      }
      %scan3A_299 = arith.constant 40 : i32
      %div3A_300 = arith.constant 5 : i32
      %div3A_301 = arith.divsi %add3A_277, %div3A_300 : i32
      %add3A_302 = arith.addi %mul3A_2, %div3A_301 : i32
      %dma_start3A_303 = arith.constant 80 : i32
      %dma_start3A_304 = arith.constant 0 : i32
      %dma_start3A_305 = tpu.memref_slice %arg5[%add3A_302, %dma_start3A_303, %dma_start3A_304] : memref<4096x200x64xf32, #tpu.memory_space<hbm>> -> memref<1x40x64xf32, #tpu.memory_space<hbm>>
      %dma_start3A_306 = tpu.memref_squeeze %dma_start3A_305 : memref<1x40x64xf32, #tpu.memory_space<hbm>> -> memref<40x64xf32, #tpu.memory_space<hbm>>
      %dma_start3A_307 = arith.constant 80 : i32
      %dma_start3A_308 = arith.constant 0 : i32
      %dma_start3A_309 = tpu.memref_slice %arg5[%add3A_302, %dma_start3A_307, %dma_start3A_308] : memref<4096x200x64xf32, #tpu.memory_space<hbm>> -> memref<1x40x64xf32, #tpu.memory_space<hbm>>
      %dma_start3A_310 = tpu.memref_squeeze %dma_start3A_309 : memref<1x40x64xf32, #tpu.memory_space<hbm>> -> memref<40x64xf32, #tpu.memory_space<hbm>>
      tpu.enqueue_dma source(%arg10 : memref<40x64xf32, #tpu.memory_space<vmem>>) target(%dma_start3A_310 : memref<40x64xf32, #tpu.memory_space<hbm>>) target_semaphore(%arg30 : memref<!tpu.dma_semaphore, #tpu.memory_space<semaphore_mem>>)
      %add3A_311 = arith.constant 3 : i32
      %add3A_312 = arith.addi %add3A_209, %add3A_311 : i32
      %div3A_313 = arith.constant 5 : i32
      %div3A_314 = arith.divsi %add3A_312, %div3A_313 : i32
      %dma_wait3A_315 = arith.constant 120 : i32
      %dma_wait3A_316 = tpu.memref_slice %arg6[%div3A_314, %dma_wait3A_315] : memref<128x200xi32, #tpu.memory_space<vmem>> -> memref<1x40xi32, #tpu.memory_space<vmem>>
      %dma_wait3A_317 = tpu.memref_squeeze %dma_wait3A_316 : memref<1x40xi32, #tpu.memory_space<vmem>> -> memref<40xi32, #tpu.memory_space<vmem>>
      %dma_wait3A_318 = arith.constant 0 : i32
      %dma_wait3A_319 = arith.constant 0 : i32
      %dma_wait3A_320 = tpu.memref_slice %arg4[%dma_wait3A_318, %dma_wait3A_319] : memref<1000000x64xf32, #tpu.memory_space<hbm>> -> memref<1000000x64xf32, #tpu.memory_space<hbm>>
      tpu.wait_indirect_dma semaphore(%arg21 : memref<!tpu.dma_semaphore, #tpu.memory_space<semaphore_mem>>) src(%dma_wait3A_320 : memref<1000000x64xf32, #tpu.memory_space<hbm>>) dst(%arg11 : memref<40x64xf32, #tpu.memory_space<vmem>>)
      %add3A_321 = arith.constant 10 : i32
      %add3A_322 = arith.addi %add3A_312, %add3A_321 : i32
      %sub3A_323 = arith.constant 1 : i32
      %sub3A_324 = arith.subi %add3A_322, %sub3A_323 : i32
      %lt3A_325 = arith.constant 640 : i32
      %lt3A_326 = arith.cmpi slt, %sub3A_324, %lt3A_325 : i32
      %convert_element_type3A_327 = arith.extui %lt3A_326 : i1 to i32
      %cond3A_328 = arith.constant 0 : i32
      %cond3A_329 = arith.cmpi ne, %convert_element_type3A_327, %cond3A_328 : i32
      scf.if %cond3A_329 {
        %ge3A = arith.constant 1 : i32
        %ge3A_556 = arith.cmpi sge, %add3A_312, %ge3A : i32
        %convert_element_type3A_557 = arith.extui %ge3A_556 : i1 to i32
        %cond3A_558 = arith.constant 0 : i32
        %cond3A_559 = arith.cmpi ne, %convert_element_type3A_557, %cond3A_558 : i32
        scf.if %cond3A_559 {
          %sub3A_572 = arith.constant 1 : i32
          %sub3A_573 = arith.subi %add3A_312, %sub3A_572 : i32
          %div3A_574 = arith.constant 5 : i32
          %div3A_575 = arith.divsi %sub3A_573, %div3A_574 : i32
          %add3A_576 = arith.addi %mul3A_2, %div3A_575 : i32
          %dma_wait3A_577 = arith.constant 80 : i32
          %dma_wait3A_578 = arith.constant 0 : i32
          %dma_wait3A_579 = tpu.memref_slice %arg5[%add3A_576, %dma_wait3A_577, %dma_wait3A_578] : memref<4096x200x64xf32, #tpu.memory_space<hbm>> -> memref<1x40x64xf32, #tpu.memory_space<hbm>>
          %dma_wait3A_580 = tpu.memref_squeeze %dma_wait3A_579 : memref<1x40x64xf32, #tpu.memory_space<hbm>> -> memref<40x64xf32, #tpu.memory_space<hbm>>
          %dma_wait3A_581 = arith.constant 80 : i32
          %dma_wait3A_582 = arith.constant 0 : i32
          %dma_wait3A_583 = tpu.memref_slice %arg5[%add3A_576, %dma_wait3A_581, %dma_wait3A_582] : memref<4096x200x64xf32, #tpu.memory_space<hbm>> -> memref<1x40x64xf32, #tpu.memory_space<hbm>>
          %dma_wait3A_584 = tpu.memref_squeeze %dma_wait3A_583 : memref<1x40x64xf32, #tpu.memory_space<hbm>> -> memref<40x64xf32, #tpu.memory_space<hbm>>
          tpu.wait_dma2 semaphore(%arg30 : memref<!tpu.dma_semaphore, #tpu.memory_space<semaphore_mem>>) src(%arg10 : memref<40x64xf32, #tpu.memory_space<vmem>>) dst(%dma_wait3A_584 : memref<40x64xf32, #tpu.memory_space<hbm>>)
        } else {
        }
        %add3A_560 = arith.constant 10 : i32
        %add3A_561 = arith.addi %add3A_312, %add3A_560 : i32
        %sub3A_562 = arith.constant 1 : i32
        %sub3A_563 = arith.subi %add3A_561, %sub3A_562 : i32
        %div3A_564 = arith.constant 5 : i32
        %div3A_565 = arith.divsi %sub3A_563, %div3A_564 : i32
        %dma_start3A_566 = arith.constant 80 : i32
        %dma_start3A_567 = tpu.memref_slice %arg6[%div3A_565, %dma_start3A_566] : memref<128x200xi32, #tpu.memory_space<vmem>> -> memref<1x40xi32, #tpu.memory_space<vmem>>
        %dma_start3A_568 = tpu.memref_squeeze %dma_start3A_567 : memref<1x40xi32, #tpu.memory_space<vmem>> -> memref<40xi32, #tpu.memory_space<vmem>>
        %dma_start3A_569 = arith.constant 0 : i32
        %dma_start3A_570 = arith.constant 0 : i32
        %dma_start3A_571 = tpu.memref_slice %arg4[%dma_start3A_569, %dma_start3A_570] : memref<1000000x64xf32, #tpu.memory_space<hbm>> -> memref<1000000x64xf32, #tpu.memory_space<hbm>>
        tpu.enqueue_indirect_dma source(%dma_start3A_571 : memref<1000000x64xf32, #tpu.memory_space<hbm>>) target(%arg10 : memref<40x64xf32, #tpu.memory_space<vmem>>) offsets(%dma_start3A_568 : memref<40xi32, #tpu.memory_space<vmem>>) semaphore(%arg20 : memref<!tpu.dma_semaphore, #tpu.memory_space<semaphore_mem>>)
      } else {
      }
      %scan3A_330 = arith.constant 0 : i32
      %scan3A_331 = arith.constant 40 : i32
      %scan3A_332 = arith.addi %scan3A_330, %scan3A_331 : i32
      %scan3A_333 = arith.constant 4 : i32
      scf.for %scan3A_556 = %scan3A_330 to %scan3A_332 step %scan3A_333  : i32 {
        %mul3A_557 = arith.constant 1 : i32
        %mul3A_558 = arith.muli %scan3A_556, %mul3A_557 : i32
        %add3A_559 = arith.constant 0 : i32
        %add3A_560 = arith.addi %add3A_559, %mul3A_558 : i32
        %add3A_561 = arith.constant 120 : i32
        %add3A_562 = arith.addi %add3A_561, %add3A_560 : i32
        %get3A = arith.index_cast %add3A_562 : i32 to index
        %get3A_563 = arith.constant 0 : index
        %get3A_564 = tpu.vector_load %arg7[%get3A, %get3A_563] {strides = array<i32>} : memref<200x64xf32, #tpu.memory_space<vmem>>, vector<1x16xf32>,
        %get3A_565 = vector.shape_cast %get3A_564 : vector<1x16xf32> to vector<16xf32>
        %swap3A = arith.index_cast %add3A_560 : i32 to index
        %swap3A_566 = arith.constant 0 : index
        %swap3A_567 = tpu.vector_load %arg11[%swap3A, %swap3A_566] {strides = array<i32>} : memref<40x64xf32, #tpu.memory_space<vmem>>, vector<1x16xf32>,
        %swap3A_568 = vector.shape_cast %swap3A_567 : vector<1x16xf32> to vector<16xf32>
        %swap3A_569 = vector.shape_cast %get3A_565 : vector<16xf32> to vector<1x16xf32>
        tpu.vector_store %arg11[%swap3A, %swap3A_566], %swap3A_569 {add = true, strides = array<i32>} : memref<40x64xf32, #tpu.memory_space<vmem>>, vector<1x16xf32>,
        %add3A_570 = arith.constant 120 : i32
        %add3A_571 = arith.addi %add3A_570, %add3A_560 : i32
        %get3A_572 = arith.index_cast %add3A_571 : i32 to index
        %get3A_573 = arith.constant 16 : index
        %get3A_574 = tpu.vector_load %arg7[%get3A_572, %get3A_573] {strides = array<i32>} : memref<200x64xf32, #tpu.memory_space<vmem>>, vector<1x16xf32>,
        %get3A_575 = vector.shape_cast %get3A_574 : vector<1x16xf32> to vector<16xf32>
        %swap3A_576 = arith.index_cast %add3A_560 : i32 to index
        %swap3A_577 = arith.constant 16 : index
        %swap3A_578 = tpu.vector_load %arg11[%swap3A_576, %swap3A_577] {strides = array<i32>} : memref<40x64xf32, #tpu.memory_space<vmem>>, vector<1x16xf32>,
        %swap3A_579 = vector.shape_cast %swap3A_578 : vector<1x16xf32> to vector<16xf32>
        %swap3A_580 = vector.shape_cast %get3A_575 : vector<16xf32> to vector<1x16xf32>
        tpu.vector_store %arg11[%swap3A_576, %swap3A_577], %swap3A_580 {add = true, strides = array<i32>} : memref<40x64xf32, #tpu.memory_space<vmem>>, vector<1x16xf32>,
        %add3A_581 = arith.constant 120 : i32
        %add3A_582 = arith.addi %add3A_581, %add3A_560 : i32
        %get3A_583 = arith.index_cast %add3A_582 : i32 to index
        %get3A_584 = arith.constant 32 : index
        %get3A_585 = tpu.vector_load %arg7[%get3A_583, %get3A_584] {strides = array<i32>} : memref<200x64xf32, #tpu.memory_space<vmem>>, vector<1x16xf32>,
        %get3A_586 = vector.shape_cast %get3A_585 : vector<1x16xf32> to vector<16xf32>
        %swap3A_587 = arith.index_cast %add3A_560 : i32 to index
        %swap3A_588 = arith.constant 32 : index
        %swap3A_589 = tpu.vector_load %arg11[%swap3A_587, %swap3A_588] {strides = array<i32>} : memref<40x64xf32, #tpu.memory_space<vmem>>, vector<1x16xf32>,
        %swap3A_590 = vector.shape_cast %swap3A_589 : vector<1x16xf32> to vector<16xf32>
        %swap3A_591 = vector.shape_cast %get3A_586 : vector<16xf32> to vector<1x16xf32>
        tpu.vector_store %arg11[%swap3A_587, %swap3A_588], %swap3A_591 {add = true, strides = array<i32>} : memref<40x64xf32, #tpu.memory_space<vmem>>, vector<1x16xf32>,
        %add3A_592 = arith.constant 120 : i32
        %add3A_593 = arith.addi %add3A_592, %add3A_560 : i32
        %get3A_594 = arith.index_cast %add3A_593 : i32 to index
        %get3A_595 = arith.constant 48 : index
        %get3A_596 = tpu.vector_load %arg7[%get3A_594, %get3A_595] {strides = array<i32>} : memref<200x64xf32, #tpu.memory_space<vmem>>, vector<1x16xf32>,
        %get3A_597 = vector.shape_cast %get3A_596 : vector<1x16xf32> to vector<16xf32>
        %swap3A_598 = arith.index_cast %add3A_560 : i32 to index
        %swap3A_599 = arith.constant 48 : index
        %swap3A_600 = tpu.vector_load %arg11[%swap3A_598, %swap3A_599] {strides = array<i32>} : memref<40x64xf32, #tpu.memory_space<vmem>>, vector<1x16xf32>,
        %swap3A_601 = vector.shape_cast %swap3A_600 : vector<1x16xf32> to vector<16xf32>
        %swap3A_602 = vector.shape_cast %get3A_597 : vector<16xf32> to vector<1x16xf32>
        tpu.vector_store %arg11[%swap3A_598, %swap3A_599], %swap3A_602 {add = true, strides = array<i32>} : memref<40x64xf32, #tpu.memory_space<vmem>>, vector<1x16xf32>,
        %scan3A_603 = arith.constant 1 : i32
        %scan3A_604 = arith.addi %scan3A_556, %scan3A_603 : i32
        %mul3A_605 = arith.constant 1 : i32
        %mul3A_606 = arith.muli %scan3A_604, %mul3A_605 : i32
        %add3A_607 = arith.constant 0 : i32
        %add3A_608 = arith.addi %add3A_607, %mul3A_606 : i32
        %add3A_609 = arith.constant 120 : i32
        %add3A_610 = arith.addi %add3A_609, %add3A_608 : i32
        %get3A_611 = arith.index_cast %add3A_610 : i32 to index
        %get3A_612 = arith.constant 0 : index
        %get3A_613 = tpu.vector_load %arg7[%get3A_611, %get3A_612] {strides = array<i32>} : memref<200x64xf32, #tpu.memory_space<vmem>>, vector<1x16xf32>,
        %get3A_614 = vector.shape_cast %get3A_613 : vector<1x16xf32> to vector<16xf32>
        %swap3A_615 = arith.index_cast %add3A_608 : i32 to index
        %swap3A_616 = arith.constant 0 : index
        %swap3A_617 = tpu.vector_load %arg11[%swap3A_615, %swap3A_616] {strides = array<i32>} : memref<40x64xf32, #tpu.memory_space<vmem>>, vector<1x16xf32>,
        %swap3A_618 = vector.shape_cast %swap3A_617 : vector<1x16xf32> to vector<16xf32>
        %swap3A_619 = vector.shape_cast %get3A_614 : vector<16xf32> to vector<1x16xf32>
        tpu.vector_store %arg11[%swap3A_615, %swap3A_616], %swap3A_619 {add = true, strides = array<i32>} : memref<40x64xf32, #tpu.memory_space<vmem>>, vector<1x16xf32>,
        %add3A_620 = arith.constant 120 : i32
        %add3A_621 = arith.addi %add3A_620, %add3A_608 : i32
        %get3A_622 = arith.index_cast %add3A_621 : i32 to index
        %get3A_623 = arith.constant 16 : index
        %get3A_624 = tpu.vector_load %arg7[%get3A_622, %get3A_623] {strides = array<i32>} : memref<200x64xf32, #tpu.memory_space<vmem>>, vector<1x16xf32>,
        %get3A_625 = vector.shape_cast %get3A_624 : vector<1x16xf32> to vector<16xf32>
        %swap3A_626 = arith.index_cast %add3A_608 : i32 to index
        %swap3A_627 = arith.constant 16 : index
        %swap3A_628 = tpu.vector_load %arg11[%swap3A_626, %swap3A_627] {strides = array<i32>} : memref<40x64xf32, #tpu.memory_space<vmem>>, vector<1x16xf32>,
        %swap3A_629 = vector.shape_cast %swap3A_628 : vector<1x16xf32> to vector<16xf32>
        %swap3A_630 = vector.shape_cast %get3A_625 : vector<16xf32> to vector<1x16xf32>
        tpu.vector_store %arg11[%swap3A_626, %swap3A_627], %swap3A_630 {add = true, strides = array<i32>} : memref<40x64xf32, #tpu.memory_space<vmem>>, vector<1x16xf32>,
        %add3A_631 = arith.constant 120 : i32
        %add3A_632 = arith.addi %add3A_631, %add3A_608 : i32
        %get3A_633 = arith.index_cast %add3A_632 : i32 to index
        %get3A_634 = arith.constant 32 : index
        %get3A_635 = tpu.vector_load %arg7[%get3A_633, %get3A_634] {strides = array<i32>} : memref<200x64xf32, #tpu.memory_space<vmem>>, vector<1x16xf32>,
        %get3A_636 = vector.shape_cast %get3A_635 : vector<1x16xf32> to vector<16xf32>
        %swap3A_637 = arith.index_cast %add3A_608 : i32 to index
        %swap3A_638 = arith.constant 32 : index
        %swap3A_639 = tpu.vector_load %arg11[%swap3A_637, %swap3A_638] {strides = array<i32>} : memref<40x64xf32, #tpu.memory_space<vmem>>, vector<1x16xf32>,
        %swap3A_640 = vector.shape_cast %swap3A_639 : vector<1x16xf32> to vector<16xf32>
        %swap3A_641 = vector.shape_cast %get3A_636 : vector<16xf32> to vector<1x16xf32>
        tpu.vector_store %arg11[%swap3A_637, %swap3A_638], %swap3A_641 {add = true, strides = array<i32>} : memref<40x64xf32, #tpu.memory_space<vmem>>, vector<1x16xf32>,
        %add3A_642 = arith.constant 120 : i32
        %add3A_643 = arith.addi %add3A_642, %add3A_608 : i32
        %get3A_644 = arith.index_cast %add3A_643 : i32 to index
        %get3A_645 = arith.constant 48 : index
        %get3A_646 = tpu.vector_load %arg7[%get3A_644, %get3A_645] {strides = array<i32>} : memref<200x64xf32, #tpu.memory_space<vmem>>, vector<1x16xf32>,
        %get3A_647 = vector.shape_cast %get3A_646 : vector<1x16xf32> to vector<16xf32>
        %swap3A_648 = arith.index_cast %add3A_608 : i32 to index
        %swap3A_649 = arith.constant 48 : index
        %swap3A_650 = tpu.vector_load %arg11[%swap3A_648, %swap3A_649] {strides = array<i32>} : memref<40x64xf32, #tpu.memory_space<vmem>>, vector<1x16xf32>,
        %swap3A_651 = vector.shape_cast %swap3A_650 : vector<1x16xf32> to vector<16xf32>
        %swap3A_652 = vector.shape_cast %get3A_647 : vector<16xf32> to vector<1x16xf32>
        tpu.vector_store %arg11[%swap3A_648, %swap3A_649], %swap3A_652 {add = true, strides = array<i32>} : memref<40x64xf32, #tpu.memory_space<vmem>>, vector<1x16xf32>,
        %scan3A_653 = arith.constant 2 : i32
        %scan3A_654 = arith.addi %scan3A_556, %scan3A_653 : i32
        %mul3A_655 = arith.constant 1 : i32
        %mul3A_656 = arith.muli %scan3A_654, %mul3A_655 : i32
        %add3A_657 = arith.constant 0 : i32
        %add3A_658 = arith.addi %add3A_657, %mul3A_656 : i32
        %add3A_659 = arith.constant 120 : i32
        %add3A_660 = arith.addi %add3A_659, %add3A_658 : i32
        %get3A_661 = arith.index_cast %add3A_660 : i32 to index
        %get3A_662 = arith.constant 0 : index
        %get3A_663 = tpu.vector_load %arg7[%get3A_661, %get3A_662] {strides = array<i32>} : memref<200x64xf32, #tpu.memory_space<vmem>>, vector<1x16xf32>,
        %get3A_664 = vector.shape_cast %get3A_663 : vector<1x16xf32> to vector<16xf32>
        %swap3A_665 = arith.index_cast %add3A_658 : i32 to index
        %swap3A_666 = arith.constant 0 : index
        %swap3A_667 = tpu.vector_load %arg11[%swap3A_665, %swap3A_666] {strides = array<i32>} : memref<40x64xf32, #tpu.memory_space<vmem>>, vector<1x16xf32>,
        %swap3A_668 = vector.shape_cast %swap3A_667 : vector<1x16xf32> to vector<16xf32>
        %swap3A_669 = vector.shape_cast %get3A_664 : vector<16xf32> to vector<1x16xf32>
        tpu.vector_store %arg11[%swap3A_665, %swap3A_666], %swap3A_669 {add = true, strides = array<i32>} : memref<40x64xf32, #tpu.memory_space<vmem>>, vector<1x16xf32>,
        %add3A_670 = arith.constant 120 : i32
        %add3A_671 = arith.addi %add3A_670, %add3A_658 : i32
        %get3A_672 = arith.index_cast %add3A_671 : i32 to index
        %get3A_673 = arith.constant 16 : index
        %get3A_674 = tpu.vector_load %arg7[%get3A_672, %get3A_673] {strides = array<i32>} : memref<200x64xf32, #tpu.memory_space<vmem>>, vector<1x16xf32>,
        %get3A_675 = vector.shape_cast %get3A_674 : vector<1x16xf32> to vector<16xf32>
        %swap3A_676 = arith.index_cast %add3A_658 : i32 to index
        %swap3A_677 = arith.constant 16 : index
        %swap3A_678 = tpu.vector_load %arg11[%swap3A_676, %swap3A_677] {strides = array<i32>} : memref<40x64xf32, #tpu.memory_space<vmem>>, vector<1x16xf32>,
        %swap3A_679 = vector.shape_cast %swap3A_678 : vector<1x16xf32> to vector<16xf32>
        %swap3A_680 = vector.shape_cast %get3A_675 : vector<16xf32> to vector<1x16xf32>
        tpu.vector_store %arg11[%swap3A_676, %swap3A_677], %swap3A_680 {add = true, strides = array<i32>} : memref<40x64xf32, #tpu.memory_space<vmem>>, vector<1x16xf32>,
        %add3A_681 = arith.constant 120 : i32
        %add3A_682 = arith.addi %add3A_681, %add3A_658 : i32
        %get3A_683 = arith.index_cast %add3A_682 : i32 to index
        %get3A_684 = arith.constant 32 : index
        %get3A_685 = tpu.vector_load %arg7[%get3A_683, %get3A_684] {strides = array<i32>} : memref<200x64xf32, #tpu.memory_space<vmem>>, vector<1x16xf32>,
        %get3A_686 = vector.shape_cast %get3A_685 : vector<1x16xf32> to vector<16xf32>
        %swap3A_687 = arith.index_cast %add3A_658 : i32 to index
        %swap3A_688 = arith.constant 32 : index
        %swap3A_689 = tpu.vector_load %arg11[%swap3A_687, %swap3A_688] {strides = array<i32>} : memref<40x64xf32, #tpu.memory_space<vmem>>, vector<1x16xf32>,
        %swap3A_690 = vector.shape_cast %swap3A_689 : vector<1x16xf32> to vector<16xf32>
        %swap3A_691 = vector.shape_cast %get3A_686 : vector<16xf32> to vector<1x16xf32>
        tpu.vector_store %arg11[%swap3A_687, %swap3A_688], %swap3A_691 {add = true, strides = array<i32>} : memref<40x64xf32, #tpu.memory_space<vmem>>, vector<1x16xf32>,
        %add3A_692 = arith.constant 120 : i32
        %add3A_693 = arith.addi %add3A_692, %add3A_658 : i32
        %get3A_694 = arith.index_cast %add3A_693 : i32 to index
        %get3A_695 = arith.constant 48 : index
        %get3A_696 = tpu.vector_load %arg7[%get3A_694, %get3A_695] {strides = array<i32>} : memref<200x64xf32, #tpu.memory_space<vmem>>, vector<1x16xf32>,
        %get3A_697 = vector.shape_cast %get3A_696 : vector<1x16xf32> to vector<16xf32>
        %swap3A_698 = arith.index_cast %add3A_658 : i32 to index
        %swap3A_699 = arith.constant 48 : index
        %swap3A_700 = tpu.vector_load %arg11[%swap3A_698, %swap3A_699] {strides = array<i32>} : memref<40x64xf32, #tpu.memory_space<vmem>>, vector<1x16xf32>,
        %swap3A_701 = vector.shape_cast %swap3A_700 : vector<1x16xf32> to vector<16xf32>
        %swap3A_702 = vector.shape_cast %get3A_697 : vector<16xf32> to vector<1x16xf32>
        tpu.vector_store %arg11[%swap3A_698, %swap3A_699], %swap3A_702 {add = true, strides = array<i32>} : memref<40x64xf32, #tpu.memory_space<vmem>>, vector<1x16xf32>,
        %scan3A_703 = arith.constant 3 : i32
        %scan3A_704 = arith.addi %scan3A_556, %scan3A_703 : i32
        %mul3A_705 = arith.constant 1 : i32
        %mul3A_706 = arith.muli %scan3A_704, %mul3A_705 : i32
        %add3A_707 = arith.constant 0 : i32
        %add3A_708 = arith.addi %add3A_707, %mul3A_706 : i32
        %add3A_709 = arith.constant 120 : i32
        %add3A_710 = arith.addi %add3A_709, %add3A_708 : i32
        %get3A_711 = arith.index_cast %add3A_710 : i32 to index
        %get3A_712 = arith.constant 0 : index
        %get3A_713 = tpu.vector_load %arg7[%get3A_711, %get3A_712] {strides = array<i32>} : memref<200x64xf32, #tpu.memory_space<vmem>>, vector<1x16xf32>,
        %get3A_714 = vector.shape_cast %get3A_713 : vector<1x16xf32> to vector<16xf32>
        %swap3A_715 = arith.index_cast %add3A_708 : i32 to index
        %swap3A_716 = arith.constant 0 : index
        %swap3A_717 = tpu.vector_load %arg11[%swap3A_715, %swap3A_716] {strides = array<i32>} : memref<40x64xf32, #tpu.memory_space<vmem>>, vector<1x16xf32>,
        %swap3A_718 = vector.shape_cast %swap3A_717 : vector<1x16xf32> to vector<16xf32>
        %swap3A_719 = vector.shape_cast %get3A_714 : vector<16xf32> to vector<1x16xf32>
        tpu.vector_store %arg11[%swap3A_715, %swap3A_716], %swap3A_719 {add = true, strides = array<i32>} : memref<40x64xf32, #tpu.memory_space<vmem>>, vector<1x16xf32>,
        %add3A_720 = arith.constant 120 : i32
        %add3A_721 = arith.addi %add3A_720, %add3A_708 : i32
        %get3A_722 = arith.index_cast %add3A_721 : i32 to index
        %get3A_723 = arith.constant 16 : index
        %get3A_724 = tpu.vector_load %arg7[%get3A_722, %get3A_723] {strides = array<i32>} : memref<200x64xf32, #tpu.memory_space<vmem>>, vector<1x16xf32>,
        %get3A_725 = vector.shape_cast %get3A_724 : vector<1x16xf32> to vector<16xf32>
        %swap3A_726 = arith.index_cast %add3A_708 : i32 to index
        %swap3A_727 = arith.constant 16 : index
        %swap3A_728 = tpu.vector_load %arg11[%swap3A_726, %swap3A_727] {strides = array<i32>} : memref<40x64xf32, #tpu.memory_space<vmem>>, vector<1x16xf32>,
        %swap3A_729 = vector.shape_cast %swap3A_728 : vector<1x16xf32> to vector<16xf32>
        %swap3A_730 = vector.shape_cast %get3A_725 : vector<16xf32> to vector<1x16xf32>
        tpu.vector_store %arg11[%swap3A_726, %swap3A_727], %swap3A_730 {add = true, strides = array<i32>} : memref<40x64xf32, #tpu.memory_space<vmem>>, vector<1x16xf32>,
        %add3A_731 = arith.constant 120 : i32
        %add3A_732 = arith.addi %add3A_731, %add3A_708 : i32
        %get3A_733 = arith.index_cast %add3A_732 : i32 to index
        %get3A_734 = arith.constant 32 : index
        %get3A_735 = tpu.vector_load %arg7[%get3A_733, %get3A_734] {strides = array<i32>} : memref<200x64xf32, #tpu.memory_space<vmem>>, vector<1x16xf32>,
        %get3A_736 = vector.shape_cast %get3A_735 : vector<1x16xf32> to vector<16xf32>
        %swap3A_737 = arith.index_cast %add3A_708 : i32 to index
        %swap3A_738 = arith.constant 32 : index
        %swap3A_739 = tpu.vector_load %arg11[%swap3A_737, %swap3A_738] {strides = array<i32>} : memref<40x64xf32, #tpu.memory_space<vmem>>, vector<1x16xf32>,
        %swap3A_740 = vector.shape_cast %swap3A_739 : vector<1x16xf32> to vector<16xf32>
        %swap3A_741 = vector.shape_cast %get3A_736 : vector<16xf32> to vector<1x16xf32>
        tpu.vector_store %arg11[%swap3A_737, %swap3A_738], %swap3A_741 {add = true, strides = array<i32>} : memref<40x64xf32, #tpu.memory_space<vmem>>, vector<1x16xf32>,
        %add3A_742 = arith.constant 120 : i32
        %add3A_743 = arith.addi %add3A_742, %add3A_708 : i32
        %get3A_744 = arith.index_cast %add3A_743 : i32 to index
        %get3A_745 = arith.constant 48 : index
        %get3A_746 = tpu.vector_load %arg7[%get3A_744, %get3A_745] {strides = array<i32>} : memref<200x64xf32, #tpu.memory_space<vmem>>, vector<1x16xf32>,
        %get3A_747 = vector.shape_cast %get3A_746 : vector<1x16xf32> to vector<16xf32>
        %swap3A_748 = arith.index_cast %add3A_708 : i32 to index
        %swap3A_749 = arith.constant 48 : index
        %swap3A_750 = tpu.vector_load %arg11[%swap3A_748, %swap3A_749] {strides = array<i32>} : memref<40x64xf32, #tpu.memory_space<vmem>>, vector<1x16xf32>,
        %swap3A_751 = vector.shape_cast %swap3A_750 : vector<1x16xf32> to vector<16xf32>
        %swap3A_752 = vector.shape_cast %get3A_747 : vector<16xf32> to vector<1x16xf32>
        tpu.vector_store %arg11[%swap3A_748, %swap3A_749], %swap3A_752 {add = true, strides = array<i32>} : memref<40x64xf32, #tpu.memory_space<vmem>>, vector<1x16xf32>,
      }
      %scan3A_334 = arith.constant 40 : i32
      %div3A_335 = arith.constant 5 : i32
      %div3A_336 = arith.divsi %add3A_312, %div3A_335 : i32
      %add3A_337 = arith.addi %mul3A_2, %div3A_336 : i32
      %dma_start3A_338 = arith.constant 120 : i32
      %dma_start3A_339 = arith.constant 0 : i32
      %dma_start3A_340 = tpu.memref_slice %arg5[%add3A_337, %dma_start3A_338, %dma_start3A_339] : memref<4096x200x64xf32, #tpu.memory_space<hbm>> -> memref<1x40x64xf32, #tpu.memory_space<hbm>>
      %dma_start3A_341 = tpu.memref_squeeze %dma_start3A_340 : memref<1x40x64xf32, #tpu.memory_space<hbm>> -> memref<40x64xf32, #tpu.memory_space<hbm>>
      %dma_start3A_342 = arith.constant 120 : i32
      %dma_start3A_343 = arith.constant 0 : i32
      %dma_start3A_344 = tpu.memref_slice %arg5[%add3A_337, %dma_start3A_342, %dma_start3A_343] : memref<4096x200x64xf32, #tpu.memory_space<hbm>> -> memref<1x40x64xf32, #tpu.memory_space<hbm>>
      %dma_start3A_345 = tpu.memref_squeeze %dma_start3A_344 : memref<1x40x64xf32, #tpu.memory_space<hbm>> -> memref<40x64xf32, #tpu.memory_space<hbm>>
      tpu.enqueue_dma source(%arg11 : memref<40x64xf32, #tpu.memory_space<vmem>>) target(%dma_start3A_345 : memref<40x64xf32, #tpu.memory_space<hbm>>) target_semaphore(%arg31 : memref<!tpu.dma_semaphore, #tpu.memory_space<semaphore_mem>>)
      %add3A_346 = arith.constant 4 : i32
      %add3A_347 = arith.addi %add3A_209, %add3A_346 : i32
      %div3A_348 = arith.constant 5 : i32
      %div3A_349 = arith.divsi %add3A_347, %div3A_348 : i32
      %dma_wait3A_350 = arith.constant 160 : i32
      %dma_wait3A_351 = tpu.memref_slice %arg6[%div3A_349, %dma_wait3A_350] : memref<128x200xi32, #tpu.memory_space<vmem>> -> memref<1x40xi32, #tpu.memory_space<vmem>>
      %dma_wait3A_352 = tpu.memref_squeeze %dma_wait3A_351 : memref<1x40xi32, #tpu.memory_space<vmem>> -> memref<40xi32, #tpu.memory_space<vmem>>
      %dma_wait3A_353 = arith.constant 0 : i32
      %dma_wait3A_354 = arith.constant 0 : i32
      %dma_wait3A_355 = tpu.memref_slice %arg4[%dma_wait3A_353, %dma_wait3A_354] : memref<1000000x64xf32, #tpu.memory_space<hbm>> -> memref<1000000x64xf32, #tpu.memory_space<hbm>>
      tpu.wait_indirect_dma semaphore(%arg22 : memref<!tpu.dma_semaphore, #tpu.memory_space<semaphore_mem>>) src(%dma_wait3A_355 : memref<1000000x64xf32, #tpu.memory_space<hbm>>) dst(%arg12 : memref<40x64xf32, #tpu.memory_space<vmem>>)
      %add3A_356 = arith.constant 10 : i32
      %add3A_357 = arith.addi %add3A_347, %add3A_356 : i32
      %sub3A_358 = arith.constant 1 : i32
      %sub3A_359 = arith.subi %add3A_357, %sub3A_358 : i32
      %lt3A_360 = arith.constant 640 : i32
      %lt3A_361 = arith.cmpi slt, %sub3A_359, %lt3A_360 : i32
      %convert_element_type3A_362 = arith.extui %lt3A_361 : i1 to i32
      %cond3A_363 = arith.constant 0 : i32
      %cond3A_364 = arith.cmpi ne, %convert_element_type3A_362, %cond3A_363 : i32
      scf.if %cond3A_364 {
        %ge3A = arith.constant 1 : i32
        %ge3A_556 = arith.cmpi sge, %add3A_347, %ge3A : i32
        %convert_element_type3A_557 = arith.extui %ge3A_556 : i1 to i32
        %cond3A_558 = arith.constant 0 : i32
        %cond3A_559 = arith.cmpi ne, %convert_element_type3A_557, %cond3A_558 : i32
        scf.if %cond3A_559 {
          %sub3A_572 = arith.constant 1 : i32
          %sub3A_573 = arith.subi %add3A_347, %sub3A_572 : i32
          %div3A_574 = arith.constant 5 : i32
          %div3A_575 = arith.divsi %sub3A_573, %div3A_574 : i32
          %add3A_576 = arith.addi %mul3A_2, %div3A_575 : i32
          %dma_wait3A_577 = arith.constant 120 : i32
          %dma_wait3A_578 = arith.constant 0 : i32
          %dma_wait3A_579 = tpu.memref_slice %arg5[%add3A_576, %dma_wait3A_577, %dma_wait3A_578] : memref<4096x200x64xf32, #tpu.memory_space<hbm>> -> memref<1x40x64xf32, #tpu.memory_space<hbm>>
          %dma_wait3A_580 = tpu.memref_squeeze %dma_wait3A_579 : memref<1x40x64xf32, #tpu.memory_space<hbm>> -> memref<40x64xf32, #tpu.memory_space<hbm>>
          %dma_wait3A_581 = arith.constant 120 : i32
          %dma_wait3A_582 = arith.constant 0 : i32
          %dma_wait3A_583 = tpu.memref_slice %arg5[%add3A_576, %dma_wait3A_581, %dma_wait3A_582] : memref<4096x200x64xf32, #tpu.memory_space<hbm>> -> memref<1x40x64xf32, #tpu.memory_space<hbm>>
          %dma_wait3A_584 = tpu.memref_squeeze %dma_wait3A_583 : memref<1x40x64xf32, #tpu.memory_space<hbm>> -> memref<40x64xf32, #tpu.memory_space<hbm>>
          tpu.wait_dma2 semaphore(%arg31 : memref<!tpu.dma_semaphore, #tpu.memory_space<semaphore_mem>>) src(%arg11 : memref<40x64xf32, #tpu.memory_space<vmem>>) dst(%dma_wait3A_584 : memref<40x64xf32, #tpu.memory_space<hbm>>)
        } else {
        }
        %add3A_560 = arith.constant 10 : i32
        %add3A_561 = arith.addi %add3A_347, %add3A_560 : i32
        %sub3A_562 = arith.constant 1 : i32
        %sub3A_563 = arith.subi %add3A_561, %sub3A_562 : i32
        %div3A_564 = arith.constant 5 : i32
        %div3A_565 = arith.divsi %sub3A_563, %div3A_564 : i32
        %dma_start3A_566 = arith.constant 120 : i32
        %dma_start3A_567 = tpu.memref_slice %arg6[%div3A_565, %dma_start3A_566] : memref<128x200xi32, #tpu.memory_space<vmem>> -> memref<1x40xi32, #tpu.memory_space<vmem>>
        %dma_start3A_568 = tpu.memref_squeeze %dma_start3A_567 : memref<1x40xi32, #tpu.memory_space<vmem>> -> memref<40xi32, #tpu.memory_space<vmem>>
        %dma_start3A_569 = arith.constant 0 : i32
        %dma_start3A_570 = arith.constant 0 : i32
        %dma_start3A_571 = tpu.memref_slice %arg4[%dma_start3A_569, %dma_start3A_570] : memref<1000000x64xf32, #tpu.memory_space<hbm>> -> memref<1000000x64xf32, #tpu.memory_space<hbm>>
        tpu.enqueue_indirect_dma source(%dma_start3A_571 : memref<1000000x64xf32, #tpu.memory_space<hbm>>) target(%arg11 : memref<40x64xf32, #tpu.memory_space<vmem>>) offsets(%dma_start3A_568 : memref<40xi32, #tpu.memory_space<vmem>>) semaphore(%arg21 : memref<!tpu.dma_semaphore, #tpu.memory_space<semaphore_mem>>)
      } else {
      }
      %scan3A_365 = arith.constant 0 : i32
      %scan3A_366 = arith.constant 40 : i32
      %scan3A_367 = arith.addi %scan3A_365, %scan3A_366 : i32
      %scan3A_368 = arith.constant 4 : i32
      scf.for %scan3A_556 = %scan3A_365 to %scan3A_367 step %scan3A_368  : i32 {
        %mul3A_557 = arith.constant 1 : i32
        %mul3A_558 = arith.muli %scan3A_556, %mul3A_557 : i32
        %add3A_559 = arith.constant 0 : i32
        %add3A_560 = arith.addi %add3A_559, %mul3A_558 : i32
        %add3A_561 = arith.constant 160 : i32
        %add3A_562 = arith.addi %add3A_561, %add3A_560 : i32
        %get3A = arith.index_cast %add3A_562 : i32 to index
        %get3A_563 = arith.constant 0 : index
        %get3A_564 = tpu.vector_load %arg7[%get3A, %get3A_563] {strides = array<i32>} : memref<200x64xf32, #tpu.memory_space<vmem>>, vector<1x16xf32>,
        %get3A_565 = vector.shape_cast %get3A_564 : vector<1x16xf32> to vector<16xf32>
        %swap3A = arith.index_cast %add3A_560 : i32 to index
        %swap3A_566 = arith.constant 0 : index
        %swap3A_567 = tpu.vector_load %arg12[%swap3A, %swap3A_566] {strides = array<i32>} : memref<40x64xf32, #tpu.memory_space<vmem>>, vector<1x16xf32>,
        %swap3A_568 = vector.shape_cast %swap3A_567 : vector<1x16xf32> to vector<16xf32>
        %swap3A_569 = vector.shape_cast %get3A_565 : vector<16xf32> to vector<1x16xf32>
        tpu.vector_store %arg12[%swap3A, %swap3A_566], %swap3A_569 {add = true, strides = array<i32>} : memref<40x64xf32, #tpu.memory_space<vmem>>, vector<1x16xf32>,
        %add3A_570 = arith.constant 160 : i32
        %add3A_571 = arith.addi %add3A_570, %add3A_560 : i32
        %get3A_572 = arith.index_cast %add3A_571 : i32 to index
        %get3A_573 = arith.constant 16 : index
        %get3A_574 = tpu.vector_load %arg7[%get3A_572, %get3A_573] {strides = array<i32>} : memref<200x64xf32, #tpu.memory_space<vmem>>, vector<1x16xf32>,
        %get3A_575 = vector.shape_cast %get3A_574 : vector<1x16xf32> to vector<16xf32>
        %swap3A_576 = arith.index_cast %add3A_560 : i32 to index
        %swap3A_577 = arith.constant 16 : index
        %swap3A_578 = tpu.vector_load %arg12[%swap3A_576, %swap3A_577] {strides = array<i32>} : memref<40x64xf32, #tpu.memory_space<vmem>>, vector<1x16xf32>,
        %swap3A_579 = vector.shape_cast %swap3A_578 : vector<1x16xf32> to vector<16xf32>
        %swap3A_580 = vector.shape_cast %get3A_575 : vector<16xf32> to vector<1x16xf32>
        tpu.vector_store %arg12[%swap3A_576, %swap3A_577], %swap3A_580 {add = true, strides = array<i32>} : memref<40x64xf32, #tpu.memory_space<vmem>>, vector<1x16xf32>,
        %add3A_581 = arith.constant 160 : i32
        %add3A_582 = arith.addi %add3A_581, %add3A_560 : i32
        %get3A_583 = arith.index_cast %add3A_582 : i32 to index
        %get3A_584 = arith.constant 32 : index
        %get3A_585 = tpu.vector_load %arg7[%get3A_583, %get3A_584] {strides = array<i32>} : memref<200x64xf32, #tpu.memory_space<vmem>>, vector<1x16xf32>,
        %get3A_586 = vector.shape_cast %get3A_585 : vector<1x16xf32> to vector<16xf32>
        %swap3A_587 = arith.index_cast %add3A_560 : i32 to index
        %swap3A_588 = arith.constant 32 : index
        %swap3A_589 = tpu.vector_load %arg12[%swap3A_587, %swap3A_588] {strides = array<i32>} : memref<40x64xf32, #tpu.memory_space<vmem>>, vector<1x16xf32>,
        %swap3A_590 = vector.shape_cast %swap3A_589 : vector<1x16xf32> to vector<16xf32>
        %swap3A_591 = vector.shape_cast %get3A_586 : vector<16xf32> to vector<1x16xf32>
        tpu.vector_store %arg12[%swap3A_587, %swap3A_588], %swap3A_591 {add = true, strides = array<i32>} : memref<40x64xf32, #tpu.memory_space<vmem>>, vector<1x16xf32>,
        %add3A_592 = arith.constant 160 : i32
        %add3A_593 = arith.addi %add3A_592, %add3A_560 : i32
        %get3A_594 = arith.index_cast %add3A_593 : i32 to index
        %get3A_595 = arith.constant 48 : index
        %get3A_596 = tpu.vector_load %arg7[%get3A_594, %get3A_595] {strides = array<i32>} : memref<200x64xf32, #tpu.memory_space<vmem>>, vector<1x16xf32>,
        %get3A_597 = vector.shape_cast %get3A_596 : vector<1x16xf32> to vector<16xf32>
        %swap3A_598 = arith.index_cast %add3A_560 : i32 to index
        %swap3A_599 = arith.constant 48 : index
        %swap3A_600 = tpu.vector_load %arg12[%swap3A_598, %swap3A_599] {strides = array<i32>} : memref<40x64xf32, #tpu.memory_space<vmem>>, vector<1x16xf32>,
        %swap3A_601 = vector.shape_cast %swap3A_600 : vector<1x16xf32> to vector<16xf32>
        %swap3A_602 = vector.shape_cast %get3A_597 : vector<16xf32> to vector<1x16xf32>
        tpu.vector_store %arg12[%swap3A_598, %swap3A_599], %swap3A_602 {add = true, strides = array<i32>} : memref<40x64xf32, #tpu.memory_space<vmem>>, vector<1x16xf32>,
        %scan3A_603 = arith.constant 1 : i32
        %scan3A_604 = arith.addi %scan3A_556, %scan3A_603 : i32
        %mul3A_605 = arith.constant 1 : i32
        %mul3A_606 = arith.muli %scan3A_604, %mul3A_605 : i32
        %add3A_607 = arith.constant 0 : i32
        %add3A_608 = arith.addi %add3A_607, %mul3A_606 : i32
        %add3A_609 = arith.constant 160 : i32
        %add3A_610 = arith.addi %add3A_609, %add3A_608 : i32
        %get3A_611 = arith.index_cast %add3A_610 : i32 to index
        %get3A_612 = arith.constant 0 : index
        %get3A_613 = tpu.vector_load %arg7[%get3A_611, %get3A_612] {strides = array<i32>} : memref<200x64xf32, #tpu.memory_space<vmem>>, vector<1x16xf32>,
        %get3A_614 = vector.shape_cast %get3A_613 : vector<1x16xf32> to vector<16xf32>
        %swap3A_615 = arith.index_cast %add3A_608 : i32 to index
        %swap3A_616 = arith.constant 0 : index
        %swap3A_617 = tpu.vector_load %arg12[%swap3A_615, %swap3A_616] {strides = array<i32>} : memref<40x64xf32, #tpu.memory_space<vmem>>, vector<1x16xf32>,
        %swap3A_618 = vector.shape_cast %swap3A_617 : vector<1x16xf32> to vector<16xf32>
        %swap3A_619 = vector.shape_cast %get3A_614 : vector<16xf32> to vector<1x16xf32>
        tpu.vector_store %arg12[%swap3A_615, %swap3A_616], %swap3A_619 {add = true, strides = array<i32>} : memref<40x64xf32, #tpu.memory_space<vmem>>, vector<1x16xf32>,
        %add3A_620 = arith.constant 160 : i32
        %add3A_621 = arith.addi %add3A_620, %add3A_608 : i32
        %get3A_622 = arith.index_cast %add3A_621 : i32 to index
        %get3A_623 = arith.constant 16 : index
        %get3A_624 = tpu.vector_load %arg7[%get3A_622, %get3A_623] {strides = array<i32>} : memref<200x64xf32, #tpu.memory_space<vmem>>, vector<1x16xf32>,
        %get3A_625 = vector.shape_cast %get3A_624 : vector<1x16xf32> to vector<16xf32>
        %swap3A_626 = arith.index_cast %add3A_608 : i32 to index
        %swap3A_627 = arith.constant 16 : index
        %swap3A_628 = tpu.vector_load %arg12[%swap3A_626, %swap3A_627] {strides = array<i32>} : memref<40x64xf32, #tpu.memory_space<vmem>>, vector<1x16xf32>,
        %swap3A_629 = vector.shape_cast %swap3A_628 : vector<1x16xf32> to vector<16xf32>
        %swap3A_630 = vector.shape_cast %get3A_625 : vector<16xf32> to vector<1x16xf32>
        tpu.vector_store %arg12[%swap3A_626, %swap3A_627], %swap3A_630 {add = true, strides = array<i32>} : memref<40x64xf32, #tpu.memory_space<vmem>>, vector<1x16xf32>,
        %add3A_631 = arith.constant 160 : i32
        %add3A_632 = arith.addi %add3A_631, %add3A_608 : i32
        %get3A_633 = arith.index_cast %add3A_632 : i32 to index
        %get3A_634 = arith.constant 32 : index
        %get3A_635 = tpu.vector_load %arg7[%get3A_633, %get3A_634] {strides = array<i32>} : memref<200x64xf32, #tpu.memory_space<vmem>>, vector<1x16xf32>,
        %get3A_636 = vector.shape_cast %get3A_635 : vector<1x16xf32> to vector<16xf32>
        %swap3A_637 = arith.index_cast %add3A_608 : i32 to index
        %swap3A_638 = arith.constant 32 : index
        %swap3A_639 = tpu.vector_load %arg12[%swap3A_637, %swap3A_638] {strides = array<i32>} : memref<40x64xf32, #tpu.memory_space<vmem>>, vector<1x16xf32>,
        %swap3A_640 = vector.shape_cast %swap3A_639 : vector<1x16xf32> to vector<16xf32>
        %swap3A_641 = vector.shape_cast %get3A_636 : vector<16xf32> to vector<1x16xf32>
        tpu.vector_store %arg12[%swap3A_637, %swap3A_638], %swap3A_641 {add = true, strides = array<i32>} : memref<40x64xf32, #tpu.memory_space<vmem>>, vector<1x16xf32>,
        %add3A_642 = arith.constant 160 : i32
        %add3A_643 = arith.addi %add3A_642, %add3A_608 : i32
        %get3A_644 = arith.index_cast %add3A_643 : i32 to index
        %get3A_645 = arith.constant 48 : index
        %get3A_646 = tpu.vector_load %arg7[%get3A_644, %get3A_645] {strides = array<i32>} : memref<200x64xf32, #tpu.memory_space<vmem>>, vector<1x16xf32>,
        %get3A_647 = vector.shape_cast %get3A_646 : vector<1x16xf32> to vector<16xf32>
        %swap3A_648 = arith.index_cast %add3A_608 : i32 to index
        %swap3A_649 = arith.constant 48 : index
        %swap3A_650 = tpu.vector_load %arg12[%swap3A_648, %swap3A_649] {strides = array<i32>} : memref<40x64xf32, #tpu.memory_space<vmem>>, vector<1x16xf32>,
        %swap3A_651 = vector.shape_cast %swap3A_650 : vector<1x16xf32> to vector<16xf32>
        %swap3A_652 = vector.shape_cast %get3A_647 : vector<16xf32> to vector<1x16xf32>
        tpu.vector_store %arg12[%swap3A_648, %swap3A_649], %swap3A_652 {add = true, strides = array<i32>} : memref<40x64xf32, #tpu.memory_space<vmem>>, vector<1x16xf32>,
        %scan3A_653 = arith.constant 2 : i32
        %scan3A_654 = arith.addi %scan3A_556, %scan3A_653 : i32
        %mul3A_655 = arith.constant 1 : i32
        %mul3A_656 = arith.muli %scan3A_654, %mul3A_655 : i32
        %add3A_657 = arith.constant 0 : i32
        %add3A_658 = arith.addi %add3A_657, %mul3A_656 : i32
        %add3A_659 = arith.constant 160 : i32
        %add3A_660 = arith.addi %add3A_659, %add3A_658 : i32
        %get3A_661 = arith.index_cast %add3A_660 : i32 to index
        %get3A_662 = arith.constant 0 : index
        %get3A_663 = tpu.vector_load %arg7[%get3A_661, %get3A_662] {strides = array<i32>} : memref<200x64xf32, #tpu.memory_space<vmem>>, vector<1x16xf32>,
        %get3A_664 = vector.shape_cast %get3A_663 : vector<1x16xf32> to vector<16xf32>
        %swap3A_665 = arith.index_cast %add3A_658 : i32 to index
        %swap3A_666 = arith.constant 0 : index
        %swap3A_667 = tpu.vector_load %arg12[%swap3A_665, %swap3A_666] {strides = array<i32>} : memref<40x64xf32, #tpu.memory_space<vmem>>, vector<1x16xf32>,
        %swap3A_668 = vector.shape_cast %swap3A_667 : vector<1x16xf32> to vector<16xf32>
        %swap3A_669 = vector.shape_cast %get3A_664 : vector<16xf32> to vector<1x16xf32>
        tpu.vector_store %arg12[%swap3A_665, %swap3A_666], %swap3A_669 {add = true, strides = array<i32>} : memref<40x64xf32, #tpu.memory_space<vmem>>, vector<1x16xf32>,
        %add3A_670 = arith.constant 160 : i32
        %add3A_671 = arith.addi %add3A_670, %add3A_658 : i32
        %get3A_672 = arith.index_cast %add3A_671 : i32 to index
        %get3A_673 = arith.constant 16 : index
        %get3A_674 = tpu.vector_load %arg7[%get3A_672, %get3A_673] {strides = array<i32>} : memref<200x64xf32, #tpu.memory_space<vmem>>, vector<1x16xf32>,
        %get3A_675 = vector.shape_cast %get3A_674 : vector<1x16xf32> to vector<16xf32>
        %swap3A_676 = arith.index_cast %add3A_658 : i32 to index
        %swap3A_677 = arith.constant 16 : index
        %swap3A_678 = tpu.vector_load %arg12[%swap3A_676, %swap3A_677] {strides = array<i32>} : memref<40x64xf32, #tpu.memory_space<vmem>>, vector<1x16xf32>,
        %swap3A_679 = vector.shape_cast %swap3A_678 : vector<1x16xf32> to vector<16xf32>
        %swap3A_680 = vector.shape_cast %get3A_675 : vector<16xf32> to vector<1x16xf32>
        tpu.vector_store %arg12[%swap3A_676, %swap3A_677], %swap3A_680 {add = true, strides = array<i32>} : memref<40x64xf32, #tpu.memory_space<vmem>>, vector<1x16xf32>,
        %add3A_681 = arith.constant 160 : i32
        %add3A_682 = arith.addi %add3A_681, %add3A_658 : i32
        %get3A_683 = arith.index_cast %add3A_682 : i32 to index
        %get3A_684 = arith.constant 32 : index
        %get3A_685 = tpu.vector_load %arg7[%get3A_683, %get3A_684] {strides = array<i32>} : memref<200x64xf32, #tpu.memory_space<vmem>>, vector<1x16xf32>,
        %get3A_686 = vector.shape_cast %get3A_685 : vector<1x16xf32> to vector<16xf32>
        %swap3A_687 = arith.index_cast %add3A_658 : i32 to index
        %swap3A_688 = arith.constant 32 : index
        %swap3A_689 = tpu.vector_load %arg12[%swap3A_687, %swap3A_688] {strides = array<i32>} : memref<40x64xf32, #tpu.memory_space<vmem>>, vector<1x16xf32>,
        %swap3A_690 = vector.shape_cast %swap3A_689 : vector<1x16xf32> to vector<16xf32>
        %swap3A_691 = vector.shape_cast %get3A_686 : vector<16xf32> to vector<1x16xf32>
        tpu.vector_store %arg12[%swap3A_687, %swap3A_688], %swap3A_691 {add = true, strides = array<i32>} : memref<40x64xf32, #tpu.memory_space<vmem>>, vector<1x16xf32>,
        %add3A_692 = arith.constant 160 : i32
        %add3A_693 = arith.addi %add3A_692, %add3A_658 : i32
        %get3A_694 = arith.index_cast %add3A_693 : i32 to index
        %get3A_695 = arith.constant 48 : index
        %get3A_696 = tpu.vector_load %arg7[%get3A_694, %get3A_695] {strides = array<i32>} : memref<200x64xf32, #tpu.memory_space<vmem>>, vector<1x16xf32>,
        %get3A_697 = vector.shape_cast %get3A_696 : vector<1x16xf32> to vector<16xf32>
        %swap3A_698 = arith.index_cast %add3A_658 : i32 to index
        %swap3A_699 = arith.constant 48 : index
        %swap3A_700 = tpu.vector_load %arg12[%swap3A_698, %swap3A_699] {strides = array<i32>} : memref<40x64xf32, #tpu.memory_space<vmem>>, vector<1x16xf32>,
        %swap3A_701 = vector.shape_cast %swap3A_700 : vector<1x16xf32> to vector<16xf32>
        %swap3A_702 = vector.shape_cast %get3A_697 : vector<16xf32> to vector<1x16xf32>
        tpu.vector_store %arg12[%swap3A_698, %swap3A_699], %swap3A_702 {add = true, strides = array<i32>} : memref<40x64xf32, #tpu.memory_space<vmem>>, vector<1x16xf32>,
        %scan3A_703 = arith.constant 3 : i32
        %scan3A_704 = arith.addi %scan3A_556, %scan3A_703 : i32
        %mul3A_705 = arith.constant 1 : i32
        %mul3A_706 = arith.muli %scan3A_704, %mul3A_705 : i32
        %add3A_707 = arith.constant 0 : i32
        %add3A_708 = arith.addi %add3A_707, %mul3A_706 : i32
        %add3A_709 = arith.constant 160 : i32
        %add3A_710 = arith.addi %add3A_709, %add3A_708 : i32
        %get3A_711 = arith.index_cast %add3A_710 : i32 to index
        %get3A_712 = arith.constant 0 : index
        %get3A_713 = tpu.vector_load %arg7[%get3A_711, %get3A_712] {strides = array<i32>} : memref<200x64xf32, #tpu.memory_space<vmem>>, vector<1x16xf32>,
        %get3A_714 = vector.shape_cast %get3A_713 : vector<1x16xf32> to vector<16xf32>
        %swap3A_715 = arith.index_cast %add3A_708 : i32 to index
        %swap3A_716 = arith.constant 0 : index
        %swap3A_717 = tpu.vector_load %arg12[%swap3A_715, %swap3A_716] {strides = array<i32>} : memref<40x64xf32, #tpu.memory_space<vmem>>, vector<1x16xf32>,
        %swap3A_718 = vector.shape_cast %swap3A_717 : vector<1x16xf32> to vector<16xf32>
        %swap3A_719 = vector.shape_cast %get3A_714 : vector<16xf32> to vector<1x16xf32>
        tpu.vector_store %arg12[%swap3A_715, %swap3A_716], %swap3A_719 {add = true, strides = array<i32>} : memref<40x64xf32, #tpu.memory_space<vmem>>, vector<1x16xf32>,
        %add3A_720 = arith.constant 160 : i32
        %add3A_721 = arith.addi %add3A_720, %add3A_708 : i32
        %get3A_722 = arith.index_cast %add3A_721 : i32 to index
        %get3A_723 = arith.constant 16 : index
        %get3A_724 = tpu.vector_load %arg7[%get3A_722, %get3A_723] {strides = array<i32>} : memref<200x64xf32, #tpu.memory_space<vmem>>, vector<1x16xf32>,
        %get3A_725 = vector.shape_cast %get3A_724 : vector<1x16xf32> to vector<16xf32>
        %swap3A_726 = arith.index_cast %add3A_708 : i32 to index
        %swap3A_727 = arith.constant 16 : index
        %swap3A_728 = tpu.vector_load %arg12[%swap3A_726, %swap3A_727] {strides = array<i32>} : memref<40x64xf32, #tpu.memory_space<vmem>>, vector<1x16xf32>,
        %swap3A_729 = vector.shape_cast %swap3A_728 : vector<1x16xf32> to vector<16xf32>
        %swap3A_730 = vector.shape_cast %get3A_725 : vector<16xf32> to vector<1x16xf32>
        tpu.vector_store %arg12[%swap3A_726, %swap3A_727], %swap3A_730 {add = true, strides = array<i32>} : memref<40x64xf32, #tpu.memory_space<vmem>>, vector<1x16xf32>,
        %add3A_731 = arith.constant 160 : i32
        %add3A_732 = arith.addi %add3A_731, %add3A_708 : i32
        %get3A_733 = arith.index_cast %add3A_732 : i32 to index
        %get3A_734 = arith.constant 32 : index
        %get3A_735 = tpu.vector_load %arg7[%get3A_733, %get3A_734] {strides = array<i32>} : memref<200x64xf32, #tpu.memory_space<vmem>>, vector<1x16xf32>,
        %get3A_736 = vector.shape_cast %get3A_735 : vector<1x16xf32> to vector<16xf32>
        %swap3A_737 = arith.index_cast %add3A_708 : i32 to index
        %swap3A_738 = arith.constant 32 : index
        %swap3A_739 = tpu.vector_load %arg12[%swap3A_737, %swap3A_738] {strides = array<i32>} : memref<40x64xf32, #tpu.memory_space<vmem>>, vector<1x16xf32>,
        %swap3A_740 = vector.shape_cast %swap3A_739 : vector<1x16xf32> to vector<16xf32>
        %swap3A_741 = vector.shape_cast %get3A_736 : vector<16xf32> to vector<1x16xf32>
        tpu.vector_store %arg12[%swap3A_737, %swap3A_738], %swap3A_741 {add = true, strides = array<i32>} : memref<40x64xf32, #tpu.memory_space<vmem>>, vector<1x16xf32>,
        %add3A_742 = arith.constant 160 : i32
        %add3A_743 = arith.addi %add3A_742, %add3A_708 : i32
        %get3A_744 = arith.index_cast %add3A_743 : i32 to index
        %get3A_745 = arith.constant 48 : index
        %get3A_746 = tpu.vector_load %arg7[%get3A_744, %get3A_745] {strides = array<i32>} : memref<200x64xf32, #tpu.memory_space<vmem>>, vector<1x16xf32>,
        %get3A_747 = vector.shape_cast %get3A_746 : vector<1x16xf32> to vector<16xf32>
        %swap3A_748 = arith.index_cast %add3A_708 : i32 to index
        %swap3A_749 = arith.constant 48 : index
        %swap3A_750 = tpu.vector_load %arg12[%swap3A_748, %swap3A_749] {strides = array<i32>} : memref<40x64xf32, #tpu.memory_space<vmem>>, vector<1x16xf32>,
        %swap3A_751 = vector.shape_cast %swap3A_750 : vector<1x16xf32> to vector<16xf32>
        %swap3A_752 = vector.shape_cast %get3A_747 : vector<16xf32> to vector<1x16xf32>
        tpu.vector_store %arg12[%swap3A_748, %swap3A_749], %swap3A_752 {add = true, strides = array<i32>} : memref<40x64xf32, #tpu.memory_space<vmem>>, vector<1x16xf32>,
      }
      %scan3A_369 = arith.constant 40 : i32
      %div3A_370 = arith.constant 5 : i32
      %div3A_371 = arith.divsi %add3A_347, %div3A_370 : i32
      %add3A_372 = arith.addi %mul3A_2, %div3A_371 : i32
      %dma_start3A_373 = arith.constant 160 : i32
      %dma_start3A_374 = arith.constant 0 : i32
      %dma_start3A_375 = tpu.memref_slice %arg5[%add3A_372, %dma_start3A_373, %dma_start3A_374] : memref<4096x200x64xf32, #tpu.memory_space<hbm>> -> memref<1x40x64xf32, #tpu.memory_space<hbm>>
      %dma_start3A_376 = tpu.memref_squeeze %dma_start3A_375 : memref<1x40x64xf32, #tpu.memory_space<hbm>> -> memref<40x64xf32, #tpu.memory_space<hbm>>
      %dma_start3A_377 = arith.constant 160 : i32
      %dma_start3A_378 = arith.constant 0 : i32
      %dma_start3A_379 = tpu.memref_slice %arg5[%add3A_372, %dma_start3A_377, %dma_start3A_378] : memref<4096x200x64xf32, #tpu.memory_space<hbm>> -> memref<1x40x64xf32, #tpu.memory_space<hbm>>
      %dma_start3A_380 = tpu.memref_squeeze %dma_start3A_379 : memref<1x40x64xf32, #tpu.memory_space<hbm>> -> memref<40x64xf32, #tpu.memory_space<hbm>>
      tpu.enqueue_dma source(%arg12 : memref<40x64xf32, #tpu.memory_space<vmem>>) target(%dma_start3A_380 : memref<40x64xf32, #tpu.memory_space<hbm>>) target_semaphore(%arg32 : memref<!tpu.dma_semaphore, #tpu.memory_space<semaphore_mem>>)
      %add3A_381 = arith.constant 5 : i32
      %add3A_382 = arith.addi %add3A_209, %add3A_381 : i32
      %div3A_383 = arith.constant 5 : i32
      %div3A_384 = arith.divsi %add3A_382, %div3A_383 : i32
      %dma_wait3A_385 = arith.constant 0 : i32
      %dma_wait3A_386 = tpu.memref_slice %arg6[%div3A_384, %dma_wait3A_385] : memref<128x200xi32, #tpu.memory_space<vmem>> -> memref<1x40xi32, #tpu.memory_space<vmem>>
      %dma_wait3A_387 = tpu.memref_squeeze %dma_wait3A_386 : memref<1x40xi32, #tpu.memory_space<vmem>> -> memref<40xi32, #tpu.memory_space<vmem>>
      %dma_wait3A_388 = arith.constant 0 : i32
      %dma_wait3A_389 = arith.constant 0 : i32
      %dma_wait3A_390 = tpu.memref_slice %arg4[%dma_wait3A_388, %dma_wait3A_389] : memref<1000000x64xf32, #tpu.memory_space<hbm>> -> memref<1000000x64xf32, #tpu.memory_space<hbm>>
      tpu.wait_indirect_dma semaphore(%arg23 : memref<!tpu.dma_semaphore, #tpu.memory_space<semaphore_mem>>) src(%dma_wait3A_390 : memref<1000000x64xf32, #tpu.memory_space<hbm>>) dst(%arg13 : memref<40x64xf32, #tpu.memory_space<vmem>>)
      %add3A_391 = arith.constant 10 : i32
      %add3A_392 = arith.addi %add3A_382, %add3A_391 : i32
      %sub3A_393 = arith.constant 1 : i32
      %sub3A_394 = arith.subi %add3A_392, %sub3A_393 : i32
      %lt3A_395 = arith.constant 640 : i32
      %lt3A_396 = arith.cmpi slt, %sub3A_394, %lt3A_395 : i32
      %convert_element_type3A_397 = arith.extui %lt3A_396 : i1 to i32
      %cond3A_398 = arith.constant 0 : i32
      %cond3A_399 = arith.cmpi ne, %convert_element_type3A_397, %cond3A_398 : i32
      scf.if %cond3A_399 {
        %ge3A = arith.constant 1 : i32
        %ge3A_556 = arith.cmpi sge, %add3A_382, %ge3A : i32
        %convert_element_type3A_557 = arith.extui %ge3A_556 : i1 to i32
        %cond3A_558 = arith.constant 0 : i32
        %cond3A_559 = arith.cmpi ne, %convert_element_type3A_557, %cond3A_558 : i32
        scf.if %cond3A_559 {
          %sub3A_572 = arith.constant 1 : i32
          %sub3A_573 = arith.subi %add3A_382, %sub3A_572 : i32
          %div3A_574 = arith.constant 5 : i32
          %div3A_575 = arith.divsi %sub3A_573, %div3A_574 : i32
          %add3A_576 = arith.addi %mul3A_2, %div3A_575 : i32
          %dma_wait3A_577 = arith.constant 160 : i32
          %dma_wait3A_578 = arith.constant 0 : i32
          %dma_wait3A_579 = tpu.memref_slice %arg5[%add3A_576, %dma_wait3A_577, %dma_wait3A_578] : memref<4096x200x64xf32, #tpu.memory_space<hbm>> -> memref<1x40x64xf32, #tpu.memory_space<hbm>>
          %dma_wait3A_580 = tpu.memref_squeeze %dma_wait3A_579 : memref<1x40x64xf32, #tpu.memory_space<hbm>> -> memref<40x64xf32, #tpu.memory_space<hbm>>
          %dma_wait3A_581 = arith.constant 160 : i32
          %dma_wait3A_582 = arith.constant 0 : i32
          %dma_wait3A_583 = tpu.memref_slice %arg5[%add3A_576, %dma_wait3A_581, %dma_wait3A_582] : memref<4096x200x64xf32, #tpu.memory_space<hbm>> -> memref<1x40x64xf32, #tpu.memory_space<hbm>>
          %dma_wait3A_584 = tpu.memref_squeeze %dma_wait3A_583 : memref<1x40x64xf32, #tpu.memory_space<hbm>> -> memref<40x64xf32, #tpu.memory_space<hbm>>
          tpu.wait_dma2 semaphore(%arg32 : memref<!tpu.dma_semaphore, #tpu.memory_space<semaphore_mem>>) src(%arg12 : memref<40x64xf32, #tpu.memory_space<vmem>>) dst(%dma_wait3A_584 : memref<40x64xf32, #tpu.memory_space<hbm>>)
        } else {
        }
        %add3A_560 = arith.constant 10 : i32
        %add3A_561 = arith.addi %add3A_382, %add3A_560 : i32
        %sub3A_562 = arith.constant 1 : i32
        %sub3A_563 = arith.subi %add3A_561, %sub3A_562 : i32
        %div3A_564 = arith.constant 5 : i32
        %div3A_565 = arith.divsi %sub3A_563, %div3A_564 : i32
        %dma_start3A_566 = arith.constant 160 : i32
        %dma_start3A_567 = tpu.memref_slice %arg6[%div3A_565, %dma_start3A_566] : memref<128x200xi32, #tpu.memory_space<vmem>> -> memref<1x40xi32, #tpu.memory_space<vmem>>
        %dma_start3A_568 = tpu.memref_squeeze %dma_start3A_567 : memref<1x40xi32, #tpu.memory_space<vmem>> -> memref<40xi32, #tpu.memory_space<vmem>>
        %dma_start3A_569 = arith.constant 0 : i32
        %dma_start3A_570 = arith.constant 0 : i32
        %dma_start3A_571 = tpu.memref_slice %arg4[%dma_start3A_569, %dma_start3A_570] : memref<1000000x64xf32, #tpu.memory_space<hbm>> -> memref<1000000x64xf32, #tpu.memory_space<hbm>>
        tpu.enqueue_indirect_dma source(%dma_start3A_571 : memref<1000000x64xf32, #tpu.memory_space<hbm>>) target(%arg12 : memref<40x64xf32, #tpu.memory_space<vmem>>) offsets(%dma_start3A_568 : memref<40xi32, #tpu.memory_space<vmem>>) semaphore(%arg22 : memref<!tpu.dma_semaphore, #tpu.memory_space<semaphore_mem>>)
      } else {
      }
      %scan3A_400 = arith.constant 0 : i32
      %scan3A_401 = arith.constant 40 : i32
      %scan3A_402 = arith.addi %scan3A_400, %scan3A_401 : i32
      %scan3A_403 = arith.constant 4 : i32
      scf.for %scan3A_556 = %scan3A_400 to %scan3A_402 step %scan3A_403  : i32 {
        %mul3A_557 = arith.constant 1 : i32
        %mul3A_558 = arith.muli %scan3A_556, %mul3A_557 : i32
        %add3A_559 = arith.constant 0 : i32
        %add3A_560 = arith.addi %add3A_559, %mul3A_558 : i32
        %add3A_561 = arith.constant 0 : i32
        %add3A_562 = arith.addi %add3A_561, %add3A_560 : i32
        %get3A = arith.index_cast %add3A_562 : i32 to index
        %get3A_563 = arith.constant 0 : index
        %get3A_564 = tpu.vector_load %arg7[%get3A, %get3A_563] {strides = array<i32>} : memref<200x64xf32, #tpu.memory_space<vmem>>, vector<1x16xf32>,
        %get3A_565 = vector.shape_cast %get3A_564 : vector<1x16xf32> to vector<16xf32>
        %swap3A = arith.index_cast %add3A_560 : i32 to index
        %swap3A_566 = arith.constant 0 : index
        %swap3A_567 = tpu.vector_load %arg13[%swap3A, %swap3A_566] {strides = array<i32>} : memref<40x64xf32, #tpu.memory_space<vmem>>, vector<1x16xf32>,
        %swap3A_568 = vector.shape_cast %swap3A_567 : vector<1x16xf32> to vector<16xf32>
        %swap3A_569 = vector.shape_cast %get3A_565 : vector<16xf32> to vector<1x16xf32>
        tpu.vector_store %arg13[%swap3A, %swap3A_566], %swap3A_569 {add = true, strides = array<i32>} : memref<40x64xf32, #tpu.memory_space<vmem>>, vector<1x16xf32>,
        %add3A_570 = arith.constant 0 : i32
        %add3A_571 = arith.addi %add3A_570, %add3A_560 : i32
        %get3A_572 = arith.index_cast %add3A_571 : i32 to index
        %get3A_573 = arith.constant 16 : index
        %get3A_574 = tpu.vector_load %arg7[%get3A_572, %get3A_573] {strides = array<i32>} : memref<200x64xf32, #tpu.memory_space<vmem>>, vector<1x16xf32>,
        %get3A_575 = vector.shape_cast %get3A_574 : vector<1x16xf32> to vector<16xf32>
        %swap3A_576 = arith.index_cast %add3A_560 : i32 to index
        %swap3A_577 = arith.constant 16 : index
        %swap3A_578 = tpu.vector_load %arg13[%swap3A_576, %swap3A_577] {strides = array<i32>} : memref<40x64xf32, #tpu.memory_space<vmem>>, vector<1x16xf32>,
        %swap3A_579 = vector.shape_cast %swap3A_578 : vector<1x16xf32> to vector<16xf32>
        %swap3A_580 = vector.shape_cast %get3A_575 : vector<16xf32> to vector<1x16xf32>
        tpu.vector_store %arg13[%swap3A_576, %swap3A_577], %swap3A_580 {add = true, strides = array<i32>} : memref<40x64xf32, #tpu.memory_space<vmem>>, vector<1x16xf32>,
        %add3A_581 = arith.constant 0 : i32
        %add3A_582 = arith.addi %add3A_581, %add3A_560 : i32
        %get3A_583 = arith.index_cast %add3A_582 : i32 to index
        %get3A_584 = arith.constant 32 : index
        %get3A_585 = tpu.vector_load %arg7[%get3A_583, %get3A_584] {strides = array<i32>} : memref<200x64xf32, #tpu.memory_space<vmem>>, vector<1x16xf32>,
        %get3A_586 = vector.shape_cast %get3A_585 : vector<1x16xf32> to vector<16xf32>
        %swap3A_587 = arith.index_cast %add3A_560 : i32 to index
        %swap3A_588 = arith.constant 32 : index
        %swap3A_589 = tpu.vector_load %arg13[%swap3A_587, %swap3A_588] {strides = array<i32>} : memref<40x64xf32, #tpu.memory_space<vmem>>, vector<1x16xf32>,
        %swap3A_590 = vector.shape_cast %swap3A_589 : vector<1x16xf32> to vector<16xf32>
        %swap3A_591 = vector.shape_cast %get3A_586 : vector<16xf32> to vector<1x16xf32>
        tpu.vector_store %arg13[%swap3A_587, %swap3A_588], %swap3A_591 {add = true, strides = array<i32>} : memref<40x64xf32, #tpu.memory_space<vmem>>, vector<1x16xf32>,
        %add3A_592 = arith.constant 0 : i32
        %add3A_593 = arith.addi %add3A_592, %add3A_560 : i32
        %get3A_594 = arith.index_cast %add3A_593 : i32 to index
        %get3A_595 = arith.constant 48 : index
        %get3A_596 = tpu.vector_load %arg7[%get3A_594, %get3A_595] {strides = array<i32>} : memref<200x64xf32, #tpu.memory_space<vmem>>, vector<1x16xf32>,
        %get3A_597 = vector.shape_cast %get3A_596 : vector<1x16xf32> to vector<16xf32>
        %swap3A_598 = arith.index_cast %add3A_560 : i32 to index
        %swap3A_599 = arith.constant 48 : index
        %swap3A_600 = tpu.vector_load %arg13[%swap3A_598, %swap3A_599] {strides = array<i32>} : memref<40x64xf32, #tpu.memory_space<vmem>>, vector<1x16xf32>,
        %swap3A_601 = vector.shape_cast %swap3A_600 : vector<1x16xf32> to vector<16xf32>
        %swap3A_602 = vector.shape_cast %get3A_597 : vector<16xf32> to vector<1x16xf32>
        tpu.vector_store %arg13[%swap3A_598, %swap3A_599], %swap3A_602 {add = true, strides = array<i32>} : memref<40x64xf32, #tpu.memory_space<vmem>>, vector<1x16xf32>,
        %scan3A_603 = arith.constant 1 : i32
        %scan3A_604 = arith.addi %scan3A_556, %scan3A_603 : i32
        %mul3A_605 = arith.constant 1 : i32
        %mul3A_606 = arith.muli %scan3A_604, %mul3A_605 : i32
        %add3A_607 = arith.constant 0 : i32
        %add3A_608 = arith.addi %add3A_607, %mul3A_606 : i32
        %add3A_609 = arith.constant 0 : i32
        %add3A_610 = arith.addi %add3A_609, %add3A_608 : i32
        %get3A_611 = arith.index_cast %add3A_610 : i32 to index
        %get3A_612 = arith.constant 0 : index
        %get3A_613 = tpu.vector_load %arg7[%get3A_611, %get3A_612] {strides = array<i32>} : memref<200x64xf32, #tpu.memory_space<vmem>>, vector<1x16xf32>,
        %get3A_614 = vector.shape_cast %get3A_613 : vector<1x16xf32> to vector<16xf32>
        %swap3A_615 = arith.index_cast %add3A_608 : i32 to index
        %swap3A_616 = arith.constant 0 : index
        %swap3A_617 = tpu.vector_load %arg13[%swap3A_615, %swap3A_616] {strides = array<i32>} : memref<40x64xf32, #tpu.memory_space<vmem>>, vector<1x16xf32>,
        %swap3A_618 = vector.shape_cast %swap3A_617 : vector<1x16xf32> to vector<16xf32>
        %swap3A_619 = vector.shape_cast %get3A_614 : vector<16xf32> to vector<1x16xf32>
        tpu.vector_store %arg13[%swap3A_615, %swap3A_616], %swap3A_619 {add = true, strides = array<i32>} : memref<40x64xf32, #tpu.memory_space<vmem>>, vector<1x16xf32>,
        %add3A_620 = arith.constant 0 : i32
        %add3A_621 = arith.addi %add3A_620, %add3A_608 : i32
        %get3A_622 = arith.index_cast %add3A_621 : i32 to index
        %get3A_623 = arith.constant 16 : index
        %get3A_624 = tpu.vector_load %arg7[%get3A_622, %get3A_623] {strides = array<i32>} : memref<200x64xf32, #tpu.memory_space<vmem>>, vector<1x16xf32>,
        %get3A_625 = vector.shape_cast %get3A_624 : vector<1x16xf32> to vector<16xf32>
        %swap3A_626 = arith.index_cast %add3A_608 : i32 to index
        %swap3A_627 = arith.constant 16 : index
        %swap3A_628 = tpu.vector_load %arg13[%swap3A_626, %swap3A_627] {strides = array<i32>} : memref<40x64xf32, #tpu.memory_space<vmem>>, vector<1x16xf32>,
        %swap3A_629 = vector.shape_cast %swap3A_628 : vector<1x16xf32> to vector<16xf32>
        %swap3A_630 = vector.shape_cast %get3A_625 : vector<16xf32> to vector<1x16xf32>
        tpu.vector_store %arg13[%swap3A_626, %swap3A_627], %swap3A_630 {add = true, strides = array<i32>} : memref<40x64xf32, #tpu.memory_space<vmem>>, vector<1x16xf32>,
        %add3A_631 = arith.constant 0 : i32
        %add3A_632 = arith.addi %add3A_631, %add3A_608 : i32
        %get3A_633 = arith.index_cast %add3A_632 : i32 to index
        %get3A_634 = arith.constant 32 : index
        %get3A_635 = tpu.vector_load %arg7[%get3A_633, %get3A_634] {strides = array<i32>} : memref<200x64xf32, #tpu.memory_space<vmem>>, vector<1x16xf32>,
        %get3A_636 = vector.shape_cast %get3A_635 : vector<1x16xf32> to vector<16xf32>
        %swap3A_637 = arith.index_cast %add3A_608 : i32 to index
        %swap3A_638 = arith.constant 32 : index
        %swap3A_639 = tpu.vector_load %arg13[%swap3A_637, %swap3A_638] {strides = array<i32>} : memref<40x64xf32, #tpu.memory_space<vmem>>, vector<1x16xf32>,
        %swap3A_640 = vector.shape_cast %swap3A_639 : vector<1x16xf32> to vector<16xf32>
        %swap3A_641 = vector.shape_cast %get3A_636 : vector<16xf32> to vector<1x16xf32>
        tpu.vector_store %arg13[%swap3A_637, %swap3A_638], %swap3A_641 {add = true, strides = array<i32>} : memref<40x64xf32, #tpu.memory_space<vmem>>, vector<1x16xf32>,
        %add3A_642 = arith.constant 0 : i32
        %add3A_643 = arith.addi %add3A_642, %add3A_608 : i32
        %get3A_644 = arith.index_cast %add3A_643 : i32 to index
        %get3A_645 = arith.constant 48 : index
        %get3A_646 = tpu.vector_load %arg7[%get3A_644, %get3A_645] {strides = array<i32>} : memref<200x64xf32, #tpu.memory_space<vmem>>, vector<1x16xf32>,
        %get3A_647 = vector.shape_cast %get3A_646 : vector<1x16xf32> to vector<16xf32>
        %swap3A_648 = arith.index_cast %add3A_608 : i32 to index
        %swap3A_649 = arith.constant 48 : index
        %swap3A_650 = tpu.vector_load %arg13[%swap3A_648, %swap3A_649] {strides = array<i32>} : memref<40x64xf32, #tpu.memory_space<vmem>>, vector<1x16xf32>,
        %swap3A_651 = vector.shape_cast %swap3A_650 : vector<1x16xf32> to vector<16xf32>
        %swap3A_652 = vector.shape_cast %get3A_647 : vector<16xf32> to vector<1x16xf32>
        tpu.vector_store %arg13[%swap3A_648, %swap3A_649], %swap3A_652 {add = true, strides = array<i32>} : memref<40x64xf32, #tpu.memory_space<vmem>>, vector<1x16xf32>,
        %scan3A_653 = arith.constant 2 : i32
        %scan3A_654 = arith.addi %scan3A_556, %scan3A_653 : i32
        %mul3A_655 = arith.constant 1 : i32
        %mul3A_656 = arith.muli %scan3A_654, %mul3A_655 : i32
        %add3A_657 = arith.constant 0 : i32
        %add3A_658 = arith.addi %add3A_657, %mul3A_656 : i32
        %add3A_659 = arith.constant 0 : i32
        %add3A_660 = arith.addi %add3A_659, %add3A_658 : i32
        %get3A_661 = arith.index_cast %add3A_660 : i32 to index
        %get3A_662 = arith.constant 0 : index
        %get3A_663 = tpu.vector_load %arg7[%get3A_661, %get3A_662] {strides = array<i32>} : memref<200x64xf32, #tpu.memory_space<vmem>>, vector<1x16xf32>,
        %get3A_664 = vector.shape_cast %get3A_663 : vector<1x16xf32> to vector<16xf32>
        %swap3A_665 = arith.index_cast %add3A_658 : i32 to index
        %swap3A_666 = arith.constant 0 : index
        %swap3A_667 = tpu.vector_load %arg13[%swap3A_665, %swap3A_666] {strides = array<i32>} : memref<40x64xf32, #tpu.memory_space<vmem>>, vector<1x16xf32>,
        %swap3A_668 = vector.shape_cast %swap3A_667 : vector<1x16xf32> to vector<16xf32>
        %swap3A_669 = vector.shape_cast %get3A_664 : vector<16xf32> to vector<1x16xf32>
        tpu.vector_store %arg13[%swap3A_665, %swap3A_666], %swap3A_669 {add = true, strides = array<i32>} : memref<40x64xf32, #tpu.memory_space<vmem>>, vector<1x16xf32>,
        %add3A_670 = arith.constant 0 : i32
        %add3A_671 = arith.addi %add3A_670, %add3A_658 : i32
        %get3A_672 = arith.index_cast %add3A_671 : i32 to index
        %get3A_673 = arith.constant 16 : index
        %get3A_674 = tpu.vector_load %arg7[%get3A_672, %get3A_673] {strides = array<i32>} : memref<200x64xf32, #tpu.memory_space<vmem>>, vector<1x16xf32>,
        %get3A_675 = vector.shape_cast %get3A_674 : vector<1x16xf32> to vector<16xf32>
        %swap3A_676 = arith.index_cast %add3A_658 : i32 to index
        %swap3A_677 = arith.constant 16 : index
        %swap3A_678 = tpu.vector_load %arg13[%swap3A_676, %swap3A_677] {strides = array<i32>} : memref<40x64xf32, #tpu.memory_space<vmem>>, vector<1x16xf32>,
        %swap3A_679 = vector.shape_cast %swap3A_678 : vector<1x16xf32> to vector<16xf32>
        %swap3A_680 = vector.shape_cast %get3A_675 : vector<16xf32> to vector<1x16xf32>
        tpu.vector_store %arg13[%swap3A_676, %swap3A_677], %swap3A_680 {add = true, strides = array<i32>} : memref<40x64xf32, #tpu.memory_space<vmem>>, vector<1x16xf32>,
        %add3A_681 = arith.constant 0 : i32
        %add3A_682 = arith.addi %add3A_681, %add3A_658 : i32
        %get3A_683 = arith.index_cast %add3A_682 : i32 to index
        %get3A_684 = arith.constant 32 : index
        %get3A_685 = tpu.vector_load %arg7[%get3A_683, %get3A_684] {strides = array<i32>} : memref<200x64xf32, #tpu.memory_space<vmem>>, vector<1x16xf32>,
        %get3A_686 = vector.shape_cast %get3A_685 : vector<1x16xf32> to vector<16xf32>
        %swap3A_687 = arith.index_cast %add3A_658 : i32 to index
        %swap3A_688 = arith.constant 32 : index
        %swap3A_689 = tpu.vector_load %arg13[%swap3A_687, %swap3A_688] {strides = array<i32>} : memref<40x64xf32, #tpu.memory_space<vmem>>, vector<1x16xf32>,
        %swap3A_690 = vector.shape_cast %swap3A_689 : vector<1x16xf32> to vector<16xf32>
        %swap3A_691 = vector.shape_cast %get3A_686 : vector<16xf32> to vector<1x16xf32>
        tpu.vector_store %arg13[%swap3A_687, %swap3A_688], %swap3A_691 {add = true, strides = array<i32>} : memref<40x64xf32, #tpu.memory_space<vmem>>, vector<1x16xf32>,
        %add3A_692 = arith.constant 0 : i32
        %add3A_693 = arith.addi %add3A_692, %add3A_658 : i32
        %get3A_694 = arith.index_cast %add3A_693 : i32 to index
        %get3A_695 = arith.constant 48 : index
        %get3A_696 = tpu.vector_load %arg7[%get3A_694, %get3A_695] {strides = array<i32>} : memref<200x64xf32, #tpu.memory_space<vmem>>, vector<1x16xf32>,
        %get3A_697 = vector.shape_cast %get3A_696 : vector<1x16xf32> to vector<16xf32>
        %swap3A_698 = arith.index_cast %add3A_658 : i32 to index
        %swap3A_699 = arith.constant 48 : index
        %swap3A_700 = tpu.vector_load %arg13[%swap3A_698, %swap3A_699] {strides = array<i32>} : memref<40x64xf32, #tpu.memory_space<vmem>>, vector<1x16xf32>,
        %swap3A_701 = vector.shape_cast %swap3A_700 : vector<1x16xf32> to vector<16xf32>
        %swap3A_702 = vector.shape_cast %get3A_697 : vector<16xf32> to vector<1x16xf32>
        tpu.vector_store %arg13[%swap3A_698, %swap3A_699], %swap3A_702 {add = true, strides = array<i32>} : memref<40x64xf32, #tpu.memory_space<vmem>>, vector<1x16xf32>,
        %scan3A_703 = arith.constant 3 : i32
        %scan3A_704 = arith.addi %scan3A_556, %scan3A_703 : i32
        %mul3A_705 = arith.constant 1 : i32
        %mul3A_706 = arith.muli %scan3A_704, %mul3A_705 : i32
        %add3A_707 = arith.constant 0 : i32
        %add3A_708 = arith.addi %add3A_707, %mul3A_706 : i32
        %add3A_709 = arith.constant 0 : i32
        %add3A_710 = arith.addi %add3A_709, %add3A_708 : i32
        %get3A_711 = arith.index_cast %add3A_710 : i32 to index
        %get3A_712 = arith.constant 0 : index
        %get3A_713 = tpu.vector_load %arg7[%get3A_711, %get3A_712] {strides = array<i32>} : memref<200x64xf32, #tpu.memory_space<vmem>>, vector<1x16xf32>,
        %get3A_714 = vector.shape_cast %get3A_713 : vector<1x16xf32> to vector<16xf32>
        %swap3A_715 = arith.index_cast %add3A_708 : i32 to index
        %swap3A_716 = arith.constant 0 : index
        %swap3A_717 = tpu.vector_load %arg13[%swap3A_715, %swap3A_716] {strides = array<i32>} : memref<40x64xf32, #tpu.memory_space<vmem>>, vector<1x16xf32>,
        %swap3A_718 = vector.shape_cast %swap3A_717 : vector<1x16xf32> to vector<16xf32>
        %swap3A_719 = vector.shape_cast %get3A_714 : vector<16xf32> to vector<1x16xf32>
        tpu.vector_store %arg13[%swap3A_715, %swap3A_716], %swap3A_719 {add = true, strides = array<i32>} : memref<40x64xf32, #tpu.memory_space<vmem>>, vector<1x16xf32>,
        %add3A_720 = arith.constant 0 : i32
        %add3A_721 = arith.addi %add3A_720, %add3A_708 : i32
        %get3A_722 = arith.index_cast %add3A_721 : i32 to index
        %get3A_723 = arith.constant 16 : index
        %get3A_724 = tpu.vector_load %arg7[%get3A_722, %get3A_723] {strides = array<i32>} : memref<200x64xf32, #tpu.memory_space<vmem>>, vector<1x16xf32>,
        %get3A_725 = vector.shape_cast %get3A_724 : vector<1x16xf32> to vector<16xf32>
        %swap3A_726 = arith.index_cast %add3A_708 : i32 to index
        %swap3A_727 = arith.constant 16 : index
        %swap3A_728 = tpu.vector_load %arg13[%swap3A_726, %swap3A_727] {strides = array<i32>} : memref<40x64xf32, #tpu.memory_space<vmem>>, vector<1x16xf32>,
        %swap3A_729 = vector.shape_cast %swap3A_728 : vector<1x16xf32> to vector<16xf32>
        %swap3A_730 = vector.shape_cast %get3A_725 : vector<16xf32> to vector<1x16xf32>
        tpu.vector_store %arg13[%swap3A_726, %swap3A_727], %swap3A_730 {add = true, strides = array<i32>} : memref<40x64xf32, #tpu.memory_space<vmem>>, vector<1x16xf32>,
        %add3A_731 = arith.constant 0 : i32
        %add3A_732 = arith.addi %add3A_731, %add3A_708 : i32
        %get3A_733 = arith.index_cast %add3A_732 : i32 to index
        %get3A_734 = arith.constant 32 : index
        %get3A_735 = tpu.vector_load %arg7[%get3A_733, %get3A_734] {strides = array<i32>} : memref<200x64xf32, #tpu.memory_space<vmem>>, vector<1x16xf32>,
        %get3A_736 = vector.shape_cast %get3A_735 : vector<1x16xf32> to vector<16xf32>
        %swap3A_737 = arith.index_cast %add3A_708 : i32 to index
        %swap3A_738 = arith.constant 32 : index
        %swap3A_739 = tpu.vector_load %arg13[%swap3A_737, %swap3A_738] {strides = array<i32>} : memref<40x64xf32, #tpu.memory_space<vmem>>, vector<1x16xf32>,
        %swap3A_740 = vector.shape_cast %swap3A_739 : vector<1x16xf32> to vector<16xf32>
        %swap3A_741 = vector.shape_cast %get3A_736 : vector<16xf32> to vector<1x16xf32>
        tpu.vector_store %arg13[%swap3A_737, %swap3A_738], %swap3A_741 {add = true, strides = array<i32>} : memref<40x64xf32, #tpu.memory_space<vmem>>, vector<1x16xf32>,
        %add3A_742 = arith.constant 0 : i32
        %add3A_743 = arith.addi %add3A_742, %add3A_708 : i32
        %get3A_744 = arith.index_cast %add3A_743 : i32 to index
        %get3A_745 = arith.constant 48 : index
        %get3A_746 = tpu.vector_load %arg7[%get3A_744, %get3A_745] {strides = array<i32>} : memref<200x64xf32, #tpu.memory_space<vmem>>, vector<1x16xf32>,
        %get3A_747 = vector.shape_cast %get3A_746 : vector<1x16xf32> to vector<16xf32>
        %swap3A_748 = arith.index_cast %add3A_708 : i32 to index
        %swap3A_749 = arith.constant 48 : index
        %swap3A_750 = tpu.vector_load %arg13[%swap3A_748, %swap3A_749] {strides = array<i32>} : memref<40x64xf32, #tpu.memory_space<vmem>>, vector<1x16xf32>,
        %swap3A_751 = vector.shape_cast %swap3A_750 : vector<1x16xf32> to vector<16xf32>
        %swap3A_752 = vector.shape_cast %get3A_747 : vector<16xf32> to vector<1x16xf32>
        tpu.vector_store %arg13[%swap3A_748, %swap3A_749], %swap3A_752 {add = true, strides = array<i32>} : memref<40x64xf32, #tpu.memory_space<vmem>>, vector<1x16xf32>,
      }
      %scan3A_404 = arith.constant 40 : i32
      %div3A_405 = arith.constant 5 : i32
      %div3A_406 = arith.divsi %add3A_382, %div3A_405 : i32
      %add3A_407 = arith.addi %mul3A_2, %div3A_406 : i32
      %dma_start3A_408 = arith.constant 0 : i32
      %dma_start3A_409 = arith.constant 0 : i32
      %dma_start3A_410 = tpu.memref_slice %arg5[%add3A_407, %dma_start3A_408, %dma_start3A_409] : memref<4096x200x64xf32, #tpu.memory_space<hbm>> -> memref<1x40x64xf32, #tpu.memory_space<hbm>>
      %dma_start3A_411 = tpu.memref_squeeze %dma_start3A_410 : memref<1x40x64xf32, #tpu.memory_space<hbm>> -> memref<40x64xf32, #tpu.memory_space<hbm>>
      %dma_start3A_412 = arith.constant 0 : i32
      %dma_start3A_413 = arith.constant 0 : i32
      %dma_start3A_414 = tpu.memref_slice %arg5[%add3A_407, %dma_start3A_412, %dma_start3A_413] : memref<4096x200x64xf32, #tpu.memory_space<hbm>> -> memref<1x40x64xf32, #tpu.memory_space<hbm>>
      %dma_start3A_415 = tpu.memref_squeeze %dma_start3A_414 : memref<1x40x64xf32, #tpu.memory_space<hbm>> -> memref<40x64xf32, #tpu.memory_space<hbm>>
      tpu.enqueue_dma source(%arg13 : memref<40x64xf32, #tpu.memory_space<vmem>>) target(%dma_start3A_415 : memref<40x64xf32, #tpu.memory_space<hbm>>) target_semaphore(%arg33 : memref<!tpu.dma_semaphore, #tpu.memory_space<semaphore_mem>>)
      %add3A_416 = arith.constant 6 : i32
      %add3A_417 = arith.addi %add3A_209, %add3A_416 : i32
      %div3A_418 = arith.constant 5 : i32
      %div3A_419 = arith.divsi %add3A_417, %div3A_418 : i32
      %dma_wait3A_420 = arith.constant 40 : i32
      %dma_wait3A_421 = tpu.memref_slice %arg6[%div3A_419, %dma_wait3A_420] : memref<128x200xi32, #tpu.memory_space<vmem>> -> memref<1x40xi32, #tpu.memory_space<vmem>>
      %dma_wait3A_422 = tpu.memref_squeeze %dma_wait3A_421 : memref<1x40xi32, #tpu.memory_space<vmem>> -> memref<40xi32, #tpu.memory_space<vmem>>
      %dma_wait3A_423 = arith.constant 0 : i32
      %dma_wait3A_424 = arith.constant 0 : i32
      %dma_wait3A_425 = tpu.memref_slice %arg4[%dma_wait3A_423, %dma_wait3A_424] : memref<1000000x64xf32, #tpu.memory_space<hbm>> -> memref<1000000x64xf32, #tpu.memory_space<hbm>>
      tpu.wait_indirect_dma semaphore(%arg24 : memref<!tpu.dma_semaphore, #tpu.memory_space<semaphore_mem>>) src(%dma_wait3A_425 : memref<1000000x64xf32, #tpu.memory_space<hbm>>) dst(%arg14 : memref<40x64xf32, #tpu.memory_space<vmem>>)
      %add3A_426 = arith.constant 10 : i32
      %add3A_427 = arith.addi %add3A_417, %add3A_426 : i32
      %sub3A_428 = arith.constant 1 : i32
      %sub3A_429 = arith.subi %add3A_427, %sub3A_428 : i32
      %lt3A_430 = arith.constant 640 : i32
      %lt3A_431 = arith.cmpi slt, %sub3A_429, %lt3A_430 : i32
      %convert_element_type3A_432 = arith.extui %lt3A_431 : i1 to i32
      %cond3A_433 = arith.constant 0 : i32
      %cond3A_434 = arith.cmpi ne, %convert_element_type3A_432, %cond3A_433 : i32
      scf.if %cond3A_434 {
        %ge3A = arith.constant 1 : i32
        %ge3A_556 = arith.cmpi sge, %add3A_417, %ge3A : i32
        %convert_element_type3A_557 = arith.extui %ge3A_556 : i1 to i32
        %cond3A_558 = arith.constant 0 : i32
        %cond3A_559 = arith.cmpi ne, %convert_element_type3A_557, %cond3A_558 : i32
        scf.if %cond3A_559 {
          %sub3A_572 = arith.constant 1 : i32
          %sub3A_573 = arith.subi %add3A_417, %sub3A_572 : i32
          %div3A_574 = arith.constant 5 : i32
          %div3A_575 = arith.divsi %sub3A_573, %div3A_574 : i32
          %add3A_576 = arith.addi %mul3A_2, %div3A_575 : i32
          %dma_wait3A_577 = arith.constant 0 : i32
          %dma_wait3A_578 = arith.constant 0 : i32
          %dma_wait3A_579 = tpu.memref_slice %arg5[%add3A_576, %dma_wait3A_577, %dma_wait3A_578] : memref<4096x200x64xf32, #tpu.memory_space<hbm>> -> memref<1x40x64xf32, #tpu.memory_space<hbm>>
          %dma_wait3A_580 = tpu.memref_squeeze %dma_wait3A_579 : memref<1x40x64xf32, #tpu.memory_space<hbm>> -> memref<40x64xf32, #tpu.memory_space<hbm>>
          %dma_wait3A_581 = arith.constant 0 : i32
          %dma_wait3A_582 = arith.constant 0 : i32
          %dma_wait3A_583 = tpu.memref_slice %arg5[%add3A_576, %dma_wait3A_581, %dma_wait3A_582] : memref<4096x200x64xf32, #tpu.memory_space<hbm>> -> memref<1x40x64xf32, #tpu.memory_space<hbm>>
          %dma_wait3A_584 = tpu.memref_squeeze %dma_wait3A_583 : memref<1x40x64xf32, #tpu.memory_space<hbm>> -> memref<40x64xf32, #tpu.memory_space<hbm>>
          tpu.wait_dma2 semaphore(%arg33 : memref<!tpu.dma_semaphore, #tpu.memory_space<semaphore_mem>>) src(%arg13 : memref<40x64xf32, #tpu.memory_space<vmem>>) dst(%dma_wait3A_584 : memref<40x64xf32, #tpu.memory_space<hbm>>)
        } else {
        }
        %add3A_560 = arith.constant 10 : i32
        %add3A_561 = arith.addi %add3A_417, %add3A_560 : i32
        %sub3A_562 = arith.constant 1 : i32
        %sub3A_563 = arith.subi %add3A_561, %sub3A_562 : i32
        %div3A_564 = arith.constant 5 : i32
        %div3A_565 = arith.divsi %sub3A_563, %div3A_564 : i32
        %dma_start3A_566 = arith.constant 0 : i32
        %dma_start3A_567 = tpu.memref_slice %arg6[%div3A_565, %dma_start3A_566] : memref<128x200xi32, #tpu.memory_space<vmem>> -> memref<1x40xi32, #tpu.memory_space<vmem>>
        %dma_start3A_568 = tpu.memref_squeeze %dma_start3A_567 : memref<1x40xi32, #tpu.memory_space<vmem>> -> memref<40xi32, #tpu.memory_space<vmem>>
        %dma_start3A_569 = arith.constant 0 : i32
        %dma_start3A_570 = arith.constant 0 : i32
        %dma_start3A_571 = tpu.memref_slice %arg4[%dma_start3A_569, %dma_start3A_570] : memref<1000000x64xf32, #tpu.memory_space<hbm>> -> memref<1000000x64xf32, #tpu.memory_space<hbm>>
        tpu.enqueue_indirect_dma source(%dma_start3A_571 : memref<1000000x64xf32, #tpu.memory_space<hbm>>) target(%arg13 : memref<40x64xf32, #tpu.memory_space<vmem>>) offsets(%dma_start3A_568 : memref<40xi32, #tpu.memory_space<vmem>>) semaphore(%arg23 : memref<!tpu.dma_semaphore, #tpu.memory_space<semaphore_mem>>)
      } else {
      }
      %scan3A_435 = arith.constant 0 : i32
      %scan3A_436 = arith.constant 40 : i32
      %scan3A_437 = arith.addi %scan3A_435, %scan3A_436 : i32
      %scan3A_438 = arith.constant 4 : i32
      scf.for %scan3A_556 = %scan3A_435 to %scan3A_437 step %scan3A_438  : i32 {
        %mul3A_557 = arith.constant 1 : i32
        %mul3A_558 = arith.muli %scan3A_556, %mul3A_557 : i32
        %add3A_559 = arith.constant 0 : i32
        %add3A_560 = arith.addi %add3A_559, %mul3A_558 : i32
        %add3A_561 = arith.constant 40 : i32
        %add3A_562 = arith.addi %add3A_561, %add3A_560 : i32
        %get3A = arith.index_cast %add3A_562 : i32 to index
        %get3A_563 = arith.constant 0 : index
        %get3A_564 = tpu.vector_load %arg7[%get3A, %get3A_563] {strides = array<i32>} : memref<200x64xf32, #tpu.memory_space<vmem>>, vector<1x16xf32>,
        %get3A_565 = vector.shape_cast %get3A_564 : vector<1x16xf32> to vector<16xf32>
        %swap3A = arith.index_cast %add3A_560 : i32 to index
        %swap3A_566 = arith.constant 0 : index
        %swap3A_567 = tpu.vector_load %arg14[%swap3A, %swap3A_566] {strides = array<i32>} : memref<40x64xf32, #tpu.memory_space<vmem>>, vector<1x16xf32>,
        %swap3A_568 = vector.shape_cast %swap3A_567 : vector<1x16xf32> to vector<16xf32>
        %swap3A_569 = vector.shape_cast %get3A_565 : vector<16xf32> to vector<1x16xf32>
        tpu.vector_store %arg14[%swap3A, %swap3A_566], %swap3A_569 {add = true, strides = array<i32>} : memref<40x64xf32, #tpu.memory_space<vmem>>, vector<1x16xf32>,
        %add3A_570 = arith.constant 40 : i32
        %add3A_571 = arith.addi %add3A_570, %add3A_560 : i32
        %get3A_572 = arith.index_cast %add3A_571 : i32 to index
        %get3A_573 = arith.constant 16 : index
        %get3A_574 = tpu.vector_load %arg7[%get3A_572, %get3A_573] {strides = array<i32>} : memref<200x64xf32, #tpu.memory_space<vmem>>, vector<1x16xf32>,
        %get3A_575 = vector.shape_cast %get3A_574 : vector<1x16xf32> to vector<16xf32>
        %swap3A_576 = arith.index_cast %add3A_560 : i32 to index
        %swap3A_577 = arith.constant 16 : index
        %swap3A_578 = tpu.vector_load %arg14[%swap3A_576, %swap3A_577] {strides = array<i32>} : memref<40x64xf32, #tpu.memory_space<vmem>>, vector<1x16xf32>,
        %swap3A_579 = vector.shape_cast %swap3A_578 : vector<1x16xf32> to vector<16xf32>
        %swap3A_580 = vector.shape_cast %get3A_575 : vector<16xf32> to vector<1x16xf32>
        tpu.vector_store %arg14[%swap3A_576, %swap3A_577], %swap3A_580 {add = true, strides = array<i32>} : memref<40x64xf32, #tpu.memory_space<vmem>>, vector<1x16xf32>,
        %add3A_581 = arith.constant 40 : i32
        %add3A_582 = arith.addi %add3A_581, %add3A_560 : i32
        %get3A_583 = arith.index_cast %add3A_582 : i32 to index
        %get3A_584 = arith.constant 32 : index
        %get3A_585 = tpu.vector_load %arg7[%get3A_583, %get3A_584] {strides = array<i32>} : memref<200x64xf32, #tpu.memory_space<vmem>>, vector<1x16xf32>,
        %get3A_586 = vector.shape_cast %get3A_585 : vector<1x16xf32> to vector<16xf32>
        %swap3A_587 = arith.index_cast %add3A_560 : i32 to index
        %swap3A_588 = arith.constant 32 : index
        %swap3A_589 = tpu.vector_load %arg14[%swap3A_587, %swap3A_588] {strides = array<i32>} : memref<40x64xf32, #tpu.memory_space<vmem>>, vector<1x16xf32>,
        %swap3A_590 = vector.shape_cast %swap3A_589 : vector<1x16xf32> to vector<16xf32>
        %swap3A_591 = vector.shape_cast %get3A_586 : vector<16xf32> to vector<1x16xf32>
        tpu.vector_store %arg14[%swap3A_587, %swap3A_588], %swap3A_591 {add = true, strides = array<i32>} : memref<40x64xf32, #tpu.memory_space<vmem>>, vector<1x16xf32>,
        %add3A_592 = arith.constant 40 : i32
        %add3A_593 = arith.addi %add3A_592, %add3A_560 : i32
        %get3A_594 = arith.index_cast %add3A_593 : i32 to index
        %get3A_595 = arith.constant 48 : index
        %get3A_596 = tpu.vector_load %arg7[%get3A_594, %get3A_595] {strides = array<i32>} : memref<200x64xf32, #tpu.memory_space<vmem>>, vector<1x16xf32>,
        %get3A_597 = vector.shape_cast %get3A_596 : vector<1x16xf32> to vector<16xf32>
        %swap3A_598 = arith.index_cast %add3A_560 : i32 to index
        %swap3A_599 = arith.constant 48 : index
        %swap3A_600 = tpu.vector_load %arg14[%swap3A_598, %swap3A_599] {strides = array<i32>} : memref<40x64xf32, #tpu.memory_space<vmem>>, vector<1x16xf32>,
        %swap3A_601 = vector.shape_cast %swap3A_600 : vector<1x16xf32> to vector<16xf32>
        %swap3A_602 = vector.shape_cast %get3A_597 : vector<16xf32> to vector<1x16xf32>
        tpu.vector_store %arg14[%swap3A_598, %swap3A_599], %swap3A_602 {add = true, strides = array<i32>} : memref<40x64xf32, #tpu.memory_space<vmem>>, vector<1x16xf32>,
        %scan3A_603 = arith.constant 1 : i32
        %scan3A_604 = arith.addi %scan3A_556, %scan3A_603 : i32
        %mul3A_605 = arith.constant 1 : i32
        %mul3A_606 = arith.muli %scan3A_604, %mul3A_605 : i32
        %add3A_607 = arith.constant 0 : i32
        %add3A_608 = arith.addi %add3A_607, %mul3A_606 : i32
        %add3A_609 = arith.constant 40 : i32
        %add3A_610 = arith.addi %add3A_609, %add3A_608 : i32
        %get3A_611 = arith.index_cast %add3A_610 : i32 to index
        %get3A_612 = arith.constant 0 : index
        %get3A_613 = tpu.vector_load %arg7[%get3A_611, %get3A_612] {strides = array<i32>} : memref<200x64xf32, #tpu.memory_space<vmem>>, vector<1x16xf32>,
        %get3A_614 = vector.shape_cast %get3A_613 : vector<1x16xf32> to vector<16xf32>
        %swap3A_615 = arith.index_cast %add3A_608 : i32 to index
        %swap3A_616 = arith.constant 0 : index
        %swap3A_617 = tpu.vector_load %arg14[%swap3A_615, %swap3A_616] {strides = array<i32>} : memref<40x64xf32, #tpu.memory_space<vmem>>, vector<1x16xf32>,
        %swap3A_618 = vector.shape_cast %swap3A_617 : vector<1x16xf32> to vector<16xf32>
        %swap3A_619 = vector.shape_cast %get3A_614 : vector<16xf32> to vector<1x16xf32>
        tpu.vector_store %arg14[%swap3A_615, %swap3A_616], %swap3A_619 {add = true, strides = array<i32>} : memref<40x64xf32, #tpu.memory_space<vmem>>, vector<1x16xf32>,
        %add3A_620 = arith.constant 40 : i32
        %add3A_621 = arith.addi %add3A_620, %add3A_608 : i32
        %get3A_622 = arith.index_cast %add3A_621 : i32 to index
        %get3A_623 = arith.constant 16 : index
        %get3A_624 = tpu.vector_load %arg7[%get3A_622, %get3A_623] {strides = array<i32>} : memref<200x64xf32, #tpu.memory_space<vmem>>, vector<1x16xf32>,
        %get3A_625 = vector.shape_cast %get3A_624 : vector<1x16xf32> to vector<16xf32>
        %swap3A_626 = arith.index_cast %add3A_608 : i32 to index
        %swap3A_627 = arith.constant 16 : index
        %swap3A_628 = tpu.vector_load %arg14[%swap3A_626, %swap3A_627] {strides = array<i32>} : memref<40x64xf32, #tpu.memory_space<vmem>>, vector<1x16xf32>,
        %swap3A_629 = vector.shape_cast %swap3A_628 : vector<1x16xf32> to vector<16xf32>
        %swap3A_630 = vector.shape_cast %get3A_625 : vector<16xf32> to vector<1x16xf32>
        tpu.vector_store %arg14[%swap3A_626, %swap3A_627], %swap3A_630 {add = true, strides = array<i32>} : memref<40x64xf32, #tpu.memory_space<vmem>>, vector<1x16xf32>,
        %add3A_631 = arith.constant 40 : i32
        %add3A_632 = arith.addi %add3A_631, %add3A_608 : i32
        %get3A_633 = arith.index_cast %add3A_632 : i32 to index
        %get3A_634 = arith.constant 32 : index
        %get3A_635 = tpu.vector_load %arg7[%get3A_633, %get3A_634] {strides = array<i32>} : memref<200x64xf32, #tpu.memory_space<vmem>>, vector<1x16xf32>,
        %get3A_636 = vector.shape_cast %get3A_635 : vector<1x16xf32> to vector<16xf32>
        %swap3A_637 = arith.index_cast %add3A_608 : i32 to index
        %swap3A_638 = arith.constant 32 : index
        %swap3A_639 = tpu.vector_load %arg14[%swap3A_637, %swap3A_638] {strides = array<i32>} : memref<40x64xf32, #tpu.memory_space<vmem>>, vector<1x16xf32>,
        %swap3A_640 = vector.shape_cast %swap3A_639 : vector<1x16xf32> to vector<16xf32>
        %swap3A_641 = vector.shape_cast %get3A_636 : vector<16xf32> to vector<1x16xf32>
        tpu.vector_store %arg14[%swap3A_637, %swap3A_638], %swap3A_641 {add = true, strides = array<i32>} : memref<40x64xf32, #tpu.memory_space<vmem>>, vector<1x16xf32>,
        %add3A_642 = arith.constant 40 : i32
        %add3A_643 = arith.addi %add3A_642, %add3A_608 : i32
        %get3A_644 = arith.index_cast %add3A_643 : i32 to index
        %get3A_645 = arith.constant 48 : index
        %get3A_646 = tpu.vector_load %arg7[%get3A_644, %get3A_645] {strides = array<i32>} : memref<200x64xf32, #tpu.memory_space<vmem>>, vector<1x16xf32>,
        %get3A_647 = vector.shape_cast %get3A_646 : vector<1x16xf32> to vector<16xf32>
        %swap3A_648 = arith.index_cast %add3A_608 : i32 to index
        %swap3A_649 = arith.constant 48 : index
        %swap3A_650 = tpu.vector_load %arg14[%swap3A_648, %swap3A_649] {strides = array<i32>} : memref<40x64xf32, #tpu.memory_space<vmem>>, vector<1x16xf32>,
        %swap3A_651 = vector.shape_cast %swap3A_650 : vector<1x16xf32> to vector<16xf32>
        %swap3A_652 = vector.shape_cast %get3A_647 : vector<16xf32> to vector<1x16xf32>
        tpu.vector_store %arg14[%swap3A_648, %swap3A_649], %swap3A_652 {add = true, strides = array<i32>} : memref<40x64xf32, #tpu.memory_space<vmem>>, vector<1x16xf32>,
        %scan3A_653 = arith.constant 2 : i32
        %scan3A_654 = arith.addi %scan3A_556, %scan3A_653 : i32
        %mul3A_655 = arith.constant 1 : i32
        %mul3A_656 = arith.muli %scan3A_654, %mul3A_655 : i32
        %add3A_657 = arith.constant 0 : i32
        %add3A_658 = arith.addi %add3A_657, %mul3A_656 : i32
        %add3A_659 = arith.constant 40 : i32
        %add3A_660 = arith.addi %add3A_659, %add3A_658 : i32
        %get3A_661 = arith.index_cast %add3A_660 : i32 to index
        %get3A_662 = arith.constant 0 : index
        %get3A_663 = tpu.vector_load %arg7[%get3A_661, %get3A_662] {strides = array<i32>} : memref<200x64xf32, #tpu.memory_space<vmem>>, vector<1x16xf32>,
        %get3A_664 = vector.shape_cast %get3A_663 : vector<1x16xf32> to vector<16xf32>
        %swap3A_665 = arith.index_cast %add3A_658 : i32 to index
        %swap3A_666 = arith.constant 0 : index
        %swap3A_667 = tpu.vector_load %arg14[%swap3A_665, %swap3A_666] {strides = array<i32>} : memref<40x64xf32, #tpu.memory_space<vmem>>, vector<1x16xf32>,
        %swap3A_668 = vector.shape_cast %swap3A_667 : vector<1x16xf32> to vector<16xf32>
        %swap3A_669 = vector.shape_cast %get3A_664 : vector<16xf32> to vector<1x16xf32>
        tpu.vector_store %arg14[%swap3A_665, %swap3A_666], %swap3A_669 {add = true, strides = array<i32>} : memref<40x64xf32, #tpu.memory_space<vmem>>, vector<1x16xf32>,
        %add3A_670 = arith.constant 40 : i32
        %add3A_671 = arith.addi %add3A_670, %add3A_658 : i32
        %get3A_672 = arith.index_cast %add3A_671 : i32 to index
        %get3A_673 = arith.constant 16 : index
        %get3A_674 = tpu.vector_load %arg7[%get3A_672, %get3A_673] {strides = array<i32>} : memref<200x64xf32, #tpu.memory_space<vmem>>, vector<1x16xf32>,
        %get3A_675 = vector.shape_cast %get3A_674 : vector<1x16xf32> to vector<16xf32>
        %swap3A_676 = arith.index_cast %add3A_658 : i32 to index
        %swap3A_677 = arith.constant 16 : index
        %swap3A_678 = tpu.vector_load %arg14[%swap3A_676, %swap3A_677] {strides = array<i32>} : memref<40x64xf32, #tpu.memory_space<vmem>>, vector<1x16xf32>,
        %swap3A_679 = vector.shape_cast %swap3A_678 : vector<1x16xf32> to vector<16xf32>
        %swap3A_680 = vector.shape_cast %get3A_675 : vector<16xf32> to vector<1x16xf32>
        tpu.vector_store %arg14[%swap3A_676, %swap3A_677], %swap3A_680 {add = true, strides = array<i32>} : memref<40x64xf32, #tpu.memory_space<vmem>>, vector<1x16xf32>,
        %add3A_681 = arith.constant 40 : i32
        %add3A_682 = arith.addi %add3A_681, %add3A_658 : i32
        %get3A_683 = arith.index_cast %add3A_682 : i32 to index
        %get3A_684 = arith.constant 32 : index
        %get3A_685 = tpu.vector_load %arg7[%get3A_683, %get3A_684] {strides = array<i32>} : memref<200x64xf32, #tpu.memory_space<vmem>>, vector<1x16xf32>,
        %get3A_686 = vector.shape_cast %get3A_685 : vector<1x16xf32> to vector<16xf32>
        %swap3A_687 = arith.index_cast %add3A_658 : i32 to index
        %swap3A_688 = arith.constant 32 : index
        %swap3A_689 = tpu.vector_load %arg14[%swap3A_687, %swap3A_688] {strides = array<i32>} : memref<40x64xf32, #tpu.memory_space<vmem>>, vector<1x16xf32>,
        %swap3A_690 = vector.shape_cast %swap3A_689 : vector<1x16xf32> to vector<16xf32>
        %swap3A_691 = vector.shape_cast %get3A_686 : vector<16xf32> to vector<1x16xf32>
        tpu.vector_store %arg14[%swap3A_687, %swap3A_688], %swap3A_691 {add = true, strides = array<i32>} : memref<40x64xf32, #tpu.memory_space<vmem>>, vector<1x16xf32>,
        %add3A_692 = arith.constant 40 : i32
        %add3A_693 = arith.addi %add3A_692, %add3A_658 : i32
        %get3A_694 = arith.index_cast %add3A_693 : i32 to index
        %get3A_695 = arith.constant 48 : index
        %get3A_696 = tpu.vector_load %arg7[%get3A_694, %get3A_695] {strides = array<i32>} : memref<200x64xf32, #tpu.memory_space<vmem>>, vector<1x16xf32>,
        %get3A_697 = vector.shape_cast %get3A_696 : vector<1x16xf32> to vector<16xf32>
        %swap3A_698 = arith.index_cast %add3A_658 : i32 to index
        %swap3A_699 = arith.constant 48 : index
        %swap3A_700 = tpu.vector_load %arg14[%swap3A_698, %swap3A_699] {strides = array<i32>} : memref<40x64xf32, #tpu.memory_space<vmem>>, vector<1x16xf32>,
        %swap3A_701 = vector.shape_cast %swap3A_700 : vector<1x16xf32> to vector<16xf32>
        %swap3A_702 = vector.shape_cast %get3A_697 : vector<16xf32> to vector<1x16xf32>
        tpu.vector_store %arg14[%swap3A_698, %swap3A_699], %swap3A_702 {add = true, strides = array<i32>} : memref<40x64xf32, #tpu.memory_space<vmem>>, vector<1x16xf32>,
        %scan3A_703 = arith.constant 3 : i32
        %scan3A_704 = arith.addi %scan3A_556, %scan3A_703 : i32
        %mul3A_705 = arith.constant 1 : i32
        %mul3A_706 = arith.muli %scan3A_704, %mul3A_705 : i32
        %add3A_707 = arith.constant 0 : i32
        %add3A_708 = arith.addi %add3A_707, %mul3A_706 : i32
        %add3A_709 = arith.constant 40 : i32
        %add3A_710 = arith.addi %add3A_709, %add3A_708 : i32
        %get3A_711 = arith.index_cast %add3A_710 : i32 to index
        %get3A_712 = arith.constant 0 : index
        %get3A_713 = tpu.vector_load %arg7[%get3A_711, %get3A_712] {strides = array<i32>} : memref<200x64xf32, #tpu.memory_space<vmem>>, vector<1x16xf32>,
        %get3A_714 = vector.shape_cast %get3A_713 : vector<1x16xf32> to vector<16xf32>
        %swap3A_715 = arith.index_cast %add3A_708 : i32 to index
        %swap3A_716 = arith.constant 0 : index
        %swap3A_717 = tpu.vector_load %arg14[%swap3A_715, %swap3A_716] {strides = array<i32>} : memref<40x64xf32, #tpu.memory_space<vmem>>, vector<1x16xf32>,
        %swap3A_718 = vector.shape_cast %swap3A_717 : vector<1x16xf32> to vector<16xf32>
        %swap3A_719 = vector.shape_cast %get3A_714 : vector<16xf32> to vector<1x16xf32>
        tpu.vector_store %arg14[%swap3A_715, %swap3A_716], %swap3A_719 {add = true, strides = array<i32>} : memref<40x64xf32, #tpu.memory_space<vmem>>, vector<1x16xf32>,
        %add3A_720 = arith.constant 40 : i32
        %add3A_721 = arith.addi %add3A_720, %add3A_708 : i32
        %get3A_722 = arith.index_cast %add3A_721 : i32 to index
        %get3A_723 = arith.constant 16 : index
        %get3A_724 = tpu.vector_load %arg7[%get3A_722, %get3A_723] {strides = array<i32>} : memref<200x64xf32, #tpu.memory_space<vmem>>, vector<1x16xf32>,
        %get3A_725 = vector.shape_cast %get3A_724 : vector<1x16xf32> to vector<16xf32>
        %swap3A_726 = arith.index_cast %add3A_708 : i32 to index
        %swap3A_727 = arith.constant 16 : index
        %swap3A_728 = tpu.vector_load %arg14[%swap3A_726, %swap3A_727] {strides = array<i32>} : memref<40x64xf32, #tpu.memory_space<vmem>>, vector<1x16xf32>,
        %swap3A_729 = vector.shape_cast %swap3A_728 : vector<1x16xf32> to vector<16xf32>
        %swap3A_730 = vector.shape_cast %get3A_725 : vector<16xf32> to vector<1x16xf32>
        tpu.vector_store %arg14[%swap3A_726, %swap3A_727], %swap3A_730 {add = true, strides = array<i32>} : memref<40x64xf32, #tpu.memory_space<vmem>>, vector<1x16xf32>,
        %add3A_731 = arith.constant 40 : i32
        %add3A_732 = arith.addi %add3A_731, %add3A_708 : i32
        %get3A_733 = arith.index_cast %add3A_732 : i32 to index
        %get3A_734 = arith.constant 32 : index
        %get3A_735 = tpu.vector_load %arg7[%get3A_733, %get3A_734] {strides = array<i32>} : memref<200x64xf32, #tpu.memory_space<vmem>>, vector<1x16xf32>,
        %get3A_736 = vector.shape_cast %get3A_735 : vector<1x16xf32> to vector<16xf32>
        %swap3A_737 = arith.index_cast %add3A_708 : i32 to index
        %swap3A_738 = arith.constant 32 : index
        %swap3A_739 = tpu.vector_load %arg14[%swap3A_737, %swap3A_738] {strides = array<i32>} : memref<40x64xf32, #tpu.memory_space<vmem>>, vector<1x16xf32>,
        %swap3A_740 = vector.shape_cast %swap3A_739 : vector<1x16xf32> to vector<16xf32>
        %swap3A_741 = vector.shape_cast %get3A_736 : vector<16xf32> to vector<1x16xf32>
        tpu.vector_store %arg14[%swap3A_737, %swap3A_738], %swap3A_741 {add = true, strides = array<i32>} : memref<40x64xf32, #tpu.memory_space<vmem>>, vector<1x16xf32>,
        %add3A_742 = arith.constant 40 : i32
        %add3A_743 = arith.addi %add3A_742, %add3A_708 : i32
        %get3A_744 = arith.index_cast %add3A_743 : i32 to index
        %get3A_745 = arith.constant 48 : index
        %get3A_746 = tpu.vector_load %arg7[%get3A_744, %get3A_745] {strides = array<i32>} : memref<200x64xf32, #tpu.memory_space<vmem>>, vector<1x16xf32>,
        %get3A_747 = vector.shape_cast %get3A_746 : vector<1x16xf32> to vector<16xf32>
        %swap3A_748 = arith.index_cast %add3A_708 : i32 to index
        %swap3A_749 = arith.constant 48 : index
        %swap3A_750 = tpu.vector_load %arg14[%swap3A_748, %swap3A_749] {strides = array<i32>} : memref<40x64xf32, #tpu.memory_space<vmem>>, vector<1x16xf32>,
        %swap3A_751 = vector.shape_cast %swap3A_750 : vector<1x16xf32> to vector<16xf32>
        %swap3A_752 = vector.shape_cast %get3A_747 : vector<16xf32> to vector<1x16xf32>
        tpu.vector_store %arg14[%swap3A_748, %swap3A_749], %swap3A_752 {add = true, strides = array<i32>} : memref<40x64xf32, #tpu.memory_space<vmem>>, vector<1x16xf32>,
      }
      %scan3A_439 = arith.constant 40 : i32
      %div3A_440 = arith.constant 5 : i32
      %div3A_441 = arith.divsi %add3A_417, %div3A_440 : i32
      %add3A_442 = arith.addi %mul3A_2, %div3A_441 : i32
      %dma_start3A_443 = arith.constant 40 : i32
      %dma_start3A_444 = arith.constant 0 : i32
      %dma_start3A_445 = tpu.memref_slice %arg5[%add3A_442, %dma_start3A_443, %dma_start3A_444] : memref<4096x200x64xf32, #tpu.memory_space<hbm>> -> memref<1x40x64xf32, #tpu.memory_space<hbm>>
      %dma_start3A_446 = tpu.memref_squeeze %dma_start3A_445 : memref<1x40x64xf32, #tpu.memory_space<hbm>> -> memref<40x64xf32, #tpu.memory_space<hbm>>
      %dma_start3A_447 = arith.constant 40 : i32
      %dma_start3A_448 = arith.constant 0 : i32
      %dma_start3A_449 = tpu.memref_slice %arg5[%add3A_442, %dma_start3A_447, %dma_start3A_448] : memref<4096x200x64xf32, #tpu.memory_space<hbm>> -> memref<1x40x64xf32, #tpu.memory_space<hbm>>
      %dma_start3A_450 = tpu.memref_squeeze %dma_start3A_449 : memref<1x40x64xf32, #tpu.memory_space<hbm>> -> memref<40x64xf32, #tpu.memory_space<hbm>>
      tpu.enqueue_dma source(%arg14 : memref<40x64xf32, #tpu.memory_space<vmem>>) target(%dma_start3A_450 : memref<40x64xf32, #tpu.memory_space<hbm>>) target_semaphore(%arg34 : memref<!tpu.dma_semaphore, #tpu.memory_space<semaphore_mem>>)
      %add3A_451 = arith.constant 7 : i32
      %add3A_452 = arith.addi %add3A_209, %add3A_451 : i32
      %div3A_453 = arith.constant 5 : i32
      %div3A_454 = arith.divsi %add3A_452, %div3A_453 : i32
      %dma_wait3A_455 = arith.constant 80 : i32
      %dma_wait3A_456 = tpu.memref_slice %arg6[%div3A_454, %dma_wait3A_455] : memref<128x200xi32, #tpu.memory_space<vmem>> -> memref<1x40xi32, #tpu.memory_space<vmem>>
      %dma_wait3A_457 = tpu.memref_squeeze %dma_wait3A_456 : memref<1x40xi32, #tpu.memory_space<vmem>> -> memref<40xi32, #tpu.memory_space<vmem>>
      %dma_wait3A_458 = arith.constant 0 : i32
      %dma_wait3A_459 = arith.constant 0 : i32
      %dma_wait3A_460 = tpu.memref_slice %arg4[%dma_wait3A_458, %dma_wait3A_459] : memref<1000000x64xf32, #tpu.memory_space<hbm>> -> memref<1000000x64xf32, #tpu.memory_space<hbm>>
      tpu.wait_indirect_dma semaphore(%arg25 : memref<!tpu.dma_semaphore, #tpu.memory_space<semaphore_mem>>) src(%dma_wait3A_460 : memref<1000000x64xf32, #tpu.memory_space<hbm>>) dst(%arg15 : memref<40x64xf32, #tpu.memory_space<vmem>>)
      %add3A_461 = arith.constant 10 : i32
      %add3A_462 = arith.addi %add3A_452, %add3A_461 : i32
      %sub3A_463 = arith.constant 1 : i32
      %sub3A_464 = arith.subi %add3A_462, %sub3A_463 : i32
      %lt3A_465 = arith.constant 640 : i32
      %lt3A_466 = arith.cmpi slt, %sub3A_464, %lt3A_465 : i32
      %convert_element_type3A_467 = arith.extui %lt3A_466 : i1 to i32
      %cond3A_468 = arith.constant 0 : i32
      %cond3A_469 = arith.cmpi ne, %convert_element_type3A_467, %cond3A_468 : i32
      scf.if %cond3A_469 {
        %ge3A = arith.constant 1 : i32
        %ge3A_556 = arith.cmpi sge, %add3A_452, %ge3A : i32
        %convert_element_type3A_557 = arith.extui %ge3A_556 : i1 to i32
        %cond3A_558 = arith.constant 0 : i32
        %cond3A_559 = arith.cmpi ne, %convert_element_type3A_557, %cond3A_558 : i32
        scf.if %cond3A_559 {
          %sub3A_572 = arith.constant 1 : i32
          %sub3A_573 = arith.subi %add3A_452, %sub3A_572 : i32
          %div3A_574 = arith.constant 5 : i32
          %div3A_575 = arith.divsi %sub3A_573, %div3A_574 : i32
          %add3A_576 = arith.addi %mul3A_2, %div3A_575 : i32
          %dma_wait3A_577 = arith.constant 40 : i32
          %dma_wait3A_578 = arith.constant 0 : i32
          %dma_wait3A_579 = tpu.memref_slice %arg5[%add3A_576, %dma_wait3A_577, %dma_wait3A_578] : memref<4096x200x64xf32, #tpu.memory_space<hbm>> -> memref<1x40x64xf32, #tpu.memory_space<hbm>>
          %dma_wait3A_580 = tpu.memref_squeeze %dma_wait3A_579 : memref<1x40x64xf32, #tpu.memory_space<hbm>> -> memref<40x64xf32, #tpu.memory_space<hbm>>
          %dma_wait3A_581 = arith.constant 40 : i32
          %dma_wait3A_582 = arith.constant 0 : i32
          %dma_wait3A_583 = tpu.memref_slice %arg5[%add3A_576, %dma_wait3A_581, %dma_wait3A_582] : memref<4096x200x64xf32, #tpu.memory_space<hbm>> -> memref<1x40x64xf32, #tpu.memory_space<hbm>>
          %dma_wait3A_584 = tpu.memref_squeeze %dma_wait3A_583 : memref<1x40x64xf32, #tpu.memory_space<hbm>> -> memref<40x64xf32, #tpu.memory_space<hbm>>
          tpu.wait_dma2 semaphore(%arg34 : memref<!tpu.dma_semaphore, #tpu.memory_space<semaphore_mem>>) src(%arg14 : memref<40x64xf32, #tpu.memory_space<vmem>>) dst(%dma_wait3A_584 : memref<40x64xf32, #tpu.memory_space<hbm>>)
        } else {
        }
        %add3A_560 = arith.constant 10 : i32
        %add3A_561 = arith.addi %add3A_452, %add3A_560 : i32
        %sub3A_562 = arith.constant 1 : i32
        %sub3A_563 = arith.subi %add3A_561, %sub3A_562 : i32
        %div3A_564 = arith.constant 5 : i32
        %div3A_565 = arith.divsi %sub3A_563, %div3A_564 : i32
        %dma_start3A_566 = arith.constant 40 : i32
        %dma_start3A_567 = tpu.memref_slice %arg6[%div3A_565, %dma_start3A_566] : memref<128x200xi32, #tpu.memory_space<vmem>> -> memref<1x40xi32, #tpu.memory_space<vmem>>
        %dma_start3A_568 = tpu.memref_squeeze %dma_start3A_567 : memref<1x40xi32, #tpu.memory_space<vmem>> -> memref<40xi32, #tpu.memory_space<vmem>>
        %dma_start3A_569 = arith.constant 0 : i32
        %dma_start3A_570 = arith.constant 0 : i32
        %dma_start3A_571 = tpu.memref_slice %arg4[%dma_start3A_569, %dma_start3A_570] : memref<1000000x64xf32, #tpu.memory_space<hbm>> -> memref<1000000x64xf32, #tpu.memory_space<hbm>>
        tpu.enqueue_indirect_dma source(%dma_start3A_571 : memref<1000000x64xf32, #tpu.memory_space<hbm>>) target(%arg14 : memref<40x64xf32, #tpu.memory_space<vmem>>) offsets(%dma_start3A_568 : memref<40xi32, #tpu.memory_space<vmem>>) semaphore(%arg24 : memref<!tpu.dma_semaphore, #tpu.memory_space<semaphore_mem>>)
      } else {
      }
      %scan3A_470 = arith.constant 0 : i32
      %scan3A_471 = arith.constant 40 : i32
      %scan3A_472 = arith.addi %scan3A_470, %scan3A_471 : i32
      %scan3A_473 = arith.constant 4 : i32
      scf.for %scan3A_556 = %scan3A_470 to %scan3A_472 step %scan3A_473  : i32 {
        %mul3A_557 = arith.constant 1 : i32
        %mul3A_558 = arith.muli %scan3A_556, %mul3A_557 : i32
        %add3A_559 = arith.constant 0 : i32
        %add3A_560 = arith.addi %add3A_559, %mul3A_558 : i32
        %add3A_561 = arith.constant 80 : i32
        %add3A_562 = arith.addi %add3A_561, %add3A_560 : i32
        %get3A = arith.index_cast %add3A_562 : i32 to index
        %get3A_563 = arith.constant 0 : index
        %get3A_564 = tpu.vector_load %arg7[%get3A, %get3A_563] {strides = array<i32>} : memref<200x64xf32, #tpu.memory_space<vmem>>, vector<1x16xf32>,
        %get3A_565 = vector.shape_cast %get3A_564 : vector<1x16xf32> to vector<16xf32>
        %swap3A = arith.index_cast %add3A_560 : i32 to index
        %swap3A_566 = arith.constant 0 : index
        %swap3A_567 = tpu.vector_load %arg15[%swap3A, %swap3A_566] {strides = array<i32>} : memref<40x64xf32, #tpu.memory_space<vmem>>, vector<1x16xf32>,
        %swap3A_568 = vector.shape_cast %swap3A_567 : vector<1x16xf32> to vector<16xf32>
        %swap3A_569 = vector.shape_cast %get3A_565 : vector<16xf32> to vector<1x16xf32>
        tpu.vector_store %arg15[%swap3A, %swap3A_566], %swap3A_569 {add = true, strides = array<i32>} : memref<40x64xf32, #tpu.memory_space<vmem>>, vector<1x16xf32>,
        %add3A_570 = arith.constant 80 : i32
        %add3A_571 = arith.addi %add3A_570, %add3A_560 : i32
        %get3A_572 = arith.index_cast %add3A_571 : i32 to index
        %get3A_573 = arith.constant 16 : index
        %get3A_574 = tpu.vector_load %arg7[%get3A_572, %get3A_573] {strides = array<i32>} : memref<200x64xf32, #tpu.memory_space<vmem>>, vector<1x16xf32>,
        %get3A_575 = vector.shape_cast %get3A_574 : vector<1x16xf32> to vector<16xf32>
        %swap3A_576 = arith.index_cast %add3A_560 : i32 to index
        %swap3A_577 = arith.constant 16 : index
        %swap3A_578 = tpu.vector_load %arg15[%swap3A_576, %swap3A_577] {strides = array<i32>} : memref<40x64xf32, #tpu.memory_space<vmem>>, vector<1x16xf32>,
        %swap3A_579 = vector.shape_cast %swap3A_578 : vector<1x16xf32> to vector<16xf32>
        %swap3A_580 = vector.shape_cast %get3A_575 : vector<16xf32> to vector<1x16xf32>
        tpu.vector_store %arg15[%swap3A_576, %swap3A_577], %swap3A_580 {add = true, strides = array<i32>} : memref<40x64xf32, #tpu.memory_space<vmem>>, vector<1x16xf32>,
        %add3A_581 = arith.constant 80 : i32
        %add3A_582 = arith.addi %add3A_581, %add3A_560 : i32
        %get3A_583 = arith.index_cast %add3A_582 : i32 to index
        %get3A_584 = arith.constant 32 : index
        %get3A_585 = tpu.vector_load %arg7[%get3A_583, %get3A_584] {strides = array<i32>} : memref<200x64xf32, #tpu.memory_space<vmem>>, vector<1x16xf32>,
        %get3A_586 = vector.shape_cast %get3A_585 : vector<1x16xf32> to vector<16xf32>
        %swap3A_587 = arith.index_cast %add3A_560 : i32 to index
        %swap3A_588 = arith.constant 32 : index
        %swap3A_589 = tpu.vector_load %arg15[%swap3A_587, %swap3A_588] {strides = array<i32>} : memref<40x64xf32, #tpu.memory_space<vmem>>, vector<1x16xf32>,
        %swap3A_590 = vector.shape_cast %swap3A_589 : vector<1x16xf32> to vector<16xf32>
        %swap3A_591 = vector.shape_cast %get3A_586 : vector<16xf32> to vector<1x16xf32>
        tpu.vector_store %arg15[%swap3A_587, %swap3A_588], %swap3A_591 {add = true, strides = array<i32>} : memref<40x64xf32, #tpu.memory_space<vmem>>, vector<1x16xf32>,
        %add3A_592 = arith.constant 80 : i32
        %add3A_593 = arith.addi %add3A_592, %add3A_560 : i32
        %get3A_594 = arith.index_cast %add3A_593 : i32 to index
        %get3A_595 = arith.constant 48 : index
        %get3A_596 = tpu.vector_load %arg7[%get3A_594, %get3A_595] {strides = array<i32>} : memref<200x64xf32, #tpu.memory_space<vmem>>, vector<1x16xf32>,
        %get3A_597 = vector.shape_cast %get3A_596 : vector<1x16xf32> to vector<16xf32>
        %swap3A_598 = arith.index_cast %add3A_560 : i32 to index
        %swap3A_599 = arith.constant 48 : index
        %swap3A_600 = tpu.vector_load %arg15[%swap3A_598, %swap3A_599] {strides = array<i32>} : memref<40x64xf32, #tpu.memory_space<vmem>>, vector<1x16xf32>,
        %swap3A_601 = vector.shape_cast %swap3A_600 : vector<1x16xf32> to vector<16xf32>
        %swap3A_602 = vector.shape_cast %get3A_597 : vector<16xf32> to vector<1x16xf32>
        tpu.vector_store %arg15[%swap3A_598, %swap3A_599], %swap3A_602 {add = true, strides = array<i32>} : memref<40x64xf32, #tpu.memory_space<vmem>>, vector<1x16xf32>,
        %scan3A_603 = arith.constant 1 : i32
        %scan3A_604 = arith.addi %scan3A_556, %scan3A_603 : i32
        %mul3A_605 = arith.constant 1 : i32
        %mul3A_606 = arith.muli %scan3A_604, %mul3A_605 : i32
        %add3A_607 = arith.constant 0 : i32
        %add3A_608 = arith.addi %add3A_607, %mul3A_606 : i32
        %add3A_609 = arith.constant 80 : i32
        %add3A_610 = arith.addi %add3A_609, %add3A_608 : i32
        %get3A_611 = arith.index_cast %add3A_610 : i32 to index
        %get3A_612 = arith.constant 0 : index
        %get3A_613 = tpu.vector_load %arg7[%get3A_611, %get3A_612] {strides = array<i32>} : memref<200x64xf32, #tpu.memory_space<vmem>>, vector<1x16xf32>,
        %get3A_614 = vector.shape_cast %get3A_613 : vector<1x16xf32> to vector<16xf32>
        %swap3A_615 = arith.index_cast %add3A_608 : i32 to index
        %swap3A_616 = arith.constant 0 : index
        %swap3A_617 = tpu.vector_load %arg15[%swap3A_615, %swap3A_616] {strides = array<i32>} : memref<40x64xf32, #tpu.memory_space<vmem>>, vector<1x16xf32>,
        %swap3A_618 = vector.shape_cast %swap3A_617 : vector<1x16xf32> to vector<16xf32>
        %swap3A_619 = vector.shape_cast %get3A_614 : vector<16xf32> to vector<1x16xf32>
        tpu.vector_store %arg15[%swap3A_615, %swap3A_616], %swap3A_619 {add = true, strides = array<i32>} : memref<40x64xf32, #tpu.memory_space<vmem>>, vector<1x16xf32>,
        %add3A_620 = arith.constant 80 : i32
        %add3A_621 = arith.addi %add3A_620, %add3A_608 : i32
        %get3A_622 = arith.index_cast %add3A_621 : i32 to index
        %get3A_623 = arith.constant 16 : index
        %get3A_624 = tpu.vector_load %arg7[%get3A_622, %get3A_623] {strides = array<i32>} : memref<200x64xf32, #tpu.memory_space<vmem>>, vector<1x16xf32>,
        %get3A_625 = vector.shape_cast %get3A_624 : vector<1x16xf32> to vector<16xf32>
        %swap3A_626 = arith.index_cast %add3A_608 : i32 to index
        %swap3A_627 = arith.constant 16 : index
        %swap3A_628 = tpu.vector_load %arg15[%swap3A_626, %swap3A_627] {strides = array<i32>} : memref<40x64xf32, #tpu.memory_space<vmem>>, vector<1x16xf32>,
        %swap3A_629 = vector.shape_cast %swap3A_628 : vector<1x16xf32> to vector<16xf32>
        %swap3A_630 = vector.shape_cast %get3A_625 : vector<16xf32> to vector<1x16xf32>
        tpu.vector_store %arg15[%swap3A_626, %swap3A_627], %swap3A_630 {add = true, strides = array<i32>} : memref<40x64xf32, #tpu.memory_space<vmem>>, vector<1x16xf32>,
        %add3A_631 = arith.constant 80 : i32
        %add3A_632 = arith.addi %add3A_631, %add3A_608 : i32
        %get3A_633 = arith.index_cast %add3A_632 : i32 to index
        %get3A_634 = arith.constant 32 : index
        %get3A_635 = tpu.vector_load %arg7[%get3A_633, %get3A_634] {strides = array<i32>} : memref<200x64xf32, #tpu.memory_space<vmem>>, vector<1x16xf32>,
        %get3A_636 = vector.shape_cast %get3A_635 : vector<1x16xf32> to vector<16xf32>
        %swap3A_637 = arith.index_cast %add3A_608 : i32 to index
        %swap3A_638 = arith.constant 32 : index
        %swap3A_639 = tpu.vector_load %arg15[%swap3A_637, %swap3A_638] {strides = array<i32>} : memref<40x64xf32, #tpu.memory_space<vmem>>, vector<1x16xf32>,
        %swap3A_640 = vector.shape_cast %swap3A_639 : vector<1x16xf32> to vector<16xf32>
        %swap3A_641 = vector.shape_cast %get3A_636 : vector<16xf32> to vector<1x16xf32>
        tpu.vector_store %arg15[%swap3A_637, %swap3A_638], %swap3A_641 {add = true, strides = array<i32>} : memref<40x64xf32, #tpu.memory_space<vmem>>, vector<1x16xf32>,
        %add3A_642 = arith.constant 80 : i32
        %add3A_643 = arith.addi %add3A_642, %add3A_608 : i32
        %get3A_644 = arith.index_cast %add3A_643 : i32 to index
        %get3A_645 = arith.constant 48 : index
        %get3A_646 = tpu.vector_load %arg7[%get3A_644, %get3A_645] {strides = array<i32>} : memref<200x64xf32, #tpu.memory_space<vmem>>, vector<1x16xf32>,
        %get3A_647 = vector.shape_cast %get3A_646 : vector<1x16xf32> to vector<16xf32>
        %swap3A_648 = arith.index_cast %add3A_608 : i32 to index
        %swap3A_649 = arith.constant 48 : index
        %swap3A_650 = tpu.vector_load %arg15[%swap3A_648, %swap3A_649] {strides = array<i32>} : memref<40x64xf32, #tpu.memory_space<vmem>>, vector<1x16xf32>,
        %swap3A_651 = vector.shape_cast %swap3A_650 : vector<1x16xf32> to vector<16xf32>
        %swap3A_652 = vector.shape_cast %get3A_647 : vector<16xf32> to vector<1x16xf32>
        tpu.vector_store %arg15[%swap3A_648, %swap3A_649], %swap3A_652 {add = true, strides = array<i32>} : memref<40x64xf32, #tpu.memory_space<vmem>>, vector<1x16xf32>,
        %scan3A_653 = arith.constant 2 : i32
        %scan3A_654 = arith.addi %scan3A_556, %scan3A_653 : i32
        %mul3A_655 = arith.constant 1 : i32
        %mul3A_656 = arith.muli %scan3A_654, %mul3A_655 : i32
        %add3A_657 = arith.constant 0 : i32
        %add3A_658 = arith.addi %add3A_657, %mul3A_656 : i32
        %add3A_659 = arith.constant 80 : i32
        %add3A_660 = arith.addi %add3A_659, %add3A_658 : i32
        %get3A_661 = arith.index_cast %add3A_660 : i32 to index
        %get3A_662 = arith.constant 0 : index
        %get3A_663 = tpu.vector_load %arg7[%get3A_661, %get3A_662] {strides = array<i32>} : memref<200x64xf32, #tpu.memory_space<vmem>>, vector<1x16xf32>,
        %get3A_664 = vector.shape_cast %get3A_663 : vector<1x16xf32> to vector<16xf32>
        %swap3A_665 = arith.index_cast %add3A_658 : i32 to index
        %swap3A_666 = arith.constant 0 : index
        %swap3A_667 = tpu.vector_load %arg15[%swap3A_665, %swap3A_666] {strides = array<i32>} : memref<40x64xf32, #tpu.memory_space<vmem>>, vector<1x16xf32>,
        %swap3A_668 = vector.shape_cast %swap3A_667 : vector<1x16xf32> to vector<16xf32>
        %swap3A_669 = vector.shape_cast %get3A_664 : vector<16xf32> to vector<1x16xf32>
        tpu.vector_store %arg15[%swap3A_665, %swap3A_666], %swap3A_669 {add = true, strides = array<i32>} : memref<40x64xf32, #tpu.memory_space<vmem>>, vector<1x16xf32>,
        %add3A_670 = arith.constant 80 : i32
        %add3A_671 = arith.addi %add3A_670, %add3A_658 : i32
        %get3A_672 = arith.index_cast %add3A_671 : i32 to index
        %get3A_673 = arith.constant 16 : index
        %get3A_674 = tpu.vector_load %arg7[%get3A_672, %get3A_673] {strides = array<i32>} : memref<200x64xf32, #tpu.memory_space<vmem>>, vector<1x16xf32>,
        %get3A_675 = vector.shape_cast %get3A_674 : vector<1x16xf32> to vector<16xf32>
        %swap3A_676 = arith.index_cast %add3A_658 : i32 to index
        %swap3A_677 = arith.constant 16 : index
        %swap3A_678 = tpu.vector_load %arg15[%swap3A_676, %swap3A_677] {strides = array<i32>} : memref<40x64xf32, #tpu.memory_space<vmem>>, vector<1x16xf32>,
        %swap3A_679 = vector.shape_cast %swap3A_678 : vector<1x16xf32> to vector<16xf32>
        %swap3A_680 = vector.shape_cast %get3A_675 : vector<16xf32> to vector<1x16xf32>
        tpu.vector_store %arg15[%swap3A_676, %swap3A_677], %swap3A_680 {add = true, strides = array<i32>} : memref<40x64xf32, #tpu.memory_space<vmem>>, vector<1x16xf32>,
        %add3A_681 = arith.constant 80 : i32
        %add3A_682 = arith.addi %add3A_681, %add3A_658 : i32
        %get3A_683 = arith.index_cast %add3A_682 : i32 to index
        %get3A_684 = arith.constant 32 : index
        %get3A_685 = tpu.vector_load %arg7[%get3A_683, %get3A_684] {strides = array<i32>} : memref<200x64xf32, #tpu.memory_space<vmem>>, vector<1x16xf32>,
        %get3A_686 = vector.shape_cast %get3A_685 : vector<1x16xf32> to vector<16xf32>
        %swap3A_687 = arith.index_cast %add3A_658 : i32 to index
        %swap3A_688 = arith.constant 32 : index
        %swap3A_689 = tpu.vector_load %arg15[%swap3A_687, %swap3A_688] {strides = array<i32>} : memref<40x64xf32, #tpu.memory_space<vmem>>, vector<1x16xf32>,
        %swap3A_690 = vector.shape_cast %swap3A_689 : vector<1x16xf32> to vector<16xf32>
        %swap3A_691 = vector.shape_cast %get3A_686 : vector<16xf32> to vector<1x16xf32>
        tpu.vector_store %arg15[%swap3A_687, %swap3A_688], %swap3A_691 {add = true, strides = array<i32>} : memref<40x64xf32, #tpu.memory_space<vmem>>, vector<1x16xf32>,
        %add3A_692 = arith.constant 80 : i32
        %add3A_693 = arith.addi %add3A_692, %add3A_658 : i32
        %get3A_694 = arith.index_cast %add3A_693 : i32 to index
        %get3A_695 = arith.constant 48 : index
        %get3A_696 = tpu.vector_load %arg7[%get3A_694, %get3A_695] {strides = array<i32>} : memref<200x64xf32, #tpu.memory_space<vmem>>, vector<1x16xf32>,
        %get3A_697 = vector.shape_cast %get3A_696 : vector<1x16xf32> to vector<16xf32>
        %swap3A_698 = arith.index_cast %add3A_658 : i32 to index
        %swap3A_699 = arith.constant 48 : index
        %swap3A_700 = tpu.vector_load %arg15[%swap3A_698, %swap3A_699] {strides = array<i32>} : memref<40x64xf32, #tpu.memory_space<vmem>>, vector<1x16xf32>,
        %swap3A_701 = vector.shape_cast %swap3A_700 : vector<1x16xf32> to vector<16xf32>
        %swap3A_702 = vector.shape_cast %get3A_697 : vector<16xf32> to vector<1x16xf32>
        tpu.vector_store %arg15[%swap3A_698, %swap3A_699], %swap3A_702 {add = true, strides = array<i32>} : memref<40x64xf32, #tpu.memory_space<vmem>>, vector<1x16xf32>,
        %scan3A_703 = arith.constant 3 : i32
        %scan3A_704 = arith.addi %scan3A_556, %scan3A_703 : i32
        %mul3A_705 = arith.constant 1 : i32
        %mul3A_706 = arith.muli %scan3A_704, %mul3A_705 : i32
        %add3A_707 = arith.constant 0 : i32
        %add3A_708 = arith.addi %add3A_707, %mul3A_706 : i32
        %add3A_709 = arith.constant 80 : i32
        %add3A_710 = arith.addi %add3A_709, %add3A_708 : i32
        %get3A_711 = arith.index_cast %add3A_710 : i32 to index
        %get3A_712 = arith.constant 0 : index
        %get3A_713 = tpu.vector_load %arg7[%get3A_711, %get3A_712] {strides = array<i32>} : memref<200x64xf32, #tpu.memory_space<vmem>>, vector<1x16xf32>,
        %get3A_714 = vector.shape_cast %get3A_713 : vector<1x16xf32> to vector<16xf32>
        %swap3A_715 = arith.index_cast %add3A_708 : i32 to index
        %swap3A_716 = arith.constant 0 : index
        %swap3A_717 = tpu.vector_load %arg15[%swap3A_715, %swap3A_716] {strides = array<i32>} : memref<40x64xf32, #tpu.memory_space<vmem>>, vector<1x16xf32>,
        %swap3A_718 = vector.shape_cast %swap3A_717 : vector<1x16xf32> to vector<16xf32>
        %swap3A_719 = vector.shape_cast %get3A_714 : vector<16xf32> to vector<1x16xf32>
        tpu.vector_store %arg15[%swap3A_715, %swap3A_716], %swap3A_719 {add = true, strides = array<i32>} : memref<40x64xf32, #tpu.memory_space<vmem>>, vector<1x16xf32>,
        %add3A_720 = arith.constant 80 : i32
        %add3A_721 = arith.addi %add3A_720, %add3A_708 : i32
        %get3A_722 = arith.index_cast %add3A_721 : i32 to index
        %get3A_723 = arith.constant 16 : index
        %get3A_724 = tpu.vector_load %arg7[%get3A_722, %get3A_723] {strides = array<i32>} : memref<200x64xf32, #tpu.memory_space<vmem>>, vector<1x16xf32>,
        %get3A_725 = vector.shape_cast %get3A_724 : vector<1x16xf32> to vector<16xf32>
        %swap3A_726 = arith.index_cast %add3A_708 : i32 to index
        %swap3A_727 = arith.constant 16 : index
        %swap3A_728 = tpu.vector_load %arg15[%swap3A_726, %swap3A_727] {strides = array<i32>} : memref<40x64xf32, #tpu.memory_space<vmem>>, vector<1x16xf32>,
        %swap3A_729 = vector.shape_cast %swap3A_728 : vector<1x16xf32> to vector<16xf32>
        %swap3A_730 = vector.shape_cast %get3A_725 : vector<16xf32> to vector<1x16xf32>
        tpu.vector_store %arg15[%swap3A_726, %swap3A_727], %swap3A_730 {add = true, strides = array<i32>} : memref<40x64xf32, #tpu.memory_space<vmem>>, vector<1x16xf32>,
        %add3A_731 = arith.constant 80 : i32
        %add3A_732 = arith.addi %add3A_731, %add3A_708 : i32
        %get3A_733 = arith.index_cast %add3A_732 : i32 to index
        %get3A_734 = arith.constant 32 : index
        %get3A_735 = tpu.vector_load %arg7[%get3A_733, %get3A_734] {strides = array<i32>} : memref<200x64xf32, #tpu.memory_space<vmem>>, vector<1x16xf32>,
        %get3A_736 = vector.shape_cast %get3A_735 : vector<1x16xf32> to vector<16xf32>
        %swap3A_737 = arith.index_cast %add3A_708 : i32 to index
        %swap3A_738 = arith.constant 32 : index
        %swap3A_739 = tpu.vector_load %arg15[%swap3A_737, %swap3A_738] {strides = array<i32>} : memref<40x64xf32, #tpu.memory_space<vmem>>, vector<1x16xf32>,
        %swap3A_740 = vector.shape_cast %swap3A_739 : vector<1x16xf32> to vector<16xf32>
        %swap3A_741 = vector.shape_cast %get3A_736 : vector<16xf32> to vector<1x16xf32>
        tpu.vector_store %arg15[%swap3A_737, %swap3A_738], %swap3A_741 {add = true, strides = array<i32>} : memref<40x64xf32, #tpu.memory_space<vmem>>, vector<1x16xf32>,
        %add3A_742 = arith.constant 80 : i32
        %add3A_743 = arith.addi %add3A_742, %add3A_708 : i32
        %get3A_744 = arith.index_cast %add3A_743 : i32 to index
        %get3A_745 = arith.constant 48 : index
        %get3A_746 = tpu.vector_load %arg7[%get3A_744, %get3A_745] {strides = array<i32>} : memref<200x64xf32, #tpu.memory_space<vmem>>, vector<1x16xf32>,
        %get3A_747 = vector.shape_cast %get3A_746 : vector<1x16xf32> to vector<16xf32>
        %swap3A_748 = arith.index_cast %add3A_708 : i32 to index
        %swap3A_749 = arith.constant 48 : index
        %swap3A_750 = tpu.vector_load %arg15[%swap3A_748, %swap3A_749] {strides = array<i32>} : memref<40x64xf32, #tpu.memory_space<vmem>>, vector<1x16xf32>,
        %swap3A_751 = vector.shape_cast %swap3A_750 : vector<1x16xf32> to vector<16xf32>
        %swap3A_752 = vector.shape_cast %get3A_747 : vector<16xf32> to vector<1x16xf32>
        tpu.vector_store %arg15[%swap3A_748, %swap3A_749], %swap3A_752 {add = true, strides = array<i32>} : memref<40x64xf32, #tpu.memory_space<vmem>>, vector<1x16xf32>,
      }
      %scan3A_474 = arith.constant 40 : i32
      %div3A_475 = arith.constant 5 : i32
      %div3A_476 = arith.divsi %add3A_452, %div3A_475 : i32
      %add3A_477 = arith.addi %mul3A_2, %div3A_476 : i32
      %dma_start3A_478 = arith.constant 80 : i32
      %dma_start3A_479 = arith.constant 0 : i32
      %dma_start3A_480 = tpu.memref_slice %arg5[%add3A_477, %dma_start3A_478, %dma_start3A_479] : memref<4096x200x64xf32, #tpu.memory_space<hbm>> -> memref<1x40x64xf32, #tpu.memory_space<hbm>>
      %dma_start3A_481 = tpu.memref_squeeze %dma_start3A_480 : memref<1x40x64xf32, #tpu.memory_space<hbm>> -> memref<40x64xf32, #tpu.memory_space<hbm>>
      %dma_start3A_482 = arith.constant 80 : i32
      %dma_start3A_483 = arith.constant 0 : i32
      %dma_start3A_484 = tpu.memref_slice %arg5[%add3A_477, %dma_start3A_482, %dma_start3A_483] : memref<4096x200x64xf32, #tpu.memory_space<hbm>> -> memref<1x40x64xf32, #tpu.memory_space<hbm>>
      %dma_start3A_485 = tpu.memref_squeeze %dma_start3A_484 : memref<1x40x64xf32, #tpu.memory_space<hbm>> -> memref<40x64xf32, #tpu.memory_space<hbm>>
      tpu.enqueue_dma source(%arg15 : memref<40x64xf32, #tpu.memory_space<vmem>>) target(%dma_start3A_485 : memref<40x64xf32, #tpu.memory_space<hbm>>) target_semaphore(%arg35 : memref<!tpu.dma_semaphore, #tpu.memory_space<semaphore_mem>>)
      %add3A_486 = arith.constant 8 : i32
      %add3A_487 = arith.addi %add3A_209, %add3A_486 : i32
      %div3A_488 = arith.constant 5 : i32
      %div3A_489 = arith.divsi %add3A_487, %div3A_488 : i32
      %dma_wait3A_490 = arith.constant 120 : i32
      %dma_wait3A_491 = tpu.memref_slice %arg6[%div3A_489, %dma_wait3A_490] : memref<128x200xi32, #tpu.memory_space<vmem>> -> memref<1x40xi32, #tpu.memory_space<vmem>>
      %dma_wait3A_492 = tpu.memref_squeeze %dma_wait3A_491 : memref<1x40xi32, #tpu.memory_space<vmem>> -> memref<40xi32, #tpu.memory_space<vmem>>
      %dma_wait3A_493 = arith.constant 0 : i32
      %dma_wait3A_494 = arith.constant 0 : i32
      %dma_wait3A_495 = tpu.memref_slice %arg4[%dma_wait3A_493, %dma_wait3A_494] : memref<1000000x64xf32, #tpu.memory_space<hbm>> -> memref<1000000x64xf32, #tpu.memory_space<hbm>>
      tpu.wait_indirect_dma semaphore(%arg26 : memref<!tpu.dma_semaphore, #tpu.memory_space<semaphore_mem>>) src(%dma_wait3A_495 : memref<1000000x64xf32, #tpu.memory_space<hbm>>) dst(%arg16 : memref<40x64xf32, #tpu.memory_space<vmem>>)
      %add3A_496 = arith.constant 10 : i32
      %add3A_497 = arith.addi %add3A_487, %add3A_496 : i32
      %sub3A_498 = arith.constant 1 : i32
      %sub3A_499 = arith.subi %add3A_497, %sub3A_498 : i32
      %lt3A_500 = arith.constant 640 : i32
      %lt3A_501 = arith.cmpi slt, %sub3A_499, %lt3A_500 : i32
      %convert_element_type3A_502 = arith.extui %lt3A_501 : i1 to i32
      %cond3A_503 = arith.constant 0 : i32
      %cond3A_504 = arith.cmpi ne, %convert_element_type3A_502, %cond3A_503 : i32
      scf.if %cond3A_504 {
        %ge3A = arith.constant 1 : i32
        %ge3A_556 = arith.cmpi sge, %add3A_487, %ge3A : i32
        %convert_element_type3A_557 = arith.extui %ge3A_556 : i1 to i32
        %cond3A_558 = arith.constant 0 : i32
        %cond3A_559 = arith.cmpi ne, %convert_element_type3A_557, %cond3A_558 : i32
        scf.if %cond3A_559 {
          %sub3A_572 = arith.constant 1 : i32
          %sub3A_573 = arith.subi %add3A_487, %sub3A_572 : i32
          %div3A_574 = arith.constant 5 : i32
          %div3A_575 = arith.divsi %sub3A_573, %div3A_574 : i32
          %add3A_576 = arith.addi %mul3A_2, %div3A_575 : i32
          %dma_wait3A_577 = arith.constant 80 : i32
          %dma_wait3A_578 = arith.constant 0 : i32
          %dma_wait3A_579 = tpu.memref_slice %arg5[%add3A_576, %dma_wait3A_577, %dma_wait3A_578] : memref<4096x200x64xf32, #tpu.memory_space<hbm>> -> memref<1x40x64xf32, #tpu.memory_space<hbm>>
          %dma_wait3A_580 = tpu.memref_squeeze %dma_wait3A_579 : memref<1x40x64xf32, #tpu.memory_space<hbm>> -> memref<40x64xf32, #tpu.memory_space<hbm>>
          %dma_wait3A_581 = arith.constant 80 : i32
          %dma_wait3A_582 = arith.constant 0 : i32
          %dma_wait3A_583 = tpu.memref_slice %arg5[%add3A_576, %dma_wait3A_581, %dma_wait3A_582] : memref<4096x200x64xf32, #tpu.memory_space<hbm>> -> memref<1x40x64xf32, #tpu.memory_space<hbm>>
          %dma_wait3A_584 = tpu.memref_squeeze %dma_wait3A_583 : memref<1x40x64xf32, #tpu.memory_space<hbm>> -> memref<40x64xf32, #tpu.memory_space<hbm>>
          tpu.wait_dma2 semaphore(%arg35 : memref<!tpu.dma_semaphore, #tpu.memory_space<semaphore_mem>>) src(%arg15 : memref<40x64xf32, #tpu.memory_space<vmem>>) dst(%dma_wait3A_584 : memref<40x64xf32, #tpu.memory_space<hbm>>)
        } else {
        }
        %add3A_560 = arith.constant 10 : i32
        %add3A_561 = arith.addi %add3A_487, %add3A_560 : i32
        %sub3A_562 = arith.constant 1 : i32
        %sub3A_563 = arith.subi %add3A_561, %sub3A_562 : i32
        %div3A_564 = arith.constant 5 : i32
        %div3A_565 = arith.divsi %sub3A_563, %div3A_564 : i32
        %dma_start3A_566 = arith.constant 80 : i32
        %dma_start3A_567 = tpu.memref_slice %arg6[%div3A_565, %dma_start3A_566] : memref<128x200xi32, #tpu.memory_space<vmem>> -> memref<1x40xi32, #tpu.memory_space<vmem>>
        %dma_start3A_568 = tpu.memref_squeeze %dma_start3A_567 : memref<1x40xi32, #tpu.memory_space<vmem>> -> memref<40xi32, #tpu.memory_space<vmem>>
        %dma_start3A_569 = arith.constant 0 : i32
        %dma_start3A_570 = arith.constant 0 : i32
        %dma_start3A_571 = tpu.memref_slice %arg4[%dma_start3A_569, %dma_start3A_570] : memref<1000000x64xf32, #tpu.memory_space<hbm>> -> memref<1000000x64xf32, #tpu.memory_space<hbm>>
        tpu.enqueue_indirect_dma source(%dma_start3A_571 : memref<1000000x64xf32, #tpu.memory_space<hbm>>) target(%arg15 : memref<40x64xf32, #tpu.memory_space<vmem>>) offsets(%dma_start3A_568 : memref<40xi32, #tpu.memory_space<vmem>>) semaphore(%arg25 : memref<!tpu.dma_semaphore, #tpu.memory_space<semaphore_mem>>)
      } else {
      }
      %scan3A_505 = arith.constant 0 : i32
      %scan3A_506 = arith.constant 40 : i32
      %scan3A_507 = arith.addi %scan3A_505, %scan3A_506 : i32
      %scan3A_508 = arith.constant 4 : i32
      scf.for %scan3A_556 = %scan3A_505 to %scan3A_507 step %scan3A_508  : i32 {
        %mul3A_557 = arith.constant 1 : i32
        %mul3A_558 = arith.muli %scan3A_556, %mul3A_557 : i32
        %add3A_559 = arith.constant 0 : i32
        %add3A_560 = arith.addi %add3A_559, %mul3A_558 : i32
        %add3A_561 = arith.constant 120 : i32
        %add3A_562 = arith.addi %add3A_561, %add3A_560 : i32
        %get3A = arith.index_cast %add3A_562 : i32 to index
        %get3A_563 = arith.constant 0 : index
        %get3A_564 = tpu.vector_load %arg7[%get3A, %get3A_563] {strides = array<i32>} : memref<200x64xf32, #tpu.memory_space<vmem>>, vector<1x16xf32>,
        %get3A_565 = vector.shape_cast %get3A_564 : vector<1x16xf32> to vector<16xf32>
        %swap3A = arith.index_cast %add3A_560 : i32 to index
        %swap3A_566 = arith.constant 0 : index
        %swap3A_567 = tpu.vector_load %arg16[%swap3A, %swap3A_566] {strides = array<i32>} : memref<40x64xf32, #tpu.memory_space<vmem>>, vector<1x16xf32>,
        %swap3A_568 = vector.shape_cast %swap3A_567 : vector<1x16xf32> to vector<16xf32>
        %swap3A_569 = vector.shape_cast %get3A_565 : vector<16xf32> to vector<1x16xf32>
        tpu.vector_store %arg16[%swap3A, %swap3A_566], %swap3A_569 {add = true, strides = array<i32>} : memref<40x64xf32, #tpu.memory_space<vmem>>, vector<1x16xf32>,
        %add3A_570 = arith.constant 120 : i32
        %add3A_571 = arith.addi %add3A_570, %add3A_560 : i32
        %get3A_572 = arith.index_cast %add3A_571 : i32 to index
        %get3A_573 = arith.constant 16 : index
        %get3A_574 = tpu.vector_load %arg7[%get3A_572, %get3A_573] {strides = array<i32>} : memref<200x64xf32, #tpu.memory_space<vmem>>, vector<1x16xf32>,
        %get3A_575 = vector.shape_cast %get3A_574 : vector<1x16xf32> to vector<16xf32>
        %swap3A_576 = arith.index_cast %add3A_560 : i32 to index
        %swap3A_577 = arith.constant 16 : index
        %swap3A_578 = tpu.vector_load %arg16[%swap3A_576, %swap3A_577] {strides = array<i32>} : memref<40x64xf32, #tpu.memory_space<vmem>>, vector<1x16xf32>,
        %swap3A_579 = vector.shape_cast %swap3A_578 : vector<1x16xf32> to vector<16xf32>
        %swap3A_580 = vector.shape_cast %get3A_575 : vector<16xf32> to vector<1x16xf32>
        tpu.vector_store %arg16[%swap3A_576, %swap3A_577], %swap3A_580 {add = true, strides = array<i32>} : memref<40x64xf32, #tpu.memory_space<vmem>>, vector<1x16xf32>,
        %add3A_581 = arith.constant 120 : i32
        %add3A_582 = arith.addi %add3A_581, %add3A_560 : i32
        %get3A_583 = arith.index_cast %add3A_582 : i32 to index
        %get3A_584 = arith.constant 32 : index
        %get3A_585 = tpu.vector_load %arg7[%get3A_583, %get3A_584] {strides = array<i32>} : memref<200x64xf32, #tpu.memory_space<vmem>>, vector<1x16xf32>,
        %get3A_586 = vector.shape_cast %get3A_585 : vector<1x16xf32> to vector<16xf32>
        %swap3A_587 = arith.index_cast %add3A_560 : i32 to index
        %swap3A_588 = arith.constant 32 : index
        %swap3A_589 = tpu.vector_load %arg16[%swap3A_587, %swap3A_588] {strides = array<i32>} : memref<40x64xf32, #tpu.memory_space<vmem>>, vector<1x16xf32>,
        %swap3A_590 = vector.shape_cast %swap3A_589 : vector<1x16xf32> to vector<16xf32>
        %swap3A_591 = vector.shape_cast %get3A_586 : vector<16xf32> to vector<1x16xf32>
        tpu.vector_store %arg16[%swap3A_587, %swap3A_588], %swap3A_591 {add = true, strides = array<i32>} : memref<40x64xf32, #tpu.memory_space<vmem>>, vector<1x16xf32>,
        %add3A_592 = arith.constant 120 : i32
        %add3A_593 = arith.addi %add3A_592, %add3A_560 : i32
        %get3A_594 = arith.index_cast %add3A_593 : i32 to index
        %get3A_595 = arith.constant 48 : index
        %get3A_596 = tpu.vector_load %arg7[%get3A_594, %get3A_595] {strides = array<i32>} : memref<200x64xf32, #tpu.memory_space<vmem>>, vector<1x16xf32>,
        %get3A_597 = vector.shape_cast %get3A_596 : vector<1x16xf32> to vector<16xf32>
        %swap3A_598 = arith.index_cast %add3A_560 : i32 to index
        %swap3A_599 = arith.constant 48 : index
        %swap3A_600 = tpu.vector_load %arg16[%swap3A_598, %swap3A_599] {strides = array<i32>} : memref<40x64xf32, #tpu.memory_space<vmem>>, vector<1x16xf32>,
        %swap3A_601 = vector.shape_cast %swap3A_600 : vector<1x16xf32> to vector<16xf32>
        %swap3A_602 = vector.shape_cast %get3A_597 : vector<16xf32> to vector<1x16xf32>
        tpu.vector_store %arg16[%swap3A_598, %swap3A_599], %swap3A_602 {add = true, strides = array<i32>} : memref<40x64xf32, #tpu.memory_space<vmem>>, vector<1x16xf32>,
        %scan3A_603 = arith.constant 1 : i32
        %scan3A_604 = arith.addi %scan3A_556, %scan3A_603 : i32
        %mul3A_605 = arith.constant 1 : i32
        %mul3A_606 = arith.muli %scan3A_604, %mul3A_605 : i32
        %add3A_607 = arith.constant 0 : i32
        %add3A_608 = arith.addi %add3A_607, %mul3A_606 : i32
        %add3A_609 = arith.constant 120 : i32
        %add3A_610 = arith.addi %add3A_609, %add3A_608 : i32
        %get3A_611 = arith.index_cast %add3A_610 : i32 to index
        %get3A_612 = arith.constant 0 : index
        %get3A_613 = tpu.vector_load %arg7[%get3A_611, %get3A_612] {strides = array<i32>} : memref<200x64xf32, #tpu.memory_space<vmem>>, vector<1x16xf32>,
        %get3A_614 = vector.shape_cast %get3A_613 : vector<1x16xf32> to vector<16xf32>
        %swap3A_615 = arith.index_cast %add3A_608 : i32 to index
        %swap3A_616 = arith.constant 0 : index
        %swap3A_617 = tpu.vector_load %arg16[%swap3A_615, %swap3A_616] {strides = array<i32>} : memref<40x64xf32, #tpu.memory_space<vmem>>, vector<1x16xf32>,
        %swap3A_618 = vector.shape_cast %swap3A_617 : vector<1x16xf32> to vector<16xf32>
        %swap3A_619 = vector.shape_cast %get3A_614 : vector<16xf32> to vector<1x16xf32>
        tpu.vector_store %arg16[%swap3A_615, %swap3A_616], %swap3A_619 {add = true, strides = array<i32>} : memref<40x64xf32, #tpu.memory_space<vmem>>, vector<1x16xf32>,
        %add3A_620 = arith.constant 120 : i32
        %add3A_621 = arith.addi %add3A_620, %add3A_608 : i32
        %get3A_622 = arith.index_cast %add3A_621 : i32 to index
        %get3A_623 = arith.constant 16 : index
        %get3A_624 = tpu.vector_load %arg7[%get3A_622, %get3A_623] {strides = array<i32>} : memref<200x64xf32, #tpu.memory_space<vmem>>, vector<1x16xf32>,
        %get3A_625 = vector.shape_cast %get3A_624 : vector<1x16xf32> to vector<16xf32>
        %swap3A_626 = arith.index_cast %add3A_608 : i32 to index
        %swap3A_627 = arith.constant 16 : index
        %swap3A_628 = tpu.vector_load %arg16[%swap3A_626, %swap3A_627] {strides = array<i32>} : memref<40x64xf32, #tpu.memory_space<vmem>>, vector<1x16xf32>,
        %swap3A_629 = vector.shape_cast %swap3A_628 : vector<1x16xf32> to vector<16xf32>
        %swap3A_630 = vector.shape_cast %get3A_625 : vector<16xf32> to vector<1x16xf32>
        tpu.vector_store %arg16[%swap3A_626, %swap3A_627], %swap3A_630 {add = true, strides = array<i32>} : memref<40x64xf32, #tpu.memory_space<vmem>>, vector<1x16xf32>,
        %add3A_631 = arith.constant 120 : i32
        %add3A_632 = arith.addi %add3A_631, %add3A_608 : i32
        %get3A_633 = arith.index_cast %add3A_632 : i32 to index
        %get3A_634 = arith.constant 32 : index
        %get3A_635 = tpu.vector_load %arg7[%get3A_633, %get3A_634] {strides = array<i32>} : memref<200x64xf32, #tpu.memory_space<vmem>>, vector<1x16xf32>,
        %get3A_636 = vector.shape_cast %get3A_635 : vector<1x16xf32> to vector<16xf32>
        %swap3A_637 = arith.index_cast %add3A_608 : i32 to index
        %swap3A_638 = arith.constant 32 : index
        %swap3A_639 = tpu.vector_load %arg16[%swap3A_637, %swap3A_638] {strides = array<i32>} : memref<40x64xf32, #tpu.memory_space<vmem>>, vector<1x16xf32>,
        %swap3A_640 = vector.shape_cast %swap3A_639 : vector<1x16xf32> to vector<16xf32>
        %swap3A_641 = vector.shape_cast %get3A_636 : vector<16xf32> to vector<1x16xf32>
        tpu.vector_store %arg16[%swap3A_637, %swap3A_638], %swap3A_641 {add = true, strides = array<i32>} : memref<40x64xf32, #tpu.memory_space<vmem>>, vector<1x16xf32>,
        %add3A_642 = arith.constant 120 : i32
        %add3A_643 = arith.addi %add3A_642, %add3A_608 : i32
        %get3A_644 = arith.index_cast %add3A_643 : i32 to index
        %get3A_645 = arith.constant 48 : index
        %get3A_646 = tpu.vector_load %arg7[%get3A_644, %get3A_645] {strides = array<i32>} : memref<200x64xf32, #tpu.memory_space<vmem>>, vector<1x16xf32>,
        %get3A_647 = vector.shape_cast %get3A_646 : vector<1x16xf32> to vector<16xf32>
        %swap3A_648 = arith.index_cast %add3A_608 : i32 to index
        %swap3A_649 = arith.constant 48 : index
        %swap3A_650 = tpu.vector_load %arg16[%swap3A_648, %swap3A_649] {strides = array<i32>} : memref<40x64xf32, #tpu.memory_space<vmem>>, vector<1x16xf32>,
        %swap3A_651 = vector.shape_cast %swap3A_650 : vector<1x16xf32> to vector<16xf32>
        %swap3A_652 = vector.shape_cast %get3A_647 : vector<16xf32> to vector<1x16xf32>
        tpu.vector_store %arg16[%swap3A_648, %swap3A_649], %swap3A_652 {add = true, strides = array<i32>} : memref<40x64xf32, #tpu.memory_space<vmem>>, vector<1x16xf32>,
        %scan3A_653 = arith.constant 2 : i32
        %scan3A_654 = arith.addi %scan3A_556, %scan3A_653 : i32
        %mul3A_655 = arith.constant 1 : i32
        %mul3A_656 = arith.muli %scan3A_654, %mul3A_655 : i32
        %add3A_657 = arith.constant 0 : i32
        %add3A_658 = arith.addi %add3A_657, %mul3A_656 : i32
        %add3A_659 = arith.constant 120 : i32
        %add3A_660 = arith.addi %add3A_659, %add3A_658 : i32
        %get3A_661 = arith.index_cast %add3A_660 : i32 to index
        %get3A_662 = arith.constant 0 : index
        %get3A_663 = tpu.vector_load %arg7[%get3A_661, %get3A_662] {strides = array<i32>} : memref<200x64xf32, #tpu.memory_space<vmem>>, vector<1x16xf32>,
        %get3A_664 = vector.shape_cast %get3A_663 : vector<1x16xf32> to vector<16xf32>
        %swap3A_665 = arith.index_cast %add3A_658 : i32 to index
        %swap3A_666 = arith.constant 0 : index
        %swap3A_667 = tpu.vector_load %arg16[%swap3A_665, %swap3A_666] {strides = array<i32>} : memref<40x64xf32, #tpu.memory_space<vmem>>, vector<1x16xf32>,
        %swap3A_668 = vector.shape_cast %swap3A_667 : vector<1x16xf32> to vector<16xf32>
        %swap3A_669 = vector.shape_cast %get3A_664 : vector<16xf32> to vector<1x16xf32>
        tpu.vector_store %arg16[%swap3A_665, %swap3A_666], %swap3A_669 {add = true, strides = array<i32>} : memref<40x64xf32, #tpu.memory_space<vmem>>, vector<1x16xf32>,
        %add3A_670 = arith.constant 120 : i32
        %add3A_671 = arith.addi %add3A_670, %add3A_658 : i32
        %get3A_672 = arith.index_cast %add3A_671 : i32 to index
        %get3A_673 = arith.constant 16 : index
        %get3A_674 = tpu.vector_load %arg7[%get3A_672, %get3A_673] {strides = array<i32>} : memref<200x64xf32, #tpu.memory_space<vmem>>, vector<1x16xf32>,
        %get3A_675 = vector.shape_cast %get3A_674 : vector<1x16xf32> to vector<16xf32>
        %swap3A_676 = arith.index_cast %add3A_658 : i32 to index
        %swap3A_677 = arith.constant 16 : index
        %swap3A_678 = tpu.vector_load %arg16[%swap3A_676, %swap3A_677] {strides = array<i32>} : memref<40x64xf32, #tpu.memory_space<vmem>>, vector<1x16xf32>,
        %swap3A_679 = vector.shape_cast %swap3A_678 : vector<1x16xf32> to vector<16xf32>
        %swap3A_680 = vector.shape_cast %get3A_675 : vector<16xf32> to vector<1x16xf32>
        tpu.vector_store %arg16[%swap3A_676, %swap3A_677], %swap3A_680 {add = true, strides = array<i32>} : memref<40x64xf32, #tpu.memory_space<vmem>>, vector<1x16xf32>,
        %add3A_681 = arith.constant 120 : i32
        %add3A_682 = arith.addi %add3A_681, %add3A_658 : i32
        %get3A_683 = arith.index_cast %add3A_682 : i32 to index
        %get3A_684 = arith.constant 32 : index
        %get3A_685 = tpu.vector_load %arg7[%get3A_683, %get3A_684] {strides = array<i32>} : memref<200x64xf32, #tpu.memory_space<vmem>>, vector<1x16xf32>,
        %get3A_686 = vector.shape_cast %get3A_685 : vector<1x16xf32> to vector<16xf32>
        %swap3A_687 = arith.index_cast %add3A_658 : i32 to index
        %swap3A_688 = arith.constant 32 : index
        %swap3A_689 = tpu.vector_load %arg16[%swap3A_687, %swap3A_688] {strides = array<i32>} : memref<40x64xf32, #tpu.memory_space<vmem>>, vector<1x16xf32>,
        %swap3A_690 = vector.shape_cast %swap3A_689 : vector<1x16xf32> to vector<16xf32>
        %swap3A_691 = vector.shape_cast %get3A_686 : vector<16xf32> to vector<1x16xf32>
        tpu.vector_store %arg16[%swap3A_687, %swap3A_688], %swap3A_691 {add = true, strides = array<i32>} : memref<40x64xf32, #tpu.memory_space<vmem>>, vector<1x16xf32>,
        %add3A_692 = arith.constant 120 : i32
        %add3A_693 = arith.addi %add3A_692, %add3A_658 : i32
        %get3A_694 = arith.index_cast %add3A_693 : i32 to index
        %get3A_695 = arith.constant 48 : index
        %get3A_696 = tpu.vector_load %arg7[%get3A_694, %get3A_695] {strides = array<i32>} : memref<200x64xf32, #tpu.memory_space<vmem>>, vector<1x16xf32>,
        %get3A_697 = vector.shape_cast %get3A_696 : vector<1x16xf32> to vector<16xf32>
        %swap3A_698 = arith.index_cast %add3A_658 : i32 to index
        %swap3A_699 = arith.constant 48 : index
        %swap3A_700 = tpu.vector_load %arg16[%swap3A_698, %swap3A_699] {strides = array<i32>} : memref<40x64xf32, #tpu.memory_space<vmem>>, vector<1x16xf32>,
        %swap3A_701 = vector.shape_cast %swap3A_700 : vector<1x16xf32> to vector<16xf32>
        %swap3A_702 = vector.shape_cast %get3A_697 : vector<16xf32> to vector<1x16xf32>
        tpu.vector_store %arg16[%swap3A_698, %swap3A_699], %swap3A_702 {add = true, strides = array<i32>} : memref<40x64xf32, #tpu.memory_space<vmem>>, vector<1x16xf32>,
        %scan3A_703 = arith.constant 3 : i32
        %scan3A_704 = arith.addi %scan3A_556, %scan3A_703 : i32
        %mul3A_705 = arith.constant 1 : i32
        %mul3A_706 = arith.muli %scan3A_704, %mul3A_705 : i32
        %add3A_707 = arith.constant 0 : i32
        %add3A_708 = arith.addi %add3A_707, %mul3A_706 : i32
        %add3A_709 = arith.constant 120 : i32
        %add3A_710 = arith.addi %add3A_709, %add3A_708 : i32
        %get3A_711 = arith.index_cast %add3A_710 : i32 to index
        %get3A_712 = arith.constant 0 : index
        %get3A_713 = tpu.vector_load %arg7[%get3A_711, %get3A_712] {strides = array<i32>} : memref<200x64xf32, #tpu.memory_space<vmem>>, vector<1x16xf32>,
        %get3A_714 = vector.shape_cast %get3A_713 : vector<1x16xf32> to vector<16xf32>
        %swap3A_715 = arith.index_cast %add3A_708 : i32 to index
        %swap3A_716 = arith.constant 0 : index
        %swap3A_717 = tpu.vector_load %arg16[%swap3A_715, %swap3A_716] {strides = array<i32>} : memref<40x64xf32, #tpu.memory_space<vmem>>, vector<1x16xf32>,
        %swap3A_718 = vector.shape_cast %swap3A_717 : vector<1x16xf32> to vector<16xf32>
        %swap3A_719 = vector.shape_cast %get3A_714 : vector<16xf32> to vector<1x16xf32>
        tpu.vector_store %arg16[%swap3A_715, %swap3A_716], %swap3A_719 {add = true, strides = array<i32>} : memref<40x64xf32, #tpu.memory_space<vmem>>, vector<1x16xf32>,
        %add3A_720 = arith.constant 120 : i32
        %add3A_721 = arith.addi %add3A_720, %add3A_708 : i32
        %get3A_722 = arith.index_cast %add3A_721 : i32 to index
        %get3A_723 = arith.constant 16 : index
        %get3A_724 = tpu.vector_load %arg7[%get3A_722, %get3A_723] {strides = array<i32>} : memref<200x64xf32, #tpu.memory_space<vmem>>, vector<1x16xf32>,
        %get3A_725 = vector.shape_cast %get3A_724 : vector<1x16xf32> to vector<16xf32>
        %swap3A_726 = arith.index_cast %add3A_708 : i32 to index
        %swap3A_727 = arith.constant 16 : index
        %swap3A_728 = tpu.vector_load %arg16[%swap3A_726, %swap3A_727] {strides = array<i32>} : memref<40x64xf32, #tpu.memory_space<vmem>>, vector<1x16xf32>,
        %swap3A_729 = vector.shape_cast %swap3A_728 : vector<1x16xf32> to vector<16xf32>
        %swap3A_730 = vector.shape_cast %get3A_725 : vector<16xf32> to vector<1x16xf32>
        tpu.vector_store %arg16[%swap3A_726, %swap3A_727], %swap3A_730 {add = true, strides = array<i32>} : memref<40x64xf32, #tpu.memory_space<vmem>>, vector<1x16xf32>,
        %add3A_731 = arith.constant 120 : i32
        %add3A_732 = arith.addi %add3A_731, %add3A_708 : i32
        %get3A_733 = arith.index_cast %add3A_732 : i32 to index
        %get3A_734 = arith.constant 32 : index
        %get3A_735 = tpu.vector_load %arg7[%get3A_733, %get3A_734] {strides = array<i32>} : memref<200x64xf32, #tpu.memory_space<vmem>>, vector<1x16xf32>,
        %get3A_736 = vector.shape_cast %get3A_735 : vector<1x16xf32> to vector<16xf32>
        %swap3A_737 = arith.index_cast %add3A_708 : i32 to index
        %swap3A_738 = arith.constant 32 : index
        %swap3A_739 = tpu.vector_load %arg16[%swap3A_737, %swap3A_738] {strides = array<i32>} : memref<40x64xf32, #tpu.memory_space<vmem>>, vector<1x16xf32>,
        %swap3A_740 = vector.shape_cast %swap3A_739 : vector<1x16xf32> to vector<16xf32>
        %swap3A_741 = vector.shape_cast %get3A_736 : vector<16xf32> to vector<1x16xf32>
        tpu.vector_store %arg16[%swap3A_737, %swap3A_738], %swap3A_741 {add = true, strides = array<i32>} : memref<40x64xf32, #tpu.memory_space<vmem>>, vector<1x16xf32>,
        %add3A_742 = arith.constant 120 : i32
        %add3A_743 = arith.addi %add3A_742, %add3A_708 : i32
        %get3A_744 = arith.index_cast %add3A_743 : i32 to index
        %get3A_745 = arith.constant 48 : index
        %get3A_746 = tpu.vector_load %arg7[%get3A_744, %get3A_745] {strides = array<i32>} : memref<200x64xf32, #tpu.memory_space<vmem>>, vector<1x16xf32>,
        %get3A_747 = vector.shape_cast %get3A_746 : vector<1x16xf32> to vector<16xf32>
        %swap3A_748 = arith.index_cast %add3A_708 : i32 to index
        %swap3A_749 = arith.constant 48 : index
        %swap3A_750 = tpu.vector_load %arg16[%swap3A_748, %swap3A_749] {strides = array<i32>} : memref<40x64xf32, #tpu.memory_space<vmem>>, vector<1x16xf32>,
        %swap3A_751 = vector.shape_cast %swap3A_750 : vector<1x16xf32> to vector<16xf32>
        %swap3A_752 = vector.shape_cast %get3A_747 : vector<16xf32> to vector<1x16xf32>
        tpu.vector_store %arg16[%swap3A_748, %swap3A_749], %swap3A_752 {add = true, strides = array<i32>} : memref<40x64xf32, #tpu.memory_space<vmem>>, vector<1x16xf32>,
      }
      %scan3A_509 = arith.constant 40 : i32
      %div3A_510 = arith.constant 5 : i32
      %div3A_511 = arith.divsi %add3A_487, %div3A_510 : i32
      %add3A_512 = arith.addi %mul3A_2, %div3A_511 : i32
      %dma_start3A_513 = arith.constant 120 : i32
      %dma_start3A_514 = arith.constant 0 : i32
      %dma_start3A_515 = tpu.memref_slice %arg5[%add3A_512, %dma_start3A_513, %dma_start3A_514] : memref<4096x200x64xf32, #tpu.memory_space<hbm>> -> memref<1x40x64xf32, #tpu.memory_space<hbm>>
      %dma_start3A_516 = tpu.memref_squeeze %dma_start3A_515 : memref<1x40x64xf32, #tpu.memory_space<hbm>> -> memref<40x64xf32, #tpu.memory_space<hbm>>
      %dma_start3A_517 = arith.constant 120 : i32
      %dma_start3A_518 = arith.constant 0 : i32
      %dma_start3A_519 = tpu.memref_slice %arg5[%add3A_512, %dma_start3A_517, %dma_start3A_518] : memref<4096x200x64xf32, #tpu.memory_space<hbm>> -> memref<1x40x64xf32, #tpu.memory_space<hbm>>
      %dma_start3A_520 = tpu.memref_squeeze %dma_start3A_519 : memref<1x40x64xf32, #tpu.memory_space<hbm>> -> memref<40x64xf32, #tpu.memory_space<hbm>>
      tpu.enqueue_dma source(%arg16 : memref<40x64xf32, #tpu.memory_space<vmem>>) target(%dma_start3A_520 : memref<40x64xf32, #tpu.memory_space<hbm>>) target_semaphore(%arg36 : memref<!tpu.dma_semaphore, #tpu.memory_space<semaphore_mem>>)
      %add3A_521 = arith.constant 9 : i32
      %add3A_522 = arith.addi %add3A_209, %add3A_521 : i32
      %div3A_523 = arith.constant 5 : i32
      %div3A_524 = arith.divsi %add3A_522, %div3A_523 : i32
      %dma_wait3A_525 = arith.constant 160 : i32
      %dma_wait3A_526 = tpu.memref_slice %arg6[%div3A_524, %dma_wait3A_525] : memref<128x200xi32, #tpu.memory_space<vmem>> -> memref<1x40xi32, #tpu.memory_space<vmem>>
      %dma_wait3A_527 = tpu.memref_squeeze %dma_wait3A_526 : memref<1x40xi32, #tpu.memory_space<vmem>> -> memref<40xi32, #tpu.memory_space<vmem>>
      %dma_wait3A_528 = arith.constant 0 : i32
      %dma_wait3A_529 = arith.constant 0 : i32
      %dma_wait3A_530 = tpu.memref_slice %arg4[%dma_wait3A_528, %dma_wait3A_529] : memref<1000000x64xf32, #tpu.memory_space<hbm>> -> memref<1000000x64xf32, #tpu.memory_space<hbm>>
      tpu.wait_indirect_dma semaphore(%arg27 : memref<!tpu.dma_semaphore, #tpu.memory_space<semaphore_mem>>) src(%dma_wait3A_530 : memref<1000000x64xf32, #tpu.memory_space<hbm>>) dst(%arg17 : memref<40x64xf32, #tpu.memory_space<vmem>>)
      %add3A_531 = arith.constant 10 : i32
      %add3A_532 = arith.addi %add3A_522, %add3A_531 : i32
      %sub3A_533 = arith.constant 1 : i32
      %sub3A_534 = arith.subi %add3A_532, %sub3A_533 : i32
      %lt3A_535 = arith.constant 640 : i32
      %lt3A_536 = arith.cmpi slt, %sub3A_534, %lt3A_535 : i32
      %convert_element_type3A_537 = arith.extui %lt3A_536 : i1 to i32
      %cond3A_538 = arith.constant 0 : i32
      %cond3A_539 = arith.cmpi ne, %convert_element_type3A_537, %cond3A_538 : i32
      scf.if %cond3A_539 {
        %ge3A = arith.constant 1 : i32
        %ge3A_556 = arith.cmpi sge, %add3A_522, %ge3A : i32
        %convert_element_type3A_557 = arith.extui %ge3A_556 : i1 to i32
        %cond3A_558 = arith.constant 0 : i32
        %cond3A_559 = arith.cmpi ne, %convert_element_type3A_557, %cond3A_558 : i32
        scf.if %cond3A_559 {
          %sub3A_572 = arith.constant 1 : i32
          %sub3A_573 = arith.subi %add3A_522, %sub3A_572 : i32
          %div3A_574 = arith.constant 5 : i32
          %div3A_575 = arith.divsi %sub3A_573, %div3A_574 : i32
          %add3A_576 = arith.addi %mul3A_2, %div3A_575 : i32
          %dma_wait3A_577 = arith.constant 120 : i32
          %dma_wait3A_578 = arith.constant 0 : i32
          %dma_wait3A_579 = tpu.memref_slice %arg5[%add3A_576, %dma_wait3A_577, %dma_wait3A_578] : memref<4096x200x64xf32, #tpu.memory_space<hbm>> -> memref<1x40x64xf32, #tpu.memory_space<hbm>>
          %dma_wait3A_580 = tpu.memref_squeeze %dma_wait3A_579 : memref<1x40x64xf32, #tpu.memory_space<hbm>> -> memref<40x64xf32, #tpu.memory_space<hbm>>
          %dma_wait3A_581 = arith.constant 120 : i32
          %dma_wait3A_582 = arith.constant 0 : i32
          %dma_wait3A_583 = tpu.memref_slice %arg5[%add3A_576, %dma_wait3A_581, %dma_wait3A_582] : memref<4096x200x64xf32, #tpu.memory_space<hbm>> -> memref<1x40x64xf32, #tpu.memory_space<hbm>>
          %dma_wait3A_584 = tpu.memref_squeeze %dma_wait3A_583 : memref<1x40x64xf32, #tpu.memory_space<hbm>> -> memref<40x64xf32, #tpu.memory_space<hbm>>
          tpu.wait_dma2 semaphore(%arg36 : memref<!tpu.dma_semaphore, #tpu.memory_space<semaphore_mem>>) src(%arg16 : memref<40x64xf32, #tpu.memory_space<vmem>>) dst(%dma_wait3A_584 : memref<40x64xf32, #tpu.memory_space<hbm>>)
        } else {
        }
        %add3A_560 = arith.constant 10 : i32
        %add3A_561 = arith.addi %add3A_522, %add3A_560 : i32
        %sub3A_562 = arith.constant 1 : i32
        %sub3A_563 = arith.subi %add3A_561, %sub3A_562 : i32
        %div3A_564 = arith.constant 5 : i32
        %div3A_565 = arith.divsi %sub3A_563, %div3A_564 : i32
        %dma_start3A_566 = arith.constant 120 : i32
        %dma_start3A_567 = tpu.memref_slice %arg6[%div3A_565, %dma_start3A_566] : memref<128x200xi32, #tpu.memory_space<vmem>> -> memref<1x40xi32, #tpu.memory_space<vmem>>
        %dma_start3A_568 = tpu.memref_squeeze %dma_start3A_567 : memref<1x40xi32, #tpu.memory_space<vmem>> -> memref<40xi32, #tpu.memory_space<vmem>>
        %dma_start3A_569 = arith.constant 0 : i32
        %dma_start3A_570 = arith.constant 0 : i32
        %dma_start3A_571 = tpu.memref_slice %arg4[%dma_start3A_569, %dma_start3A_570] : memref<1000000x64xf32, #tpu.memory_space<hbm>> -> memref<1000000x64xf32, #tpu.memory_space<hbm>>
        tpu.enqueue_indirect_dma source(%dma_start3A_571 : memref<1000000x64xf32, #tpu.memory_space<hbm>>) target(%arg16 : memref<40x64xf32, #tpu.memory_space<vmem>>) offsets(%dma_start3A_568 : memref<40xi32, #tpu.memory_space<vmem>>) semaphore(%arg26 : memref<!tpu.dma_semaphore, #tpu.memory_space<semaphore_mem>>)
      } else {
      }
      %scan3A_540 = arith.constant 0 : i32
      %scan3A_541 = arith.constant 40 : i32
      %scan3A_542 = arith.addi %scan3A_540, %scan3A_541 : i32
      %scan3A_543 = arith.constant 4 : i32
      scf.for %scan3A_556 = %scan3A_540 to %scan3A_542 step %scan3A_543  : i32 {
        %mul3A_557 = arith.constant 1 : i32
        %mul3A_558 = arith.muli %scan3A_556, %mul3A_557 : i32
        %add3A_559 = arith.constant 0 : i32
        %add3A_560 = arith.addi %add3A_559, %mul3A_558 : i32
        %add3A_561 = arith.constant 160 : i32
        %add3A_562 = arith.addi %add3A_561, %add3A_560 : i32
        %get3A = arith.index_cast %add3A_562 : i32 to index
        %get3A_563 = arith.constant 0 : index
        %get3A_564 = tpu.vector_load %arg7[%get3A, %get3A_563] {strides = array<i32>} : memref<200x64xf32, #tpu.memory_space<vmem>>, vector<1x16xf32>,
        %get3A_565 = vector.shape_cast %get3A_564 : vector<1x16xf32> to vector<16xf32>
        %swap3A = arith.index_cast %add3A_560 : i32 to index
        %swap3A_566 = arith.constant 0 : index
        %swap3A_567 = tpu.vector_load %arg17[%swap3A, %swap3A_566] {strides = array<i32>} : memref<40x64xf32, #tpu.memory_space<vmem>>, vector<1x16xf32>,
        %swap3A_568 = vector.shape_cast %swap3A_567 : vector<1x16xf32> to vector<16xf32>
        %swap3A_569 = vector.shape_cast %get3A_565 : vector<16xf32> to vector<1x16xf32>
        tpu.vector_store %arg17[%swap3A, %swap3A_566], %swap3A_569 {add = true, strides = array<i32>} : memref<40x64xf32, #tpu.memory_space<vmem>>, vector<1x16xf32>,
        %add3A_570 = arith.constant 160 : i32
        %add3A_571 = arith.addi %add3A_570, %add3A_560 : i32
        %get3A_572 = arith.index_cast %add3A_571 : i32 to index
        %get3A_573 = arith.constant 16 : index
        %get3A_574 = tpu.vector_load %arg7[%get3A_572, %get3A_573] {strides = array<i32>} : memref<200x64xf32, #tpu.memory_space<vmem>>, vector<1x16xf32>,
        %get3A_575 = vector.shape_cast %get3A_574 : vector<1x16xf32> to vector<16xf32>
        %swap3A_576 = arith.index_cast %add3A_560 : i32 to index
        %swap3A_577 = arith.constant 16 : index
        %swap3A_578 = tpu.vector_load %arg17[%swap3A_576, %swap3A_577] {strides = array<i32>} : memref<40x64xf32, #tpu.memory_space<vmem>>, vector<1x16xf32>,
        %swap3A_579 = vector.shape_cast %swap3A_578 : vector<1x16xf32> to vector<16xf32>
        %swap3A_580 = vector.shape_cast %get3A_575 : vector<16xf32> to vector<1x16xf32>
        tpu.vector_store %arg17[%swap3A_576, %swap3A_577], %swap3A_580 {add = true, strides = array<i32>} : memref<40x64xf32, #tpu.memory_space<vmem>>, vector<1x16xf32>,
        %add3A_581 = arith.constant 160 : i32
        %add3A_582 = arith.addi %add3A_581, %add3A_560 : i32
        %get3A_583 = arith.index_cast %add3A_582 : i32 to index
        %get3A_584 = arith.constant 32 : index
        %get3A_585 = tpu.vector_load %arg7[%get3A_583, %get3A_584] {strides = array<i32>} : memref<200x64xf32, #tpu.memory_space<vmem>>, vector<1x16xf32>,
        %get3A_586 = vector.shape_cast %get3A_585 : vector<1x16xf32> to vector<16xf32>
        %swap3A_587 = arith.index_cast %add3A_560 : i32 to index
        %swap3A_588 = arith.constant 32 : index
        %swap3A_589 = tpu.vector_load %arg17[%swap3A_587, %swap3A_588] {strides = array<i32>} : memref<40x64xf32, #tpu.memory_space<vmem>>, vector<1x16xf32>,
        %swap3A_590 = vector.shape_cast %swap3A_589 : vector<1x16xf32> to vector<16xf32>
        %swap3A_591 = vector.shape_cast %get3A_586 : vector<16xf32> to vector<1x16xf32>
        tpu.vector_store %arg17[%swap3A_587, %swap3A_588], %swap3A_591 {add = true, strides = array<i32>} : memref<40x64xf32, #tpu.memory_space<vmem>>, vector<1x16xf32>,
        %add3A_592 = arith.constant 160 : i32
        %add3A_593 = arith.addi %add3A_592, %add3A_560 : i32
        %get3A_594 = arith.index_cast %add3A_593 : i32 to index
        %get3A_595 = arith.constant 48 : index
        %get3A_596 = tpu.vector_load %arg7[%get3A_594, %get3A_595] {strides = array<i32>} : memref<200x64xf32, #tpu.memory_space<vmem>>, vector<1x16xf32>,
        %get3A_597 = vector.shape_cast %get3A_596 : vector<1x16xf32> to vector<16xf32>
        %swap3A_598 = arith.index_cast %add3A_560 : i32 to index
        %swap3A_599 = arith.constant 48 : index
        %swap3A_600 = tpu.vector_load %arg17[%swap3A_598, %swap3A_599] {strides = array<i32>} : memref<40x64xf32, #tpu.memory_space<vmem>>, vector<1x16xf32>,
        %swap3A_601 = vector.shape_cast %swap3A_600 : vector<1x16xf32> to vector<16xf32>
        %swap3A_602 = vector.shape_cast %get3A_597 : vector<16xf32> to vector<1x16xf32>
        tpu.vector_store %arg17[%swap3A_598, %swap3A_599], %swap3A_602 {add = true, strides = array<i32>} : memref<40x64xf32, #tpu.memory_space<vmem>>, vector<1x16xf32>,
        %scan3A_603 = arith.constant 1 : i32
        %scan3A_604 = arith.addi %scan3A_556, %scan3A_603 : i32
        %mul3A_605 = arith.constant 1 : i32
        %mul3A_606 = arith.muli %scan3A_604, %mul3A_605 : i32
        %add3A_607 = arith.constant 0 : i32
        %add3A_608 = arith.addi %add3A_607, %mul3A_606 : i32
        %add3A_609 = arith.constant 160 : i32
        %add3A_610 = arith.addi %add3A_609, %add3A_608 : i32
        %get3A_611 = arith.index_cast %add3A_610 : i32 to index
        %get3A_612 = arith.constant 0 : index
        %get3A_613 = tpu.vector_load %arg7[%get3A_611, %get3A_612] {strides = array<i32>} : memref<200x64xf32, #tpu.memory_space<vmem>>, vector<1x16xf32>,
        %get3A_614 = vector.shape_cast %get3A_613 : vector<1x16xf32> to vector<16xf32>
        %swap3A_615 = arith.index_cast %add3A_608 : i32 to index
        %swap3A_616 = arith.constant 0 : index
        %swap3A_617 = tpu.vector_load %arg17[%swap3A_615, %swap3A_616] {strides = array<i32>} : memref<40x64xf32, #tpu.memory_space<vmem>>, vector<1x16xf32>,
        %swap3A_618 = vector.shape_cast %swap3A_617 : vector<1x16xf32> to vector<16xf32>
        %swap3A_619 = vector.shape_cast %get3A_614 : vector<16xf32> to vector<1x16xf32>
        tpu.vector_store %arg17[%swap3A_615, %swap3A_616], %swap3A_619 {add = true, strides = array<i32>} : memref<40x64xf32, #tpu.memory_space<vmem>>, vector<1x16xf32>,
        %add3A_620 = arith.constant 160 : i32
        %add3A_621 = arith.addi %add3A_620, %add3A_608 : i32
        %get3A_622 = arith.index_cast %add3A_621 : i32 to index
        %get3A_623 = arith.constant 16 : index
        %get3A_624 = tpu.vector_load %arg7[%get3A_622, %get3A_623] {strides = array<i32>} : memref<200x64xf32, #tpu.memory_space<vmem>>, vector<1x16xf32>,
        %get3A_625 = vector.shape_cast %get3A_624 : vector<1x16xf32> to vector<16xf32>
        %swap3A_626 = arith.index_cast %add3A_608 : i32 to index
        %swap3A_627 = arith.constant 16 : index
        %swap3A_628 = tpu.vector_load %arg17[%swap3A_626, %swap3A_627] {strides = array<i32>} : memref<40x64xf32, #tpu.memory_space<vmem>>, vector<1x16xf32>,
        %swap3A_629 = vector.shape_cast %swap3A_628 : vector<1x16xf32> to vector<16xf32>
        %swap3A_630 = vector.shape_cast %get3A_625 : vector<16xf32> to vector<1x16xf32>
        tpu.vector_store %arg17[%swap3A_626, %swap3A_627], %swap3A_630 {add = true, strides = array<i32>} : memref<40x64xf32, #tpu.memory_space<vmem>>, vector<1x16xf32>,
        %add3A_631 = arith.constant 160 : i32
        %add3A_632 = arith.addi %add3A_631, %add3A_608 : i32
        %get3A_633 = arith.index_cast %add3A_632 : i32 to index
        %get3A_634 = arith.constant 32 : index
        %get3A_635 = tpu.vector_load %arg7[%get3A_633, %get3A_634] {strides = array<i32>} : memref<200x64xf32, #tpu.memory_space<vmem>>, vector<1x16xf32>,
        %get3A_636 = vector.shape_cast %get3A_635 : vector<1x16xf32> to vector<16xf32>
        %swap3A_637 = arith.index_cast %add3A_608 : i32 to index
        %swap3A_638 = arith.constant 32 : index
        %swap3A_639 = tpu.vector_load %arg17[%swap3A_637, %swap3A_638] {strides = array<i32>} : memref<40x64xf32, #tpu.memory_space<vmem>>, vector<1x16xf32>,
        %swap3A_640 = vector.shape_cast %swap3A_639 : vector<1x16xf32> to vector<16xf32>
        %swap3A_641 = vector.shape_cast %get3A_636 : vector<16xf32> to vector<1x16xf32>
        tpu.vector_store %arg17[%swap3A_637, %swap3A_638], %swap3A_641 {add = true, strides = array<i32>} : memref<40x64xf32, #tpu.memory_space<vmem>>, vector<1x16xf32>,
        %add3A_642 = arith.constant 160 : i32
        %add3A_643 = arith.addi %add3A_642, %add3A_608 : i32
        %get3A_644 = arith.index_cast %add3A_643 : i32 to index
        %get3A_645 = arith.constant 48 : index
        %get3A_646 = tpu.vector_load %arg7[%get3A_644, %get3A_645] {strides = array<i32>} : memref<200x64xf32, #tpu.memory_space<vmem>>, vector<1x16xf32>,
        %get3A_647 = vector.shape_cast %get3A_646 : vector<1x16xf32> to vector<16xf32>
        %swap3A_648 = arith.index_cast %add3A_608 : i32 to index
        %swap3A_649 = arith.constant 48 : index
        %swap3A_650 = tpu.vector_load %arg17[%swap3A_648, %swap3A_649] {strides = array<i32>} : memref<40x64xf32, #tpu.memory_space<vmem>>, vector<1x16xf32>,
        %swap3A_651 = vector.shape_cast %swap3A_650 : vector<1x16xf32> to vector<16xf32>
        %swap3A_652 = vector.shape_cast %get3A_647 : vector<16xf32> to vector<1x16xf32>
        tpu.vector_store %arg17[%swap3A_648, %swap3A_649], %swap3A_652 {add = true, strides = array<i32>} : memref<40x64xf32, #tpu.memory_space<vmem>>, vector<1x16xf32>,
        %scan3A_653 = arith.constant 2 : i32
        %scan3A_654 = arith.addi %scan3A_556, %scan3A_653 : i32
        %mul3A_655 = arith.constant 1 : i32
        %mul3A_656 = arith.muli %scan3A_654, %mul3A_655 : i32
        %add3A_657 = arith.constant 0 : i32
        %add3A_658 = arith.addi %add3A_657, %mul3A_656 : i32
        %add3A_659 = arith.constant 160 : i32
        %add3A_660 = arith.addi %add3A_659, %add3A_658 : i32
        %get3A_661 = arith.index_cast %add3A_660 : i32 to index
        %get3A_662 = arith.constant 0 : index
        %get3A_663 = tpu.vector_load %arg7[%get3A_661, %get3A_662] {strides = array<i32>} : memref<200x64xf32, #tpu.memory_space<vmem>>, vector<1x16xf32>,
        %get3A_664 = vector.shape_cast %get3A_663 : vector<1x16xf32> to vector<16xf32>
        %swap3A_665 = arith.index_cast %add3A_658 : i32 to index
        %swap3A_666 = arith.constant 0 : index
        %swap3A_667 = tpu.vector_load %arg17[%swap3A_665, %swap3A_666] {strides = array<i32>} : memref<40x64xf32, #tpu.memory_space<vmem>>, vector<1x16xf32>,
        %swap3A_668 = vector.shape_cast %swap3A_667 : vector<1x16xf32> to vector<16xf32>
        %swap3A_669 = vector.shape_cast %get3A_664 : vector<16xf32> to vector<1x16xf32>
        tpu.vector_store %arg17[%swap3A_665, %swap3A_666], %swap3A_669 {add = true, strides = array<i32>} : memref<40x64xf32, #tpu.memory_space<vmem>>, vector<1x16xf32>,
        %add3A_670 = arith.constant 160 : i32
        %add3A_671 = arith.addi %add3A_670, %add3A_658 : i32
        %get3A_672 = arith.index_cast %add3A_671 : i32 to index
        %get3A_673 = arith.constant 16 : index
        %get3A_674 = tpu.vector_load %arg7[%get3A_672, %get3A_673] {strides = array<i32>} : memref<200x64xf32, #tpu.memory_space<vmem>>, vector<1x16xf32>,
        %get3A_675 = vector.shape_cast %get3A_674 : vector<1x16xf32> to vector<16xf32>
        %swap3A_676 = arith.index_cast %add3A_658 : i32 to index
        %swap3A_677 = arith.constant 16 : index
        %swap3A_678 = tpu.vector_load %arg17[%swap3A_676, %swap3A_677] {strides = array<i32>} : memref<40x64xf32, #tpu.memory_space<vmem>>, vector<1x16xf32>,
        %swap3A_679 = vector.shape_cast %swap3A_678 : vector<1x16xf32> to vector<16xf32>
        %swap3A_680 = vector.shape_cast %get3A_675 : vector<16xf32> to vector<1x16xf32>
        tpu.vector_store %arg17[%swap3A_676, %swap3A_677], %swap3A_680 {add = true, strides = array<i32>} : memref<40x64xf32, #tpu.memory_space<vmem>>, vector<1x16xf32>,
        %add3A_681 = arith.constant 160 : i32
        %add3A_682 = arith.addi %add3A_681, %add3A_658 : i32
        %get3A_683 = arith.index_cast %add3A_682 : i32 to index
        %get3A_684 = arith.constant 32 : index
        %get3A_685 = tpu.vector_load %arg7[%get3A_683, %get3A_684] {strides = array<i32>} : memref<200x64xf32, #tpu.memory_space<vmem>>, vector<1x16xf32>,
        %get3A_686 = vector.shape_cast %get3A_685 : vector<1x16xf32> to vector<16xf32>
        %swap3A_687 = arith.index_cast %add3A_658 : i32 to index
        %swap3A_688 = arith.constant 32 : index
        %swap3A_689 = tpu.vector_load %arg17[%swap3A_687, %swap3A_688] {strides = array<i32>} : memref<40x64xf32, #tpu.memory_space<vmem>>, vector<1x16xf32>,
        %swap3A_690 = vector.shape_cast %swap3A_689 : vector<1x16xf32> to vector<16xf32>
        %swap3A_691 = vector.shape_cast %get3A_686 : vector<16xf32> to vector<1x16xf32>
        tpu.vector_store %arg17[%swap3A_687, %swap3A_688], %swap3A_691 {add = true, strides = array<i32>} : memref<40x64xf32, #tpu.memory_space<vmem>>, vector<1x16xf32>,
        %add3A_692 = arith.constant 160 : i32
        %add3A_693 = arith.addi %add3A_692, %add3A_658 : i32
        %get3A_694 = arith.index_cast %add3A_693 : i32 to index
        %get3A_695 = arith.constant 48 : index
        %get3A_696 = tpu.vector_load %arg7[%get3A_694, %get3A_695] {strides = array<i32>} : memref<200x64xf32, #tpu.memory_space<vmem>>, vector<1x16xf32>,
        %get3A_697 = vector.shape_cast %get3A_696 : vector<1x16xf32> to vector<16xf32>
        %swap3A_698 = arith.index_cast %add3A_658 : i32 to index
        %swap3A_699 = arith.constant 48 : index
        %swap3A_700 = tpu.vector_load %arg17[%swap3A_698, %swap3A_699] {strides = array<i32>} : memref<40x64xf32, #tpu.memory_space<vmem>>, vector<1x16xf32>,
        %swap3A_701 = vector.shape_cast %swap3A_700 : vector<1x16xf32> to vector<16xf32>
        %swap3A_702 = vector.shape_cast %get3A_697 : vector<16xf32> to vector<1x16xf32>
        tpu.vector_store %arg17[%swap3A_698, %swap3A_699], %swap3A_702 {add = true, strides = array<i32>} : memref<40x64xf32, #tpu.memory_space<vmem>>, vector<1x16xf32>,
        %scan3A_703 = arith.constant 3 : i32
        %scan3A_704 = arith.addi %scan3A_556, %scan3A_703 : i32
        %mul3A_705 = arith.constant 1 : i32
        %mul3A_706 = arith.muli %scan3A_704, %mul3A_705 : i32
        %add3A_707 = arith.constant 0 : i32
        %add3A_708 = arith.addi %add3A_707, %mul3A_706 : i32
        %add3A_709 = arith.constant 160 : i32
        %add3A_710 = arith.addi %add3A_709, %add3A_708 : i32
        %get3A_711 = arith.index_cast %add3A_710 : i32 to index
        %get3A_712 = arith.constant 0 : index
        %get3A_713 = tpu.vector_load %arg7[%get3A_711, %get3A_712] {strides = array<i32>} : memref<200x64xf32, #tpu.memory_space<vmem>>, vector<1x16xf32>,
        %get3A_714 = vector.shape_cast %get3A_713 : vector<1x16xf32> to vector<16xf32>
        %swap3A_715 = arith.index_cast %add3A_708 : i32 to index
        %swap3A_716 = arith.constant 0 : index
        %swap3A_717 = tpu.vector_load %arg17[%swap3A_715, %swap3A_716] {strides = array<i32>} : memref<40x64xf32, #tpu.memory_space<vmem>>, vector<1x16xf32>,
        %swap3A_718 = vector.shape_cast %swap3A_717 : vector<1x16xf32> to vector<16xf32>
        %swap3A_719 = vector.shape_cast %get3A_714 : vector<16xf32> to vector<1x16xf32>
        tpu.vector_store %arg17[%swap3A_715, %swap3A_716], %swap3A_719 {add = true, strides = array<i32>} : memref<40x64xf32, #tpu.memory_space<vmem>>, vector<1x16xf32>,
        %add3A_720 = arith.constant 160 : i32
        %add3A_721 = arith.addi %add3A_720, %add3A_708 : i32
        %get3A_722 = arith.index_cast %add3A_721 : i32 to index
        %get3A_723 = arith.constant 16 : index
        %get3A_724 = tpu.vector_load %arg7[%get3A_722, %get3A_723] {strides = array<i32>} : memref<200x64xf32, #tpu.memory_space<vmem>>, vector<1x16xf32>,
        %get3A_725 = vector.shape_cast %get3A_724 : vector<1x16xf32> to vector<16xf32>
        %swap3A_726 = arith.index_cast %add3A_708 : i32 to index
        %swap3A_727 = arith.constant 16 : index
        %swap3A_728 = tpu.vector_load %arg17[%swap3A_726, %swap3A_727] {strides = array<i32>} : memref<40x64xf32, #tpu.memory_space<vmem>>, vector<1x16xf32>,
        %swap3A_729 = vector.shape_cast %swap3A_728 : vector<1x16xf32> to vector<16xf32>
        %swap3A_730 = vector.shape_cast %get3A_725 : vector<16xf32> to vector<1x16xf32>
        tpu.vector_store %arg17[%swap3A_726, %swap3A_727], %swap3A_730 {add = true, strides = array<i32>} : memref<40x64xf32, #tpu.memory_space<vmem>>, vector<1x16xf32>,
        %add3A_731 = arith.constant 160 : i32
        %add3A_732 = arith.addi %add3A_731, %add3A_708 : i32
        %get3A_733 = arith.index_cast %add3A_732 : i32 to index
        %get3A_734 = arith.constant 32 : index
        %get3A_735 = tpu.vector_load %arg7[%get3A_733, %get3A_734] {strides = array<i32>} : memref<200x64xf32, #tpu.memory_space<vmem>>, vector<1x16xf32>,
        %get3A_736 = vector.shape_cast %get3A_735 : vector<1x16xf32> to vector<16xf32>
        %swap3A_737 = arith.index_cast %add3A_708 : i32 to index
        %swap3A_738 = arith.constant 32 : index
        %swap3A_739 = tpu.vector_load %arg17[%swap3A_737, %swap3A_738] {strides = array<i32>} : memref<40x64xf32, #tpu.memory_space<vmem>>, vector<1x16xf32>,
        %swap3A_740 = vector.shape_cast %swap3A_739 : vector<1x16xf32> to vector<16xf32>
        %swap3A_741 = vector.shape_cast %get3A_736 : vector<16xf32> to vector<1x16xf32>
        tpu.vector_store %arg17[%swap3A_737, %swap3A_738], %swap3A_741 {add = true, strides = array<i32>} : memref<40x64xf32, #tpu.memory_space<vmem>>, vector<1x16xf32>,
        %add3A_742 = arith.constant 160 : i32
        %add3A_743 = arith.addi %add3A_742, %add3A_708 : i32
        %get3A_744 = arith.index_cast %add3A_743 : i32 to index
        %get3A_745 = arith.constant 48 : index
        %get3A_746 = tpu.vector_load %arg7[%get3A_744, %get3A_745] {strides = array<i32>} : memref<200x64xf32, #tpu.memory_space<vmem>>, vector<1x16xf32>,
        %get3A_747 = vector.shape_cast %get3A_746 : vector<1x16xf32> to vector<16xf32>
        %swap3A_748 = arith.index_cast %add3A_708 : i32 to index
        %swap3A_749 = arith.constant 48 : index
        %swap3A_750 = tpu.vector_load %arg17[%swap3A_748, %swap3A_749] {strides = array<i32>} : memref<40x64xf32, #tpu.memory_space<vmem>>, vector<1x16xf32>,
        %swap3A_751 = vector.shape_cast %swap3A_750 : vector<1x16xf32> to vector<16xf32>
        %swap3A_752 = vector.shape_cast %get3A_747 : vector<16xf32> to vector<1x16xf32>
        tpu.vector_store %arg17[%swap3A_748, %swap3A_749], %swap3A_752 {add = true, strides = array<i32>} : memref<40x64xf32, #tpu.memory_space<vmem>>, vector<1x16xf32>,
      }
      %scan3A_544 = arith.constant 40 : i32
      %div3A_545 = arith.constant 5 : i32
      %div3A_546 = arith.divsi %add3A_522, %div3A_545 : i32
      %add3A_547 = arith.addi %mul3A_2, %div3A_546 : i32
      %dma_start3A_548 = arith.constant 160 : i32
      %dma_start3A_549 = arith.constant 0 : i32
      %dma_start3A_550 = tpu.memref_slice %arg5[%add3A_547, %dma_start3A_548, %dma_start3A_549] : memref<4096x200x64xf32, #tpu.memory_space<hbm>> -> memref<1x40x64xf32, #tpu.memory_space<hbm>>
      %dma_start3A_551 = tpu.memref_squeeze %dma_start3A_550 : memref<1x40x64xf32, #tpu.memory_space<hbm>> -> memref<40x64xf32, #tpu.memory_space<hbm>>
      %dma_start3A_552 = arith.constant 160 : i32
      %dma_start3A_553 = arith.constant 0 : i32
      %dma_start3A_554 = tpu.memref_slice %arg5[%add3A_547, %dma_start3A_552, %dma_start3A_553] : memref<4096x200x64xf32, #tpu.memory_space<hbm>> -> memref<1x40x64xf32, #tpu.memory_space<hbm>>
      %dma_start3A_555 = tpu.memref_squeeze %dma_start3A_554 : memref<1x40x64xf32, #tpu.memory_space<hbm>> -> memref<40x64xf32, #tpu.memory_space<hbm>>
      tpu.enqueue_dma source(%arg17 : memref<40x64xf32, #tpu.memory_space<vmem>>) target(%dma_start3A_555 : memref<40x64xf32, #tpu.memory_space<hbm>>) target_semaphore(%arg37 : memref<!tpu.dma_semaphore, #tpu.memory_space<semaphore_mem>>)
    }
    %scan3A_85 = arith.constant 64 : i32
    %div3A_86 = arith.constant 630 : i32
    %div3A_87 = arith.constant 5 : i32
    %div3A_88 = arith.divsi %div3A_86, %div3A_87 : i32
    %add3A_89 = arith.addi %mul3A_2, %div3A_88 : i32
    %dma_wait3A = arith.constant 0 : i32
    %dma_wait3A_90 = arith.constant 0 : i32
    %dma_wait3A_91 = tpu.memref_slice %arg5[%add3A_89, %dma_wait3A, %dma_wait3A_90] : memref<4096x200x64xf32, #tpu.memory_space<hbm>> -> memref<1x40x64xf32, #tpu.memory_space<hbm>>
    %dma_wait3A_92 = tpu.memref_squeeze %dma_wait3A_91 : memref<1x40x64xf32, #tpu.memory_space<hbm>> -> memref<40x64xf32, #tpu.memory_space<hbm>>
    %dma_wait3A_93 = arith.constant 0 : i32
    %dma_wait3A_94 = arith.constant 0 : i32
    %dma_wait3A_95 = tpu.memref_slice %arg5[%add3A_89, %dma_wait3A_93, %dma_wait3A_94] : memref<4096x200x64xf32, #tpu.memory_space<hbm>> -> memref<1x40x64xf32, #tpu.memory_space<hbm>>
    %dma_wait3A_96 = tpu.memref_squeeze %dma_wait3A_95 : memref<1x40x64xf32, #tpu.memory_space<hbm>> -> memref<40x64xf32, #tpu.memory_space<hbm>>
    tpu.wait_dma2 semaphore(%arg28 : memref<!tpu.dma_semaphore, #tpu.memory_space<semaphore_mem>>) src(%arg8 : memref<40x64xf32, #tpu.memory_space<vmem>>) dst(%dma_wait3A_96 : memref<40x64xf32, #tpu.memory_space<hbm>>)
    %div3A_97 = arith.constant 631 : i32
    %div3A_98 = arith.constant 5 : i32
    %div3A_99 = arith.divsi %div3A_97, %div3A_98 : i32
    %add3A_100 = arith.addi %mul3A_2, %div3A_99 : i32
    %dma_wait3A_101 = arith.constant 40 : i32
    %dma_wait3A_102 = arith.constant 0 : i32
    %dma_wait3A_103 = tpu.memref_slice %arg5[%add3A_100, %dma_wait3A_101, %dma_wait3A_102] : memref<4096x200x64xf32, #tpu.memory_space<hbm>> -> memref<1x40x64xf32, #tpu.memory_space<hbm>>
    %dma_wait3A_104 = tpu.memref_squeeze %dma_wait3A_103 : memref<1x40x64xf32, #tpu.memory_space<hbm>> -> memref<40x64xf32, #tpu.memory_space<hbm>>
    %dma_wait3A_105 = arith.constant 40 : i32
    %dma_wait3A_106 = arith.constant 0 : i32
    %dma_wait3A_107 = tpu.memref_slice %arg5[%add3A_100, %dma_wait3A_105, %dma_wait3A_106] : memref<4096x200x64xf32, #tpu.memory_space<hbm>> -> memref<1x40x64xf32, #tpu.memory_space<hbm>>
    %dma_wait3A_108 = tpu.memref_squeeze %dma_wait3A_107 : memref<1x40x64xf32, #tpu.memory_space<hbm>> -> memref<40x64xf32, #tpu.memory_space<hbm>>
    tpu.wait_dma2 semaphore(%arg29 : memref<!tpu.dma_semaphore, #tpu.memory_space<semaphore_mem>>) src(%arg9 : memref<40x64xf32, #tpu.memory_space<vmem>>) dst(%dma_wait3A_108 : memref<40x64xf32, #tpu.memory_space<hbm>>)
    %div3A_109 = arith.constant 632 : i32
    %div3A_110 = arith.constant 5 : i32
    %div3A_111 = arith.divsi %div3A_109, %div3A_110 : i32
    %add3A_112 = arith.addi %mul3A_2, %div3A_111 : i32
    %dma_wait3A_113 = arith.constant 80 : i32
    %dma_wait3A_114 = arith.constant 0 : i32
    %dma_wait3A_115 = tpu.memref_slice %arg5[%add3A_112, %dma_wait3A_113, %dma_wait3A_114] : memref<4096x200x64xf32, #tpu.memory_space<hbm>> -> memref<1x40x64xf32, #tpu.memory_space<hbm>>
    %dma_wait3A_116 = tpu.memref_squeeze %dma_wait3A_115 : memref<1x40x64xf32, #tpu.memory_space<hbm>> -> memref<40x64xf32, #tpu.memory_space<hbm>>
    %dma_wait3A_117 = arith.constant 80 : i32
    %dma_wait3A_118 = arith.constant 0 : i32
    %dma_wait3A_119 = tpu.memref_slice %arg5[%add3A_112, %dma_wait3A_117, %dma_wait3A_118] : memref<4096x200x64xf32, #tpu.memory_space<hbm>> -> memref<1x40x64xf32, #tpu.memory_space<hbm>>
    %dma_wait3A_120 = tpu.memref_squeeze %dma_wait3A_119 : memref<1x40x64xf32, #tpu.memory_space<hbm>> -> memref<40x64xf32, #tpu.memory_space<hbm>>
    tpu.wait_dma2 semaphore(%arg30 : memref<!tpu.dma_semaphore, #tpu.memory_space<semaphore_mem>>) src(%arg10 : memref<40x64xf32, #tpu.memory_space<vmem>>) dst(%dma_wait3A_120 : memref<40x64xf32, #tpu.memory_space<hbm>>)
    %div3A_121 = arith.constant 633 : i32
    %div3A_122 = arith.constant 5 : i32
    %div3A_123 = arith.divsi %div3A_121, %div3A_122 : i32
    %add3A_124 = arith.addi %mul3A_2, %div3A_123 : i32
    %dma_wait3A_125 = arith.constant 120 : i32
    %dma_wait3A_126 = arith.constant 0 : i32
    %dma_wait3A_127 = tpu.memref_slice %arg5[%add3A_124, %dma_wait3A_125, %dma_wait3A_126] : memref<4096x200x64xf32, #tpu.memory_space<hbm>> -> memref<1x40x64xf32, #tpu.memory_space<hbm>>
    %dma_wait3A_128 = tpu.memref_squeeze %dma_wait3A_127 : memref<1x40x64xf32, #tpu.memory_space<hbm>> -> memref<40x64xf32, #tpu.memory_space<hbm>>
    %dma_wait3A_129 = arith.constant 120 : i32
    %dma_wait3A_130 = arith.constant 0 : i32
    %dma_wait3A_131 = tpu.memref_slice %arg5[%add3A_124, %dma_wait3A_129, %dma_wait3A_130] : memref<4096x200x64xf32, #tpu.memory_space<hbm>> -> memref<1x40x64xf32, #tpu.memory_space<hbm>>
    %dma_wait3A_132 = tpu.memref_squeeze %dma_wait3A_131 : memref<1x40x64xf32, #tpu.memory_space<hbm>> -> memref<40x64xf32, #tpu.memory_space<hbm>>
    tpu.wait_dma2 semaphore(%arg31 : memref<!tpu.dma_semaphore, #tpu.memory_space<semaphore_mem>>) src(%arg11 : memref<40x64xf32, #tpu.memory_space<vmem>>) dst(%dma_wait3A_132 : memref<40x64xf32, #tpu.memory_space<hbm>>)
    %div3A_133 = arith.constant 634 : i32
    %div3A_134 = arith.constant 5 : i32
    %div3A_135 = arith.divsi %div3A_133, %div3A_134 : i32
    %add3A_136 = arith.addi %mul3A_2, %div3A_135 : i32
    %dma_wait3A_137 = arith.constant 160 : i32
    %dma_wait3A_138 = arith.constant 0 : i32
    %dma_wait3A_139 = tpu.memref_slice %arg5[%add3A_136, %dma_wait3A_137, %dma_wait3A_138] : memref<4096x200x64xf32, #tpu.memory_space<hbm>> -> memref<1x40x64xf32, #tpu.memory_space<hbm>>
    %dma_wait3A_140 = tpu.memref_squeeze %dma_wait3A_139 : memref<1x40x64xf32, #tpu.memory_space<hbm>> -> memref<40x64xf32, #tpu.memory_space<hbm>>
    %dma_wait3A_141 = arith.constant 160 : i32
    %dma_wait3A_142 = arith.constant 0 : i32
    %dma_wait3A_143 = tpu.memref_slice %arg5[%add3A_136, %dma_wait3A_141, %dma_wait3A_142] : memref<4096x200x64xf32, #tpu.memory_space<hbm>> -> memref<1x40x64xf32, #tpu.memory_space<hbm>>
    %dma_wait3A_144 = tpu.memref_squeeze %dma_wait3A_143 : memref<1x40x64xf32, #tpu.memory_space<hbm>> -> memref<40x64xf32, #tpu.memory_space<hbm>>
    tpu.wait_dma2 semaphore(%arg32 : memref<!tpu.dma_semaphore, #tpu.memory_space<semaphore_mem>>) src(%arg12 : memref<40x64xf32, #tpu.memory_space<vmem>>) dst(%dma_wait3A_144 : memref<40x64xf32, #tpu.memory_space<hbm>>)
    %div3A_145 = arith.constant 635 : i32
    %div3A_146 = arith.constant 5 : i32
    %div3A_147 = arith.divsi %div3A_145, %div3A_146 : i32
    %add3A_148 = arith.addi %mul3A_2, %div3A_147 : i32
    %dma_wait3A_149 = arith.constant 0 : i32
    %dma_wait3A_150 = arith.constant 0 : i32
    %dma_wait3A_151 = tpu.memref_slice %arg5[%add3A_148, %dma_wait3A_149, %dma_wait3A_150] : memref<4096x200x64xf32, #tpu.memory_space<hbm>> -> memref<1x40x64xf32, #tpu.memory_space<hbm>>
    %dma_wait3A_152 = tpu.memref_squeeze %dma_wait3A_151 : memref<1x40x64xf32, #tpu.memory_space<hbm>> -> memref<40x64xf32, #tpu.memory_space<hbm>>
    %dma_wait3A_153 = arith.constant 0 : i32
    %dma_wait3A_154 = arith.constant 0 : i32
    %dma_wait3A_155 = tpu.memref_slice %arg5[%add3A_148, %dma_wait3A_153, %dma_wait3A_154] : memref<4096x200x64xf32, #tpu.memory_space<hbm>> -> memref<1x40x64xf32, #tpu.memory_space<hbm>>
    %dma_wait3A_156 = tpu.memref_squeeze %dma_wait3A_155 : memref<1x40x64xf32, #tpu.memory_space<hbm>> -> memref<40x64xf32, #tpu.memory_space<hbm>>
    tpu.wait_dma2 semaphore(%arg33 : memref<!tpu.dma_semaphore, #tpu.memory_space<semaphore_mem>>) src(%arg13 : memref<40x64xf32, #tpu.memory_space<vmem>>) dst(%dma_wait3A_156 : memref<40x64xf32, #tpu.memory_space<hbm>>)
    %div3A_157 = arith.constant 636 : i32
    %div3A_158 = arith.constant 5 : i32
    %div3A_159 = arith.divsi %div3A_157, %div3A_158 : i32
    %add3A_160 = arith.addi %mul3A_2, %div3A_159 : i32
    %dma_wait3A_161 = arith.constant 40 : i32
    %dma_wait3A_162 = arith.constant 0 : i32
    %dma_wait3A_163 = tpu.memref_slice %arg5[%add3A_160, %dma_wait3A_161, %dma_wait3A_162] : memref<4096x200x64xf32, #tpu.memory_space<hbm>> -> memref<1x40x64xf32, #tpu.memory_space<hbm>>
    %dma_wait3A_164 = tpu.memref_squeeze %dma_wait3A_163 : memref<1x40x64xf32, #tpu.memory_space<hbm>> -> memref<40x64xf32, #tpu.memory_space<hbm>>
    %dma_wait3A_165 = arith.constant 40 : i32
    %dma_wait3A_166 = arith.constant 0 : i32
    %dma_wait3A_167 = tpu.memref_slice %arg5[%add3A_160, %dma_wait3A_165, %dma_wait3A_166] : memref<4096x200x64xf32, #tpu.memory_space<hbm>> -> memref<1x40x64xf32, #tpu.memory_space<hbm>>
    %dma_wait3A_168 = tpu.memref_squeeze %dma_wait3A_167 : memref<1x40x64xf32, #tpu.memory_space<hbm>> -> memref<40x64xf32, #tpu.memory_space<hbm>>
    tpu.wait_dma2 semaphore(%arg34 : memref<!tpu.dma_semaphore, #tpu.memory_space<semaphore_mem>>) src(%arg14 : memref<40x64xf32, #tpu.memory_space<vmem>>) dst(%dma_wait3A_168 : memref<40x64xf32, #tpu.memory_space<hbm>>)
    %div3A_169 = arith.constant 637 : i32
    %div3A_170 = arith.constant 5 : i32
    %div3A_171 = arith.divsi %div3A_169, %div3A_170 : i32
    %add3A_172 = arith.addi %mul3A_2, %div3A_171 : i32
    %dma_wait3A_173 = arith.constant 80 : i32
    %dma_wait3A_174 = arith.constant 0 : i32
    %dma_wait3A_175 = tpu.memref_slice %arg5[%add3A_172, %dma_wait3A_173, %dma_wait3A_174] : memref<4096x200x64xf32, #tpu.memory_space<hbm>> -> memref<1x40x64xf32, #tpu.memory_space<hbm>>
    %dma_wait3A_176 = tpu.memref_squeeze %dma_wait3A_175 : memref<1x40x64xf32, #tpu.memory_space<hbm>> -> memref<40x64xf32, #tpu.memory_space<hbm>>
    %dma_wait3A_177 = arith.constant 80 : i32
    %dma_wait3A_178 = arith.constant 0 : i32
    %dma_wait3A_179 = tpu.memref_slice %arg5[%add3A_172, %dma_wait3A_177, %dma_wait3A_178] : memref<4096x200x64xf32, #tpu.memory_space<hbm>> -> memref<1x40x64xf32, #tpu.memory_space<hbm>>
    %dma_wait3A_180 = tpu.memref_squeeze %dma_wait3A_179 : memref<1x40x64xf32, #tpu.memory_space<hbm>> -> memref<40x64xf32, #tpu.memory_space<hbm>>
    tpu.wait_dma2 semaphore(%arg35 : memref<!tpu.dma_semaphore, #tpu.memory_space<semaphore_mem>>) src(%arg15 : memref<40x64xf32, #tpu.memory_space<vmem>>) dst(%dma_wait3A_180 : memref<40x64xf32, #tpu.memory_space<hbm>>)
    %div3A_181 = arith.constant 638 : i32
    %div3A_182 = arith.constant 5 : i32
    %div3A_183 = arith.divsi %div3A_181, %div3A_182 : i32
    %add3A_184 = arith.addi %mul3A_2, %div3A_183 : i32
    %dma_wait3A_185 = arith.constant 120 : i32
    %dma_wait3A_186 = arith.constant 0 : i32
    %dma_wait3A_187 = tpu.memref_slice %arg5[%add3A_184, %dma_wait3A_185, %dma_wait3A_186] : memref<4096x200x64xf32, #tpu.memory_space<hbm>> -> memref<1x40x64xf32, #tpu.memory_space<hbm>>
    %dma_wait3A_188 = tpu.memref_squeeze %dma_wait3A_187 : memref<1x40x64xf32, #tpu.memory_space<hbm>> -> memref<40x64xf32, #tpu.memory_space<hbm>>
    %dma_wait3A_189 = arith.constant 120 : i32
    %dma_wait3A_190 = arith.constant 0 : i32
    %dma_wait3A_191 = tpu.memref_slice %arg5[%add3A_184, %dma_wait3A_189, %dma_wait3A_190] : memref<4096x200x64xf32, #tpu.memory_space<hbm>> -> memref<1x40x64xf32, #tpu.memory_space<hbm>>
    %dma_wait3A_192 = tpu.memref_squeeze %dma_wait3A_191 : memref<1x40x64xf32, #tpu.memory_space<hbm>> -> memref<40x64xf32, #tpu.memory_space<hbm>>
    tpu.wait_dma2 semaphore(%arg36 : memref<!tpu.dma_semaphore, #tpu.memory_space<semaphore_mem>>) src(%arg16 : memref<40x64xf32, #tpu.memory_space<vmem>>) dst(%dma_wait3A_192 : memref<40x64xf32, #tpu.memory_space<hbm>>)
    %div3A_193 = arith.constant 639 : i32
    %div3A_194 = arith.constant 5 : i32
    %div3A_195 = arith.divsi %div3A_193, %div3A_194 : i32
    %add3A_196 = arith.addi %mul3A_2, %div3A_195 : i32
    %dma_wait3A_197 = arith.constant 160 : i32
    %dma_wait3A_198 = arith.constant 0 : i32
    %dma_wait3A_199 = tpu.memref_slice %arg5[%add3A_196, %dma_wait3A_197, %dma_wait3A_198] : memref<4096x200x64xf32, #tpu.memory_space<hbm>> -> memref<1x40x64xf32, #tpu.memory_space<hbm>>
    %dma_wait3A_200 = tpu.memref_squeeze %dma_wait3A_199 : memref<1x40x64xf32, #tpu.memory_space<hbm>> -> memref<40x64xf32, #tpu.memory_space<hbm>>
    %dma_wait3A_201 = arith.constant 160 : i32
    %dma_wait3A_202 = arith.constant 0 : i32
    %dma_wait3A_203 = tpu.memref_slice %arg5[%add3A_196, %dma_wait3A_201, %dma_wait3A_202] : memref<4096x200x64xf32, #tpu.memory_space<hbm>> -> memref<1x40x64xf32, #tpu.memory_space<hbm>>
    %dma_wait3A_204 = tpu.memref_squeeze %dma_wait3A_203 : memref<1x40x64xf32, #tpu.memory_space<hbm>> -> memref<40x64xf32, #tpu.memory_space<hbm>>
    tpu.wait_dma2 semaphore(%arg37 : memref<!tpu.dma_semaphore, #tpu.memory_space<semaphore_mem>>) src(%arg17 : memref<40x64xf32, #tpu.memory_space<vmem>>) dst(%dma_wait3A_204 : memref<40x64xf32, #tpu.memory_space<hbm>>)
    return
  }
}

</mosaic_0001>

<sc_bundles>
// kernel: kernel.3.cloned.1.call-start
scs
__scs_entry_jumppad:
0x0: {  	(pc) =	sbr.rel $0x88, $3  }
0x1: {  	(tag) =	ssettag $0x0;
	lr =	simm.s32 $0x1  }
0x2: {  	[smem:$0x3F9F] =	sst lr;
	_ =	strace $0xD0000000  }
0x3: {  	_ = 	snop  }
0x4: {  	_ = 	snop  }
0x5: {  	_ = 	snop  }
0x6: {  	_ = 	snop  }
0x7: {  	_ = 	snop  }
__scs_overlays_trampoline_lowered:
0x8: {  	[smem:$0x3FAE] =	sst s0  }
0x9: {  	[smem:$0x3FAF] =	sst s1  }
0xa: {  	[smem:$0x3FB0] =	sst s2  }
0xb: {  	[smem:$0x3FB1] =	sst s3  }
0xc: {  	[smem:$0x3FB2] =	sst s4  }
0xd: {  	[smem:$0x3FB3] =	sst s5  }
0xe: {  	[smem:$0x3FB4] =	sst s6  }
0xf: {  	[smem:$0x3FB5] =	sst s7  }
0x10: {  	[smem:$0x3FB6] =	sst s8  }
0x11: {  	[smem:$0x3FB7] =	sst s9;
	s0 =	simm.s32 @!p0 $0x0  }
0x12: {  	s1 =	sld [smem:$0x3F9D];
	s0 =	simm.s32 @p0 $0x1  }
0x13: {  	[smem:$0x3FB8] =	sst s0;
	s0 =	simm.s32 @!p1 $0x0  }
0x14: {  	s2 =	sld [smem:$0x3F9C];
	s0 =	simm.s32 @p1 $0x1  }
0x15: {  	[smem:$0x3FB9] =	sst s0;
	s0 =	simm.s32 @!p2 $0x0  }
0x16: {  	s3 =	sld [smem:$0x3FDB];
	s0 =	simm.s32 @p2 $0x1  }
0x17: {  	s4 =	simm.s32 $0x1BF5;
	[smem:$0x3FBB] =	sst s0  }
0x18: {  	s0 =	sld [smem:$0x3F9E];
	_ =	swait.ge [sflag:s4], $0x0  }
0x19: {  	s7 =	sld [smem:$0x3F9F]  }
0x1a: {  	s8 =	sadd.s32 $0xFFFFE003, lr  }
0x1b: {  	s9 =	sadd.s32 $0xFFFFFEF7, lr;
	s5 =	simm.s32 $0xFFFFFFFF;
	p2 =	slt.u32 s8, $0xFFFFF086  }
0x1c: {  	p1 =	slt.u32 s9, $0xF7A;
	s5 =	simm.s32 @!p2 $0x0  }
0x1d: {  	s5 =	simm.s32 @p1 $0x1;
	p0 =	seq.s32 s7, s2  }
0x1e: {  	s7 =	smul.u32 @!p0 $0xF7A, s2;
	p2 =	seq.s32 @!p0 s5, $0x0  }
0x1f: {  	s9 =	smul.u32 $0xF7A, s1;
	s8 =	simm.s32 @!p0 $0x1BF5;
	p2 =	por !p2, p0  }
0x20: {  	[sflag:s8] =	ssyncset.s32 @!p0 $0xFFFFF086;
	s6 =	sadd.s32 @!p0 s3, s7;
	s7 =	simm.s32 @!p0 $0x108  }
0x21: {  	s3 =	sadd.s32 s3, s9;
	s6 =	sadd.s32 @!p0 $0x88, s6;
	s7 =	simm.s32 @p2 $0x1082  }
0x22: {  	[simem:s7], [sflag:s8] =	dma.local @!p0 [hbm:s6], $0xF7A  }
0x23: {  	s9 =	sor.u32 $0xD0000000, s2;
	s6 =	simm.s32 $0x108;
	_ =	swait.ge @!p0 [sflag:s8], $0x0  }
0x24: {  	s3 =	sadd.s32 $0x88, s3;
	s6 =	simm.s32 @!p1 $0x1082;
	[sflag:s4] =	ssyncset.s32 $0xFFFFF086  }
0x25: {  	[simem:s6], [sflag:s4] =	dma.local [hbm:s3], $0xF7A  }
0x26: {  	[smem:$0x3F9F] =	sst s1;
	(tag) =	ssettag s2;
	_ =	strace s9  }
0x27: {  	s1 =	sld [smem:$0x3FAF]  }
0x28: {  	s2 =	sld [smem:$0x3FB0]  }
0x29: {  	s4 =	sld [smem:$0x3FB2]  }
0x2a: {  	p0 =	seq.s32 s5, $0x0;
	s5 =	sld [smem:$0x3FB3]  }
0x2b: {  	s6 =	sld [smem:$0x3FB4]  }
0x2c: {  	s7 =	sld [smem:$0x3FB5]  }
0x2d: {  	s3 =	simm.s32 $0x108;
	s8 =	sld [smem:$0x3FB6]  }
0x2e: {  	s3 =	simm.s32 @!p0 $0x1082;
	s9 =	sld [smem:$0x3FB7]  }
0x2f: {  	lr =	sadd.s32 s0, s3;
	s0 =	sld [smem:$0x3FAE]  }
0x30: {  	s3 =	sld [smem:$0x3FB1]  }
0x31: {  	[smem:$0x3FBA] =	sst s10  }
0x32: {  	s10 =	sld [smem:$0x3FB8];
	_ =	sdelay $0x3  }
0x33: {  	p0 =	seq.s32 s10, $0x1;
	s10 =	sld [smem:$0x3FBA];
	_ =	sdelay $0x3  }
0x34: {  	[smem:$0x3FBA] =	sst s10  }
0x35: {  	s10 =	sld [smem:$0x3FB9];
	_ =	sdelay $0x3  }
0x36: {  	p1 =	seq.s32 s10, $0x1;
	s10 =	sld [smem:$0x3FBA];
	_ =	sdelay $0x3  }
0x37: {  	[smem:$0x3FBA] =	sst s10  }
0x38: {  	s10 =	sld [smem:$0x3FBB]  }
0x39: {  	_ = 	snop;
	(pc) =	sbr.ind lr, $3  }
0x3a: {  	_ = 	snop  }
0x3b: {  	_ = 	snop  }
0x3c: {  	p2 =	seq.s32 s10, $0x1;
	s10 =	sld [smem:$0x3FBA]  }
0x3d: {  	_ =	shalt  }
0x3e: {  	_ =	shalt  }
0x3f: {  	_ =	shalt  }
0x40: {  	_ =	shalt  }
0x41: {  	_ =	shalt  }
0x42: {  	_ =	shalt  }
0x43: {  	_ =	shalt  }
0x44: {  	_ =	shalt  }
0x45: {  	_ =	shalt  }
0x46: {  	_ =	shalt  }
0x47: {  	_ =	shalt  }
0x48: {  	_ =	shalt  }
0x49: {  	_ =	shalt  }
0x4a: {  	_ =	shalt  }
0x4b: {  	_ =	shalt  }
0x4c: {  	_ =	shalt  }
0x4d: {  	_ =	shalt  }
0x4e: {  	_ =	shalt  }
0x4f: {  	_ =	shalt  }
0x50: {  	_ =	shalt  }
0x51: {  	_ =	shalt  }
0x52: {  	_ =	shalt  }
0x53: {  	_ =	shalt  }
0x54: {  	_ =	shalt  }
0x55: {  	_ =	shalt  }
0x56: {  	_ =	shalt  }
0x57: {  	_ =	shalt  }
0x58: {  	_ =	shalt  }
0x59: {  	_ =	shalt  }
0x5a: {  	_ =	shalt  }
0x5b: {  	_ =	shalt  }
0x5c: {  	_ =	shalt  }
0x5d: {  	_ =	shalt  }
0x5e: {  	_ =	shalt  }
0x5f: {  	_ =	shalt  }
0x60: {  	_ =	shalt  }
0x61: {  	_ =	shalt  }
0x62: {  	_ =	shalt  }
0x63: {  	_ =	shalt  }
0x64: {  	_ =	shalt  }
0x65: {  	_ =	shalt  }
0x66: {  	_ =	shalt  }
0x67: {  	_ =	shalt  }
0x68: {  	_ =	shalt  }
0x69: {  	_ =	shalt  }
0x6a: {  	_ =	shalt  }
0x6b: {  	_ =	shalt  }
0x6c: {  	_ =	shalt  }
0x6d: {  	_ =	shalt  }
0x6e: {  	_ =	shalt  }
0x6f: {  	_ =	shalt  }
0x70: {  	_ =	shalt  }
0x71: {  	_ =	shalt  }
0x72: {  	_ =	shalt  }
0x73: {  	_ =	shalt  }
0x74: {  	_ =	shalt  }
0x75: {  	_ =	shalt  }
0x76: {  	_ =	shalt  }
0x77: {  	_ =	shalt  }
0x78: {  	_ =	shalt  }
0x79: {  	_ =	shalt  }
0x7a: {  	_ =	shalt  }
0x7b: {  	_ =	shalt  }
0x7c: {  	_ =	shalt  }
0x7d: {  	_ =	shalt  }
0x7e: {  	_ =	shalt  }
0x7f: {  	_ =	shalt  }
0x80: {  	_ =	shalt  }
0x81: {  	_ =	shalt  }
0x82: {  	_ =	shalt  }
0x83: {  	_ =	shalt  }
0x84: {  	_ =	shalt  }
0x85: {  	_ =	shalt  }
0x86: {  	_ =	shalt  }
0x87: {  	_ =	shalt  }
.Lfunc_end0:
.L_simem_size_0:
called_computation.1_lowered:
.L_overlay_start_0:
0x88: {  	s2 =	sld [smem:$0x3FD9]  }
0x89: {  	s3 =	sld [smem:$0x3FFE];
	_ =	sdelay $0x1  }
0x8a: {  	s1 =	srdreg.scid  }
0x8b: {  	s0 =	sand.u32 $0x1, s1  }
0x8c: {  	s17 =	sshll.u32 s0, $0xA;
	s2 =	sadd.s32 s3, s2  }
0x8d: {  	s2 =	sadd.s32 s2, s17  }
0x8e: {  	[smem:$0x3FC6] =	sst s2  }
0x8f: {  	_ = 	snop  }
0x90: {  	s2 =	sld [smem:$0x3FD0];
	(tm) =	ssettm $0x1  }
0x91: {  	s18 =	sld [smem:$0x3FFB];
	_ =	sdelay $0x3  }
0x92: {  	_ =	strace s18  }
0x93: {  	s3 =	sld [smem:$0x3FFC];
	_ =	sdelay $0x3  }
0x94: {  	_ =	strace s3  }
0x95: {  	s3 =	sld [smem:$0x3FFD];
	_ =	sdelay $0x3  }
0x96: {  	_ =	strace s3  }
0x97: {  	_ =	strace $0x8FFFFFFF  }
0x98: {  	s19 =	sld [smem:$0x3FDB];
	_ =	sdelay $0x1  }
0x99: {  	s4 =	simm.s32 $_scs_section_size  }
0x9a: {  	s5 =	simm.s32 $_size__tile_overlayer_lowered;
	s6 =	simm.s32 $_tile_overlayer_lowered  }
0x9b: {  	s22 =	simm.s32 $0x1BFF;
	s21 =	sshll.u32 s6, $0x1;
	s3 =	sadd.s32 s4, s19  }
0x9c: {  	s7 =	simm.s32 $0x0;
	s20 =	sshll.u32 s5, $0x1;
	s5 =	sadd.s32 s21, s3  }
0x9d: {  	[timem:s7], [sflag:s22] =	dma.local [hbm:s5], s20  }
0x9e: {  	_ =	swait.ge [sflag:s22], s20  }
0x9f: {  	s4 =	ssub.s32 $0x0, s20;
	[sflag:s22] =	ssyncset.done $0x0  }
0xa0: {  	[sflag:s22] =	ssyncadd.s32 s4;
	_ =	sdelay $0x1  }
0xa1: {  	s23 =	simm.s32 $0x1B8B  }
0xa2: {  	_ =	swait.ge [sflag:s23], $0x1  }
0xa3: {  	[sflag:s23] =	ssyncset.done $0x0  }
0xa4: {  	s25 =	simm.s32 $0x1B8E;
	s24 =	sld [smem:$0x3FFE];
	[sflag:s23] =	ssyncadd.s32 $0xFFFFFFFF  }
0xa5: {  	s26 =	simm.s32 $execute0_lowered;
	[smem:$0x3FD2] =	sst s25  }
0xa6: {  	s5 =	sshll.u32 s26, $0x1;
	_ =	strace $0x80000046;
	[dreg:$0x1] =	wrdreg $0xFFFFFFFF  }
0xa7: {  	s28 =	simm.s32 $_size_execute0_lowered;
	s3 =	sadd.s32 s3, s5;
	[dreg:$0x0] =	wrdreg $0x0  }
0xa8: {  	s5 =	sshll.u32 s28, $0x1;
	[dreg:$0x2] =	wrdreg s3  }
0xa9: {  	[dreg:$0x3] =	wrdreg s5  }
0xaa: {  	[dreg:$0x4] =	wrdreg $0xC0  }
0xab: {  	_ =	task [dreg:s7], $0x5FFFF  }
0xac: {  	[dreg:$0x1] =	wrdreg $0xFFFFFFFF  }
0xad: {  	[dreg:$0x0] =	wrdreg $0x60  }
0xae: {  	[dreg:$0x2] =	wrdreg s24  }
0xaf: {  	[dreg:$0x3] =	wrdreg s2  }
0xb0: {  	[dreg:$0x4] =	wrdreg $0x9  }
0xb1: {  	_ =	task.clear_ibuf [dreg:s7], $0x5FFFF;
	_ =	strace $0x90000046  }
0xb2: {  	s29 =	simm.s32 $0x9;
	_ =	strace $0x80000048  }
0xb3: {  	_ =	swait.ge [sflag:s29], $0x1  }
0xb4: {  	[sflag:s29] =	ssyncadd.s32 $0xFFFFFFFF  }
0xb5: {  	_ =	strace $0x90000048  }
0xb6: {  	_ =	sfence  }
0xb7: {  	s30 =	sld [smem:$0x0];
	_ =	sdelay $0x2  }
0xb8: {  	s31 =	sshll.u32 s1, $0xD;
	s1 =	sshrl.u32 s1, $0x2  }
0xb9: {  	s3 =	sand.u32 $0x4000, s31;
	s1 =	sadd.s32 s1, s30  }
0xba: {  	s0 =	sor.u32 s3, s0;
	s1 =	sshll.u32 s1, $0x11  }
0xbb: {  	s0 =	sor.u32 s1, s0  }
0xbc: {  	s0 =	sadd.s32 $0x8F2B, s0  }
0xbd: {  	[sflag:s0] =	ssyncadd.remote.s32 $0x1  }
0xbe: {  	_ =	sfence.sel $0xFFFF  }
0xbf: {  	[dreg:$0x0] =	wrdreg $0xFFFFFFFF;
	(pc) =	sbr.abs _section_cstart, $3  }
0xc0: {  	[dreg:$0x1] =	wrdreg $0xFFFFFFFF  }
0xc1: {  	_ =	task.clear_ibuf [dreg:s7], $0x2FFFF;
	_ =	strace $0x9FFFFFFF  }
0xc2: {  	(tm) =	ssettm $0x7FFFFFFF  }
0xc3: {  	_ =	shalt  }
tec
execute0_lowered:
.L_overlay_start_1:
0x0: {  	(tag) =	ssettag $0x1  }
0x1: {  	s0 =	srdreg.scid;
	s1 =	rddreg [dreg:$0x0]  }
0x2: {  	s3 =	stileid.u32;
	s2 =	rddreg [dreg:$0x1];
	s11 =	simm.s32 $0x28  }
0x3: {  	s12 =	simm.s32 $0x9600;
	s21 =	simm.s32 $0xC800;
	s29 =	simm.s32 $0x1  }
0x4: {  	s30 =	simm.s32 $0xF000;
	s22 =	simm.s32 $0x2;
	s19 =	simm.s32 $0x3  }
0x5: {  	s24 =	simm.s32 $0x4;
	s23 =	simm.s32 $0xD1B0;
	s8 =	simm.s32 $0xD1C0  }
0x6: {  	s9 =	simm.s32 $0xD1D0;
	s25 =	simm.s32 $0xD1E0;
	s31 =	simm.s32 $0xD1F0  }
0x7: {  	s28 =	simm.s32 $0x8;
	s10 =	simm.s32 $0xA;
	s15 =	simm.s32 $0x0  }
0x8: {  	s0 =	sand.u32 $0x1, s0;
	s4 =	sshll.u32 s3, $0x8;
	s3 =	simm.s32 $0x0  }
0x9: {  	s6 =	sadd.s32 $0x19C00, s1;
	s5 =	sshll.u32 s0, $0x7;
	s0 =	ssub.s32 $0x2, s0  }
0xa: {  	[smem:$0x7FF] =	sst s3;
	s4 =	sor.u32 s5, s4;
	s7 =	sshrl.u32 s0, $0x1  }
0xb: {  	_ =	strace $0x80000047;
	s5 =	smul.u32 $0x19, s4;
	s0 =	ssub.s32 s0, s7  }
0xc: {  	[dreg:$0x3] =	wrdreg s6;
	s6 =	sadd.s32 $0xF43000, s1;
	s0 =	smax.u32 s0, $0x1  }
0xd: {  	s7 =	simm.s32 $0xD1A0;
	s5 =	sadd.s32 s5, s1;
	[dreg:$0x5] =	wrdreg s0  }
0xe: {  	s1 =	simm.s32 $0x7;
	s0 =	simm.s32 $0x9;
	s26 =	sadd.s32 $0xC00, s5  }
0xf: {  	s5 =	simm.s32 $0x6;
	[dreg:$0x4] =	wrdreg s26;
	s26 =	simm.s32 $0x5  }
.LBB2_1:
0x10: {  	[dreg:$0x6] =	wrdreg s15  }
0x11: {  	s13 =	rddreg [dreg:$0x4];
	s14 =	simm.s32 $0x15  }
0x12: {  	[tilespmem:s3], [sflag:$0x15] =	stream.linear.gather [hbm4b:s13+s3], $0x6400, $0x38;
	[tilespmem:$0xFA00] =	vst v63  }
0x13: {  	_ =	swait.ge [sflag:s14], $0x6400  }
0x14: {  	[sflag:s14] =	ssyncset.done $0x0  }
0x15: {  	s16 =	simm.s32 $0x6400;
	s15 =	rddreg [dreg:$0x3];
	[sflag:s14] =	ssyncadd.s32 $0xFFFF9C00  }
0x16: {  	[tilespmem:s16], [sflag:$0x15] =	stream.linear.gather [hbm4b:s15+s3], $0x3200, $0x38;
	[tilespmem:$0xFA00] =	vst v63  }
0x17: {  	_ =	swait.ge [sflag:s14], $0x3200  }
0x18: {  	[sflag:s14] =	ssyncset.done $0x0  }
0x19: {  	[sflag:s14] =	ssyncadd.s32 $0xFFFFCE00  }
0x1a: {  	[tilespmem:s12], [sflag:$0x1] =	stream.indirect.gather [hbm4b:s6+s11], $0x40, s3, s11, $0xb8;
	[tilespmem:$0xFA00] =	vst v63  }
0x1b: {  	s17 =	simm.s32 $0xA000  }
0x1c: {  	[tilespmem:s17], [sflag:$0x2] =	stream.indirect.gather [hbm4b:s6+s11], $0x40, s11, s11, $0xb8;
	[tilespmem:$0xFA00] =	vst v63  }
0x1d: {  	s18 =	simm.s32 $0x50;
	s20 =	simm.s32 $0xAA00  }
0x1e: {  	[tilespmem:s20], [sflag:$0x3] =	stream.indirect.gather [hbm4b:s6+s11], $0x40, s18, s11, $0xb8;
	[tilespmem:$0xFA00] =	vst v63  }
0x1f: {  	s15 =	simm.s32 $0x78;
	s16 =	simm.s32 $0xB400  }
0x20: {  	[tilespmem:s16], [sflag:$0x4] =	stream.indirect.gather [hbm4b:s6+s11], $0x40, s15, s11, $0xb8;
	[tilespmem:$0xFA00] =	vst v63  }
0x21: {  	s17 =	simm.s32 $0xA0;
	s18 =	simm.s32 $0xBE00  }
0x22: {  	[tilespmem:s18], [sflag:$0x5] =	stream.indirect.gather [hbm4b:s6+s11], $0x40, s17, s11, $0xb8;
	[tilespmem:$0xFA00] =	vst v63  }
0x23: {  	s20 =	simm.s32 $0xC8  }
0x24: {  	[tilespmem:s21], [sflag:$0x6] =	stream.indirect.gather [hbm4b:s6+s11], $0x40, s20, s11, $0xb8;
	[tilespmem:$0xFA00] =	vst v63  }
0x25: {  	s14 =	simm.s32 $0xF0;
	s15 =	simm.s32 $0xD200  }
0x26: {  	[tilespmem:s15], [sflag:$0x7] =	stream.indirect.gather [hbm4b:s6+s11], $0x40, s14, s11, $0xb8;
	[tilespmem:$0xFA00] =	vst v63  }
0x27: {  	s16 =	simm.s32 $0x118;
	s17 =	simm.s32 $0xDC00  }
0x28: {  	[tilespmem:s17], [sflag:$0x8] =	stream.indirect.gather [hbm4b:s6+s11], $0x40, s16, s11, $0xb8;
	[tilespmem:$0xFA00] =	vst v63  }
0x29: {  	s13 =	simm.s32 $0x0;
	s18 =	simm.s32 $0x140;
	s20 =	simm.s32 $0xE600  }
0x2a: {  	[tilespmem:s20], [sflag:$0x9] =	stream.indirect.gather [hbm4b:s6+s11], $0x40, s18, s11, $0xb8;
	[tilespmem:$0xFA00] =	vst v63  }
.LBB2_2:
0x2b: {  	s16 =	smul.u32 $0xA, s13;
	_ =	sdelay $0x1  }
0x2c: {  	s14 =	sadd.s32 $0x9, s16  }
0x2d: {  	s14 =	sand.u32 $0xFFFF, s14  }
0x2e: {  	s14 =	smul.u32 $0xCCCD, s14  }
0x2f: {  	_ =	swait.ge [sflag:s29], $0xA00  }
0x30: {  	p0 =	seq.s32 s13, $0x0;
	[sflag:s29] =	ssyncset.done $0x0;
	s14 =	sshrl.u32 s14, $0x12  }
0x31: {  	s15 =	simm.s32 @!p0 $0x14;
	[sflag:s29] =	ssyncadd.s32 $0xFFFFF600;
	s17 =	smul.u32 $0x320, s14  }
0x32: {  	_ =	swait.ge @!p0 [sflag:s15], $0xA00  }
0x33: {  	[sflag:s15] =	ssyncset.done @!p0 $0x0;
	s17 =	sshrl.u32 s17, $0x2  }
0x34: {  	[sflag:s15] =	ssyncadd.s32 @!p0 $0xFFFFF600;
	s18 =	sadd.s32 $0xA0, s17  }
0x35: {  	[tilespmem:s30], [sflag:$0xA] =	stream.indirect.gather [hbm4b:s6+s11], $0x40, s18, s11, $0xb8;
	[tilespmem:$0xFA00] =	vst v63  }
0x36: {  	v0 =	vld [tilespmem:$0x6400];
	_ =	sdelay $0x4  }
0x37: {  	[tilespmem:s12+$0x0] =	vst.add.f32.msk $0xffff, v0  }
0x38: {  	v0 =	vld [tilespmem:$0x6410];
	_ =	sdelay $0x3  }
0x39: {  	s20 =	simm.s32 $0x9610  }
0x3a: {  	[tilespmem:s20+$0x0] =	vst.add.f32.msk $0xffff, v0  }
0x3b: {  	v0 =	vld [tilespmem:$0x6420];
	_ =	sdelay $0x3  }
0x3c: {  	s17 =	simm.s32 $0x9620  }
0x3d: {  	[tilespmem:s17+$0x0] =	vst.add.f32.msk $0xffff, v0  }
0x3e: {  	v0 =	vld [tilespmem:$0x6430];
	_ =	sdelay $0x3  }
0x3f: {  	s18 =	simm.s32 $0x9630  }
0x40: {  	[tilespmem:s18+$0x0] =	vst.add.f32.msk $0xffff, v0  }
0x41: {  	v0 =	vld [tilespmem:$0x6440];
	_ =	sdelay $0x3  }
0x42: {  	s20 =	simm.s32 $0x9640  }
0x43: {  	[tilespmem:s20+$0x0] =	vst.add.f32.msk $0xffff, v0  }
0x44: {  	v0 =	vld [tilespmem:$0x6450];
	_ =	sdelay $0x3  }
0x45: {  	s17 =	simm.s32 $0x9650  }
0x46: {  	[tilespmem:s17+$0x0] =	vst.add.f32.msk $0xffff, v0  }
0x47: {  	v0 =	vld [tilespmem:$0x6460];
	_ =	sdelay $0x3  }
0x48: {  	s18 =	simm.s32 $0x9660  }
0x49: {  	[tilespmem:s18+$0x0] =	vst.add.f32.msk $0xffff, v0  }
0x4a: {  	v0 =	vld [tilespmem:$0x6470];
	_ =	sdelay $0x3  }
0x4b: {  	s20 =	simm.s32 $0x9670  }
0x4c: {  	[tilespmem:s20+$0x0] =	vst.add.f32.msk $0xffff, v0  }
0x4d: {  	v0 =	vld [tilespmem:$0x6480];
	_ =	sdelay $0x3  }
0x4e: {  	s17 =	simm.s32 $0x9680  }
0x4f: {  	[tilespmem:s17+$0x0] =	vst.add.f32.msk $0xffff, v0  }
0x50: {  	v0 =	vld [tilespmem:$0x6490];
	_ =	sdelay $0x3  }
0x51: {  	s18 =	simm.s32 $0x9690  }
0x52: {  	[tilespmem:s18+$0x0] =	vst.add.f32.msk $0xffff, v0  }
0x53: {  	v0 =	vld [tilespmem:$0x64A0];
	_ =	sdelay $0x3  }
0x54: {  	s20 =	simm.s32 $0x96A0  }
0x55: {  	[tilespmem:s20+$0x0] =	vst.add.f32.msk $0xffff, v0  }
0x56: {  	v0 =	vld [tilespmem:$0x64B0];
	_ =	sdelay $0x3  }
0x57: {  	s17 =	simm.s32 $0x96B0  }
0x58: {  	[tilespmem:s17+$0x0] =	vst.add.f32.msk $0xffff, v0  }
0x59: {  	v0 =	vld [tilespmem:$0x64C0];
	_ =	sdelay $0x3  }
0x5a: {  	s18 =	simm.s32 $0x96C0  }
0x5b: {  	[tilespmem:s18+$0x0] =	vst.add.f32.msk $0xffff, v0  }
0x5c: {  	v0 =	vld [tilespmem:$0x64D0];
	_ =	sdelay $0x3  }
0x5d: {  	s20 =	simm.s32 $0x96D0  }
0x5e: {  	[tilespmem:s20+$0x0] =	vst.add.f32.msk $0xffff, v0  }
0x5f: {  	v0 =	vld [tilespmem:$0x64E0];
	_ =	sdelay $0x3  }
0x60: {  	s17 =	simm.s32 $0x96E0  }
0x61: {  	[tilespmem:s17+$0x0] =	vst.add.f32.msk $0xffff, v0  }
0x62: {  	v0 =	vld [tilespmem:$0x64F0];
	_ =	sdelay $0x3  }
0x63: {  	s18 =	simm.s32 $0x96F0  }
0x64: {  	[tilespmem:s18+$0x0] =	vst.add.f32.msk $0xffff, v0  }
0x65: {  	v0 =	vld [tilespmem:$0x6500];
	_ =	sdelay $0x3  }
0x66: {  	s20 =	simm.s32 $0x9700  }
0x67: {  	[tilespmem:s20+$0x0] =	vst.add.f32.msk $0xffff, v0  }
0x68: {  	v0 =	vld [tilespmem:$0x6510];
	_ =	sdelay $0x3  }
0x69: {  	s17 =	simm.s32 $0x9710  }
0x6a: {  	[tilespmem:s17+$0x0] =	vst.add.f32.msk $0xffff, v0  }
0x6b: {  	v0 =	vld [tilespmem:$0x6520];
	_ =	sdelay $0x3  }
0x6c: {  	s18 =	simm.s32 $0x9720  }
0x6d: {  	[tilespmem:s18+$0x0] =	vst.add.f32.msk $0xffff, v0  }
0x6e: {  	v0 =	vld [tilespmem:$0x6530];
	_ =	sdelay $0x3  }
0x6f: {  	s20 =	simm.s32 $0x9730  }
0x70: {  	[tilespmem:s20+$0x0] =	vst.add.f32.msk $0xffff, v0  }
0x71: {  	v0 =	vld [tilespmem:$0x6540];
	_ =	sdelay $0x3  }
0x72: {  	s17 =	simm.s32 $0x9740  }
0x73: {  	[tilespmem:s17+$0x0] =	vst.add.f32.msk $0xffff, v0  }
0x74: {  	v0 =	vld [tilespmem:$0x6550];
	_ =	sdelay $0x3  }
0x75: {  	s18 =	simm.s32 $0x9750  }
0x76: {  	[tilespmem:s18+$0x0] =	vst.add.f32.msk $0xffff, v0  }
0x77: {  	v0 =	vld [tilespmem:$0x6560];
	_ =	sdelay $0x3  }
0x78: {  	s20 =	simm.s32 $0x9760  }
0x79: {  	[tilespmem:s20+$0x0] =	vst.add.f32.msk $0xffff, v0  }
0x7a: {  	v0 =	vld [tilespmem:$0x6570];
	_ =	sdelay $0x3  }
0x7b: {  	s17 =	simm.s32 $0x9770  }
0x7c: {  	[tilespmem:s17+$0x0] =	vst.add.f32.msk $0xffff, v0  }
0x7d: {  	v0 =	vld [tilespmem:$0x6580];
	_ =	sdelay $0x3  }
0x7e: {  	s18 =	simm.s32 $0x9780  }
0x7f: {  	[tilespmem:s18+$0x0] =	vst.add.f32.msk $0xffff, v0  }
0x80: {  	v0 =	vld [tilespmem:$0x6590];
	_ =	sdelay $0x3  }
0x81: {  	s20 =	simm.s32 $0x9790  }
0x82: {  	[tilespmem:s20+$0x0] =	vst.add.f32.msk $0xffff, v0  }
0x83: {  	v0 =	vld [tilespmem:$0x65A0];
	_ =	sdelay $0x3  }
0x84: {  	s17 =	simm.s32 $0x97A0  }
0x85: {  	[tilespmem:s17+$0x0] =	vst.add.f32.msk $0xffff, v0  }
0x86: {  	v0 =	vld [tilespmem:$0x65B0];
	_ =	sdelay $0x3  }
0x87: {  	s18 =	simm.s32 $0x97B0  }
0x88: {  	[tilespmem:s18+$0x0] =	vst.add.f32.msk $0xffff, v0  }
0x89: {  	v0 =	vld [tilespmem:$0x65C0];
	_ =	sdelay $0x3  }
0x8a: {  	s20 =	simm.s32 $0x97C0  }
0x8b: {  	[tilespmem:s20+$0x0] =	vst.add.f32.msk $0xffff, v0  }
0x8c: {  	v0 =	vld [tilespmem:$0x65D0];
	_ =	sdelay $0x3  }
0x8d: {  	s17 =	simm.s32 $0x97D0  }
0x8e: {  	[tilespmem:s17+$0x0] =	vst.add.f32.msk $0xffff, v0  }
0x8f: {  	v0 =	vld [tilespmem:$0x65E0];
	_ =	sdelay $0x3  }
0x90: {  	s18 =	simm.s32 $0x97E0  }
0x91: {  	[tilespmem:s18+$0x0] =	vst.add.f32.msk $0xffff, v0  }
0x92: {  	v0 =	vld [tilespmem:$0x65F0];
	_ =	sdelay $0x3  }
0x93: {  	s20 =	simm.s32 $0x97F0  }
0x94: {  	[tilespmem:s20+$0x0] =	vst.add.f32.msk $0xffff, v0  }
0x95: {  	v0 =	vld [tilespmem:$0x6600];
	_ =	sdelay $0x3  }
0x96: {  	s17 =	simm.s32 $0x9800  }
0x97: {  	[tilespmem:s17+$0x0] =	vst.add.f32.msk $0xffff, v0  }
0x98: {  	v0 =	vld [tilespmem:$0x6610];
	_ =	sdelay $0x3  }
0x99: {  	s18 =	simm.s32 $0x9810  }
0x9a: {  	[tilespmem:s18+$0x0] =	vst.add.f32.msk $0xffff, v0  }
0x9b: {  	v0 =	vld [tilespmem:$0x6620];
	_ =	sdelay $0x3  }
0x9c: {  	s20 =	simm.s32 $0x9820  }
0x9d: {  	[tilespmem:s20+$0x0] =	vst.add.f32.msk $0xffff, v0  }
0x9e: {  	v0 =	vld [tilespmem:$0x6630];
	_ =	sdelay $0x3  }
0x9f: {  	s17 =	simm.s32 $0x9830  }
0xa0: {  	[tilespmem:s17+$0x0] =	vst.add.f32.msk $0xffff, v0  }
0xa1: {  	v0 =	vld [tilespmem:$0x6640];
	_ =	sdelay $0x3  }
0xa2: {  	s18 =	simm.s32 $0x9840  }
0xa3: {  	[tilespmem:s18+$0x0] =	vst.add.f32.msk $0xffff, v0  }
0xa4: {  	v0 =	vld [tilespmem:$0x6650];
	_ =	sdelay $0x3  }
0xa5: {  	s20 =	simm.s32 $0x9850  }
0xa6: {  	[tilespmem:s20+$0x0] =	vst.add.f32.msk $0xffff, v0  }
0xa7: {  	v0 =	vld [tilespmem:$0x6660];
	_ =	sdelay $0x3  }
0xa8: {  	s17 =	simm.s32 $0x9860  }
0xa9: {  	[tilespmem:s17+$0x0] =	vst.add.f32.msk $0xffff, v0  }
0xaa: {  	v0 =	vld [tilespmem:$0x6670];
	_ =	sdelay $0x3  }
0xab: {  	s18 =	simm.s32 $0x9870  }
0xac: {  	[tilespmem:s18+$0x0] =	vst.add.f32.msk $0xffff, v0  }
0xad: {  	v0 =	vld [tilespmem:$0x6680];
	_ =	sdelay $0x3  }
0xae: {  	s20 =	simm.s32 $0x9880  }
0xaf: {  	[tilespmem:s20+$0x0] =	vst.add.f32.msk $0xffff, v0  }
0xb0: {  	v0 =	vld [tilespmem:$0x6690];
	_ =	sdelay $0x3  }
0xb1: {  	s17 =	simm.s32 $0x9890  }
0xb2: {  	[tilespmem:s17+$0x0] =	vst.add.f32.msk $0xffff, v0  }
0xb3: {  	v0 =	vld [tilespmem:$0x66A0];
	_ =	sdelay $0x3  }
0xb4: {  	s18 =	simm.s32 $0x98A0  }
0xb5: {  	[tilespmem:s18+$0x0] =	vst.add.f32.msk $0xffff, v0  }
0xb6: {  	v0 =	vld [tilespmem:$0x66B0];
	_ =	sdelay $0x3  }
0xb7: {  	s20 =	simm.s32 $0x98B0  }
0xb8: {  	[tilespmem:s20+$0x0] =	vst.add.f32.msk $0xffff, v0  }
0xb9: {  	v0 =	vld [tilespmem:$0x66C0];
	_ =	sdelay $0x3  }
0xba: {  	s17 =	simm.s32 $0x98C0  }
0xbb: {  	[tilespmem:s17+$0x0] =	vst.add.f32.msk $0xffff, v0  }
0xbc: {  	v0 =	vld [tilespmem:$0x66D0];
	_ =	sdelay $0x3  }
0xbd: {  	s18 =	simm.s32 $0x98D0  }
0xbe: {  	[tilespmem:s18+$0x0] =	vst.add.f32.msk $0xffff, v0  }
0xbf: {  	v0 =	vld [tilespmem:$0x66E0];
	_ =	sdelay $0x3  }
0xc0: {  	s20 =	simm.s32 $0x98E0  }
0xc1: {  	[tilespmem:s20+$0x0] =	vst.add.f32.msk $0xffff, v0  }
0xc2: {  	v0 =	vld [tilespmem:$0x66F0];
	_ =	sdelay $0x3  }
0xc3: {  	s17 =	simm.s32 $0x98F0  }
0xc4: {  	[tilespmem:s17+$0x0] =	vst.add.f32.msk $0xffff, v0  }
0xc5: {  	v0 =	vld [tilespmem:$0x6700];
	_ =	sdelay $0x3  }
0xc6: {  	s18 =	simm.s32 $0x9900  }
0xc7: {  	[tilespmem:s18+$0x0] =	vst.add.f32.msk $0xffff, v0  }
0xc8: {  	v0 =	vld [tilespmem:$0x6710];
	_ =	sdelay $0x3  }
0xc9: {  	s20 =	simm.s32 $0x9910  }
0xca: {  	[tilespmem:s20+$0x0] =	vst.add.f32.msk $0xffff, v0  }
0xcb: {  	v0 =	vld [tilespmem:$0x6720];
	_ =	sdelay $0x3  }
0xcc: {  	s17 =	simm.s32 $0x9920  }
0xcd: {  	[tilespmem:s17+$0x0] =	vst.add.f32.msk $0xffff, v0  }
0xce: {  	v0 =	vld [tilespmem:$0x6730];
	_ =	sdelay $0x3  }
0xcf: {  	s18 =	simm.s32 $0x9930  }
0xd0: {  	[tilespmem:s18+$0x0] =	vst.add.f32.msk $0xffff, v0  }
0xd1: {  	v0 =	vld [tilespmem:$0x6740];
	_ =	sdelay $0x3  }
0xd2: {  	s20 =	simm.s32 $0x9940  }
0xd3: {  	[tilespmem:s20+$0x0] =	vst.add.f32.msk $0xffff, v0  }
0xd4: {  	v0 =	vld [tilespmem:$0x6750];
	_ =	sdelay $0x3  }
0xd5: {  	s17 =	simm.s32 $0x9950  }
0xd6: {  	[tilespmem:s17+$0x0] =	vst.add.f32.msk $0xffff, v0  }
0xd7: {  	v0 =	vld [tilespmem:$0x6760];
	_ =	sdelay $0x3  }
0xd8: {  	s18 =	simm.s32 $0x9960  }
0xd9: {  	[tilespmem:s18+$0x0] =	vst.add.f32.msk $0xffff, v0  }
0xda: {  	v0 =	vld [tilespmem:$0x6770];
	_ =	sdelay $0x3  }
0xdb: {  	s20 =	simm.s32 $0x9970  }
0xdc: {  	[tilespmem:s20+$0x0] =	vst.add.f32.msk $0xffff, v0  }
0xdd: {  	v0 =	vld [tilespmem:$0x6780];
	_ =	sdelay $0x3  }
0xde: {  	s17 =	simm.s32 $0x9980  }
0xdf: {  	[tilespmem:s17+$0x0] =	vst.add.f32.msk $0xffff, v0  }
0xe0: {  	v0 =	vld [tilespmem:$0x6790];
	_ =	sdelay $0x3  }
0xe1: {  	s18 =	simm.s32 $0x9990  }
0xe2: {  	[tilespmem:s18+$0x0] =	vst.add.f32.msk $0xffff, v0  }
0xe3: {  	v0 =	vld [tilespmem:$0x67A0];
	_ =	sdelay $0x3  }
0xe4: {  	s20 =	simm.s32 $0x99A0  }
0xe5: {  	[tilespmem:s20+$0x0] =	vst.add.f32.msk $0xffff, v0  }
0xe6: {  	v0 =	vld [tilespmem:$0x67B0];
	_ =	sdelay $0x3  }
0xe7: {  	s17 =	simm.s32 $0x99B0  }
0xe8: {  	[tilespmem:s17+$0x0] =	vst.add.f32.msk $0xffff, v0  }
0xe9: {  	v0 =	vld [tilespmem:$0x67C0];
	_ =	sdelay $0x3  }
0xea: {  	s18 =	simm.s32 $0x99C0  }
0xeb: {  	[tilespmem:s18+$0x0] =	vst.add.f32.msk $0xffff, v0  }
0xec: {  	v0 =	vld [tilespmem:$0x67D0];
	_ =	sdelay $0x3  }
0xed: {  	s20 =	simm.s32 $0x99D0  }
0xee: {  	[tilespmem:s20+$0x0] =	vst.add.f32.msk $0xffff, v0  }
0xef: {  	v0 =	vld [tilespmem:$0x67E0];
	_ =	sdelay $0x3  }
0xf0: {  	s17 =	simm.s32 $0x99E0  }
0xf1: {  	[tilespmem:s17+$0x0] =	vst.add.f32.msk $0xffff, v0  }
0xf2: {  	v0 =	vld [tilespmem:$0x67F0];
	_ =	sdelay $0x3  }
0xf3: {  	s18 =	simm.s32 $0x99F0  }
0xf4: {  	[tilespmem:s18+$0x0] =	vst.add.f32.msk $0xffff, v0  }
0xf5: {  	v0 =	vld [tilespmem:$0x6800];
	_ =	sdelay $0x3  }
0xf6: {  	s20 =	simm.s32 $0x9A00  }
0xf7: {  	[tilespmem:s20+$0x0] =	vst.add.f32.msk $0xffff, v0  }
0xf8: {  	v0 =	vld [tilespmem:$0x6810];
	_ =	sdelay $0x3  }
0xf9: {  	s17 =	simm.s32 $0x9A10  }
0xfa: {  	[tilespmem:s17+$0x0] =	vst.add.f32.msk $0xffff, v0  }
0xfb: {  	v0 =	vld [tilespmem:$0x6820];
	_ =	sdelay $0x3  }
0xfc: {  	s18 =	simm.s32 $0x9A20  }
0xfd: {  	[tilespmem:s18+$0x0] =	vst.add.f32.msk $0xffff, v0  }
0xfe: {  	v0 =	vld [tilespmem:$0x6830];
	_ =	sdelay $0x3  }
0xff: {  	s20 =	simm.s32 $0x9A30  }
0x100: {  	[tilespmem:s20+$0x0] =	vst.add.f32.msk $0xffff, v0  }
0x101: {  	v0 =	vld [tilespmem:$0x6840];
	_ =	sdelay $0x3  }
0x102: {  	s17 =	simm.s32 $0x9A40  }
0x103: {  	[tilespmem:s17+$0x0] =	vst.add.f32.msk $0xffff, v0  }
0x104: {  	v0 =	vld [tilespmem:$0x6850];
	_ =	sdelay $0x3  }
0x105: {  	s18 =	simm.s32 $0x9A50  }
0x106: {  	[tilespmem:s18+$0x0] =	vst.add.f32.msk $0xffff, v0  }
0x107: {  	v0 =	vld [tilespmem:$0x6860];
	_ =	sdelay $0x3  }
0x108: {  	s20 =	simm.s32 $0x9A60  }
0x109: {  	[tilespmem:s20+$0x0] =	vst.add.f32.msk $0xffff, v0  }
0x10a: {  	v0 =	vld [tilespmem:$0x6870];
	_ =	sdelay $0x3  }
0x10b: {  	s17 =	simm.s32 $0x9A70  }
0x10c: {  	[tilespmem:s17+$0x0] =	vst.add.f32.msk $0xffff, v0  }
0x10d: {  	v0 =	vld [tilespmem:$0x6880];
	_ =	sdelay $0x3  }
0x10e: {  	s18 =	simm.s32 $0x9A80  }
0x10f: {  	[tilespmem:s18+$0x0] =	vst.add.f32.msk $0xffff, v0  }
0x110: {  	v0 =	vld [tilespmem:$0x6890];
	_ =	sdelay $0x3  }
0x111: {  	s20 =	simm.s32 $0x9A90  }
0x112: {  	[tilespmem:s20+$0x0] =	vst.add.f32.msk $0xffff, v0  }
0x113: {  	v0 =	vld [tilespmem:$0x68A0];
	_ =	sdelay $0x3  }
0x114: {  	s17 =	simm.s32 $0x9AA0  }
0x115: {  	[tilespmem:s17+$0x0] =	vst.add.f32.msk $0xffff, v0  }
0x116: {  	v0 =	vld [tilespmem:$0x68B0];
	_ =	sdelay $0x3  }
0x117: {  	s18 =	simm.s32 $0x9AB0  }
0x118: {  	[tilespmem:s18+$0x0] =	vst.add.f32.msk $0xffff, v0  }
0x119: {  	v0 =	vld [tilespmem:$0x68C0];
	_ =	sdelay $0x3  }
0x11a: {  	s20 =	simm.s32 $0x9AC0  }
0x11b: {  	[tilespmem:s20+$0x0] =	vst.add.f32.msk $0xffff, v0  }
0x11c: {  	v0 =	vld [tilespmem:$0x68D0];
	_ =	sdelay $0x3  }
0x11d: {  	s17 =	simm.s32 $0x9AD0  }
0x11e: {  	[tilespmem:s17+$0x0] =	vst.add.f32.msk $0xffff, v0  }
0x11f: {  	v0 =	vld [tilespmem:$0x68E0];
	_ =	sdelay $0x3  }
0x120: {  	s18 =	simm.s32 $0x9AE0  }
0x121: {  	[tilespmem:s18+$0x0] =	vst.add.f32.msk $0xffff, v0  }
0x122: {  	v0 =	vld [tilespmem:$0x68F0];
	_ =	sdelay $0x3  }
0x123: {  	s20 =	simm.s32 $0x9AF0  }
0x124: {  	[tilespmem:s20+$0x0] =	vst.add.f32.msk $0xffff, v0  }
0x125: {  	v0 =	vld [tilespmem:$0x6900];
	_ =	sdelay $0x3  }
0x126: {  	s17 =	simm.s32 $0x9B00  }
0x127: {  	[tilespmem:s17+$0x0] =	vst.add.f32.msk $0xffff, v0  }
0x128: {  	v0 =	vld [tilespmem:$0x6910];
	_ =	sdelay $0x3  }
0x129: {  	s18 =	simm.s32 $0x9B10  }
0x12a: {  	[tilespmem:s18+$0x0] =	vst.add.f32.msk $0xffff, v0  }
0x12b: {  	v0 =	vld [tilespmem:$0x6920];
	_ =	sdelay $0x3  }
0x12c: {  	s20 =	simm.s32 $0x9B20  }
0x12d: {  	[tilespmem:s20+$0x0] =	vst.add.f32.msk $0xffff, v0  }
0x12e: {  	v0 =	vld [tilespmem:$0x6930];
	_ =	sdelay $0x3  }
0x12f: {  	s17 =	simm.s32 $0x9B30  }
0x130: {  	[tilespmem:s17+$0x0] =	vst.add.f32.msk $0xffff, v0  }
0x131: {  	v0 =	vld [tilespmem:$0x6940];
	_ =	sdelay $0x3  }
0x132: {  	s18 =	simm.s32 $0x9B40  }
0x133: {  	[tilespmem:s18+$0x0] =	vst.add.f32.msk $0xffff, v0  }
0x134: {  	v0 =	vld [tilespmem:$0x6950];
	_ =	sdelay $0x3  }
0x135: {  	s20 =	simm.s32 $0x9B50  }
0x136: {  	[tilespmem:s20+$0x0] =	vst.add.f32.msk $0xffff, v0  }
0x137: {  	v0 =	vld [tilespmem:$0x6960];
	_ =	sdelay $0x3  }
0x138: {  	s17 =	simm.s32 $0x9B60  }
0x139: {  	[tilespmem:s17+$0x0] =	vst.add.f32.msk $0xffff, v0  }
0x13a: {  	v0 =	vld [tilespmem:$0x6970];
	_ =	sdelay $0x3  }
0x13b: {  	s18 =	simm.s32 $0x9B70  }
0x13c: {  	[tilespmem:s18+$0x0] =	vst.add.f32.msk $0xffff, v0  }
0x13d: {  	v0 =	vld [tilespmem:$0x6980];
	_ =	sdelay $0x3  }
0x13e: {  	s20 =	simm.s32 $0x9B80  }
0x13f: {  	[tilespmem:s20+$0x0] =	vst.add.f32.msk $0xffff, v0  }
0x140: {  	v0 =	vld [tilespmem:$0x6990];
	_ =	sdelay $0x3  }
0x141: {  	s17 =	simm.s32 $0x9B90  }
0x142: {  	[tilespmem:s17+$0x0] =	vst.add.f32.msk $0xffff, v0  }
0x143: {  	v0 =	vld [tilespmem:$0x69A0];
	_ =	sdelay $0x3  }
0x144: {  	s18 =	simm.s32 $0x9BA0  }
0x145: {  	[tilespmem:s18+$0x0] =	vst.add.f32.msk $0xffff, v0  }
0x146: {  	v0 =	vld [tilespmem:$0x69B0];
	_ =	sdelay $0x3  }
0x147: {  	s20 =	simm.s32 $0x9BB0  }
0x148: {  	[tilespmem:s20+$0x0] =	vst.add.f32.msk $0xffff, v0  }
0x149: {  	v0 =	vld [tilespmem:$0x69C0];
	_ =	sdelay $0x3  }
0x14a: {  	s17 =	simm.s32 $0x9BC0  }
0x14b: {  	[tilespmem:s17+$0x0] =	vst.add.f32.msk $0xffff, v0  }
0x14c: {  	v0 =	vld [tilespmem:$0x69D0];
	_ =	sdelay $0x3  }
0x14d: {  	s18 =	simm.s32 $0x9BD0  }
0x14e: {  	[tilespmem:s18+$0x0] =	vst.add.f32.msk $0xffff, v0  }
0x14f: {  	v0 =	vld [tilespmem:$0x69E0];
	_ =	sdelay $0x3  }
0x150: {  	s20 =	simm.s32 $0x9BE0  }
0x151: {  	[tilespmem:s20+$0x0] =	vst.add.f32.msk $0xffff, v0  }
0x152: {  	v0 =	vld [tilespmem:$0x69F0];
	_ =	sdelay $0x3  }
0x153: {  	s17 =	simm.s32 $0x9BF0  }
0x154: {  	[tilespmem:s17+$0x0] =	vst.add.f32.msk $0xffff, v0  }
0x155: {  	v0 =	vld [tilespmem:$0x6A00];
	_ =	sdelay $0x3  }
0x156: {  	s18 =	simm.s32 $0x9C00  }
0x157: {  	[tilespmem:s18+$0x0] =	vst.add.f32.msk $0xffff, v0  }
0x158: {  	v0 =	vld [tilespmem:$0x6A10];
	_ =	sdelay $0x3  }
0x159: {  	s20 =	simm.s32 $0x9C10  }
0x15a: {  	[tilespmem:s20+$0x0] =	vst.add.f32.msk $0xffff, v0  }
0x15b: {  	v0 =	vld [tilespmem:$0x6A20];
	_ =	sdelay $0x3  }
0x15c: {  	s17 =	simm.s32 $0x9C20  }
0x15d: {  	[tilespmem:s17+$0x0] =	vst.add.f32.msk $0xffff, v0  }
0x15e: {  	v0 =	vld [tilespmem:$0x6A30];
	_ =	sdelay $0x3  }
0x15f: {  	s18 =	simm.s32 $0x9C30  }
0x160: {  	[tilespmem:s18+$0x0] =	vst.add.f32.msk $0xffff, v0  }
0x161: {  	v0 =	vld [tilespmem:$0x6A40];
	_ =	sdelay $0x3  }
0x162: {  	s20 =	simm.s32 $0x9C40  }
0x163: {  	[tilespmem:s20+$0x0] =	vst.add.f32.msk $0xffff, v0  }
0x164: {  	v0 =	vld [tilespmem:$0x6A50];
	_ =	sdelay $0x3  }
0x165: {  	s17 =	simm.s32 $0x9C50  }
0x166: {  	[tilespmem:s17+$0x0] =	vst.add.f32.msk $0xffff, v0  }
0x167: {  	v0 =	vld [tilespmem:$0x6A60];
	_ =	sdelay $0x3  }
0x168: {  	s18 =	simm.s32 $0x9C60  }
0x169: {  	[tilespmem:s18+$0x0] =	vst.add.f32.msk $0xffff, v0  }
0x16a: {  	v0 =	vld [tilespmem:$0x6A70];
	_ =	sdelay $0x3  }
0x16b: {  	s20 =	simm.s32 $0x9C70  }
0x16c: {  	[tilespmem:s20+$0x0] =	vst.add.f32.msk $0xffff, v0  }
0x16d: {  	v0 =	vld [tilespmem:$0x6A80];
	_ =	sdelay $0x3  }
0x16e: {  	s17 =	simm.s32 $0x9C80  }
0x16f: {  	[tilespmem:s17+$0x0] =	vst.add.f32.msk $0xffff, v0  }
0x170: {  	v0 =	vld [tilespmem:$0x6A90];
	_ =	sdelay $0x3  }
0x171: {  	s18 =	simm.s32 $0x9C90  }
0x172: {  	[tilespmem:s18+$0x0] =	vst.add.f32.msk $0xffff, v0  }
0x173: {  	v0 =	vld [tilespmem:$0x6AA0];
	_ =	sdelay $0x3  }
0x174: {  	s20 =	simm.s32 $0x9CA0  }
0x175: {  	[tilespmem:s20+$0x0] =	vst.add.f32.msk $0xffff, v0  }
0x176: {  	v0 =	vld [tilespmem:$0x6AB0];
	_ =	sdelay $0x3  }
0x177: {  	s17 =	simm.s32 $0x9CB0  }
0x178: {  	[tilespmem:s17+$0x0] =	vst.add.f32.msk $0xffff, v0  }
0x179: {  	v0 =	vld [tilespmem:$0x6AC0];
	_ =	sdelay $0x3  }
0x17a: {  	s18 =	simm.s32 $0x9CC0  }
0x17b: {  	[tilespmem:s18+$0x0] =	vst.add.f32.msk $0xffff, v0  }
0x17c: {  	v0 =	vld [tilespmem:$0x6AD0];
	_ =	sdelay $0x3  }
0x17d: {  	s20 =	simm.s32 $0x9CD0  }
0x17e: {  	[tilespmem:s20+$0x0] =	vst.add.f32.msk $0xffff, v0  }
0x17f: {  	v0 =	vld [tilespmem:$0x6AE0];
	_ =	sdelay $0x3  }
0x180: {  	s17 =	simm.s32 $0x9CE0  }
0x181: {  	[tilespmem:s17+$0x0] =	vst.add.f32.msk $0xffff, v0  }
0x182: {  	v0 =	vld [tilespmem:$0x6AF0];
	_ =	sdelay $0x3  }
0x183: {  	s18 =	simm.s32 $0x9CF0  }
0x184: {  	[tilespmem:s18+$0x0] =	vst.add.f32.msk $0xffff, v0  }
0x185: {  	v0 =	vld [tilespmem:$0x6B00];
	_ =	sdelay $0x3  }
0x186: {  	s20 =	simm.s32 $0x9D00  }
0x187: {  	[tilespmem:s20+$0x0] =	vst.add.f32.msk $0xffff, v0  }
0x188: {  	v0 =	vld [tilespmem:$0x6B10];
	_ =	sdelay $0x3  }
0x189: {  	s17 =	simm.s32 $0x9D10  }
0x18a: {  	[tilespmem:s17+$0x0] =	vst.add.f32.msk $0xffff, v0  }
0x18b: {  	v0 =	vld [tilespmem:$0x6B20];
	_ =	sdelay $0x3  }
0x18c: {  	s18 =	simm.s32 $0x9D20  }
0x18d: {  	[tilespmem:s18+$0x0] =	vst.add.f32.msk $0xffff, v0  }
0x18e: {  	v0 =	vld [tilespmem:$0x6B30];
	_ =	sdelay $0x3  }
0x18f: {  	s20 =	simm.s32 $0x9D30  }
0x190: {  	[tilespmem:s20+$0x0] =	vst.add.f32.msk $0xffff, v0  }
0x191: {  	v0 =	vld [tilespmem:$0x6B40];
	_ =	sdelay $0x3  }
0x192: {  	s17 =	simm.s32 $0x9D40  }
0x193: {  	[tilespmem:s17+$0x0] =	vst.add.f32.msk $0xffff, v0  }
0x194: {  	v0 =	vld [tilespmem:$0x6B50];
	_ =	sdelay $0x3  }
0x195: {  	s18 =	simm.s32 $0x9D50  }
0x196: {  	[tilespmem:s18+$0x0] =	vst.add.f32.msk $0xffff, v0  }
0x197: {  	v0 =	vld [tilespmem:$0x6B60];
	_ =	sdelay $0x3  }
0x198: {  	s20 =	simm.s32 $0x9D60  }
0x199: {  	[tilespmem:s20+$0x0] =	vst.add.f32.msk $0xffff, v0  }
0x19a: {  	v0 =	vld [tilespmem:$0x6B70];
	_ =	sdelay $0x3  }
0x19b: {  	s17 =	simm.s32 $0x9D70  }
0x19c: {  	[tilespmem:s17+$0x0] =	vst.add.f32.msk $0xffff, v0  }
0x19d: {  	v0 =	vld [tilespmem:$0x6B80];
	_ =	sdelay $0x3  }
0x19e: {  	s18 =	simm.s32 $0x9D80  }
0x19f: {  	[tilespmem:s18+$0x0] =	vst.add.f32.msk $0xffff, v0  }
0x1a0: {  	v0 =	vld [tilespmem:$0x6B90];
	_ =	sdelay $0x3  }
0x1a1: {  	s20 =	simm.s32 $0x9D90  }
0x1a2: {  	[tilespmem:s20+$0x0] =	vst.add.f32.msk $0xffff, v0  }
0x1a3: {  	v0 =	vld [tilespmem:$0x6BA0];
	_ =	sdelay $0x3  }
0x1a4: {  	s17 =	simm.s32 $0x9DA0  }
0x1a5: {  	[tilespmem:s17+$0x0] =	vst.add.f32.msk $0xffff, v0  }
0x1a6: {  	v0 =	vld [tilespmem:$0x6BB0];
	_ =	sdelay $0x3  }
0x1a7: {  	s18 =	simm.s32 $0x9DB0  }
0x1a8: {  	[tilespmem:s18+$0x0] =	vst.add.f32.msk $0xffff, v0  }
0x1a9: {  	v0 =	vld [tilespmem:$0x6BC0];
	_ =	sdelay $0x3  }
0x1aa: {  	s20 =	simm.s32 $0x9DC0  }
0x1ab: {  	[tilespmem:s20+$0x0] =	vst.add.f32.msk $0xffff, v0  }
0x1ac: {  	v0 =	vld [tilespmem:$0x6BD0];
	_ =	sdelay $0x3  }
0x1ad: {  	s17 =	simm.s32 $0x9DD0  }
0x1ae: {  	[tilespmem:s17+$0x0] =	vst.add.f32.msk $0xffff, v0  }
0x1af: {  	v0 =	vld [tilespmem:$0x6BE0];
	_ =	sdelay $0x3  }
0x1b0: {  	s18 =	simm.s32 $0x9DE0  }
0x1b1: {  	[tilespmem:s18+$0x0] =	vst.add.f32.msk $0xffff, v0  }
0x1b2: {  	v0 =	vld [tilespmem:$0x6BF0];
	_ =	sdelay $0x3  }
0x1b3: {  	s20 =	simm.s32 $0x9DF0  }
0x1b4: {  	[tilespmem:s20+$0x0] =	vst.add.f32.msk $0xffff, v0  }
0x1b5: {  	v0 =	vld [tilespmem:$0x6C00];
	_ =	sdelay $0x3  }
0x1b6: {  	s17 =	simm.s32 $0x9E00  }
0x1b7: {  	[tilespmem:s17+$0x0] =	vst.add.f32.msk $0xffff, v0  }
0x1b8: {  	v0 =	vld [tilespmem:$0x6C10];
	_ =	sdelay $0x3  }
0x1b9: {  	s18 =	simm.s32 $0x9E10  }
0x1ba: {  	[tilespmem:s18+$0x0] =	vst.add.f32.msk $0xffff, v0  }
0x1bb: {  	v0 =	vld [tilespmem:$0x6C20];
	_ =	sdelay $0x3  }
0x1bc: {  	s20 =	simm.s32 $0x9E20  }
0x1bd: {  	[tilespmem:s20+$0x0] =	vst.add.f32.msk $0xffff, v0  }
0x1be: {  	v0 =	vld [tilespmem:$0x6C30];
	_ =	sdelay $0x3  }
0x1bf: {  	s17 =	simm.s32 $0x9E30  }
0x1c0: {  	[tilespmem:s17+$0x0] =	vst.add.f32.msk $0xffff, v0  }
0x1c1: {  	v0 =	vld [tilespmem:$0x6C40];
	_ =	sdelay $0x3  }
0x1c2: {  	s18 =	simm.s32 $0x9E40  }
0x1c3: {  	[tilespmem:s18+$0x0] =	vst.add.f32.msk $0xffff, v0  }
0x1c4: {  	v0 =	vld [tilespmem:$0x6C50];
	_ =	sdelay $0x3  }
0x1c5: {  	s20 =	simm.s32 $0x9E50  }
0x1c6: {  	[tilespmem:s20+$0x0] =	vst.add.f32.msk $0xffff, v0  }
0x1c7: {  	v0 =	vld [tilespmem:$0x6C60];
	_ =	sdelay $0x3  }
0x1c8: {  	s17 =	simm.s32 $0x9E60  }
0x1c9: {  	[tilespmem:s17+$0x0] =	vst.add.f32.msk $0xffff, v0  }
0x1ca: {  	v0 =	vld [tilespmem:$0x6C70];
	_ =	sdelay $0x3  }
0x1cb: {  	s18 =	simm.s32 $0x9E70  }
0x1cc: {  	[tilespmem:s18+$0x0] =	vst.add.f32.msk $0xffff, v0  }
0x1cd: {  	v0 =	vld [tilespmem:$0x6C80];
	_ =	sdelay $0x3  }
0x1ce: {  	s20 =	simm.s32 $0x9E80  }
0x1cf: {  	[tilespmem:s20+$0x0] =	vst.add.f32.msk $0xffff, v0  }
0x1d0: {  	v0 =	vld [tilespmem:$0x6C90];
	_ =	sdelay $0x3  }
0x1d1: {  	s17 =	simm.s32 $0x9E90  }
0x1d2: {  	[tilespmem:s17+$0x0] =	vst.add.f32.msk $0xffff, v0  }
0x1d3: {  	v0 =	vld [tilespmem:$0x6CA0];
	_ =	sdelay $0x3  }
0x1d4: {  	s18 =	simm.s32 $0x9EA0  }
0x1d5: {  	[tilespmem:s18+$0x0] =	vst.add.f32.msk $0xffff, v0  }
0x1d6: {  	v0 =	vld [tilespmem:$0x6CB0];
	_ =	sdelay $0x3  }
0x1d7: {  	s20 =	simm.s32 $0x9EB0  }
0x1d8: {  	[tilespmem:s20+$0x0] =	vst.add.f32.msk $0xffff, v0  }
0x1d9: {  	v0 =	vld [tilespmem:$0x6CC0];
	_ =	sdelay $0x3  }
0x1da: {  	s17 =	simm.s32 $0x9EC0  }
0x1db: {  	[tilespmem:s17+$0x0] =	vst.add.f32.msk $0xffff, v0  }
0x1dc: {  	v0 =	vld [tilespmem:$0x6CD0];
	_ =	sdelay $0x3  }
0x1dd: {  	s18 =	simm.s32 $0x9ED0  }
0x1de: {  	[tilespmem:s18+$0x0] =	vst.add.f32.msk $0xffff, v0  }
0x1df: {  	v0 =	vld [tilespmem:$0x6CE0];
	_ =	sdelay $0x3  }
0x1e0: {  	s20 =	simm.s32 $0x9EE0  }
0x1e1: {  	[tilespmem:s20+$0x0] =	vst.add.f32.msk $0xffff, v0  }
0x1e2: {  	v0 =	vld [tilespmem:$0x6CF0];
	_ =	sdelay $0x3  }
0x1e3: {  	s17 =	simm.s32 $0x9EF0  }
0x1e4: {  	[tilespmem:s17+$0x0] =	vst.add.f32.msk $0xffff, v0  }
0x1e5: {  	v0 =	vld [tilespmem:$0x6D00];
	_ =	sdelay $0x3  }
0x1e6: {  	s18 =	simm.s32 $0x9F00  }
0x1e7: {  	[tilespmem:s18+$0x0] =	vst.add.f32.msk $0xffff, v0  }
0x1e8: {  	v0 =	vld [tilespmem:$0x6D10];
	_ =	sdelay $0x3  }
0x1e9: {  	s20 =	simm.s32 $0x9F10  }
0x1ea: {  	[tilespmem:s20+$0x0] =	vst.add.f32.msk $0xffff, v0  }
0x1eb: {  	v0 =	vld [tilespmem:$0x6D20];
	_ =	sdelay $0x3  }
0x1ec: {  	s17 =	simm.s32 $0x9F20  }
0x1ed: {  	[tilespmem:s17+$0x0] =	vst.add.f32.msk $0xffff, v0  }
0x1ee: {  	v0 =	vld [tilespmem:$0x6D30];
	_ =	sdelay $0x3  }
0x1ef: {  	s18 =	simm.s32 $0x9F30  }
0x1f0: {  	[tilespmem:s18+$0x0] =	vst.add.f32.msk $0xffff, v0  }
0x1f1: {  	v0 =	vld [tilespmem:$0x6D40];
	_ =	sdelay $0x3  }
0x1f2: {  	s20 =	simm.s32 $0x9F40  }
0x1f3: {  	[tilespmem:s20+$0x0] =	vst.add.f32.msk $0xffff, v0  }
0x1f4: {  	v0 =	vld [tilespmem:$0x6D50];
	_ =	sdelay $0x3  }
0x1f5: {  	s17 =	simm.s32 $0x9F50  }
0x1f6: {  	[tilespmem:s17+$0x0] =	vst.add.f32.msk $0xffff, v0  }
0x1f7: {  	v0 =	vld [tilespmem:$0x6D60];
	_ =	sdelay $0x3  }
0x1f8: {  	s18 =	simm.s32 $0x9F60  }
0x1f9: {  	[tilespmem:s18+$0x0] =	vst.add.f32.msk $0xffff, v0  }
0x1fa: {  	v0 =	vld [tilespmem:$0x6D70];
	_ =	sdelay $0x3  }
0x1fb: {  	s20 =	simm.s32 $0x9F70  }
0x1fc: {  	[tilespmem:s20+$0x0] =	vst.add.f32.msk $0xffff, v0  }
0x1fd: {  	v0 =	vld [tilespmem:$0x6D80];
	_ =	sdelay $0x3  }
0x1fe: {  	s17 =	simm.s32 $0x9F80  }
0x1ff: {  	[tilespmem:s17+$0x0] =	vst.add.f32.msk $0xffff, v0  }
0x200: {  	v0 =	vld [tilespmem:$0x6D90];
	_ =	sdelay $0x3  }
0x201: {  	s18 =	simm.s32 $0x9F90  }
0x202: {  	[tilespmem:s18+$0x0] =	vst.add.f32.msk $0xffff, v0  }
0x203: {  	v0 =	vld [tilespmem:$0x6DA0];
	_ =	sdelay $0x3  }
0x204: {  	s20 =	simm.s32 $0x9FA0  }
0x205: {  	[tilespmem:s20+$0x0] =	vst.add.f32.msk $0xffff, v0  }
0x206: {  	v0 =	vld [tilespmem:$0x6DB0];
	_ =	sdelay $0x3  }
0x207: {  	s17 =	simm.s32 $0x9FB0  }
0x208: {  	[tilespmem:s17+$0x0] =	vst.add.f32.msk $0xffff, v0  }
0x209: {  	v0 =	vld [tilespmem:$0x6DC0];
	_ =	sdelay $0x3  }
0x20a: {  	s18 =	simm.s32 $0x9FC0  }
0x20b: {  	[tilespmem:s18+$0x0] =	vst.add.f32.msk $0xffff, v0  }
0x20c: {  	v0 =	vld [tilespmem:$0x6DD0];
	_ =	sdelay $0x3  }
0x20d: {  	s20 =	simm.s32 $0x9FD0  }
0x20e: {  	[tilespmem:s20+$0x0] =	vst.add.f32.msk $0xffff, v0  }
0x20f: {  	v0 =	vld [tilespmem:$0x6DE0];
	_ =	sdelay $0x3  }
0x210: {  	s17 =	simm.s32 $0x9FE0  }
0x211: {  	[tilespmem:s17+$0x0] =	vst.add.f32.msk $0xffff, v0  }
0x212: {  	v0 =	vld [tilespmem:$0x6DF0]  }
0x213: {  	s18 =	sshll.u32 s13, $0x1  }
0x214: {  	s15 =	sadd.s32 s4, s18  }
0x215: {  	s20 =	smul.u32 $0x640, s15  }
0x216: {  	s18 =	simm.s32 $0x9FF0  }
0x217: {  	p0 =	seq.s32 s13, $0x3F;
	s17 =	sadd.s32 s2, s20;
	[tilespmem:s18+$0x0] =	vst.add.f32.msk $0xffff, v0  }
0x218: {  	[hbm4b:s17+s3] =	stream.linear.scatter [tilespmem:s12], [sflag:$0xB], $0xA00, $0x38;
	[tilespmem:$0xFA00] =	vst v63  }
0x219: {  	s17 =	sadd.s32 @!p0 $0xA, s16  }
0x21a: {  	_ =	swait.ge [sflag:s22], $0xA00;
	s17 =	smulhi.u32 @!p0 $0xCCCCCCCD, s17  }
0x21b: {  	[sflag:s22] =	ssyncset.done $0x0  }
0x21c: {  	s18 =	simm.s32 @!p0 $0xB;
	[sflag:s22] =	ssyncadd.s32 $0xFFFFF600;
	s17 =	sshrl.u32 @!p0 s17, $0x2  }
0x21d: {  	_ =	swait.ge @!p0 [sflag:s18], $0xA00;
	s17 =	smul.u32 @!p0 $0x320, s17  }
0x21e: {  	s20 =	simm.s32 @!p0 $0x9600;
	[sflag:s18] =	ssyncset.done @!p0 $0x0  }
0x21f: {  	[sflag:s18] =	ssyncadd.s32 @!p0 $0xFFFFF600;
	s17 =	sshra.s32 @!p0 s17, $0x2;
	s18 =	simm.s32 @!p0 $0x28  }
0x220: {  	[tilespmem:s20], [sflag:$0x1] =	stream.indirect.gather @!p0 [hbm4b:s6+s18], $0x40, s17, s18, $0xb8;
	[tilespmem:$0xFA00] =	vst v63  }
0x221: {  	s18 =	simm.s32 $0x0  }
0x222: {  	v0 =	vld [tilespmem:s18+$0x6EF0]  }
0x223: {  	v1 =	vld [tilespmem:s18+$0x6E00]  }
0x224: {  	v2 =	vld [tilespmem:s18+$0x6E10]  }
0x225: {  	v3 =	vld [tilespmem:s18+$0x6E20]  }
0x226: {  	v4 =	vld [tilespmem:s18+$0x6E30]  }
0x227: {  	v5 =	vld [tilespmem:s18+$0x6E40]  }
0x228: {  	v6 =	vld [tilespmem:s18+$0x6E50]  }
0x229: {  	v7 =	vld [tilespmem:s18+$0x6E60]  }
0x22a: {  	v8 =	vld [tilespmem:s18+$0x6E70]  }
0x22b: {  	v9 =	vld [tilespmem:s18+$0x6E80]  }
0x22c: {  	v10 =	vld [tilespmem:s18+$0x6E90]  }
0x22d: {  	v11 =	vld [tilespmem:s18+$0x6EA0]  }
0x22e: {  	v12 =	vld [tilespmem:s18+$0x6EB0]  }
0x22f: {  	v13 =	vld [tilespmem:s18+$0x6EC0]  }
0x230: {  	v14 =	vld [tilespmem:s18+$0x6ED0]  }
0x231: {  	[tilespmem:s18+$0xA0F0] =	vst.add.f32.msk $0xffff, v0  }
0x232: {  	v0 =	vld [tilespmem:s18+$0x6EE0]  }
0x233: {  	[tilespmem:s18+$0xA000] =	vst.add.f32.msk $0xffff, v1  }
0x234: {  	[tilespmem:s18+$0xA010] =	vst.add.f32.msk $0xffff, v2  }
0x235: {  	[tilespmem:s18+$0xA020] =	vst.add.f32.msk $0xffff, v3  }
0x236: {  	[tilespmem:s18+$0xA030] =	vst.add.f32.msk $0xffff, v4  }
0x237: {  	[tilespmem:s18+$0xA040] =	vst.add.f32.msk $0xffff, v5  }
0x238: {  	[tilespmem:s18+$0xA050] =	vst.add.f32.msk $0xffff, v6  }
0x239: {  	[tilespmem:s18+$0xA060] =	vst.add.f32.msk $0xffff, v7  }
0x23a: {  	[tilespmem:s18+$0xA070] =	vst.add.f32.msk $0xffff, v8  }
0x23b: {  	[tilespmem:s18+$0xA080] =	vst.add.f32.msk $0xffff, v9  }
0x23c: {  	[tilespmem:s18+$0xA090] =	vst.add.f32.msk $0xffff, v10  }
0x23d: {  	[tilespmem:s18+$0xA0A0] =	vst.add.f32.msk $0xffff, v11  }
0x23e: {  	[tilespmem:s18+$0xA0B0] =	vst.add.f32.msk $0xffff, v12  }
0x23f: {  	[tilespmem:s18+$0xA0C0] =	vst.add.f32.msk $0xffff, v13  }
0x240: {  	s17 =	simm.s32 $0x0;
	s20 =	simm.s32 $0x400;
	[tilespmem:s18+$0xA0D0] =	vst.add.f32.msk $0xffff, v14  }
.LBB2_3:
0x241: {  	s17 =	sadd.s32 $0x4, s17;
	[tilespmem:s18+$0xA0E0] =	vst.add.f32.msk $0xffff, v0;
	s18 =	sshra.s32 s20, $0x2  }
0x242: {  	v0 =	vld [tilespmem:s18+$0x6EF0];
	p1 =	slt.u32 s17, $0x24  }
0x243: {  	v1 =	vld [tilespmem:s18+$0x6E00]  }
0x244: {  	v2 =	vld [tilespmem:s18+$0x6E10]  }
0x245: {  	v3 =	vld [tilespmem:s18+$0x6E20]  }
0x246: {  	v4 =	vld [tilespmem:s18+$0x6E30]  }
0x247: {  	[tilespmem:s18+$0xA0F0] =	vst.add.f32.msk $0xffff, v0  }
0x248: {  	v5 =	vld [tilespmem:s18+$0x6E40]  }
0x249: {  	v6 =	vld [tilespmem:s18+$0x6E50]  }
0x24a: {  	v7 =	vld [tilespmem:s18+$0x6E60]  }
0x24b: {  	v8 =	vld [tilespmem:s18+$0x6E70]  }
0x24c: {  	v9 =	vld [tilespmem:s18+$0x6E80]  }
0x24d: {  	v10 =	vld [tilespmem:s18+$0x6E90]  }
0x24e: {  	v11 =	vld [tilespmem:s18+$0x6EA0]  }
0x24f: {  	v12 =	vld [tilespmem:s18+$0x6EB0]  }
0x250: {  	v13 =	vld [tilespmem:s18+$0x6EC0]  }
0x251: {  	v14 =	vld [tilespmem:s18+$0x6ED0]  }
0x252: {  	v0 =	vld [tilespmem:s18+$0x6EE0]  }
0x253: {  	[tilespmem:s18+$0xA000] =	vst.add.f32.msk $0xffff, v1  }
0x254: {  	[tilespmem:s18+$0xA010] =	vst.add.f32.msk $0xffff, v2  }
0x255: {  	[tilespmem:s18+$0xA020] =	vst.add.f32.msk $0xffff, v3  }
0x256: {  	[tilespmem:s18+$0xA030] =	vst.add.f32.msk $0xffff, v4  }
0x257: {  	[tilespmem:s18+$0xA040] =	vst.add.f32.msk $0xffff, v5  }
0x258: {  	[tilespmem:s18+$0xA050] =	vst.add.f32.msk $0xffff, v6  }
0x259: {  	[tilespmem:s18+$0xA060] =	vst.add.f32.msk $0xffff, v7  }
0x25a: {  	[tilespmem:s18+$0xA070] =	vst.add.f32.msk $0xffff, v8  }
0x25b: {  	[tilespmem:s18+$0xA080] =	vst.add.f32.msk $0xffff, v9  }
.Ltmp0:
0x25c: {  	[tilespmem:s18+$0xA090] =	vst.add.f32.msk $0xffff, v10;
	(pc) =	sbr.rel @p1 .LBB2_3-.Ltmp0, $4  }
0x25d: {  	[tilespmem:s18+$0xA0A0] =	vst.add.f32.msk $0xffff, v11  }
0x25e: {  	[tilespmem:s18+$0xA0B0] =	vst.add.f32.msk $0xffff, v12  }
0x25f: {  	[tilespmem:s18+$0xA0C0] =	vst.add.f32.msk $0xffff, v13  }
0x260: {  	s20 =	sadd.s32 $0x400, s20;
	[tilespmem:s18+$0xA0D0] =	vst.add.f32.msk $0xffff, v14  }
0x261: {  	s15 =	smul.u32 $0x3200, s15;
	_ =	sdelay $0x1  }
0x262: {  	s15 =	sshrl.u32 s15, $0x3  }
0x263: {  	s15 =	sadd.s32 s2, s15  }
0x264: {  	[tilespmem:s18+$0xA0E0] =	vst.add.f32.msk $0xffff, v0;
	s20 =	simm.s32 $0xA000;
	s17 =	sadd.s32 $0x140, s15  }
0x265: {  	[hbm4b:s17+s3] =	stream.linear.scatter [tilespmem:s20], [sflag:$0xC], $0xA00, $0x38;
	[tilespmem:$0xFA00] =	vst v63  }
0x266: {  	s17 =	sadd.s32 @!p0 $0xB, s16  }
0x267: {  	s17 =	smulhi.u32 @!p0 $0xCCCCCCCD, s17  }
0x268: {  	_ =	swait.ge [sflag:s19], $0xA00  }
0x269: {  	[sflag:s19] =	ssyncset.done $0x0;
	s17 =	sshrl.u32 @!p0 s17, $0x2  }
0x26a: {  	s18 =	simm.s32 @!p0 $0xC;
	[sflag:s19] =	ssyncadd.s32 $0xFFFFF600;
	s17 =	smul.u32 @!p0 $0x320, s17  }
0x26b: {  	_ =	swait.ge @!p0 [sflag:s18], $0xA00  }
0x26c: {  	s20 =	simm.s32 @!p0 $0xA000;
	[sflag:s18] =	ssyncset.done @!p0 $0x0;
	s17 =	sshra.s32 @!p0 s17, $0x2  }
0x26d: {  	[sflag:s18] =	ssyncadd.s32 @!p0 $0xFFFFF600;
	s18 =	simm.s32 @!p0 $0x28;
	s17 =	sadd.s32 @!p0 $0x28, s17  }
0x26e: {  	[tilespmem:s20], [sflag:$0x2] =	stream.indirect.gather @!p0 [hbm4b:s6+s18], $0x40, s17, s18, $0xb8;
	[tilespmem:$0xFA00] =	vst v63  }
0x26f: {  	s18 =	simm.s32 $0x0  }
0x270: {  	v0 =	vld [tilespmem:s18+$0x78F0]  }
0x271: {  	v1 =	vld [tilespmem:s18+$0x7800]  }
0x272: {  	v2 =	vld [tilespmem:s18+$0x7810]  }
0x273: {  	v3 =	vld [tilespmem:s18+$0x7820]  }
0x274: {  	v4 =	vld [tilespmem:s18+$0x7830]  }
0x275: {  	v5 =	vld [tilespmem:s18+$0x7840]  }
0x276: {  	v6 =	vld [tilespmem:s18+$0x7850]  }
0x277: {  	v7 =	vld [tilespmem:s18+$0x7860]  }
0x278: {  	v8 =	vld [tilespmem:s18+$0x7870]  }
0x279: {  	v9 =	vld [tilespmem:s18+$0x7880]  }
0x27a: {  	v10 =	vld [tilespmem:s18+$0x7890]  }
0x27b: {  	v11 =	vld [tilespmem:s18+$0x78A0]  }
0x27c: {  	v12 =	vld [tilespmem:s18+$0x78B0]  }
0x27d: {  	v13 =	vld [tilespmem:s18+$0x78C0]  }
0x27e: {  	v14 =	vld [tilespmem:s18+$0x78D0]  }
0x27f: {  	[tilespmem:s18+$0xAAF0] =	vst.add.f32.msk $0xffff, v0  }
0x280: {  	v0 =	vld [tilespmem:s18+$0x78E0]  }
0x281: {  	[tilespmem:s18+$0xAA00] =	vst.add.f32.msk $0xffff, v1  }
0x282: {  	[tilespmem:s18+$0xAA10] =	vst.add.f32.msk $0xffff, v2  }
0x283: {  	[tilespmem:s18+$0xAA20] =	vst.add.f32.msk $0xffff, v3  }
0x284: {  	[tilespmem:s18+$0xAA30] =	vst.add.f32.msk $0xffff, v4  }
0x285: {  	[tilespmem:s18+$0xAA40] =	vst.add.f32.msk $0xffff, v5  }
0x286: {  	[tilespmem:s18+$0xAA50] =	vst.add.f32.msk $0xffff, v6  }
0x287: {  	[tilespmem:s18+$0xAA60] =	vst.add.f32.msk $0xffff, v7  }
0x288: {  	[tilespmem:s18+$0xAA70] =	vst.add.f32.msk $0xffff, v8  }
0x289: {  	[tilespmem:s18+$0xAA80] =	vst.add.f32.msk $0xffff, v9  }
0x28a: {  	[tilespmem:s18+$0xAA90] =	vst.add.f32.msk $0xffff, v10  }
0x28b: {  	[tilespmem:s18+$0xAAA0] =	vst.add.f32.msk $0xffff, v11  }
0x28c: {  	[tilespmem:s18+$0xAAB0] =	vst.add.f32.msk $0xffff, v12  }
0x28d: {  	[tilespmem:s18+$0xAAC0] =	vst.add.f32.msk $0xffff, v13  }
0x28e: {  	s17 =	simm.s32 $0x0;
	s20 =	simm.s32 $0x400;
	[tilespmem:s18+$0xAAD0] =	vst.add.f32.msk $0xffff, v14  }
.LBB2_5:
0x28f: {  	s17 =	sadd.s32 $0x4, s17;
	[tilespmem:s18+$0xAAE0] =	vst.add.f32.msk $0xffff, v0;
	s18 =	sshra.s32 s20, $0x2  }
0x290: {  	v0 =	vld [tilespmem:s18+$0x78F0];
	p1 =	slt.u32 s17, $0x24  }
0x291: {  	v1 =	vld [tilespmem:s18+$0x7800]  }
0x292: {  	v2 =	vld [tilespmem:s18+$0x7810]  }
0x293: {  	v3 =	vld [tilespmem:s18+$0x7820]  }
0x294: {  	v4 =	vld [tilespmem:s18+$0x7830]  }
0x295: {  	[tilespmem:s18+$0xAAF0] =	vst.add.f32.msk $0xffff, v0  }
0x296: {  	v5 =	vld [tilespmem:s18+$0x7840]  }
0x297: {  	v6 =	vld [tilespmem:s18+$0x7850]  }
0x298: {  	v7 =	vld [tilespmem:s18+$0x7860]  }
0x299: {  	v8 =	vld [tilespmem:s18+$0x7870]  }
0x29a: {  	v9 =	vld [tilespmem:s18+$0x7880]  }
0x29b: {  	v10 =	vld [tilespmem:s18+$0x7890]  }
0x29c: {  	v11 =	vld [tilespmem:s18+$0x78A0]  }
0x29d: {  	v12 =	vld [tilespmem:s18+$0x78B0]  }
0x29e: {  	v13 =	vld [tilespmem:s18+$0x78C0]  }
0x29f: {  	v14 =	vld [tilespmem:s18+$0x78D0]  }
0x2a0: {  	v0 =	vld [tilespmem:s18+$0x78E0]  }
0x2a1: {  	[tilespmem:s18+$0xAA00] =	vst.add.f32.msk $0xffff, v1  }
0x2a2: {  	[tilespmem:s18+$0xAA10] =	vst.add.f32.msk $0xffff, v2  }
0x2a3: {  	[tilespmem:s18+$0xAA20] =	vst.add.f32.msk $0xffff, v3  }
0x2a4: {  	[tilespmem:s18+$0xAA30] =	vst.add.f32.msk $0xffff, v4  }
0x2a5: {  	[tilespmem:s18+$0xAA40] =	vst.add.f32.msk $0xffff, v5  }
0x2a6: {  	[tilespmem:s18+$0xAA50] =	vst.add.f32.msk $0xffff, v6  }
0x2a7: {  	[tilespmem:s18+$0xAA60] =	vst.add.f32.msk $0xffff, v7  }
0x2a8: {  	[tilespmem:s18+$0xAA70] =	vst.add.f32.msk $0xffff, v8  }
0x2a9: {  	[tilespmem:s18+$0xAA80] =	vst.add.f32.msk $0xffff, v9  }
.Ltmp1:
0x2aa: {  	[tilespmem:s18+$0xAA90] =	vst.add.f32.msk $0xffff, v10;
	(pc) =	sbr.rel @p1 .LBB2_5-.Ltmp1, $4  }
0x2ab: {  	[tilespmem:s18+$0xAAA0] =	vst.add.f32.msk $0xffff, v11  }
0x2ac: {  	[tilespmem:s18+$0xAAB0] =	vst.add.f32.msk $0xffff, v12  }
0x2ad: {  	[tilespmem:s18+$0xAAC0] =	vst.add.f32.msk $0xffff, v13  }
0x2ae: {  	s20 =	sadd.s32 $0x400, s20;
	[tilespmem:s18+$0xAAD0] =	vst.add.f32.msk $0xffff, v14  }
0x2af: {  	[tilespmem:s18+$0xAAE0] =	vst.add.f32.msk $0xffff, v0;
	s17 =	sadd.s32 $0x280, s15;
	s20 =	simm.s32 $0xAA00  }
0x2b0: {  	[hbm4b:s17+s3] =	stream.linear.scatter [tilespmem:s20], [sflag:$0xD], $0xA00, $0x38;
	[tilespmem:$0xFA00] =	vst v63  }
0x2b1: {  	s17 =	sadd.s32 @!p0 $0xC, s16  }
0x2b2: {  	s17 =	smulhi.u32 @!p0 $0xCCCCCCCD, s17  }
0x2b3: {  	_ =	swait.ge [sflag:s24], $0xA00  }
0x2b4: {  	[sflag:s24] =	ssyncset.done $0x0;
	s17 =	sshrl.u32 @!p0 s17, $0x2  }
0x2b5: {  	s18 =	simm.s32 @!p0 $0xD;
	[sflag:s24] =	ssyncadd.s32 $0xFFFFF600;
	s17 =	smul.u32 @!p0 $0x320, s17  }
0x2b6: {  	_ =	swait.ge @!p0 [sflag:s18], $0xA00  }
0x2b7: {  	s20 =	simm.s32 @!p0 $0xAA00;
	[sflag:s18] =	ssyncset.done @!p0 $0x0;
	s17 =	sshra.s32 @!p0 s17, $0x2  }
0x2b8: {  	[sflag:s18] =	ssyncadd.s32 @!p0 $0xFFFFF600;
	s18 =	simm.s32 @!p0 $0x28;
	s17 =	sadd.s32 @!p0 $0x50, s17  }
0x2b9: {  	[tilespmem:s20], [sflag:$0x3] =	stream.indirect.gather @!p0 [hbm4b:s6+s18], $0x40, s17, s18, $0xb8;
	[tilespmem:$0xFA00] =	vst v63  }
0x2ba: {  	s18 =	simm.s32 $0x0  }
0x2bb: {  	v0 =	vld [tilespmem:s18+$0x82F0]  }
0x2bc: {  	v1 =	vld [tilespmem:s18+$0x8200]  }
0x2bd: {  	v2 =	vld [tilespmem:s18+$0x8210]  }
0x2be: {  	v3 =	vld [tilespmem:s18+$0x8220]  }
0x2bf: {  	v4 =	vld [tilespmem:s18+$0x8230]  }
0x2c0: {  	v5 =	vld [tilespmem:s18+$0x8240]  }
0x2c1: {  	v6 =	vld [tilespmem:s18+$0x8250]  }
0x2c2: {  	v7 =	vld [tilespmem:s18+$0x8260]  }
0x2c3: {  	v8 =	vld [tilespmem:s18+$0x8270]  }
0x2c4: {  	v9 =	vld [tilespmem:s18+$0x8280]  }
0x2c5: {  	v10 =	vld [tilespmem:s18+$0x8290]  }
0x2c6: {  	v11 =	vld [tilespmem:s18+$0x82A0]  }
0x2c7: {  	v12 =	vld [tilespmem:s18+$0x82B0]  }
0x2c8: {  	v13 =	vld [tilespmem:s18+$0x82C0]  }
0x2c9: {  	v14 =	vld [tilespmem:s18+$0x82D0]  }
0x2ca: {  	[tilespmem:s18+$0xB4F0] =	vst.add.f32.msk $0xffff, v0  }
0x2cb: {  	v0 =	vld [tilespmem:s18+$0x82E0]  }
0x2cc: {  	[tilespmem:s18+$0xB400] =	vst.add.f32.msk $0xffff, v1  }
0x2cd: {  	[tilespmem:s18+$0xB410] =	vst.add.f32.msk $0xffff, v2  }
0x2ce: {  	[tilespmem:s18+$0xB420] =	vst.add.f32.msk $0xffff, v3  }
0x2cf: {  	[tilespmem:s18+$0xB430] =	vst.add.f32.msk $0xffff, v4  }
0x2d0: {  	[tilespmem:s18+$0xB440] =	vst.add.f32.msk $0xffff, v5  }
0x2d1: {  	[tilespmem:s18+$0xB450] =	vst.add.f32.msk $0xffff, v6  }
0x2d2: {  	[tilespmem:s18+$0xB460] =	vst.add.f32.msk $0xffff, v7  }
0x2d3: {  	[tilespmem:s18+$0xB470] =	vst.add.f32.msk $0xffff, v8  }
0x2d4: {  	[tilespmem:s18+$0xB480] =	vst.add.f32.msk $0xffff, v9  }
0x2d5: {  	[tilespmem:s18+$0xB490] =	vst.add.f32.msk $0xffff, v10  }
0x2d6: {  	[tilespmem:s18+$0xB4A0] =	vst.add.f32.msk $0xffff, v11  }
0x2d7: {  	[tilespmem:s18+$0xB4B0] =	vst.add.f32.msk $0xffff, v12  }
0x2d8: {  	[tilespmem:s18+$0xB4C0] =	vst.add.f32.msk $0xffff, v13  }
0x2d9: {  	s17 =	simm.s32 $0x0;
	s20 =	simm.s32 $0x400;
	[tilespmem:s18+$0xB4D0] =	vst.add.f32.msk $0xffff, v14  }
.LBB2_7:
0x2da: {  	s17 =	sadd.s32 $0x4, s17;
	[tilespmem:s18+$0xB4E0] =	vst.add.f32.msk $0xffff, v0;
	s18 =	sshra.s32 s20, $0x2  }
0x2db: {  	v0 =	vld [tilespmem:s18+$0x82F0];
	p1 =	slt.u32 s17, $0x24  }
0x2dc: {  	v1 =	vld [tilespmem:s18+$0x8200]  }
0x2dd: {  	v2 =	vld [tilespmem:s18+$0x8210]  }
0x2de: {  	v3 =	vld [tilespmem:s18+$0x8220]  }
0x2df: {  	v4 =	vld [tilespmem:s18+$0x8230]  }
0x2e0: {  	[tilespmem:s18+$0xB4F0] =	vst.add.f32.msk $0xffff, v0  }
0x2e1: {  	v5 =	vld [tilespmem:s18+$0x8240]  }
0x2e2: {  	v6 =	vld [tilespmem:s18+$0x8250]  }
0x2e3: {  	v7 =	vld [tilespmem:s18+$0x8260]  }
0x2e4: {  	v8 =	vld [tilespmem:s18+$0x8270]  }
0x2e5: {  	v9 =	vld [tilespmem:s18+$0x8280]  }
0x2e6: {  	v10 =	vld [tilespmem:s18+$0x8290]  }
0x2e7: {  	v11 =	vld [tilespmem:s18+$0x82A0]  }
0x2e8: {  	v12 =	vld [tilespmem:s18+$0x82B0]  }
0x2e9: {  	v13 =	vld [tilespmem:s18+$0x82C0]  }
0x2ea: {  	v14 =	vld [tilespmem:s18+$0x82D0]  }
0x2eb: {  	v0 =	vld [tilespmem:s18+$0x82E0]  }
0x2ec: {  	[tilespmem:s18+$0xB400] =	vst.add.f32.msk $0xffff, v1  }
0x2ed: {  	[tilespmem:s18+$0xB410] =	vst.add.f32.msk $0xffff, v2  }
0x2ee: {  	[tilespmem:s18+$0xB420] =	vst.add.f32.msk $0xffff, v3  }
0x2ef: {  	[tilespmem:s18+$0xB430] =	vst.add.f32.msk $0xffff, v4  }
0x2f0: {  	[tilespmem:s18+$0xB440] =	vst.add.f32.msk $0xffff, v5  }
0x2f1: {  	[tilespmem:s18+$0xB450] =	vst.add.f32.msk $0xffff, v6  }
0x2f2: {  	[tilespmem:s18+$0xB460] =	vst.add.f32.msk $0xffff, v7  }
0x2f3: {  	[tilespmem:s18+$0xB470] =	vst.add.f32.msk $0xffff, v8  }
0x2f4: {  	[tilespmem:s18+$0xB480] =	vst.add.f32.msk $0xffff, v9  }
.Ltmp2:
0x2f5: {  	[tilespmem:s18+$0xB490] =	vst.add.f32.msk $0xffff, v10;
	(pc) =	sbr.rel @p1 .LBB2_7-.Ltmp2, $4  }
0x2f6: {  	[tilespmem:s18+$0xB4A0] =	vst.add.f32.msk $0xffff, v11  }
0x2f7: {  	[tilespmem:s18+$0xB4B0] =	vst.add.f32.msk $0xffff, v12  }
0x2f8: {  	[tilespmem:s18+$0xB4C0] =	vst.add.f32.msk $0xffff, v13  }
0x2f9: {  	s20 =	sadd.s32 $0x400, s20;
	[tilespmem:s18+$0xB4D0] =	vst.add.f32.msk $0xffff, v14  }
0x2fa: {  	[tilespmem:s18+$0xB4E0] =	vst.add.f32.msk $0xffff, v0;
	s17 =	sadd.s32 $0x3C0, s15;
	s20 =	simm.s32 $0xB400  }
0x2fb: {  	[hbm4b:s17+s3] =	stream.linear.scatter [tilespmem:s20], [sflag:$0xE], $0xA00, $0x38;
	[tilespmem:$0xFA00] =	vst v63  }
0x2fc: {  	s17 =	sadd.s32 @!p0 $0xD, s16  }
0x2fd: {  	s17 =	smulhi.u32 @!p0 $0xCCCCCCCD, s17  }
0x2fe: {  	_ =	swait.ge [sflag:s26], $0xA00  }
0x2ff: {  	[sflag:s26] =	ssyncset.done $0x0;
	s17 =	sshrl.u32 @!p0 s17, $0x2  }
0x300: {  	s18 =	simm.s32 @!p0 $0xE;
	[sflag:s26] =	ssyncadd.s32 $0xFFFFF600;
	s17 =	smul.u32 @!p0 $0x320, s17  }
0x301: {  	_ =	swait.ge @!p0 [sflag:s18], $0xA00  }
0x302: {  	s20 =	simm.s32 @!p0 $0xB400;
	[sflag:s18] =	ssyncset.done @!p0 $0x0;
	s17 =	sshra.s32 @!p0 s17, $0x2  }
0x303: {  	[sflag:s18] =	ssyncadd.s32 @!p0 $0xFFFFF600;
	s18 =	simm.s32 @!p0 $0x28;
	s17 =	sadd.s32 @!p0 $0x78, s17  }
0x304: {  	[tilespmem:s20], [sflag:$0x4] =	stream.indirect.gather @!p0 [hbm4b:s6+s18], $0x40, s17, s18, $0xb8;
	[tilespmem:$0xFA00] =	vst v63  }
0x305: {  	s18 =	simm.s32 $0x0  }
0x306: {  	v0 =	vld [tilespmem:s18+$0x8CF0]  }
0x307: {  	v1 =	vld [tilespmem:s18+$0x8C00]  }
0x308: {  	v2 =	vld [tilespmem:s18+$0x8C10]  }
0x309: {  	v3 =	vld [tilespmem:s18+$0x8C20]  }
0x30a: {  	v4 =	vld [tilespmem:s18+$0x8C30]  }
0x30b: {  	v5 =	vld [tilespmem:s18+$0x8C40]  }
0x30c: {  	v6 =	vld [tilespmem:s18+$0x8C50]  }
0x30d: {  	v7 =	vld [tilespmem:s18+$0x8C60]  }
0x30e: {  	v8 =	vld [tilespmem:s18+$0x8C70]  }
0x30f: {  	v9 =	vld [tilespmem:s18+$0x8C80]  }
0x310: {  	v10 =	vld [tilespmem:s18+$0x8C90]  }
0x311: {  	v11 =	vld [tilespmem:s18+$0x8CA0]  }
0x312: {  	v12 =	vld [tilespmem:s18+$0x8CB0]  }
0x313: {  	v13 =	vld [tilespmem:s18+$0x8CC0]  }
0x314: {  	v14 =	vld [tilespmem:s18+$0x8CD0]  }
0x315: {  	[tilespmem:s18+$0xBEF0] =	vst.add.f32.msk $0xffff, v0  }
0x316: {  	v0 =	vld [tilespmem:s18+$0x8CE0]  }
0x317: {  	[tilespmem:s18+$0xBE00] =	vst.add.f32.msk $0xffff, v1  }
0x318: {  	[tilespmem:s18+$0xBE10] =	vst.add.f32.msk $0xffff, v2  }
0x319: {  	[tilespmem:s18+$0xBE20] =	vst.add.f32.msk $0xffff, v3  }
0x31a: {  	[tilespmem:s18+$0xBE30] =	vst.add.f32.msk $0xffff, v4  }
0x31b: {  	[tilespmem:s18+$0xBE40] =	vst.add.f32.msk $0xffff, v5  }
0x31c: {  	[tilespmem:s18+$0xBE50] =	vst.add.f32.msk $0xffff, v6  }
0x31d: {  	[tilespmem:s18+$0xBE60] =	vst.add.f32.msk $0xffff, v7  }
0x31e: {  	[tilespmem:s18+$0xBE70] =	vst.add.f32.msk $0xffff, v8  }
0x31f: {  	[tilespmem:s18+$0xBE80] =	vst.add.f32.msk $0xffff, v9  }
0x320: {  	[tilespmem:s18+$0xBE90] =	vst.add.f32.msk $0xffff, v10  }
0x321: {  	[tilespmem:s18+$0xBEA0] =	vst.add.f32.msk $0xffff, v11  }
0x322: {  	[tilespmem:s18+$0xBEB0] =	vst.add.f32.msk $0xffff, v12  }
0x323: {  	[tilespmem:s18+$0xBEC0] =	vst.add.f32.msk $0xffff, v13  }
0x324: {  	s17 =	simm.s32 $0x0;
	s20 =	simm.s32 $0x400;
	[tilespmem:s18+$0xBED0] =	vst.add.f32.msk $0xffff, v14  }
.LBB2_9:
0x325: {  	s17 =	sadd.s32 $0x4, s17;
	[tilespmem:s18+$0xBEE0] =	vst.add.f32.msk $0xffff, v0;
	s18 =	sshra.s32 s20, $0x2  }
0x326: {  	v0 =	vld [tilespmem:s18+$0x8CF0];
	p1 =	slt.u32 s17, $0x24  }
0x327: {  	v1 =	vld [tilespmem:s18+$0x8C00]  }
0x328: {  	v2 =	vld [tilespmem:s18+$0x8C10]  }
0x329: {  	v3 =	vld [tilespmem:s18+$0x8C20]  }
0x32a: {  	v4 =	vld [tilespmem:s18+$0x8C30]  }
0x32b: {  	[tilespmem:s18+$0xBEF0] =	vst.add.f32.msk $0xffff, v0  }
0x32c: {  	v5 =	vld [tilespmem:s18+$0x8C40]  }
0x32d: {  	v6 =	vld [tilespmem:s18+$0x8C50]  }
0x32e: {  	v7 =	vld [tilespmem:s18+$0x8C60]  }
0x32f: {  	v8 =	vld [tilespmem:s18+$0x8C70]  }
0x330: {  	v9 =	vld [tilespmem:s18+$0x8C80]  }
0x331: {  	v10 =	vld [tilespmem:s18+$0x8C90]  }
0x332: {  	v11 =	vld [tilespmem:s18+$0x8CA0]  }
0x333: {  	v12 =	vld [tilespmem:s18+$0x8CB0]  }
0x334: {  	v13 =	vld [tilespmem:s18+$0x8CC0]  }
0x335: {  	v14 =	vld [tilespmem:s18+$0x8CD0]  }
0x336: {  	v0 =	vld [tilespmem:s18+$0x8CE0]  }
0x337: {  	[tilespmem:s18+$0xBE00] =	vst.add.f32.msk $0xffff, v1  }
0x338: {  	[tilespmem:s18+$0xBE10] =	vst.add.f32.msk $0xffff, v2  }
0x339: {  	[tilespmem:s18+$0xBE20] =	vst.add.f32.msk $0xffff, v3  }
0x33a: {  	[tilespmem:s18+$0xBE30] =	vst.add.f32.msk $0xffff, v4  }
0x33b: {  	[tilespmem:s18+$0xBE40] =	vst.add.f32.msk $0xffff, v5  }
0x33c: {  	[tilespmem:s18+$0xBE50] =	vst.add.f32.msk $0xffff, v6  }
0x33d: {  	[tilespmem:s18+$0xBE60] =	vst.add.f32.msk $0xffff, v7  }
0x33e: {  	[tilespmem:s18+$0xBE70] =	vst.add.f32.msk $0xffff, v8  }
0x33f: {  	[tilespmem:s18+$0xBE80] =	vst.add.f32.msk $0xffff, v9  }
.Ltmp3:
0x340: {  	[tilespmem:s18+$0xBE90] =	vst.add.f32.msk $0xffff, v10;
	(pc) =	sbr.rel @p1 .LBB2_9-.Ltmp3, $4  }
0x341: {  	[tilespmem:s18+$0xBEA0] =	vst.add.f32.msk $0xffff, v11  }
0x342: {  	[tilespmem:s18+$0xBEB0] =	vst.add.f32.msk $0xffff, v12  }
0x343: {  	[tilespmem:s18+$0xBEC0] =	vst.add.f32.msk $0xffff, v13  }
0x344: {  	s20 =	sadd.s32 $0x400, s20;
	[tilespmem:s18+$0xBED0] =	vst.add.f32.msk $0xffff, v14  }
0x345: {  	[tilespmem:s18+$0xBEE0] =	vst.add.f32.msk $0xffff, v0;
	s15 =	sadd.s32 $0x500, s15;
	s17 =	simm.s32 $0xBE00  }
0x346: {  	[hbm4b:s15+s3] =	stream.linear.scatter [tilespmem:s17], [sflag:$0xF], $0xA00, $0x38;
	[tilespmem:$0xFA00] =	vst v63  }
0x347: {  	s15 =	sadd.s32 @!p0 $0xE, s16  }
0x348: {  	s15 =	smulhi.u32 @!p0 $0xCCCCCCCD, s15  }
0x349: {  	_ =	swait.ge [sflag:s5], $0xA00  }
0x34a: {  	[sflag:s5] =	ssyncset.done $0x0;
	s15 =	sshrl.u32 @!p0 s15, $0x2  }
0x34b: {  	s17 =	simm.s32 @!p0 $0xF;
	[sflag:s5] =	ssyncadd.s32 $0xFFFFF600;
	s15 =	smul.u32 @!p0 $0x320, s15  }
0x34c: {  	_ =	swait.ge @!p0 [sflag:s17], $0xA00  }
0x34d: {  	s18 =	simm.s32 @!p0 $0xBE00;
	[sflag:s17] =	ssyncset.done @!p0 $0x0;
	s15 =	sshra.s32 @!p0 s15, $0x2  }
0x34e: {  	[sflag:s17] =	ssyncadd.s32 @!p0 $0xFFFFF600;
	s17 =	sadd.s32 @!p0 $0xA0, s15;
	s15 =	simm.s32 @!p0 $0x28  }
0x34f: {  	[tilespmem:s18], [sflag:$0x5] =	stream.indirect.gather @!p0 [hbm4b:s6+s15], $0x40, s17, s15, $0xb8;
	[tilespmem:$0xFA00] =	vst v63  }
0x350: {  	v0 =	vld [tilespmem:$0x6400];
	_ =	sdelay $0x4  }
0x351: {  	[tilespmem:s21+$0x0] =	vst.add.f32.msk $0xffff, v0  }
0x352: {  	v0 =	vld [tilespmem:$0x6410];
	_ =	sdelay $0x3  }
0x353: {  	s18 =	simm.s32 $0xC810  }
0x354: {  	[tilespmem:s18+$0x0] =	vst.add.f32.msk $0xffff, v0  }
0x355: {  	v0 =	vld [tilespmem:$0x6420];
	_ =	sdelay $0x3  }
0x356: {  	s20 =	simm.s32 $0xC820  }
0x357: {  	[tilespmem:s20+$0x0] =	vst.add.f32.msk $0xffff, v0  }
0x358: {  	v0 =	vld [tilespmem:$0x6430];
	_ =	sdelay $0x3  }
0x359: {  	s18 =	simm.s32 $0xC830  }
0x35a: {  	[tilespmem:s18+$0x0] =	vst.add.f32.msk $0xffff, v0  }
0x35b: {  	v0 =	vld [tilespmem:$0x6440];
	_ =	sdelay $0x3  }
0x35c: {  	s20 =	simm.s32 $0xC840  }
0x35d: {  	[tilespmem:s20+$0x0] =	vst.add.f32.msk $0xffff, v0  }
0x35e: {  	v0 =	vld [tilespmem:$0x6450];
	_ =	sdelay $0x3  }
0x35f: {  	s18 =	simm.s32 $0xC850  }
0x360: {  	[tilespmem:s18+$0x0] =	vst.add.f32.msk $0xffff, v0  }
0x361: {  	v0 =	vld [tilespmem:$0x6460];
	_ =	sdelay $0x3  }
0x362: {  	s20 =	simm.s32 $0xC860  }
0x363: {  	[tilespmem:s20+$0x0] =	vst.add.f32.msk $0xffff, v0  }
0x364: {  	v0 =	vld [tilespmem:$0x6470];
	_ =	sdelay $0x3  }
0x365: {  	s18 =	simm.s32 $0xC870  }
0x366: {  	[tilespmem:s18+$0x0] =	vst.add.f32.msk $0xffff, v0  }
0x367: {  	v0 =	vld [tilespmem:$0x6480];
	_ =	sdelay $0x3  }
0x368: {  	s20 =	simm.s32 $0xC880  }
0x369: {  	[tilespmem:s20+$0x0] =	vst.add.f32.msk $0xffff, v0  }
0x36a: {  	v0 =	vld [tilespmem:$0x6490];
	_ =	sdelay $0x3  }
0x36b: {  	s18 =	simm.s32 $0xC890  }
0x36c: {  	[tilespmem:s18+$0x0] =	vst.add.f32.msk $0xffff, v0  }
0x36d: {  	v0 =	vld [tilespmem:$0x64A0];
	_ =	sdelay $0x3  }
0x36e: {  	s20 =	simm.s32 $0xC8A0  }
0x36f: {  	[tilespmem:s20+$0x0] =	vst.add.f32.msk $0xffff, v0  }
0x370: {  	v0 =	vld [tilespmem:$0x64B0];
	_ =	sdelay $0x3  }
0x371: {  	s18 =	simm.s32 $0xC8B0  }
0x372: {  	[tilespmem:s18+$0x0] =	vst.add.f32.msk $0xffff, v0  }
0x373: {  	v0 =	vld [tilespmem:$0x64C0];
	_ =	sdelay $0x3  }
0x374: {  	s20 =	simm.s32 $0xC8C0  }
0x375: {  	[tilespmem:s20+$0x0] =	vst.add.f32.msk $0xffff, v0  }
0x376: {  	v0 =	vld [tilespmem:$0x64D0];
	_ =	sdelay $0x3  }
0x377: {  	s18 =	simm.s32 $0xC8D0  }
0x378: {  	[tilespmem:s18+$0x0] =	vst.add.f32.msk $0xffff, v0  }
0x379: {  	v0 =	vld [tilespmem:$0x64E0];
	_ =	sdelay $0x3  }
0x37a: {  	s20 =	simm.s32 $0xC8E0  }
0x37b: {  	[tilespmem:s20+$0x0] =	vst.add.f32.msk $0xffff, v0  }
0x37c: {  	v0 =	vld [tilespmem:$0x64F0];
	_ =	sdelay $0x3  }
0x37d: {  	s18 =	simm.s32 $0xC8F0  }
0x37e: {  	[tilespmem:s18+$0x0] =	vst.add.f32.msk $0xffff, v0  }
0x37f: {  	v0 =	vld [tilespmem:$0x6500];
	_ =	sdelay $0x3  }
0x380: {  	s20 =	simm.s32 $0xC900  }
0x381: {  	[tilespmem:s20+$0x0] =	vst.add.f32.msk $0xffff, v0  }
0x382: {  	v0 =	vld [tilespmem:$0x6510];
	_ =	sdelay $0x3  }
0x383: {  	s18 =	simm.s32 $0xC910  }
0x384: {  	[tilespmem:s18+$0x0] =	vst.add.f32.msk $0xffff, v0  }
0x385: {  	v0 =	vld [tilespmem:$0x6520];
	_ =	sdelay $0x3  }
0x386: {  	s20 =	simm.s32 $0xC920  }
0x387: {  	[tilespmem:s20+$0x0] =	vst.add.f32.msk $0xffff, v0  }
0x388: {  	v0 =	vld [tilespmem:$0x6530];
	_ =	sdelay $0x3  }
0x389: {  	s18 =	simm.s32 $0xC930  }
0x38a: {  	[tilespmem:s18+$0x0] =	vst.add.f32.msk $0xffff, v0  }
0x38b: {  	v0 =	vld [tilespmem:$0x6540];
	_ =	sdelay $0x3  }
0x38c: {  	s20 =	simm.s32 $0xC940  }
0x38d: {  	[tilespmem:s20+$0x0] =	vst.add.f32.msk $0xffff, v0  }
0x38e: {  	v0 =	vld [tilespmem:$0x6550];
	_ =	sdelay $0x3  }
0x38f: {  	s18 =	simm.s32 $0xC950  }
0x390: {  	[tilespmem:s18+$0x0] =	vst.add.f32.msk $0xffff, v0  }
0x391: {  	v0 =	vld [tilespmem:$0x6560];
	_ =	sdelay $0x3  }
0x392: {  	s20 =	simm.s32 $0xC960  }
0x393: {  	[tilespmem:s20+$0x0] =	vst.add.f32.msk $0xffff, v0  }
0x394: {  	v0 =	vld [tilespmem:$0x6570];
	_ =	sdelay $0x3  }
0x395: {  	s18 =	simm.s32 $0xC970  }
0x396: {  	[tilespmem:s18+$0x0] =	vst.add.f32.msk $0xffff, v0  }
0x397: {  	v0 =	vld [tilespmem:$0x6580];
	_ =	sdelay $0x3  }
0x398: {  	s20 =	simm.s32 $0xC980  }
0x399: {  	[tilespmem:s20+$0x0] =	vst.add.f32.msk $0xffff, v0  }
0x39a: {  	v0 =	vld [tilespmem:$0x6590];
	_ =	sdelay $0x3  }
0x39b: {  	s18 =	simm.s32 $0xC990  }
0x39c: {  	[tilespmem:s18+$0x0] =	vst.add.f32.msk $0xffff, v0  }
0x39d: {  	v0 =	vld [tilespmem:$0x65A0];
	_ =	sdelay $0x3  }
0x39e: {  	s20 =	simm.s32 $0xC9A0  }
0x39f: {  	[tilespmem:s20+$0x0] =	vst.add.f32.msk $0xffff, v0  }
0x3a0: {  	v0 =	vld [tilespmem:$0x65B0];
	_ =	sdelay $0x3  }
0x3a1: {  	s18 =	simm.s32 $0xC9B0  }
0x3a2: {  	[tilespmem:s18+$0x0] =	vst.add.f32.msk $0xffff, v0  }
0x3a3: {  	v0 =	vld [tilespmem:$0x65C0];
	_ =	sdelay $0x3  }
0x3a4: {  	s20 =	simm.s32 $0xC9C0  }
0x3a5: {  	[tilespmem:s20+$0x0] =	vst.add.f32.msk $0xffff, v0  }
0x3a6: {  	v0 =	vld [tilespmem:$0x65D0];
	_ =	sdelay $0x3  }
0x3a7: {  	s18 =	simm.s32 $0xC9D0  }
0x3a8: {  	[tilespmem:s18+$0x0] =	vst.add.f32.msk $0xffff, v0  }
0x3a9: {  	v0 =	vld [tilespmem:$0x65E0];
	_ =	sdelay $0x3  }
0x3aa: {  	s20 =	simm.s32 $0xC9E0  }
0x3ab: {  	[tilespmem:s20+$0x0] =	vst.add.f32.msk $0xffff, v0  }
0x3ac: {  	v0 =	vld [tilespmem:$0x65F0];
	_ =	sdelay $0x3  }
0x3ad: {  	s18 =	simm.s32 $0xC9F0  }
0x3ae: {  	[tilespmem:s18+$0x0] =	vst.add.f32.msk $0xffff, v0  }
0x3af: {  	v0 =	vld [tilespmem:$0x6600];
	_ =	sdelay $0x3  }
0x3b0: {  	s20 =	simm.s32 $0xCA00  }
0x3b1: {  	[tilespmem:s20+$0x0] =	vst.add.f32.msk $0xffff, v0  }
0x3b2: {  	v0 =	vld [tilespmem:$0x6610];
	_ =	sdelay $0x3  }
0x3b3: {  	s18 =	simm.s32 $0xCA10  }
0x3b4: {  	[tilespmem:s18+$0x0] =	vst.add.f32.msk $0xffff, v0  }
0x3b5: {  	v0 =	vld [tilespmem:$0x6620];
	_ =	sdelay $0x3  }
0x3b6: {  	s20 =	simm.s32 $0xCA20  }
0x3b7: {  	[tilespmem:s20+$0x0] =	vst.add.f32.msk $0xffff, v0  }
0x3b8: {  	v0 =	vld [tilespmem:$0x6630];
	_ =	sdelay $0x3  }
0x3b9: {  	s18 =	simm.s32 $0xCA30  }
0x3ba: {  	[tilespmem:s18+$0x0] =	vst.add.f32.msk $0xffff, v0  }
0x3bb: {  	v0 =	vld [tilespmem:$0x6640];
	_ =	sdelay $0x3  }
0x3bc: {  	s20 =	simm.s32 $0xCA40  }
0x3bd: {  	[tilespmem:s20+$0x0] =	vst.add.f32.msk $0xffff, v0  }
0x3be: {  	v0 =	vld [tilespmem:$0x6650];
	_ =	sdelay $0x3  }
0x3bf: {  	s18 =	simm.s32 $0xCA50  }
0x3c0: {  	[tilespmem:s18+$0x0] =	vst.add.f32.msk $0xffff, v0  }
0x3c1: {  	v0 =	vld [tilespmem:$0x6660];
	_ =	sdelay $0x3  }
0x3c2: {  	s20 =	simm.s32 $0xCA60  }
0x3c3: {  	[tilespmem:s20+$0x0] =	vst.add.f32.msk $0xffff, v0  }
0x3c4: {  	v0 =	vld [tilespmem:$0x6670];
	_ =	sdelay $0x3  }
0x3c5: {  	s18 =	simm.s32 $0xCA70  }
0x3c6: {  	[tilespmem:s18+$0x0] =	vst.add.f32.msk $0xffff, v0  }
0x3c7: {  	v0 =	vld [tilespmem:$0x6680];
	_ =	sdelay $0x3  }
0x3c8: {  	s20 =	simm.s32 $0xCA80  }
0x3c9: {  	[tilespmem:s20+$0x0] =	vst.add.f32.msk $0xffff, v0  }
0x3ca: {  	v0 =	vld [tilespmem:$0x6690];
	_ =	sdelay $0x3  }
0x3cb: {  	s18 =	simm.s32 $0xCA90  }
0x3cc: {  	[tilespmem:s18+$0x0] =	vst.add.f32.msk $0xffff, v0  }
0x3cd: {  	v0 =	vld [tilespmem:$0x66A0];
	_ =	sdelay $0x3  }
0x3ce: {  	s20 =	simm.s32 $0xCAA0  }
0x3cf: {  	[tilespmem:s20+$0x0] =	vst.add.f32.msk $0xffff, v0  }
0x3d0: {  	v0 =	vld [tilespmem:$0x66B0];
	_ =	sdelay $0x3  }
0x3d1: {  	s18 =	simm.s32 $0xCAB0  }
0x3d2: {  	[tilespmem:s18+$0x0] =	vst.add.f32.msk $0xffff, v0  }
0x3d3: {  	v0 =	vld [tilespmem:$0x66C0];
	_ =	sdelay $0x3  }
0x3d4: {  	s20 =	simm.s32 $0xCAC0  }
0x3d5: {  	[tilespmem:s20+$0x0] =	vst.add.f32.msk $0xffff, v0  }
0x3d6: {  	v0 =	vld [tilespmem:$0x66D0];
	_ =	sdelay $0x3  }
0x3d7: {  	s18 =	simm.s32 $0xCAD0  }
0x3d8: {  	[tilespmem:s18+$0x0] =	vst.add.f32.msk $0xffff, v0  }
0x3d9: {  	v0 =	vld [tilespmem:$0x66E0];
	_ =	sdelay $0x3  }
0x3da: {  	s20 =	simm.s32 $0xCAE0  }
0x3db: {  	[tilespmem:s20+$0x0] =	vst.add.f32.msk $0xffff, v0  }
0x3dc: {  	v0 =	vld [tilespmem:$0x66F0];
	_ =	sdelay $0x3  }
0x3dd: {  	s18 =	simm.s32 $0xCAF0  }
0x3de: {  	[tilespmem:s18+$0x0] =	vst.add.f32.msk $0xffff, v0  }
0x3df: {  	v0 =	vld [tilespmem:$0x6700];
	_ =	sdelay $0x3  }
0x3e0: {  	s20 =	simm.s32 $0xCB00  }
0x3e1: {  	[tilespmem:s20+$0x0] =	vst.add.f32.msk $0xffff, v0  }
0x3e2: {  	v0 =	vld [tilespmem:$0x6710];
	_ =	sdelay $0x3  }
0x3e3: {  	s18 =	simm.s32 $0xCB10  }
0x3e4: {  	[tilespmem:s18+$0x0] =	vst.add.f32.msk $0xffff, v0  }
0x3e5: {  	v0 =	vld [tilespmem:$0x6720];
	_ =	sdelay $0x3  }
0x3e6: {  	s20 =	simm.s32 $0xCB20  }
0x3e7: {  	[tilespmem:s20+$0x0] =	vst.add.f32.msk $0xffff, v0  }
0x3e8: {  	v0 =	vld [tilespmem:$0x6730];
	_ =	sdelay $0x3  }
0x3e9: {  	s18 =	simm.s32 $0xCB30  }
0x3ea: {  	[tilespmem:s18+$0x0] =	vst.add.f32.msk $0xffff, v0  }
0x3eb: {  	v0 =	vld [tilespmem:$0x6740];
	_ =	sdelay $0x3  }
0x3ec: {  	s20 =	simm.s32 $0xCB40  }
0x3ed: {  	[tilespmem:s20+$0x0] =	vst.add.f32.msk $0xffff, v0  }
0x3ee: {  	v0 =	vld [tilespmem:$0x6750];
	_ =	sdelay $0x3  }
0x3ef: {  	s18 =	simm.s32 $0xCB50  }
0x3f0: {  	[tilespmem:s18+$0x0] =	vst.add.f32.msk $0xffff, v0  }
0x3f1: {  	v0 =	vld [tilespmem:$0x6760];
	_ =	sdelay $0x3  }
0x3f2: {  	s20 =	simm.s32 $0xCB60  }
0x3f3: {  	[tilespmem:s20+$0x0] =	vst.add.f32.msk $0xffff, v0  }
0x3f4: {  	v0 =	vld [tilespmem:$0x6770];
	_ =	sdelay $0x3  }
0x3f5: {  	s18 =	simm.s32 $0xCB70  }
0x3f6: {  	[tilespmem:s18+$0x0] =	vst.add.f32.msk $0xffff, v0  }
0x3f7: {  	v0 =	vld [tilespmem:$0x6780];
	_ =	sdelay $0x3  }
0x3f8: {  	s20 =	simm.s32 $0xCB80  }
0x3f9: {  	[tilespmem:s20+$0x0] =	vst.add.f32.msk $0xffff, v0  }
0x3fa: {  	v0 =	vld [tilespmem:$0x6790];
	_ =	sdelay $0x3  }
0x3fb: {  	s18 =	simm.s32 $0xCB90  }
0x3fc: {  	[tilespmem:s18+$0x0] =	vst.add.f32.msk $0xffff, v0  }
0x3fd: {  	v0 =	vld [tilespmem:$0x67A0];
	_ =	sdelay $0x3  }
0x3fe: {  	s20 =	simm.s32 $0xCBA0  }
0x3ff: {  	[tilespmem:s20+$0x0] =	vst.add.f32.msk $0xffff, v0  }
0x400: {  	v0 =	vld [tilespmem:$0x67B0];
	_ =	sdelay $0x3  }
0x401: {  	s18 =	simm.s32 $0xCBB0  }
0x402: {  	[tilespmem:s18+$0x0] =	vst.add.f32.msk $0xffff, v0  }
0x403: {  	v0 =	vld [tilespmem:$0x67C0];
	_ =	sdelay $0x3  }
0x404: {  	s20 =	simm.s32 $0xCBC0  }
0x405: {  	[tilespmem:s20+$0x0] =	vst.add.f32.msk $0xffff, v0  }
0x406: {  	v0 =	vld [tilespmem:$0x67D0];
	_ =	sdelay $0x3  }
0x407: {  	s18 =	simm.s32 $0xCBD0  }
0x408: {  	[tilespmem:s18+$0x0] =	vst.add.f32.msk $0xffff, v0  }
0x409: {  	v0 =	vld [tilespmem:$0x67E0];
	_ =	sdelay $0x3  }
0x40a: {  	s20 =	simm.s32 $0xCBE0  }
0x40b: {  	[tilespmem:s20+$0x0] =	vst.add.f32.msk $0xffff, v0  }
0x40c: {  	v0 =	vld [tilespmem:$0x67F0];
	_ =	sdelay $0x3  }
0x40d: {  	s18 =	simm.s32 $0xCBF0  }
0x40e: {  	[tilespmem:s18+$0x0] =	vst.add.f32.msk $0xffff, v0  }
0x40f: {  	v0 =	vld [tilespmem:$0x6800];
	_ =	sdelay $0x3  }
0x410: {  	s20 =	simm.s32 $0xCC00  }
0x411: {  	[tilespmem:s20+$0x0] =	vst.add.f32.msk $0xffff, v0  }
0x412: {  	v0 =	vld [tilespmem:$0x6810];
	_ =	sdelay $0x3  }
0x413: {  	s18 =	simm.s32 $0xCC10  }
0x414: {  	[tilespmem:s18+$0x0] =	vst.add.f32.msk $0xffff, v0  }
0x415: {  	v0 =	vld [tilespmem:$0x6820];
	_ =	sdelay $0x3  }
0x416: {  	s20 =	simm.s32 $0xCC20  }
0x417: {  	[tilespmem:s20+$0x0] =	vst.add.f32.msk $0xffff, v0  }
0x418: {  	v0 =	vld [tilespmem:$0x6830];
	_ =	sdelay $0x3  }
0x419: {  	s18 =	simm.s32 $0xCC30  }
0x41a: {  	[tilespmem:s18+$0x0] =	vst.add.f32.msk $0xffff, v0  }
0x41b: {  	v0 =	vld [tilespmem:$0x6840];
	_ =	sdelay $0x3  }
0x41c: {  	s20 =	simm.s32 $0xCC40  }
0x41d: {  	[tilespmem:s20+$0x0] =	vst.add.f32.msk $0xffff, v0  }
0x41e: {  	v0 =	vld [tilespmem:$0x6850];
	_ =	sdelay $0x3  }
0x41f: {  	s18 =	simm.s32 $0xCC50  }
0x420: {  	[tilespmem:s18+$0x0] =	vst.add.f32.msk $0xffff, v0  }
0x421: {  	v0 =	vld [tilespmem:$0x6860];
	_ =	sdelay $0x3  }
0x422: {  	s20 =	simm.s32 $0xCC60  }
0x423: {  	[tilespmem:s20+$0x0] =	vst.add.f32.msk $0xffff, v0  }
0x424: {  	v0 =	vld [tilespmem:$0x6870];
	_ =	sdelay $0x3  }
0x425: {  	s18 =	simm.s32 $0xCC70  }
0x426: {  	[tilespmem:s18+$0x0] =	vst.add.f32.msk $0xffff, v0  }
0x427: {  	v0 =	vld [tilespmem:$0x6880];
	_ =	sdelay $0x3  }
0x428: {  	s20 =	simm.s32 $0xCC80  }
0x429: {  	[tilespmem:s20+$0x0] =	vst.add.f32.msk $0xffff, v0  }
0x42a: {  	v0 =	vld [tilespmem:$0x6890];
	_ =	sdelay $0x3  }
0x42b: {  	s18 =	simm.s32 $0xCC90  }
0x42c: {  	[tilespmem:s18+$0x0] =	vst.add.f32.msk $0xffff, v0  }
0x42d: {  	v0 =	vld [tilespmem:$0x68A0];
	_ =	sdelay $0x3  }
0x42e: {  	s20 =	simm.s32 $0xCCA0  }
0x42f: {  	[tilespmem:s20+$0x0] =	vst.add.f32.msk $0xffff, v0  }
0x430: {  	v0 =	vld [tilespmem:$0x68B0];
	_ =	sdelay $0x3  }
0x431: {  	s18 =	simm.s32 $0xCCB0  }
0x432: {  	[tilespmem:s18+$0x0] =	vst.add.f32.msk $0xffff, v0  }
0x433: {  	v0 =	vld [tilespmem:$0x68C0];
	_ =	sdelay $0x3  }
0x434: {  	s20 =	simm.s32 $0xCCC0  }
0x435: {  	[tilespmem:s20+$0x0] =	vst.add.f32.msk $0xffff, v0  }
0x436: {  	v0 =	vld [tilespmem:$0x68D0];
	_ =	sdelay $0x3  }
0x437: {  	s18 =	simm.s32 $0xCCD0  }
0x438: {  	[tilespmem:s18+$0x0] =	vst.add.f32.msk $0xffff, v0  }
0x439: {  	v0 =	vld [tilespmem:$0x68E0];
	_ =	sdelay $0x3  }
0x43a: {  	s20 =	simm.s32 $0xCCE0  }
0x43b: {  	[tilespmem:s20+$0x0] =	vst.add.f32.msk $0xffff, v0  }
0x43c: {  	v0 =	vld [tilespmem:$0x68F0];
	_ =	sdelay $0x3  }
0x43d: {  	s18 =	simm.s32 $0xCCF0  }
0x43e: {  	[tilespmem:s18+$0x0] =	vst.add.f32.msk $0xffff, v0  }
0x43f: {  	v0 =	vld [tilespmem:$0x6900];
	_ =	sdelay $0x3  }
0x440: {  	s20 =	simm.s32 $0xCD00  }
0x441: {  	[tilespmem:s20+$0x0] =	vst.add.f32.msk $0xffff, v0  }
0x442: {  	v0 =	vld [tilespmem:$0x6910];
	_ =	sdelay $0x3  }
0x443: {  	s18 =	simm.s32 $0xCD10  }
0x444: {  	[tilespmem:s18+$0x0] =	vst.add.f32.msk $0xffff, v0  }
0x445: {  	v0 =	vld [tilespmem:$0x6920];
	_ =	sdelay $0x3  }
0x446: {  	s20 =	simm.s32 $0xCD20  }
0x447: {  	[tilespmem:s20+$0x0] =	vst.add.f32.msk $0xffff, v0  }
0x448: {  	v0 =	vld [tilespmem:$0x6930];
	_ =	sdelay $0x3  }
0x449: {  	s18 =	simm.s32 $0xCD30  }
0x44a: {  	[tilespmem:s18+$0x0] =	vst.add.f32.msk $0xffff, v0  }
0x44b: {  	v0 =	vld [tilespmem:$0x6940];
	_ =	sdelay $0x3  }
0x44c: {  	s20 =	simm.s32 $0xCD40  }
0x44d: {  	[tilespmem:s20+$0x0] =	vst.add.f32.msk $0xffff, v0  }
0x44e: {  	v0 =	vld [tilespmem:$0x6950];
	_ =	sdelay $0x3  }
0x44f: {  	s18 =	simm.s32 $0xCD50  }
0x450: {  	[tilespmem:s18+$0x0] =	vst.add.f32.msk $0xffff, v0  }
0x451: {  	v0 =	vld [tilespmem:$0x6960];
	_ =	sdelay $0x3  }
0x452: {  	s20 =	simm.s32 $0xCD60  }
0x453: {  	[tilespmem:s20+$0x0] =	vst.add.f32.msk $0xffff, v0  }
0x454: {  	v0 =	vld [tilespmem:$0x6970];
	_ =	sdelay $0x3  }
0x455: {  	s18 =	simm.s32 $0xCD70  }
0x456: {  	[tilespmem:s18+$0x0] =	vst.add.f32.msk $0xffff, v0  }
0x457: {  	v0 =	vld [tilespmem:$0x6980];
	_ =	sdelay $0x3  }
0x458: {  	s20 =	simm.s32 $0xCD80  }
0x459: {  	[tilespmem:s20+$0x0] =	vst.add.f32.msk $0xffff, v0  }
0x45a: {  	v0 =	vld [tilespmem:$0x6990];
	_ =	sdelay $0x3  }
0x45b: {  	s18 =	simm.s32 $0xCD90  }
0x45c: {  	[tilespmem:s18+$0x0] =	vst.add.f32.msk $0xffff, v0  }
0x45d: {  	v0 =	vld [tilespmem:$0x69A0];
	_ =	sdelay $0x3  }
0x45e: {  	s20 =	simm.s32 $0xCDA0  }
0x45f: {  	[tilespmem:s20+$0x0] =	vst.add.f32.msk $0xffff, v0  }
0x460: {  	v0 =	vld [tilespmem:$0x69B0];
	_ =	sdelay $0x3  }
0x461: {  	s18 =	simm.s32 $0xCDB0  }
0x462: {  	[tilespmem:s18+$0x0] =	vst.add.f32.msk $0xffff, v0  }
0x463: {  	v0 =	vld [tilespmem:$0x69C0];
	_ =	sdelay $0x3  }
0x464: {  	s20 =	simm.s32 $0xCDC0  }
0x465: {  	[tilespmem:s20+$0x0] =	vst.add.f32.msk $0xffff, v0  }
0x466: {  	v0 =	vld [tilespmem:$0x69D0];
	_ =	sdelay $0x3  }
0x467: {  	s18 =	simm.s32 $0xCDD0  }
0x468: {  	[tilespmem:s18+$0x0] =	vst.add.f32.msk $0xffff, v0  }
0x469: {  	v0 =	vld [tilespmem:$0x69E0];
	_ =	sdelay $0x3  }
0x46a: {  	s20 =	simm.s32 $0xCDE0  }
0x46b: {  	[tilespmem:s20+$0x0] =	vst.add.f32.msk $0xffff, v0  }
0x46c: {  	v0 =	vld [tilespmem:$0x69F0];
	_ =	sdelay $0x3  }
0x46d: {  	s18 =	simm.s32 $0xCDF0  }
0x46e: {  	[tilespmem:s18+$0x0] =	vst.add.f32.msk $0xffff, v0  }
0x46f: {  	v0 =	vld [tilespmem:$0x6A00];
	_ =	sdelay $0x3  }
0x470: {  	s20 =	simm.s32 $0xCE00  }
0x471: {  	[tilespmem:s20+$0x0] =	vst.add.f32.msk $0xffff, v0  }
0x472: {  	v0 =	vld [tilespmem:$0x6A10];
	_ =	sdelay $0x3  }
0x473: {  	s18 =	simm.s32 $0xCE10  }
0x474: {  	[tilespmem:s18+$0x0] =	vst.add.f32.msk $0xffff, v0  }
0x475: {  	v0 =	vld [tilespmem:$0x6A20];
	_ =	sdelay $0x3  }
0x476: {  	s20 =	simm.s32 $0xCE20  }
0x477: {  	[tilespmem:s20+$0x0] =	vst.add.f32.msk $0xffff, v0  }
0x478: {  	v0 =	vld [tilespmem:$0x6A30];
	_ =	sdelay $0x3  }
0x479: {  	s18 =	simm.s32 $0xCE30  }
0x47a: {  	[tilespmem:s18+$0x0] =	vst.add.f32.msk $0xffff, v0  }
0x47b: {  	v0 =	vld [tilespmem:$0x6A40];
	_ =	sdelay $0x3  }
0x47c: {  	s20 =	simm.s32 $0xCE40  }
0x47d: {  	[tilespmem:s20+$0x0] =	vst.add.f32.msk $0xffff, v0  }
0x47e: {  	v0 =	vld [tilespmem:$0x6A50];
	_ =	sdelay $0x3  }
0x47f: {  	s18 =	simm.s32 $0xCE50  }
0x480: {  	[tilespmem:s18+$0x0] =	vst.add.f32.msk $0xffff, v0  }
0x481: {  	v0 =	vld [tilespmem:$0x6A60];
	_ =	sdelay $0x3  }
0x482: {  	s20 =	simm.s32 $0xCE60  }
0x483: {  	[tilespmem:s20+$0x0] =	vst.add.f32.msk $0xffff, v0  }
0x484: {  	v0 =	vld [tilespmem:$0x6A70];
	_ =	sdelay $0x3  }
0x485: {  	s18 =	simm.s32 $0xCE70  }
0x486: {  	[tilespmem:s18+$0x0] =	vst.add.f32.msk $0xffff, v0  }
0x487: {  	v0 =	vld [tilespmem:$0x6A80];
	_ =	sdelay $0x3  }
0x488: {  	s20 =	simm.s32 $0xCE80  }
0x489: {  	[tilespmem:s20+$0x0] =	vst.add.f32.msk $0xffff, v0  }
0x48a: {  	v0 =	vld [tilespmem:$0x6A90];
	_ =	sdelay $0x3  }
0x48b: {  	s18 =	simm.s32 $0xCE90  }
0x48c: {  	[tilespmem:s18+$0x0] =	vst.add.f32.msk $0xffff, v0  }
0x48d: {  	v0 =	vld [tilespmem:$0x6AA0];
	_ =	sdelay $0x3  }
0x48e: {  	s20 =	simm.s32 $0xCEA0  }
0x48f: {  	[tilespmem:s20+$0x0] =	vst.add.f32.msk $0xffff, v0  }
0x490: {  	v0 =	vld [tilespmem:$0x6AB0];
	_ =	sdelay $0x3  }
0x491: {  	s18 =	simm.s32 $0xCEB0  }
0x492: {  	[tilespmem:s18+$0x0] =	vst.add.f32.msk $0xffff, v0  }
0x493: {  	v0 =	vld [tilespmem:$0x6AC0];
	_ =	sdelay $0x3  }
0x494: {  	s20 =	simm.s32 $0xCEC0  }
0x495: {  	[tilespmem:s20+$0x0] =	vst.add.f32.msk $0xffff, v0  }
0x496: {  	v0 =	vld [tilespmem:$0x6AD0];
	_ =	sdelay $0x3  }
0x497: {  	s18 =	simm.s32 $0xCED0  }
0x498: {  	[tilespmem:s18+$0x0] =	vst.add.f32.msk $0xffff, v0  }
0x499: {  	v0 =	vld [tilespmem:$0x6AE0];
	_ =	sdelay $0x3  }
0x49a: {  	s20 =	simm.s32 $0xCEE0  }
0x49b: {  	[tilespmem:s20+$0x0] =	vst.add.f32.msk $0xffff, v0  }
0x49c: {  	v0 =	vld [tilespmem:$0x6AF0];
	_ =	sdelay $0x3  }
0x49d: {  	s18 =	simm.s32 $0xCEF0  }
0x49e: {  	[tilespmem:s18+$0x0] =	vst.add.f32.msk $0xffff, v0  }
0x49f: {  	v0 =	vld [tilespmem:$0x6B00];
	_ =	sdelay $0x3  }
0x4a0: {  	s20 =	simm.s32 $0xCF00  }
0x4a1: {  	[tilespmem:s20+$0x0] =	vst.add.f32.msk $0xffff, v0  }
0x4a2: {  	v0 =	vld [tilespmem:$0x6B10];
	_ =	sdelay $0x3  }
0x4a3: {  	s18 =	simm.s32 $0xCF10  }
0x4a4: {  	[tilespmem:s18+$0x0] =	vst.add.f32.msk $0xffff, v0  }
0x4a5: {  	v0 =	vld [tilespmem:$0x6B20];
	_ =	sdelay $0x3  }
0x4a6: {  	s20 =	simm.s32 $0xCF20  }
0x4a7: {  	[tilespmem:s20+$0x0] =	vst.add.f32.msk $0xffff, v0  }
0x4a8: {  	v0 =	vld [tilespmem:$0x6B30];
	_ =	sdelay $0x3  }
0x4a9: {  	s18 =	simm.s32 $0xCF30  }
0x4aa: {  	[tilespmem:s18+$0x0] =	vst.add.f32.msk $0xffff, v0  }
0x4ab: {  	v0 =	vld [tilespmem:$0x6B40];
	_ =	sdelay $0x3  }
0x4ac: {  	s20 =	simm.s32 $0xCF40  }
0x4ad: {  	[tilespmem:s20+$0x0] =	vst.add.f32.msk $0xffff, v0  }
0x4ae: {  	v0 =	vld [tilespmem:$0x6B50];
	_ =	sdelay $0x3  }
0x4af: {  	s18 =	simm.s32 $0xCF50  }
0x4b0: {  	[tilespmem:s18+$0x0] =	vst.add.f32.msk $0xffff, v0  }
0x4b1: {  	v0 =	vld [tilespmem:$0x6B60];
	_ =	sdelay $0x3  }
0x4b2: {  	s20 =	simm.s32 $0xCF60  }
0x4b3: {  	[tilespmem:s20+$0x0] =	vst.add.f32.msk $0xffff, v0  }
0x4b4: {  	v0 =	vld [tilespmem:$0x6B70];
	_ =	sdelay $0x3  }
0x4b5: {  	s18 =	simm.s32 $0xCF70  }
0x4b6: {  	[tilespmem:s18+$0x0] =	vst.add.f32.msk $0xffff, v0  }
0x4b7: {  	v0 =	vld [tilespmem:$0x6B80];
	_ =	sdelay $0x3  }
0x4b8: {  	s20 =	simm.s32 $0xCF80  }
0x4b9: {  	[tilespmem:s20+$0x0] =	vst.add.f32.msk $0xffff, v0  }
0x4ba: {  	v0 =	vld [tilespmem:$0x6B90];
	_ =	sdelay $0x3  }
0x4bb: {  	s18 =	simm.s32 $0xCF90  }
0x4bc: {  	[tilespmem:s18+$0x0] =	vst.add.f32.msk $0xffff, v0  }
0x4bd: {  	v0 =	vld [tilespmem:$0x6BA0];
	_ =	sdelay $0x3  }
0x4be: {  	s20 =	simm.s32 $0xCFA0  }
0x4bf: {  	[tilespmem:s20+$0x0] =	vst.add.f32.msk $0xffff, v0  }
0x4c0: {  	v0 =	vld [tilespmem:$0x6BB0];
	_ =	sdelay $0x3  }
0x4c1: {  	s18 =	simm.s32 $0xCFB0  }
0x4c2: {  	[tilespmem:s18+$0x0] =	vst.add.f32.msk $0xffff, v0  }
0x4c3: {  	v0 =	vld [tilespmem:$0x6BC0];
	_ =	sdelay $0x3  }
0x4c4: {  	s20 =	simm.s32 $0xCFC0  }
0x4c5: {  	[tilespmem:s20+$0x0] =	vst.add.f32.msk $0xffff, v0  }
0x4c6: {  	v0 =	vld [tilespmem:$0x6BD0];
	_ =	sdelay $0x3  }
0x4c7: {  	s18 =	simm.s32 $0xCFD0  }
0x4c8: {  	[tilespmem:s18+$0x0] =	vst.add.f32.msk $0xffff, v0  }
0x4c9: {  	v0 =	vld [tilespmem:$0x6BE0];
	_ =	sdelay $0x3  }
0x4ca: {  	s20 =	simm.s32 $0xCFE0  }
0x4cb: {  	[tilespmem:s20+$0x0] =	vst.add.f32.msk $0xffff, v0  }
0x4cc: {  	v0 =	vld [tilespmem:$0x6BF0];
	_ =	sdelay $0x3  }
0x4cd: {  	s18 =	simm.s32 $0xCFF0  }
0x4ce: {  	[tilespmem:s18+$0x0] =	vst.add.f32.msk $0xffff, v0  }
0x4cf: {  	v0 =	vld [tilespmem:$0x6C00];
	_ =	sdelay $0x3  }
0x4d0: {  	s20 =	simm.s32 $0xD000  }
0x4d1: {  	[tilespmem:s20+$0x0] =	vst.add.f32.msk $0xffff, v0  }
0x4d2: {  	v0 =	vld [tilespmem:$0x6C10];
	_ =	sdelay $0x3  }
0x4d3: {  	s18 =	simm.s32 $0xD010  }
0x4d4: {  	[tilespmem:s18+$0x0] =	vst.add.f32.msk $0xffff, v0  }
0x4d5: {  	v0 =	vld [tilespmem:$0x6C20];
	_ =	sdelay $0x3  }
0x4d6: {  	s20 =	simm.s32 $0xD020  }
0x4d7: {  	[tilespmem:s20+$0x0] =	vst.add.f32.msk $0xffff, v0  }
0x4d8: {  	v0 =	vld [tilespmem:$0x6C30];
	_ =	sdelay $0x3  }
0x4d9: {  	s18 =	simm.s32 $0xD030  }
0x4da: {  	[tilespmem:s18+$0x0] =	vst.add.f32.msk $0xffff, v0  }
0x4db: {  	v0 =	vld [tilespmem:$0x6C40];
	_ =	sdelay $0x3  }
0x4dc: {  	s20 =	simm.s32 $0xD040  }
0x4dd: {  	[tilespmem:s20+$0x0] =	vst.add.f32.msk $0xffff, v0  }
0x4de: {  	v0 =	vld [tilespmem:$0x6C50];
	_ =	sdelay $0x3  }
0x4df: {  	s18 =	simm.s32 $0xD050  }
0x4e0: {  	[tilespmem:s18+$0x0] =	vst.add.f32.msk $0xffff, v0  }
0x4e1: {  	v0 =	vld [tilespmem:$0x6C60];
	_ =	sdelay $0x3  }
0x4e2: {  	s20 =	simm.s32 $0xD060  }
0x4e3: {  	[tilespmem:s20+$0x0] =	vst.add.f32.msk $0xffff, v0  }
0x4e4: {  	v0 =	vld [tilespmem:$0x6C70];
	_ =	sdelay $0x3  }
0x4e5: {  	s18 =	simm.s32 $0xD070  }
0x4e6: {  	[tilespmem:s18+$0x0] =	vst.add.f32.msk $0xffff, v0  }
0x4e7: {  	v0 =	vld [tilespmem:$0x6C80];
	_ =	sdelay $0x3  }
0x4e8: {  	s20 =	simm.s32 $0xD080  }
0x4e9: {  	[tilespmem:s20+$0x0] =	vst.add.f32.msk $0xffff, v0  }
0x4ea: {  	v0 =	vld [tilespmem:$0x6C90];
	_ =	sdelay $0x3  }
0x4eb: {  	s18 =	simm.s32 $0xD090  }
0x4ec: {  	[tilespmem:s18+$0x0] =	vst.add.f32.msk $0xffff, v0  }
0x4ed: {  	v0 =	vld [tilespmem:$0x6CA0];
	_ =	sdelay $0x3  }
0x4ee: {  	s20 =	simm.s32 $0xD0A0  }
0x4ef: {  	[tilespmem:s20+$0x0] =	vst.add.f32.msk $0xffff, v0  }
0x4f0: {  	v0 =	vld [tilespmem:$0x6CB0];
	_ =	sdelay $0x3  }
0x4f1: {  	s18 =	simm.s32 $0xD0B0  }
0x4f2: {  	[tilespmem:s18+$0x0] =	vst.add.f32.msk $0xffff, v0  }
0x4f3: {  	v0 =	vld [tilespmem:$0x6CC0];
	_ =	sdelay $0x3  }
0x4f4: {  	s20 =	simm.s32 $0xD0C0  }
0x4f5: {  	[tilespmem:s20+$0x0] =	vst.add.f32.msk $0xffff, v0  }
0x4f6: {  	v0 =	vld [tilespmem:$0x6CD0];
	_ =	sdelay $0x3  }
0x4f7: {  	s18 =	simm.s32 $0xD0D0  }
0x4f8: {  	[tilespmem:s18+$0x0] =	vst.add.f32.msk $0xffff, v0  }
0x4f9: {  	v0 =	vld [tilespmem:$0x6CE0];
	_ =	sdelay $0x3  }
0x4fa: {  	s20 =	simm.s32 $0xD0E0  }
0x4fb: {  	[tilespmem:s20+$0x0] =	vst.add.f32.msk $0xffff, v0  }
0x4fc: {  	v0 =	vld [tilespmem:$0x6CF0];
	_ =	sdelay $0x3  }
0x4fd: {  	s18 =	simm.s32 $0xD0F0  }
0x4fe: {  	[tilespmem:s18+$0x0] =	vst.add.f32.msk $0xffff, v0  }
0x4ff: {  	v0 =	vld [tilespmem:$0x6D00];
	_ =	sdelay $0x3  }
0x500: {  	s20 =	simm.s32 $0xD100  }
0x501: {  	[tilespmem:s20+$0x0] =	vst.add.f32.msk $0xffff, v0  }
0x502: {  	v0 =	vld [tilespmem:$0x6D10];
	_ =	sdelay $0x3  }
0x503: {  	s18 =	simm.s32 $0xD110  }
0x504: {  	[tilespmem:s18+$0x0] =	vst.add.f32.msk $0xffff, v0  }
0x505: {  	v0 =	vld [tilespmem:$0x6D20];
	_ =	sdelay $0x3  }
0x506: {  	s20 =	simm.s32 $0xD120  }
0x507: {  	[tilespmem:s20+$0x0] =	vst.add.f32.msk $0xffff, v0  }
0x508: {  	v0 =	vld [tilespmem:$0x6D30];
	_ =	sdelay $0x3  }
0x509: {  	s18 =	simm.s32 $0xD130  }
0x50a: {  	[tilespmem:s18+$0x0] =	vst.add.f32.msk $0xffff, v0  }
0x50b: {  	v0 =	vld [tilespmem:$0x6D40];
	_ =	sdelay $0x3  }
0x50c: {  	s20 =	simm.s32 $0xD140  }
0x50d: {  	[tilespmem:s20+$0x0] =	vst.add.f32.msk $0xffff, v0  }
0x50e: {  	v0 =	vld [tilespmem:$0x6D50];
	_ =	sdelay $0x3  }
0x50f: {  	s18 =	simm.s32 $0xD150  }
0x510: {  	[tilespmem:s18+$0x0] =	vst.add.f32.msk $0xffff, v0  }
0x511: {  	v0 =	vld [tilespmem:$0x6D60];
	_ =	sdelay $0x3  }
0x512: {  	s20 =	simm.s32 $0xD160  }
0x513: {  	[tilespmem:s20+$0x0] =	vst.add.f32.msk $0xffff, v0  }
0x514: {  	v0 =	vld [tilespmem:$0x6D70];
	_ =	sdelay $0x3  }
0x515: {  	s18 =	simm.s32 $0xD170  }
0x516: {  	[tilespmem:s18+$0x0] =	vst.add.f32.msk $0xffff, v0  }
0x517: {  	v0 =	vld [tilespmem:$0x6D80];
	_ =	sdelay $0x3  }
0x518: {  	s20 =	simm.s32 $0xD180  }
0x519: {  	[tilespmem:s20+$0x0] =	vst.add.f32.msk $0xffff, v0  }
0x51a: {  	v0 =	vld [tilespmem:$0x6D90];
	_ =	sdelay $0x3  }
0x51b: {  	s18 =	simm.s32 $0xD190  }
0x51c: {  	[tilespmem:s18+$0x0] =	vst.add.f32.msk $0xffff, v0  }
0x51d: {  	v0 =	vld [tilespmem:$0x6DA0];
	_ =	sdelay $0x4  }
0x51e: {  	[tilespmem:s7+$0x0] =	vst.add.f32.msk $0xffff, v0  }
0x51f: {  	v0 =	vld [tilespmem:$0x6DB0];
	_ =	sdelay $0x4  }
0x520: {  	[tilespmem:s23+$0x0] =	vst.add.f32.msk $0xffff, v0  }
0x521: {  	v0 =	vld [tilespmem:$0x6DC0];
	_ =	sdelay $0x4  }
0x522: {  	[tilespmem:s8+$0x0] =	vst.add.f32.msk $0xffff, v0  }
0x523: {  	v0 =	vld [tilespmem:$0x6DD0];
	_ =	sdelay $0x4  }
0x524: {  	[tilespmem:s9+$0x0] =	vst.add.f32.msk $0xffff, v0  }
0x525: {  	v0 =	vld [tilespmem:$0x6DE0];
	_ =	sdelay $0x3  }
0x526: {  	s20 =	sadd.s32 $0x5, s16  }
0x527: {  	s17 =	smulhi.u32 $0xCCCCCCCD, s20;
	[tilespmem:s25+$0x0] =	vst.add.f32.msk $0xffff, v0  }
0x528: {  	v0 =	vld [tilespmem:$0x6DF0]  }
0x529: {  	s17 =	sshrl.u32 s17, $0x2  }
0x52a: {  	s17 =	sadd.s32 s4, s17  }
0x52b: {  	s17 =	smul.u32 $0x640, s17;
	_ =	sdelay $0x1  }
0x52c: {  	s17 =	sadd.s32 s2, s17;
	[tilespmem:s31+$0x0] =	vst.add.f32.msk $0xffff, v0  }
0x52d: {  	[hbm4b:s17+s3] =	stream.linear.scatter [tilespmem:s21], [sflag:$0x10], $0xA00, $0x38;
	[tilespmem:$0xFA00] =	vst v63  }
0x52e: {  	s17 =	sadd.s32 @!p0 $0xF, s16  }
0x52f: {  	_ =	swait.ge [sflag:s1], $0xA00;
	s17 =	smulhi.u32 @!p0 $0xCCCCCCCD, s17  }
0x530: {  	[sflag:s1] =	ssyncset.done $0x0  }
0x531: {  	s18 =	simm.s32 @!p0 $0x10;
	[sflag:s1] =	ssyncadd.s32 $0xFFFFF600;
	s17 =	sshrl.u32 @!p0 s17, $0x2  }
0x532: {  	_ =	swait.ge @!p0 [sflag:s18], $0xA00;
	s17 =	smul.u32 @!p0 $0x320, s17  }
0x533: {  	[sflag:s18] =	ssyncset.done @!p0 $0x0  }
0x534: {  	[sflag:s18] =	ssyncadd.s32 @!p0 $0xFFFFF600;
	s17 =	sshra.s32 @!p0 s17, $0x2;
	s18 =	simm.s32 @!p0 $0xC800  }
0x535: {  	[tilespmem:s18], [sflag:$0x6] =	stream.indirect.gather @!p0 [hbm4b:s6+s15], $0x40, s17, s15, $0xb8;
	[tilespmem:$0xFA00] =	vst v63  }
0x536: {  	s15 =	simm.s32 $0x0  }
0x537: {  	v0 =	vld [tilespmem:s15+$0x6EF0]  }
0x538: {  	v1 =	vld [tilespmem:s15+$0x6E00]  }
0x539: {  	v2 =	vld [tilespmem:s15+$0x6E10]  }
0x53a: {  	v3 =	vld [tilespmem:s15+$0x6E20]  }
0x53b: {  	v4 =	vld [tilespmem:s15+$0x6E30]  }
0x53c: {  	v5 =	vld [tilespmem:s15+$0x6E40]  }
0x53d: {  	v6 =	vld [tilespmem:s15+$0x6E50]  }
0x53e: {  	v7 =	vld [tilespmem:s15+$0x6E60]  }
0x53f: {  	v8 =	vld [tilespmem:s15+$0x6E70]  }
0x540: {  	v9 =	vld [tilespmem:s15+$0x6E80]  }
0x541: {  	v10 =	vld [tilespmem:s15+$0x6E90]  }
0x542: {  	v11 =	vld [tilespmem:s15+$0x6EA0]  }
0x543: {  	v12 =	vld [tilespmem:s15+$0x6EB0]  }
0x544: {  	v13 =	vld [tilespmem:s15+$0x6EC0]  }
0x545: {  	v14 =	vld [tilespmem:s15+$0x6ED0]  }
0x546: {  	[tilespmem:s15+$0xD2F0] =	vst.add.f32.msk $0xffff, v0  }
0x547: {  	v0 =	vld [tilespmem:s15+$0x6EE0]  }
0x548: {  	[tilespmem:s15+$0xD200] =	vst.add.f32.msk $0xffff, v1  }
0x549: {  	[tilespmem:s15+$0xD210] =	vst.add.f32.msk $0xffff, v2  }
0x54a: {  	[tilespmem:s15+$0xD220] =	vst.add.f32.msk $0xffff, v3  }
0x54b: {  	[tilespmem:s15+$0xD230] =	vst.add.f32.msk $0xffff, v4  }
0x54c: {  	[tilespmem:s15+$0xD240] =	vst.add.f32.msk $0xffff, v5  }
0x54d: {  	[tilespmem:s15+$0xD250] =	vst.add.f32.msk $0xffff, v6  }
0x54e: {  	[tilespmem:s15+$0xD260] =	vst.add.f32.msk $0xffff, v7  }
0x54f: {  	[tilespmem:s15+$0xD270] =	vst.add.f32.msk $0xffff, v8  }
0x550: {  	[tilespmem:s15+$0xD280] =	vst.add.f32.msk $0xffff, v9  }
0x551: {  	[tilespmem:s15+$0xD290] =	vst.add.f32.msk $0xffff, v10  }
0x552: {  	[tilespmem:s15+$0xD2A0] =	vst.add.f32.msk $0xffff, v11  }
0x553: {  	[tilespmem:s15+$0xD2B0] =	vst.add.f32.msk $0xffff, v12  }
0x554: {  	[tilespmem:s15+$0xD2C0] =	vst.add.f32.msk $0xffff, v13  }
0x555: {  	s20 =	simm.s32 $0x400;
	s18 =	sadd.s32 $0x6, s16;
	s17 =	simm.s32 $0x0;
	[tilespmem:s15+$0xD2D0] =	vst.add.f32.msk $0xffff, v14  }
.LBB2_11:
0x556: {  	s17 =	sadd.s32 $0x4, s17;
	[tilespmem:s15+$0xD2E0] =	vst.add.f32.msk $0xffff, v0;
	s15 =	sshra.s32 s20, $0x2  }
0x557: {  	v0 =	vld [tilespmem:s15+$0x6EF0];
	p1 =	slt.u32 s17, $0x24  }
0x558: {  	v1 =	vld [tilespmem:s15+$0x6E00]  }
0x559: {  	v2 =	vld [tilespmem:s15+$0x6E10]  }
0x55a: {  	v3 =	vld [tilespmem:s15+$0x6E20]  }
0x55b: {  	v4 =	vld [tilespmem:s15+$0x6E30]  }
0x55c: {  	[tilespmem:s15+$0xD2F0] =	vst.add.f32.msk $0xffff, v0  }
0x55d: {  	v5 =	vld [tilespmem:s15+$0x6E40]  }
0x55e: {  	v6 =	vld [tilespmem:s15+$0x6E50]  }
0x55f: {  	v7 =	vld [tilespmem:s15+$0x6E60]  }
0x560: {  	v8 =	vld [tilespmem:s15+$0x6E70]  }
0x561: {  	v9 =	vld [tilespmem:s15+$0x6E80]  }
0x562: {  	v10 =	vld [tilespmem:s15+$0x6E90]  }
0x563: {  	v11 =	vld [tilespmem:s15+$0x6EA0]  }
0x564: {  	v12 =	vld [tilespmem:s15+$0x6EB0]  }
0x565: {  	v13 =	vld [tilespmem:s15+$0x6EC0]  }
0x566: {  	v14 =	vld [tilespmem:s15+$0x6ED0]  }
0x567: {  	v0 =	vld [tilespmem:s15+$0x6EE0]  }
0x568: {  	[tilespmem:s15+$0xD200] =	vst.add.f32.msk $0xffff, v1  }
0x569: {  	[tilespmem:s15+$0xD210] =	vst.add.f32.msk $0xffff, v2  }
0x56a: {  	[tilespmem:s15+$0xD220] =	vst.add.f32.msk $0xffff, v3  }
0x56b: {  	[tilespmem:s15+$0xD230] =	vst.add.f32.msk $0xffff, v4  }
0x56c: {  	[tilespmem:s15+$0xD240] =	vst.add.f32.msk $0xffff, v5  }
0x56d: {  	[tilespmem:s15+$0xD250] =	vst.add.f32.msk $0xffff, v6  }
0x56e: {  	[tilespmem:s15+$0xD260] =	vst.add.f32.msk $0xffff, v7  }
0x56f: {  	[tilespmem:s15+$0xD270] =	vst.add.f32.msk $0xffff, v8  }
0x570: {  	[tilespmem:s15+$0xD280] =	vst.add.f32.msk $0xffff, v9  }
.Ltmp4:
0x571: {  	[tilespmem:s15+$0xD290] =	vst.add.f32.msk $0xffff, v10;
	(pc) =	sbr.rel @p1 .LBB2_11-.Ltmp4, $4  }
0x572: {  	[tilespmem:s15+$0xD2A0] =	vst.add.f32.msk $0xffff, v11  }
0x573: {  	[tilespmem:s15+$0xD2B0] =	vst.add.f32.msk $0xffff, v12  }
0x574: {  	[tilespmem:s15+$0xD2C0] =	vst.add.f32.msk $0xffff, v13  }
0x575: {  	s20 =	sadd.s32 $0x400, s20;
	[tilespmem:s15+$0xD2D0] =	vst.add.f32.msk $0xffff, v14  }
0x576: {  	s17 =	smulhi.u32 $0xCCCCCCCD, s18;
	_ =	sdelay $0x1  }
0x577: {  	s17 =	sshrl.u32 s17, $0x2  }
0x578: {  	s17 =	sadd.s32 s4, s17  }
0x579: {  	s17 =	smul.u32 $0x3200, s17;
	_ =	sdelay $0x1  }
0x57a: {  	s17 =	sshrl.u32 s17, $0x3  }
0x57b: {  	[tilespmem:s15+$0xD2E0] =	vst.add.f32.msk $0xffff, v0;
	s15 =	sadd.s32 @!p0 $0x10, s16;
	s17 =	sadd.s32 s2, s17  }
0x57c: {  	s20 =	simm.s32 $0xD200;
	s15 =	smulhi.u32 @!p0 $0xCCCCCCCD, s15;
	s18 =	sadd.s32 $0x140, s17  }
0x57d: {  	[hbm4b:s18+s3] =	stream.linear.scatter [tilespmem:s20], [sflag:$0x11], $0xA00, $0x38;
	[tilespmem:$0xFA00] =	vst v63  }
0x57e: {  	s15 =	sshrl.u32 @!p0 s15, $0x2;
	_ =	swait.ge [sflag:s28], $0xA00  }
0x57f: {  	s15 =	smul.u32 @!p0 $0x320, s15;
	[sflag:s28] =	ssyncset.done $0x0  }
0x580: {  	s17 =	simm.s32 @!p0 $0x11;
	[sflag:s28] =	ssyncadd.s32 $0xFFFFF600  }
0x581: {  	s15 =	sshra.s32 @!p0 s15, $0x2;
	_ =	swait.ge @!p0 [sflag:s17], $0xA00  }
0x582: {  	s15 =	sadd.s32 @!p0 $0x28, s15;
	[sflag:s17] =	ssyncset.done @!p0 $0x0  }
0x583: {  	s18 =	simm.s32 @!p0 $0xD200;
	[sflag:s17] =	ssyncadd.s32 @!p0 $0xFFFFF600;
	s17 =	simm.s32 @!p0 $0x28  }
0x584: {  	[tilespmem:s18], [sflag:$0x7] =	stream.indirect.gather @!p0 [hbm4b:s6+s17], $0x40, s15, s17, $0xb8;
	[tilespmem:$0xFA00] =	vst v63  }
0x585: {  	s15 =	simm.s32 $0x0  }
0x586: {  	v0 =	vld [tilespmem:s15+$0x78F0]  }
0x587: {  	v1 =	vld [tilespmem:s15+$0x7800]  }
0x588: {  	v2 =	vld [tilespmem:s15+$0x7810]  }
0x589: {  	v3 =	vld [tilespmem:s15+$0x7820]  }
0x58a: {  	v4 =	vld [tilespmem:s15+$0x7830]  }
0x58b: {  	v5 =	vld [tilespmem:s15+$0x7840]  }
0x58c: {  	v6 =	vld [tilespmem:s15+$0x7850]  }
0x58d: {  	v7 =	vld [tilespmem:s15+$0x7860]  }
0x58e: {  	v8 =	vld [tilespmem:s15+$0x7870]  }
0x58f: {  	v9 =	vld [tilespmem:s15+$0x7880]  }
0x590: {  	v10 =	vld [tilespmem:s15+$0x7890]  }
0x591: {  	v11 =	vld [tilespmem:s15+$0x78A0]  }
0x592: {  	v12 =	vld [tilespmem:s15+$0x78B0]  }
0x593: {  	v13 =	vld [tilespmem:s15+$0x78C0]  }
0x594: {  	v14 =	vld [tilespmem:s15+$0x78D0]  }
0x595: {  	[tilespmem:s15+$0xDCF0] =	vst.add.f32.msk $0xffff, v0  }
0x596: {  	v0 =	vld [tilespmem:s15+$0x78E0]  }
0x597: {  	[tilespmem:s15+$0xDC00] =	vst.add.f32.msk $0xffff, v1  }
0x598: {  	[tilespmem:s15+$0xDC10] =	vst.add.f32.msk $0xffff, v2  }
0x599: {  	[tilespmem:s15+$0xDC20] =	vst.add.f32.msk $0xffff, v3  }
0x59a: {  	[tilespmem:s15+$0xDC30] =	vst.add.f32.msk $0xffff, v4  }
0x59b: {  	[tilespmem:s15+$0xDC40] =	vst.add.f32.msk $0xffff, v5  }
0x59c: {  	[tilespmem:s15+$0xDC50] =	vst.add.f32.msk $0xffff, v6  }
0x59d: {  	[tilespmem:s15+$0xDC60] =	vst.add.f32.msk $0xffff, v7  }
0x59e: {  	[tilespmem:s15+$0xDC70] =	vst.add.f32.msk $0xffff, v8  }
0x59f: {  	[tilespmem:s15+$0xDC80] =	vst.add.f32.msk $0xffff, v9  }
0x5a0: {  	[tilespmem:s15+$0xDC90] =	vst.add.f32.msk $0xffff, v10  }
0x5a1: {  	[tilespmem:s15+$0xDCA0] =	vst.add.f32.msk $0xffff, v11  }
0x5a2: {  	[tilespmem:s15+$0xDCB0] =	vst.add.f32.msk $0xffff, v12  }
0x5a3: {  	[tilespmem:s15+$0xDCC0] =	vst.add.f32.msk $0xffff, v13  }
0x5a4: {  	s20 =	simm.s32 $0x400;
	s18 =	sadd.s32 $0x7, s16;
	s17 =	simm.s32 $0x0;
	[tilespmem:s15+$0xDCD0] =	vst.add.f32.msk $0xffff, v14  }
.LBB2_13:
0x5a5: {  	s17 =	sadd.s32 $0x4, s17;
	[tilespmem:s15+$0xDCE0] =	vst.add.f32.msk $0xffff, v0;
	s15 =	sshra.s32 s20, $0x2  }
0x5a6: {  	v0 =	vld [tilespmem:s15+$0x78F0];
	p1 =	slt.u32 s17, $0x24  }
0x5a7: {  	v1 =	vld [tilespmem:s15+$0x7800]  }
0x5a8: {  	v2 =	vld [tilespmem:s15+$0x7810]  }
0x5a9: {  	v3 =	vld [tilespmem:s15+$0x7820]  }
0x5aa: {  	v4 =	vld [tilespmem:s15+$0x7830]  }
0x5ab: {  	[tilespmem:s15+$0xDCF0] =	vst.add.f32.msk $0xffff, v0  }
0x5ac: {  	v5 =	vld [tilespmem:s15+$0x7840]  }
0x5ad: {  	v6 =	vld [tilespmem:s15+$0x7850]  }
0x5ae: {  	v7 =	vld [tilespmem:s15+$0x7860]  }
0x5af: {  	v8 =	vld [tilespmem:s15+$0x7870]  }
0x5b0: {  	v9 =	vld [tilespmem:s15+$0x7880]  }
0x5b1: {  	v10 =	vld [tilespmem:s15+$0x7890]  }
0x5b2: {  	v11 =	vld [tilespmem:s15+$0x78A0]  }
0x5b3: {  	v12 =	vld [tilespmem:s15+$0x78B0]  }
0x5b4: {  	v13 =	vld [tilespmem:s15+$0x78C0]  }
0x5b5: {  	v14 =	vld [tilespmem:s15+$0x78D0]  }
0x5b6: {  	v0 =	vld [tilespmem:s15+$0x78E0]  }
0x5b7: {  	[tilespmem:s15+$0xDC00] =	vst.add.f32.msk $0xffff, v1  }
0x5b8: {  	[tilespmem:s15+$0xDC10] =	vst.add.f32.msk $0xffff, v2  }
0x5b9: {  	[tilespmem:s15+$0xDC20] =	vst.add.f32.msk $0xffff, v3  }
0x5ba: {  	[tilespmem:s15+$0xDC30] =	vst.add.f32.msk $0xffff, v4  }
0x5bb: {  	[tilespmem:s15+$0xDC40] =	vst.add.f32.msk $0xffff, v5  }
0x5bc: {  	[tilespmem:s15+$0xDC50] =	vst.add.f32.msk $0xffff, v6  }
0x5bd: {  	[tilespmem:s15+$0xDC60] =	vst.add.f32.msk $0xffff, v7  }
0x5be: {  	[tilespmem:s15+$0xDC70] =	vst.add.f32.msk $0xffff, v8  }
0x5bf: {  	[tilespmem:s15+$0xDC80] =	vst.add.f32.msk $0xffff, v9  }
.Ltmp5:
0x5c0: {  	[tilespmem:s15+$0xDC90] =	vst.add.f32.msk $0xffff, v10;
	(pc) =	sbr.rel @p1 .LBB2_13-.Ltmp5, $4  }
0x5c1: {  	[tilespmem:s15+$0xDCA0] =	vst.add.f32.msk $0xffff, v11  }
0x5c2: {  	[tilespmem:s15+$0xDCB0] =	vst.add.f32.msk $0xffff, v12  }
0x5c3: {  	[tilespmem:s15+$0xDCC0] =	vst.add.f32.msk $0xffff, v13  }
0x5c4: {  	s20 =	sadd.s32 $0x400, s20;
	[tilespmem:s15+$0xDCD0] =	vst.add.f32.msk $0xffff, v14  }
0x5c5: {  	s17 =	smulhi.u32 $0xCCCCCCCD, s18;
	_ =	sdelay $0x1  }
0x5c6: {  	s17 =	sshrl.u32 s17, $0x2  }
0x5c7: {  	s17 =	sadd.s32 s4, s17  }
0x5c8: {  	s17 =	smul.u32 $0x3200, s17;
	_ =	sdelay $0x1  }
0x5c9: {  	s17 =	sshrl.u32 s17, $0x3  }
0x5ca: {  	[tilespmem:s15+$0xDCE0] =	vst.add.f32.msk $0xffff, v0;
	s15 =	sadd.s32 @!p0 $0x11, s16;
	s17 =	sadd.s32 s2, s17  }
0x5cb: {  	s20 =	simm.s32 $0xDC00;
	s15 =	smulhi.u32 @!p0 $0xCCCCCCCD, s15;
	s18 =	sadd.s32 $0x280, s17  }
0x5cc: {  	[hbm4b:s18+s3] =	stream.linear.scatter [tilespmem:s20], [sflag:$0x12], $0xA00, $0x38;
	[tilespmem:$0xFA00] =	vst v63  }
0x5cd: {  	s15 =	sshrl.u32 @!p0 s15, $0x2;
	_ =	swait.ge [sflag:s0], $0xA00  }
0x5ce: {  	s15 =	smul.u32 @!p0 $0x320, s15;
	[sflag:s0] =	ssyncset.done $0x0  }
0x5cf: {  	s17 =	simm.s32 @!p0 $0x12;
	[sflag:s0] =	ssyncadd.s32 $0xFFFFF600  }
0x5d0: {  	s15 =	sshra.s32 @!p0 s15, $0x2;
	_ =	swait.ge @!p0 [sflag:s17], $0xA00  }
0x5d1: {  	s15 =	sadd.s32 @!p0 $0x50, s15;
	[sflag:s17] =	ssyncset.done @!p0 $0x0  }
0x5d2: {  	s18 =	simm.s32 @!p0 $0xDC00;
	[sflag:s17] =	ssyncadd.s32 @!p0 $0xFFFFF600;
	s17 =	simm.s32 @!p0 $0x28  }
0x5d3: {  	[tilespmem:s18], [sflag:$0x8] =	stream.indirect.gather @!p0 [hbm4b:s6+s17], $0x40, s15, s17, $0xb8;
	[tilespmem:$0xFA00] =	vst v63  }
0x5d4: {  	s15 =	simm.s32 $0x0  }
0x5d5: {  	v0 =	vld [tilespmem:s15+$0x82F0]  }
0x5d6: {  	v1 =	vld [tilespmem:s15+$0x8200]  }
0x5d7: {  	v2 =	vld [tilespmem:s15+$0x8210]  }
0x5d8: {  	v3 =	vld [tilespmem:s15+$0x8220]  }
0x5d9: {  	v4 =	vld [tilespmem:s15+$0x8230]  }
0x5da: {  	v5 =	vld [tilespmem:s15+$0x8240]  }
0x5db: {  	v6 =	vld [tilespmem:s15+$0x8250]  }
0x5dc: {  	v7 =	vld [tilespmem:s15+$0x8260]  }
0x5dd: {  	v8 =	vld [tilespmem:s15+$0x8270]  }
0x5de: {  	v9 =	vld [tilespmem:s15+$0x8280]  }
0x5df: {  	v10 =	vld [tilespmem:s15+$0x8290]  }
0x5e0: {  	v11 =	vld [tilespmem:s15+$0x82A0]  }
0x5e1: {  	v12 =	vld [tilespmem:s15+$0x82B0]  }
0x5e2: {  	v13 =	vld [tilespmem:s15+$0x82C0]  }
0x5e3: {  	v14 =	vld [tilespmem:s15+$0x82D0]  }
0x5e4: {  	[tilespmem:s15+$0xE6F0] =	vst.add.f32.msk $0xffff, v0  }
0x5e5: {  	v0 =	vld [tilespmem:s15+$0x82E0]  }
0x5e6: {  	[tilespmem:s15+$0xE600] =	vst.add.f32.msk $0xffff, v1  }
0x5e7: {  	[tilespmem:s15+$0xE610] =	vst.add.f32.msk $0xffff, v2  }
0x5e8: {  	[tilespmem:s15+$0xE620] =	vst.add.f32.msk $0xffff, v3  }
0x5e9: {  	[tilespmem:s15+$0xE630] =	vst.add.f32.msk $0xffff, v4  }
0x5ea: {  	[tilespmem:s15+$0xE640] =	vst.add.f32.msk $0xffff, v5  }
0x5eb: {  	[tilespmem:s15+$0xE650] =	vst.add.f32.msk $0xffff, v6  }
0x5ec: {  	[tilespmem:s15+$0xE660] =	vst.add.f32.msk $0xffff, v7  }
0x5ed: {  	[tilespmem:s15+$0xE670] =	vst.add.f32.msk $0xffff, v8  }
0x5ee: {  	[tilespmem:s15+$0xE680] =	vst.add.f32.msk $0xffff, v9  }
0x5ef: {  	[tilespmem:s15+$0xE690] =	vst.add.f32.msk $0xffff, v10  }
0x5f0: {  	[tilespmem:s15+$0xE6A0] =	vst.add.f32.msk $0xffff, v11  }
0x5f1: {  	[tilespmem:s15+$0xE6B0] =	vst.add.f32.msk $0xffff, v12  }
0x5f2: {  	[tilespmem:s15+$0xE6C0] =	vst.add.f32.msk $0xffff, v13  }
0x5f3: {  	s20 =	simm.s32 $0x400;
	s18 =	sadd.s32 $0x8, s16;
	s17 =	simm.s32 $0x0;
	[tilespmem:s15+$0xE6D0] =	vst.add.f32.msk $0xffff, v14  }
.LBB2_15:
0x5f4: {  	s17 =	sadd.s32 $0x4, s17;
	[tilespmem:s15+$0xE6E0] =	vst.add.f32.msk $0xffff, v0;
	s15 =	sshra.s32 s20, $0x2  }
0x5f5: {  	v0 =	vld [tilespmem:s15+$0x82F0];
	p1 =	slt.u32 s17, $0x24  }
0x5f6: {  	v1 =	vld [tilespmem:s15+$0x8200]  }
0x5f7: {  	v2 =	vld [tilespmem:s15+$0x8210]  }
0x5f8: {  	v3 =	vld [tilespmem:s15+$0x8220]  }
0x5f9: {  	v4 =	vld [tilespmem:s15+$0x8230]  }
0x5fa: {  	[tilespmem:s15+$0xE6F0] =	vst.add.f32.msk $0xffff, v0  }
0x5fb: {  	v5 =	vld [tilespmem:s15+$0x8240]  }
0x5fc: {  	v6 =	vld [tilespmem:s15+$0x8250]  }
0x5fd: {  	v7 =	vld [tilespmem:s15+$0x8260]  }
0x5fe: {  	v8 =	vld [tilespmem:s15+$0x8270]  }
0x5ff: {  	v9 =	vld [tilespmem:s15+$0x8280]  }
0x600: {  	v10 =	vld [tilespmem:s15+$0x8290]  }
0x601: {  	v11 =	vld [tilespmem:s15+$0x82A0]  }
0x602: {  	v12 =	vld [tilespmem:s15+$0x82B0]  }
0x603: {  	v13 =	vld [tilespmem:s15+$0x82C0]  }
0x604: {  	v14 =	vld [tilespmem:s15+$0x82D0]  }
0x605: {  	v0 =	vld [tilespmem:s15+$0x82E0]  }
0x606: {  	[tilespmem:s15+$0xE600] =	vst.add.f32.msk $0xffff, v1  }
0x607: {  	[tilespmem:s15+$0xE610] =	vst.add.f32.msk $0xffff, v2  }
0x608: {  	[tilespmem:s15+$0xE620] =	vst.add.f32.msk $0xffff, v3  }
0x609: {  	[tilespmem:s15+$0xE630] =	vst.add.f32.msk $0xffff, v4  }
0x60a: {  	[tilespmem:s15+$0xE640] =	vst.add.f32.msk $0xffff, v5  }
0x60b: {  	[tilespmem:s15+$0xE650] =	vst.add.f32.msk $0xffff, v6  }
0x60c: {  	[tilespmem:s15+$0xE660] =	vst.add.f32.msk $0xffff, v7  }
0x60d: {  	[tilespmem:s15+$0xE670] =	vst.add.f32.msk $0xffff, v8  }
0x60e: {  	[tilespmem:s15+$0xE680] =	vst.add.f32.msk $0xffff, v9  }
.Ltmp6:
0x60f: {  	[tilespmem:s15+$0xE690] =	vst.add.f32.msk $0xffff, v10;
	(pc) =	sbr.rel @p1 .LBB2_15-.Ltmp6, $4  }
0x610: {  	[tilespmem:s15+$0xE6A0] =	vst.add.f32.msk $0xffff, v11  }
0x611: {  	[tilespmem:s15+$0xE6B0] =	vst.add.f32.msk $0xffff, v12  }
0x612: {  	[tilespmem:s15+$0xE6C0] =	vst.add.f32.msk $0xffff, v13  }
0x613: {  	s20 =	sadd.s32 $0x400, s20;
	[tilespmem:s15+$0xE6D0] =	vst.add.f32.msk $0xffff, v14  }
0x614: {  	s17 =	smulhi.u32 $0xCCCCCCCD, s18;
	_ =	sdelay $0x1  }
0x615: {  	s17 =	sshrl.u32 s17, $0x2  }
0x616: {  	s17 =	sadd.s32 s4, s17  }
0x617: {  	s17 =	smul.u32 $0x3200, s17;
	_ =	sdelay $0x1  }
0x618: {  	s17 =	sshrl.u32 s17, $0x3  }
0x619: {  	[tilespmem:s15+$0xE6E0] =	vst.add.f32.msk $0xffff, v0;
	s15 =	sadd.s32 @!p0 $0x12, s16;
	s17 =	sadd.s32 s2, s17  }
0x61a: {  	s20 =	simm.s32 $0xE600;
	s15 =	smulhi.u32 @!p0 $0xCCCCCCCD, s15;
	s18 =	sadd.s32 $0x3C0, s17  }
0x61b: {  	[hbm4b:s18+s3] =	stream.linear.scatter [tilespmem:s20], [sflag:$0x13], $0xA00, $0x38;
	[tilespmem:$0xFA00] =	vst v63  }
0x61c: {  	s15 =	sshrl.u32 @!p0 s15, $0x2;
	_ =	swait.ge [sflag:s10], $0xA00  }
0x61d: {  	s15 =	smul.u32 @!p0 $0x320, s15;
	[sflag:s10] =	ssyncset.done $0x0  }
0x61e: {  	s16 =	simm.s32 @!p0 $0x13;
	[sflag:s10] =	ssyncadd.s32 $0xFFFFF600  }
0x61f: {  	s15 =	sshra.s32 @!p0 s15, $0x2;
	_ =	swait.ge @!p0 [sflag:s16], $0xA00  }
0x620: {  	s15 =	sadd.s32 @!p0 $0x78, s15;
	[sflag:s16] =	ssyncset.done @!p0 $0x0  }
0x621: {  	s17 =	simm.s32 @!p0 $0xE600;
	[sflag:s16] =	ssyncadd.s32 @!p0 $0xFFFFF600;
	s16 =	simm.s32 @!p0 $0x28  }
0x622: {  	[tilespmem:s17], [sflag:$0x9] =	stream.indirect.gather @!p0 [hbm4b:s6+s16], $0x40, s15, s16, $0xb8;
	[tilespmem:$0xFA00] =	vst v63  }
0x623: {  	s15 =	simm.s32 $0x0  }
0x624: {  	v0 =	vld [tilespmem:s15+$0x8CF0]  }
0x625: {  	v1 =	vld [tilespmem:s15+$0x8C00]  }
0x626: {  	v2 =	vld [tilespmem:s15+$0x8C10]  }
0x627: {  	v3 =	vld [tilespmem:s15+$0x8C20]  }
0x628: {  	v4 =	vld [tilespmem:s15+$0x8C30]  }
0x629: {  	v5 =	vld [tilespmem:s15+$0x8C40]  }
0x62a: {  	v6 =	vld [tilespmem:s15+$0x8C50]  }
0x62b: {  	v7 =	vld [tilespmem:s15+$0x8C60]  }
0x62c: {  	v8 =	vld [tilespmem:s15+$0x8C70]  }
0x62d: {  	v9 =	vld [tilespmem:s15+$0x8C80]  }
0x62e: {  	v10 =	vld [tilespmem:s15+$0x8C90]  }
0x62f: {  	v11 =	vld [tilespmem:s15+$0x8CA0]  }
0x630: {  	v12 =	vld [tilespmem:s15+$0x8CB0]  }
0x631: {  	v13 =	vld [tilespmem:s15+$0x8CC0]  }
0x632: {  	v14 =	vld [tilespmem:s15+$0x8CD0]  }
0x633: {  	[tilespmem:s15+$0xF0F0] =	vst.add.f32.msk $0xffff, v0  }
0x634: {  	v0 =	vld [tilespmem:s15+$0x8CE0]  }
0x635: {  	[tilespmem:s15+$0xF000] =	vst.add.f32.msk $0xffff, v1  }
0x636: {  	[tilespmem:s15+$0xF010] =	vst.add.f32.msk $0xffff, v2  }
0x637: {  	[tilespmem:s15+$0xF020] =	vst.add.f32.msk $0xffff, v3  }
0x638: {  	[tilespmem:s15+$0xF030] =	vst.add.f32.msk $0xffff, v4  }
0x639: {  	[tilespmem:s15+$0xF040] =	vst.add.f32.msk $0xffff, v5  }
0x63a: {  	[tilespmem:s15+$0xF050] =	vst.add.f32.msk $0xffff, v6  }
0x63b: {  	[tilespmem:s15+$0xF060] =	vst.add.f32.msk $0xffff, v7  }
0x63c: {  	[tilespmem:s15+$0xF070] =	vst.add.f32.msk $0xffff, v8  }
0x63d: {  	[tilespmem:s15+$0xF080] =	vst.add.f32.msk $0xffff, v9  }
0x63e: {  	[tilespmem:s15+$0xF090] =	vst.add.f32.msk $0xffff, v10  }
0x63f: {  	[tilespmem:s15+$0xF0A0] =	vst.add.f32.msk $0xffff, v11  }
0x640: {  	[tilespmem:s15+$0xF0B0] =	vst.add.f32.msk $0xffff, v12  }
0x641: {  	[tilespmem:s15+$0xF0C0] =	vst.add.f32.msk $0xffff, v13  }
0x642: {  	s16 =	simm.s32 $0x0;
	s17 =	simm.s32 $0x400;
	[tilespmem:s15+$0xF0D0] =	vst.add.f32.msk $0xffff, v14  }
.LBB2_17:
0x643: {  	s16 =	sadd.s32 $0x4, s16;
	[tilespmem:s15+$0xF0E0] =	vst.add.f32.msk $0xffff, v0;
	s15 =	sshra.s32 s17, $0x2  }
0x644: {  	v0 =	vld [tilespmem:s15+$0x8CF0];
	p0 =	slt.u32 s16, $0x24  }
0x645: {  	v1 =	vld [tilespmem:s15+$0x8C00]  }
0x646: {  	v2 =	vld [tilespmem:s15+$0x8C10]  }
0x647: {  	v3 =	vld [tilespmem:s15+$0x8C20]  }
0x648: {  	v4 =	vld [tilespmem:s15+$0x8C30]  }
0x649: {  	[tilespmem:s15+$0xF0F0] =	vst.add.f32.msk $0xffff, v0  }
0x64a: {  	v5 =	vld [tilespmem:s15+$0x8C40]  }
0x64b: {  	v6 =	vld [tilespmem:s15+$0x8C50]  }
0x64c: {  	v7 =	vld [tilespmem:s15+$0x8C60]  }
0x64d: {  	v8 =	vld [tilespmem:s15+$0x8C70]  }
0x64e: {  	v9 =	vld [tilespmem:s15+$0x8C80]  }
0x64f: {  	v10 =	vld [tilespmem:s15+$0x8C90]  }
0x650: {  	v11 =	vld [tilespmem:s15+$0x8CA0]  }
0x651: {  	v12 =	vld [tilespmem:s15+$0x8CB0]  }
0x652: {  	v13 =	vld [tilespmem:s15+$0x8CC0]  }
0x653: {  	v14 =	vld [tilespmem:s15+$0x8CD0]  }
0x654: {  	v0 =	vld [tilespmem:s15+$0x8CE0]  }
0x655: {  	[tilespmem:s15+$0xF000] =	vst.add.f32.msk $0xffff, v1  }
0x656: {  	[tilespmem:s15+$0xF010] =	vst.add.f32.msk $0xffff, v2  }
0x657: {  	[tilespmem:s15+$0xF020] =	vst.add.f32.msk $0xffff, v3  }
0x658: {  	[tilespmem:s15+$0xF030] =	vst.add.f32.msk $0xffff, v4  }
0x659: {  	[tilespmem:s15+$0xF040] =	vst.add.f32.msk $0xffff, v5  }
0x65a: {  	[tilespmem:s15+$0xF050] =	vst.add.f32.msk $0xffff, v6  }
0x65b: {  	[tilespmem:s15+$0xF060] =	vst.add.f32.msk $0xffff, v7  }
0x65c: {  	[tilespmem:s15+$0xF070] =	vst.add.f32.msk $0xffff, v8  }
0x65d: {  	[tilespmem:s15+$0xF080] =	vst.add.f32.msk $0xffff, v9  }
.Ltmp7:
0x65e: {  	[tilespmem:s15+$0xF090] =	vst.add.f32.msk $0xffff, v10;
	(pc) =	sbr.rel @p0 .LBB2_17-.Ltmp7, $4  }
0x65f: {  	[tilespmem:s15+$0xF0A0] =	vst.add.f32.msk $0xffff, v11  }
0x660: {  	[tilespmem:s15+$0xF0B0] =	vst.add.f32.msk $0xffff, v12  }
0x661: {  	[tilespmem:s15+$0xF0C0] =	vst.add.f32.msk $0xffff, v13  }
0x662: {  	s17 =	sadd.s32 $0x400, s17;
	[tilespmem:s15+$0xF0D0] =	vst.add.f32.msk $0xffff, v14  }
0x663: {  	s14 =	sadd.s32 s14, s4;
	s13 =	sadd.s32 $0x1, s13  }
0x664: {  	s14 =	smul.u32 $0x3200, s14;
	p0 =	sne.s32 s13, $0x40  }
.Ltmp8:
0x665: {  	_ = 	snop;
	(pc) =	sbr.rel @p0 .LBB2_2-.Ltmp8, $4  }
0x666: {  	s14 =	sshrl.u32 s14, $0x3  }
0x667: {  	s14 =	sadd.s32 s2, s14  }
0x668: {  	[tilespmem:s15+$0xF0E0] =	vst.add.f32.msk $0xffff, v0;
	s14 =	sadd.s32 $0x500, s14  }
0x669: {  	[hbm4b:s14+s3] =	stream.linear.scatter [tilespmem:s30], [sflag:$0x14], $0xA00, $0x38;
	[tilespmem:$0xFA00] =	vst v63  }
0x66a: {  	s13 =	simm.s32 $0xB  }
0x66b: {  	_ =	swait.ge [sflag:s13], $0xA00  }
0x66c: {  	[sflag:s13] =	ssyncset.done $0x0  }
0x66d: {  	s17 =	simm.s32 $0xC;
	[sflag:s13] =	ssyncadd.s32 $0xFFFFF600  }
0x66e: {  	_ =	swait.ge [sflag:s17], $0xA00  }
0x66f: {  	[sflag:s17] =	ssyncset.done $0x0  }
0x670: {  	s18 =	simm.s32 $0xD;
	[sflag:s17] =	ssyncadd.s32 $0xFFFFF600  }
0x671: {  	_ =	swait.ge [sflag:s18], $0xA00  }
0x672: {  	[sflag:s18] =	ssyncset.done $0x0  }
0x673: {  	s20 =	simm.s32 $0xE;
	[sflag:s18] =	ssyncadd.s32 $0xFFFFF600  }
0x674: {  	_ =	swait.ge [sflag:s20], $0xA00  }
0x675: {  	[sflag:s20] =	ssyncset.done $0x0  }
0x676: {  	s14 =	simm.s32 $0xF;
	[sflag:s20] =	ssyncadd.s32 $0xFFFFF600  }
0x677: {  	_ =	swait.ge [sflag:s14], $0xA00  }
0x678: {  	[sflag:s14] =	ssyncset.done $0x0  }
0x679: {  	s15 =	simm.s32 $0x10;
	[sflag:s14] =	ssyncadd.s32 $0xFFFFF600  }
0x67a: {  	_ =	swait.ge [sflag:s15], $0xA00  }
0x67b: {  	[sflag:s15] =	ssyncset.done $0x0  }
0x67c: {  	s16 =	simm.s32 $0x11;
	[sflag:s15] =	ssyncadd.s32 $0xFFFFF600  }
0x67d: {  	_ =	swait.ge [sflag:s16], $0xA00  }
0x67e: {  	[sflag:s16] =	ssyncset.done $0x0  }
0x67f: {  	s17 =	simm.s32 $0x12;
	[sflag:s16] =	ssyncadd.s32 $0xFFFFF600  }
0x680: {  	_ =	swait.ge [sflag:s17], $0xA00  }
0x681: {  	[sflag:s17] =	ssyncset.done $0x0  }
0x682: {  	s18 =	simm.s32 $0x13;
	[sflag:s17] =	ssyncadd.s32 $0xFFFFF600  }
0x683: {  	_ =	swait.ge [sflag:s18], $0xA00  }
0x684: {  	[sflag:s18] =	ssyncset.done $0x0  }
0x685: {  	s14 =	simm.s32 $0x14;
	[sflag:s18] =	ssyncadd.s32 $0xFFFFF600  }
0x686: {  	_ =	swait.ge [sflag:s14], $0xA00  }
0x687: {  	s15 =	rddreg [dreg:$0x6]  }
0x688: {  	s20 =	rddreg [dreg:$0x5];
	s15 =	sadd.s32 $0x1, s15  }
0x689: {  	p0 =	sne.s32 s15, s20  }
.Ltmp9:
0x68a: {  	_ = 	snop;
	(pc) =	sbr.rel @p0 .LBB2_1-.Ltmp9, $3  }
0x68b: {  	_ =	sdelay $0x1  }
0x68c: {  	[sflag:s14] =	ssyncset.done $0x0  }
0x68d: {  	[sflag:s14] =	ssyncadd.s32 $0xFFFFF600  }
0x68e: {  	_ =	sfence.sel $0x180000  }
0x68f: {  	[bflag:$0x0] =	sbarrier.arrive $0xFFFF  }
0x690: {  	_ =	strace $0x90000047  }
0x691: {  	s0 =	stileid.u32;
	[bflag:$0x2] =	sbarrier.arrive $0xFFFF  }
0x692: {  	p0 =	sne.s32 s0, $0x0;
	s0 =	rddreg [dreg:$0x2]  }
0x693: {  	s0 =	sadd.s32 @!p0 $0x100000, s0  }
0x694: {  	[sflag:s0] =	ssyncadd.tile.s32 @!p0 $0x1;
	_ =	shalt  }
.Lfunc_end2:
_tile_overlayer_lowered:
.L_overlay_start_2:
0x695: {  	(tag) =	ssettag $0x2  }
0x696: {  	s0 =	rddreg [dreg:$0x0];
	s2 =	stileid.u32  }
0x697: {  	s1 =	rddreg [dreg:$0x1];
	p0 =	sne.s32 s2, $0x0  }
0x698: {  	s3 =	rddreg [dreg:$0x2];
	[bflag:$0x3] =	sbarrier.arrive $0xFFFF;
	s2 =	simm.s32 @!p0 $0x1C15  }
0x699: {  	[timem:s3], [sflag:s2] =	dma.local @!p0 [hbm:s0], s1  }
0x69a: {  	s0 =	simm.s32 @!p0 $0x15  }
0x69b: {  	_ =	swait.ge @!p0 [sflag:s0], s1  }
0x69c: {  	s1 =	ssub.s32 @!p0 $0x0, s1;
	[sflag:s0] =	ssyncset.done @!p0 $0x0  }
0x69d: {  	[sflag:s0] =	ssyncadd.s32 @!p0 s1  }
0x69e: {  	[bflag:$0x3] =	sbarrier.arrive $0xFFFF  }
0x69f: {  	_ =	shalt  }

// kernel: sparse-core-data-format-call.cloned.1.call-start
scs
called_computation_lowered:
.L_overlay_start_0:
0x0: {  	s2 =	sld [smem:$0x3FD9]  }
0x1: {  	s3 =	sld [smem:$0x3FFE];
	_ =	sdelay $0x1  }
0x2: {  	s1 =	srdreg.scid  }
0x3: {  	s0 =	sand.u32 $0x1, s1  }
0x4: {  	s18 =	sshll.u32 s0, $0xA;
	s2 =	sadd.s32 s3, s2  }
0x5: {  	s2 =	sadd.s32 s2, s18  }
0x6: {  	[smem:$0x3FC6] =	sst s2  }
0x7: {  	_ = 	snop  }
0x8: {  	s2 =	sld [smem:$0x3FD0];
	(tm) =	ssettm $0x1  }
0x9: {  	s19 =	sld [smem:$0x3FFB];
	_ =	sdelay $0x3  }
0xa: {  	_ =	strace s19  }
0xb: {  	s3 =	sld [smem:$0x3FFC];
	_ =	sdelay $0x3  }
0xc: {  	_ =	strace s3  }
0xd: {  	s3 =	sld [smem:$0x3FFD];
	_ =	sdelay $0x3  }
0xe: {  	_ =	strace s3  }
0xf: {  	_ =	strace $0x8FFFFFFF  }
0x10: {  	s20 =	sld [smem:$0x3FDB];
	_ =	sdelay $0x1  }
0x11: {  	s4 =	simm.s32 $_scs_section_size  }
0x12: {  	s5 =	simm.s32 $_size__tile_overlayer_lowered;
	s6 =	simm.s32 $_tile_overlayer_lowered  }
0x13: {  	s23 =	simm.s32 $0x1BFF;
	s22 =	sshll.u32 s6, $0x1;
	s3 =	sadd.s32 s4, s20  }
0x14: {  	s7 =	simm.s32 $0x0;
	s21 =	sshll.u32 s5, $0x1;
	s5 =	sadd.s32 s22, s3  }
0x15: {  	[timem:s7], [sflag:s23] =	dma.local [hbm:s5], s21  }
0x16: {  	_ =	swait.ge [sflag:s23], s21  }
0x17: {  	s4 =	ssub.s32 $0x0, s21;
	[sflag:s23] =	ssyncset.done $0x0  }
0x18: {  	[sflag:s23] =	ssyncadd.s32 s4;
	_ =	sdelay $0x1  }
0x19: {  	s24 =	simm.s32 $0x1B8B  }
0x1a: {  	_ =	swait.ge [sflag:s24], $0x1  }
0x1b: {  	[sflag:s24] =	ssyncset.done $0x0  }
0x1c: {  	s26 =	simm.s32 $0x1B8E;
	s25 =	sld [smem:$0x3FFE];
	[sflag:s24] =	ssyncadd.s32 $0xFFFFFFFF  }
0x1d: {  	s27 =	simm.s32 $execute0_lowered;
	[smem:$0x3FD2] =	sst s26  }
0x1e: {  	s5 =	sshll.u32 s27, $0x1;
	_ =	strace $0x80000049;
	[dreg:$0x1] =	wrdreg $0xFFFFFFFF  }
0x1f: {  	s28 =	simm.s32 $_size_execute0_lowered;
	s3 =	sadd.s32 s3, s5;
	[dreg:$0x0] =	wrdreg $0x0  }
0x20: {  	s5 =	sshll.u32 s28, $0x1;
	[dreg:$0x2] =	wrdreg s3  }
0x21: {  	[dreg:$0x3] =	wrdreg s5  }
0x22: {  	[dreg:$0x4] =	wrdreg $0xC0  }
0x23: {  	_ =	task [dreg:s7], $0x5FFFF  }
0x24: {  	[dreg:$0x1] =	wrdreg $0xFFFFFFFF  }
0x25: {  	[dreg:$0x0] =	wrdreg $0x60  }
0x26: {  	[dreg:$0x2] =	wrdreg s25  }
0x27: {  	[dreg:$0x3] =	wrdreg s2  }
0x28: {  	[dreg:$0x4] =	wrdreg $0x9  }
0x29: {  	_ =	task.clear_ibuf [dreg:s7], $0x5FFFF;
	_ =	strace $0x90000049  }
0x2a: {  	s29 =	simm.s32 $0x9;
	_ =	strace $0x8000004B  }
0x2b: {  	_ =	swait.ge [sflag:s29], $0x1  }
0x2c: {  	[sflag:s29] =	ssyncadd.s32 $0xFFFFFFFF  }
0x2d: {  	_ =	strace $0x9000004B  }
0x2e: {  	_ =	sfence  }
0x2f: {  	s30 =	sld [smem:$0x0];
	_ =	sdelay $0x2  }
0x30: {  	s31 =	sshll.u32 s1, $0xD;
	s1 =	sshrl.u32 s1, $0x2  }
0x31: {  	s3 =	sand.u32 $0x4000, s31;
	s1 =	sadd.s32 s1, s30  }
0x32: {  	s0 =	sor.u32 s3, s0;
	s1 =	sshll.u32 s1, $0x11  }
0x33: {  	s0 =	sor.u32 s1, s0  }
0x34: {  	s0 =	sadd.s32 $0x8F2B, s0  }
0x35: {  	[sflag:s0] =	ssyncadd.remote.s32 $0x1  }
0x36: {  	_ =	sfence.sel $0xFFFF  }
0x37: {  	[dreg:$0x0] =	wrdreg $0xFFFFFFFF;
	(pc) =	sbr.abs _section_cstart, $3  }
0x38: {  	[dreg:$0x1] =	wrdreg $0xFFFFFFFF  }
0x39: {  	_ =	task.clear_ibuf [dreg:s7], $0x2FFFF;
	_ =	strace $0x9FFFFFFF  }
0x3a: {  	(tm) =	ssettm $0x7FFFFFFF  }
0x3b: {  	_ =	shalt  }
tec
execute0_lowered:
.L_overlay_start_1:
0x0: {  	(tag) =	ssettag $0x1  }
0x1: {  	s0 =	srdreg.scid  }
0x2: {  	s1 =	sshll.u32 s0, $0x4  }
0x3: {  	s0 =	stileid.u32;
	s1 =	sand.u32 $0x10, s1  }
0x4: {  	s1 =	sor.u32 s0, s1  }
0x5: {  	s6 =	rddreg [dreg:$0x0];
	s4 =	simm.s32 $0x1;
	s2 =	sshll.u32 s1, $0x7  }
0x6: {  	s7 =	simm.s32 $0x2;
	s12 =	simm.s32 $0x0;
	s1 =	ssub.s32 $0x1000, s2  }
0x7: {  	s8 =	simm.s32 $0x8000;
	s13 =	simm.s32 $0x0;
	s3 =	sand.u32 $0xF80, s1  }
0x8: {  	s9 =	simm.s32 $0x0;
	s5 =	sshrl.u32 s1, $0xC;
	p0 =	sne.s32 s3, $0x0  }
.Ltmp0:
0x9: {  	s1 =	rddreg [dreg:$0x2];
	s4 =	simm.s32 @!p0 $0x0;
	(pc) =	sbr.rel .LBB1_1-.Ltmp0, $4  }
0xa: {  	s11 =	simm.s32 $0x0;
	s3 =	rddreg [dreg:$0x1];
	s5 =	sadd.s32 s4, s5  }
0xb: {  	_ =	strace $0x8000004A;
	s4 =	simm.s32 $0x1;
	s5 =	smul.u32 $0xC8, s5  }
0xc: {  	s6 =	sadd.s32 $0xC00, s6;
	s10 =	smov.u32 s2;
	[sflag:s4] =	ssyncpa.u1 $0x0  }
0xd: {  	p0 =	por $0x0, $0x0;
	[sflag:s7] =	ssyncpa.u1 $0x0;
	s7 =	sor.u32 $0x1, s5  }
.LBB1_4:
0xe: {  	s16 =	sshll.u32 s13, $0x3;
	s17 =	sand.u32 $0x78, s13  }
0xf: {  	s30 =	sand.u32 $0x7E00, s13;
	s12 =	sshll.u32 s12, $0xF;
	s16 =	sand.u32 $0xC00, s16  }
0x10: {  	[tilespmem:s15+$0x810 ss:$0x81] =	vst.msk $0xffff, v2;
	s31 =	sand.u32 $0x7, s13;
	s16 =	sor.u32 s17, s16;
	s17 =	sadd.s32 s3, s30  }
0x11: {  	[tilespmem:s15+$0x1020 ss:$0x81] =	vst.msk $0xffff, v0;
	s13 =	sshll.u32 s31, $0x12;
	s12 =	sadd.s32 s12, s17;
	s16 =	sshrl.u32 s16, $0x3  }
0x12: {  	[tilespmem:s15+$0x0 ss:$0x81] =	vst.msk $0xffff, v1;
	s13 =	sor.u32 $0x400, s13;
	s12 =	sadd.s32 s16, s12  }
0x13: {  	[hbm4b:s12+s13] =	stream.strided.scatter [tilespmem:s14], [sflag:$0x2], $0x2000, s8, s13, $0x20;
	[tilespmem:$0x8080] =	vst v63  }
.LBB1_5:
0x14: {  	s14 =	sadd.s32 $0x1, s9  }
0x15: {  	s12 =	sadd.s32 $0x1000, s10;
	s16 =	smov.u32 s10;
	p2 =	sgt.s32 s14, $0xC7  }
0x16: {  	s16 =	smov.u32 @p2 s12  }
0x17: {  	s14 =	simm.s32 @p2 $0x0;
	p2 =	sgt.s32 s16, $0xFFF  }
0x18: {  	s16 =	smov.u32 @p2 s2;
	p2 =	sne.s32 s11, s7  }
.Ltmp1:
0x19: {  	p1 =	slt.u32 s11, $0x2;
	(pc) =	sbr.rel @!p2 .LBB1_6-.Ltmp1, $4  }
0x1a: {  	s15 =	simm.s32 @!p1 $0x2  }
0x1b: {  	s13 =	smov.u32 s10;
	p0 =	por !p0, !p0;
	_ =	swait.ge @!p1 [sflag:s15], $0x2000  }
0x1c: {  	s12 =	smov.u32 s9;
	[sflag:s15] =	ssyncset.done @!p1 $0x0;
	s9 =	smov.u32 s14  }
0x1d: {  	s11 =	sadd.s32 $0x1, s11;
	[sflag:s15] =	ssyncadd.s32 @!p1 $0xFFFFE000;
	s10 =	smov.u32 s16  }
.LBB1_1:
0x1e: {  	p1 =	sge.u32 s11, s5  }
0x1f: {  	s14 =	sand.u32 @!p1 $0x1FFFFFF, s9  }
0x20: {  	s15 =	smulhi.u32 @!p1 $0x147AE15, s14;
	_ =	sdelay $0x1  }
0x21: {  	s15 =	smul.u32 @!p1 $0xC8, s15  }
0x22: {  	s16 =	sxor.u32 @!p1 $0xFFFFFFFF, s11;
	s17 =	smul.u32 @!p1 $0xC80, s10  }
0x23: {  	s31 =	sadd.s32 $0xFFFFFFFF, s11;
	s16 =	sshll.u32 @!p1 s16, $0xD;
	s14 =	ssub.s32 @!p1 s14, s15  }
0x24: {  	s15 =	sand.u32 @!p1 $0x2000, s16;
	s16 =	sadd.s32 @!p1 s6, s17;
	s14 =	sshll.u32 @!p1 s14, $0x4  }
0x25: {  	s17 =	simm.s32 @!p1 $0x6400;
	s14 =	sadd.s32 @!p1 s14, s16;
	s16 =	simm.s32 @!p1 $0x40  }
0x26: {  	[tilespmem:s15], [sflag:$0x1] =	stream.strided.gather @!p1 [hbm4b:s14+s16], $0x2000, s17, s16, $0x38;
	[tilespmem:$0x8080] =	vst v63  }
0x27: {  	p1 =	sge.u32 s31, s5  }
.Ltmp2:
0x28: {  	_ = 	snop;
	(pc) =	sbr.rel @p1 .LBB1_5-.Ltmp2, $1  }
0x29: {  	_ =	sdelay $0x3  }
0x2a: {  	s14 =	simm.s32 $0x1  }
0x2b: {  	_ =	swait.ge [sflag:s4], $0x2000;
	s14 =	simm.s32 @!p0 $0x0  }
0x2c: {  	[sflag:s4] =	ssyncset.done $0x0;
	s15 =	sshll.u32 s14, $0xD  }
0x2d: {  	[sflag:s4] =	ssyncadd.s32 $0xFFFFE000;
	s18 =	sor.u32 $0x20, s15  }
0x2e: {  	s14 =	smul.u32 $0x8100, s14;
	v3 =	vld [tilespmem:s18+$0x10]  }
0x2f: {  	s30 =	sand.u32 $0x1, s11;
	v2 =	vld [tilespmem:s18+$0xFFFFFFF0]  }
0x30: {  	s15 =	smul.u32 $0x8100, s30;
	s14 =	sshrl.u32 s14, $0x2;
	v0 =	vld [tilespmem:s18+$0x0]  }
0x31: {  	v1 =	vld [tilespmem:s18+$0xFFFFFFE0];
	s16 =	sor.u32 $0x4000, s14  }
0x32: {  	s31 =	sshrl.u32 s15, $0x2;
	s15 =	sadd.s32 $0x0, s16  }
0x33: {  	s17 =	simm.s32 $0x4;
	s18 =	sadd.s32 $0x40, s18;
	s14 =	sor.u32 $0x4000, s31;
	[tilespmem:s15+$0x1830 ss:$0x81] =	vst.msk $0xffff, v3  }
.LBB1_3:
0x34: {  	v3 =	vld [tilespmem:s18+$0x10];
	p1 =	sne.s32 s17, $0x1FC;
	[tilespmem:s15+$0x810 ss:$0x81] =	vst.msk $0xffff, v2;
	s19 =	smov.u32 s17;
	s17 =	sadd.s32 $0x4, s17  }
.Ltmp3:
0x35: {  	v2 =	vld [tilespmem:s18+$0xFFFFFFF0];
	[tilespmem:s15+$0x1020 ss:$0x81] =	vst.msk $0xffff, v0;
	(pc) =	sbr.rel @p1 .LBB1_3-.Ltmp3, $4  }
0x36: {  	v0 =	vld [tilespmem:s18+$0x0];
	[tilespmem:s15+$0x0 ss:$0x81] =	vst.msk $0xffff, v1  }
0x37: {  	s15 =	sshra.s32 s19, $0x2;
	v1 =	vld [tilespmem:s18+$0xFFFFFFE0]  }
0x38: {  	s15 =	sadd.s32 s15, s16  }
0x39: {  	s18 =	sadd.s32 $0x40, s18;
	[tilespmem:s15+$0x1830 ss:$0x81] =	vst.msk $0xffff, v3  }
.Ltmp4:
0x3a: {  	_ = 	snop;
	(pc) =	sbr.rel .LBB1_4-.Ltmp4, $1  }
0x3b: {  	_ =	sdelay $0x3  }
.LBB1_6:
0x3c: {  	_ =	sfence.sel $0x180000  }
0x3d: {  	s2 =	simm.s32 $0x1;
	[bflag:$0x0] =	sbarrier.arrive $0xFFFF  }
0x3e: {  	s31 =	simm.s32 $0x2;
	[sflag:s2] =	ssyncpa.u1 $0x1  }
0x3f: {  	[sflag:s31] =	ssyncpa.u1 $0x1  }
0x40: {  	p0 =	sne.s32 s0, $0x0;
	_ =	strace $0x9000004A  }
0x41: {  	s0 =	sadd.s32 @!p0 $0x100000, s1;
	[bflag:$0x2] =	sbarrier.arrive $0xFFFF  }
0x42: {  	[sflag:s0] =	ssyncadd.tile.s32 @!p0 $0x1;
	_ =	shalt  }
.Lfunc_end1:
_tile_overlayer_lowered:
.L_overlay_start_2:
0x43: {  	(tag) =	ssettag $0x2  }
0x44: {  	s0 =	rddreg [dreg:$0x0];
	s2 =	stileid.u32  }
0x45: {  	s1 =	rddreg [dreg:$0x1];
	p0 =	sne.s32 s2, $0x0  }
0x46: {  	s3 =	rddreg [dreg:$0x2];
	[bflag:$0x3] =	sbarrier.arrive $0xFFFF;
	s2 =	simm.s32 @!p0 $0x1C01  }
0x47: {  	[timem:s3], [sflag:s2] =	dma.local @!p0 [hbm:s0], s1  }
0x48: {  	s0 =	simm.s32 @!p0 $0x1  }
0x49: {  	_ =	swait.ge @!p0 [sflag:s0], s1  }
0x4a: {  	s1 =	ssub.s32 @!p0 $0x0, s1;
	[sflag:s0] =	ssyncset.done @!p0 $0x0  }
0x4b: {  	[sflag:s0] =	ssyncadd.s32 @!p0 s1  }
0x4c: {  	[bflag:$0x3] =	sbarrier.arrive $0xFFFF  }
0x4d: {  	_ =	shalt  }

</sc_bundles>
